<compile_context>
chip_gen: v7x
topology: tpu7x:2x2x1
jax: 0.10.2.dev20260603
libtpu: 0.0.44.dev20260713+nightly
codegen_flags: <defaults>
</compile_context>

<pallas_src>
import functools

import jax
import jax.numpy as jnp
from jax.experimental import pallas as pl
from jax.experimental.pallas import tpu as pltpu
from jax.experimental.pallas import tpu_sc as plsc

_N = 10000
_E = 320000
_H = 128
_G = 64

_NC = 2
_NS = 16
_NW = _NC * _NS
_K = 64
_EPW = 10240
_E_PAD = _NW * _EPW
_NCHUNK = _EPW // _K
_R = 10240
_RPW = _R // _NS
_NSL = 4
_NSI = 8


@functools.cache
def _make_sc_segment_sum():
    mesh = plsc.VectorSubcoreMesh(
        core_axis_name="c", subcore_axis_name="s",
        num_cores=_NC, num_subcores=_NS)

    @functools.partial(
        pl.kernel,
        out_type=jax.ShapeDtypeStruct((_NC, _R, _H), jnp.float32),
        mesh=mesh,
        scratch_types=[
            pltpu.VMEM((_NSI, _K), jnp.int32),
            pltpu.VMEM((_NSI, _K), jnp.int32),
            pltpu.VMEM((_NSL, _K, _H), jnp.float32),
            pltpu.VMEM_SHARED((_R, _H), jnp.float32),
            [pltpu.SemaphoreType.DMA for _ in range(2)],
            [pltpu.SemaphoreType.DMA for _ in range(2)],
            pltpu.SemaphoreType.DMA,
        ],
    )
    def sc_segment_sum(h_hbm, src_hbm, dst_hbm, zeros_hbm, out_hbm,
                       sidx, didx, rows, acc, gsem, ssem, isem):
        c = jax.lax.axis_index("c")
        s = jax.lax.axis_index("s")
        wid = c * _NS + s
        r0 = pl.multiple_of(s * _RPW, 8)
        nch = _NCHUNK
        ebase = wid * _EPW

        pltpu.sync_copy(zeros_hbm, acc.at[pl.ds(r0, _RPW)])

        def idx_load(j, sync):
            slot = j % _NSI
            base = pl.multiple_of(ebase + j * _K, 8)
            if sync:
                pltpu.sync_copy(src_hbm.at[pl.ds(base, _K)], sidx.at[slot])
                pltpu.sync_copy(dst_hbm.at[pl.ds(base, _K)], didx.at[slot])
            else:
                pltpu.async_copy(src_hbm.at[pl.ds(base, _K)],
                                 sidx.at[slot], isem)
                pltpu.async_copy(dst_hbm.at[pl.ds(base, _K)],
                                 didx.at[slot], isem)

        def idx_wait(j):
            slot = j % _NSI
            base = pl.multiple_of(ebase + j * _K, 8)
            pltpu.make_async_copy(src_hbm.at[pl.ds(base, _K)],
                                  sidx.at[slot], isem).wait()
            pltpu.make_async_copy(dst_hbm.at[pl.ds(base, _K)],
                                  didx.at[slot], isem).wait()

        def gather(j, p):
            pltpu.async_copy(h_hbm.at[sidx.at[j % _NSI]], rows.at[j % _NSL],
                             gsem[p])

        def gather_wait(j, p):
            pltpu.make_async_copy(h_hbm.at[sidx.at[j % _NSI]],
                                  rows.at[j % _NSL], gsem[p]).wait()

        def scatter(j, p):
            pltpu.async_copy(rows.at[j % _NSL], acc.at[didx.at[j % _NSI]],
                             ssem[p], add=True)

        def scatter_wait(j, p):
            pltpu.make_async_copy(zeros_hbm.at[pl.ds(0, _K)],
                                  rows.at[j % _NSL], ssem[p]).wait()

        plsc.subcore_barrier()
        idx_load(0, True)
        gather(0, 0)
        idx_load(1, True)
        gather(1, 1)
        idx_load(2, False)
        idx_load(3, False)

        def step(j, p, first=False):
            gather_wait(j, p)
            if not first:
                scatter_wait(j - 2, p)
            scatter(j, p)

            @pl.when(j + 2 < nch)
            def _():
                idx_wait(j + 2)
                gather(j + 2, p)

            @pl.when(j + 4 < nch)
            def _():
                idx_load(j + 4, False)

        def body(g, carry):
            step(2 * g, 0)
            step(2 * g + 1, 1)
            return carry

        step(0, 0, first=True)
        step(1, 1, first=True)
        jax.lax.fori_loop(1, nch // 2, body, 0)
        scatter_wait(nch - 2, 0)
        scatter_wait(nch - 1, 1)

        plsc.subcore_barrier()
        pltpu.sync_copy(acc.at[pl.ds(r0, _RPW)],
                        out_hbm.at[c, pl.ds(r0, _RPW)])

    return sc_segment_sum


def _sc_segment_sum(h, src_p, dst_p, zeros_hbm):
    return _make_sc_segment_sum()(h, src_p, dst_p, zeros_hbm)


_BLK = 2000


def _mlp_stats_body(h_ref, p_ref, w1_ref, b1_ref, w2_ref, b2_ref,
                    u_ref, su_ref, sq_ref):
    i = pl.program_id(0)
    z = h_ref[...] + p_ref[0] + p_ref[1]
    a = jnp.maximum(
        jnp.dot(z, w1_ref[...], preferred_element_type=jnp.float32)
        + b1_ref[...], 0.0)
    u = jnp.maximum(
        jnp.dot(a, w2_ref[...], preferred_element_type=jnp.float32)
        + b2_ref[...], 0.0)
    u_ref[...] = u

    @pl.when(i == 0)
    def _():
        su_ref[...] = jnp.zeros_like(su_ref)
        sq_ref[...] = jnp.zeros_like(sq_ref)

    su_ref[...] += jnp.sum(u, axis=0, keepdims=True)
    sq_ref[...] += jnp.sum(u * u, axis=0, keepdims=True)


def _mlp_stats(h, parts, w1, b1, w2, b2):
    return pl.pallas_call(
        _mlp_stats_body,
        grid=(_N // _BLK,),
        in_specs=[
            pl.BlockSpec((_BLK, _H), lambda i: (i, 0)),
            pl.BlockSpec((_NC, _BLK, _H), lambda i: (0, i, 0)),
            pl.BlockSpec((_H, _H), lambda i: (0, 0)),
            pl.BlockSpec((1, _H), lambda i: (0, 0)),
            pl.BlockSpec((_H, _H), lambda i: (0, 0)),
            pl.BlockSpec((1, _H), lambda i: (0, 0)),
        ],
        out_specs=[
            pl.BlockSpec((_BLK, _H), lambda i: (i, 0)),
            pl.BlockSpec((1, _H), lambda i: (0, 0)),
            pl.BlockSpec((1, _H), lambda i: (0, 0)),
        ],
        out_shape=[
            jax.ShapeDtypeStruct((_N, _H), jnp.float32),
            jax.ShapeDtypeStruct((1, _H), jnp.float32),
            jax.ShapeDtypeStruct((1, _H), jnp.float32),
        ],
    )(h, parts, w1, b1, w2, b2)


def _bn_pool_body(u_ref, su_ref, sq_ref, g_ref, be_ref, batch_ref,
                  t_ref, pool_ref):
    i = pl.program_id(0)
    mean = su_ref[...] * (1.0 / _N)
    var = sq_ref[...] * (1.0 / _N) - mean * mean
    rstd = jax.lax.rsqrt(var + 1e-5)
    t = g_ref[...] * (u_ref[...] - mean) * rstd + be_ref[...]
    t_ref[...] = t

    oh = (batch_ref[...] ==
          jax.lax.broadcasted_iota(jnp.int32, (_BLK, _G), 1)
          ).astype(jnp.float32)

    @pl.when(i == 0)
    def _():
        pool_ref[...] = jnp.zeros_like(pool_ref)

    pool_ref[...] += jax.lax.dot_general(
        oh, t, (((0,), (0,)), ((), ())), preferred_element_type=jnp.float32)


def _bn_pool(u, su, sq, gamma, beta, batch2d):
    return pl.pallas_call(
        _bn_pool_body,
        grid=(_N // _BLK,),
        in_specs=[
            pl.BlockSpec((_BLK, _H), lambda i: (i, 0)),
            pl.BlockSpec((1, _H), lambda i: (0, 0)),
            pl.BlockSpec((1, _H), lambda i: (0, 0)),
            pl.BlockSpec((1, _H), lambda i: (0, 0)),
            pl.BlockSpec((1, _H), lambda i: (0, 0)),
            pl.BlockSpec((_BLK, 1), lambda i: (i, 0)),
        ],
        out_specs=[
            pl.BlockSpec((_BLK, _H), lambda i: (i, 0)),
            pl.BlockSpec((_G, _H), lambda i: (0, 0)),
        ],
        out_shape=[
            jax.ShapeDtypeStruct((_N, _H), jnp.float32),
            jax.ShapeDtypeStruct((_G, _H), jnp.float32),
        ],
    )(u, su, sq, gamma, beta, batch2d)


def kernel(x, edge_index, batch,
           W1_0, b1_0, W2_0, b2_0, gamma_0, beta_0,
           W1_1, b1_1, W2_1, b2_1, gamma_1, beta_1,
           W1_2, b1_2, W2_2, b2_2, gamma_2, beta_2):
    params = [
        (W1_0, b1_0, W2_0, b2_0, gamma_0, beta_0),
        (W1_1, b1_1, W2_1, b2_1, gamma_1, beta_1),
        (W1_2, b1_2, W2_2, b2_2, gamma_2, beta_2),
    ]

    npad = _E_PAD - _E
    src_p = jnp.concatenate([edge_index[0], jnp.zeros((npad,), jnp.int32)])
    dst_p = jnp.concatenate(
        [edge_index[1], jnp.full((npad,), _N, jnp.int32)])
    zeros_hbm = jnp.zeros((_RPW, _H), jnp.float32)
    batch2d = batch.reshape(_N, 1)

    h = x
    pools = []
    for (W1, b1, W2, b2, gamma, beta) in params:
        parts = _sc_segment_sum(h, src_p, dst_p, zeros_hbm)
        u, su, sq = _mlp_stats(h, parts, W1, b1.reshape(1, _H),
                               W2, b2.reshape(1, _H))
        h, pool = _bn_pool(u, su, sq, gamma.reshape(1, _H),
                           beta.reshape(1, _H), batch2d)
        pools.append(pool)

    global_rep = jnp.concatenate(pools, axis=1)
    return global_rep, h

# --- scband reference (transcript-rebuilt; emitter-appended) ---
"""Pipeline reference for scband-gin-6554120094213 (READ-ONLY COPY).

The authoritative reference and input builder live on the scoring server;
editing this copy changes nothing except your own understanding.
"""

import jax, jax.numpy as jnp
import numpy as np

N = 10000
E = 320000
D = 128
H = 128
L = 3
G = 64


def setup_inputs(seed: int = 0) -> dict:
    key = jax.random.key(seed)
    ks = jax.random.split(key, 3 + 2 * L)
    inp = {}
    inp["x"] = jax.random.normal(ks[0], (N, D), dtype=jnp.float32)
    inp["edge_index"] = jax.random.randint(ks[1], (2, E), 0, N, dtype=jnp.int32)
    inp["batch"] = jnp.sort(jax.random.randint(ks[2], (N,), 0, G, dtype=jnp.int32))
    for i in range(L):
        din = D if i == 0 else H
        k1 = ks[3 + 2 * i]
        k2 = ks[4 + 2 * i]
        inp[f"W1_{i}"] = jax.random.normal(k1, (din, H), dtype=jnp.float32) * (6.0 / (din + H)) ** 0.5
        inp[f"b1_{i}"] = jnp.zeros((H,), dtype=jnp.float32)
        inp[f"W2_{i}"] = jax.random.normal(k2, (H, H), dtype=jnp.float32) * (6.0 / (H + H)) ** 0.5
        inp[f"b2_{i}"] = jnp.zeros((H,), dtype=jnp.float32)
        inp[f"gamma_{i}"] = jnp.ones((H,), dtype=jnp.float32)
        inp[f"beta_{i}"] = jnp.zeros((H,), dtype=jnp.float32)
    return inp


def _gin(x, params, edge_index, batch):
    src = edge_index[0]
    dst = edge_index[1]
    xs = []
    h = x
    for (W1, b1, W2, b2, gamma, beta) in params:
        # GINConv with eps=0: MLP((1+eps)*x_i + sum_{j in N(i)} x_j)
        agg = jax.ops.segment_sum(h[src], dst, num_segments=N)
        t = h + agg
        t = jnp.maximum(t @ W1 + b1, 0.0) @ W2 + b2
        # outer activation
        t = jnp.maximum(t, 0.0)
        # BatchNorm1d (training-mode batch statistics, biased var, eps=1e-5)
        mean = jnp.mean(t, axis=0)
        var = jnp.var(t, axis=0)
        t = gamma * (t - mean) / jnp.sqrt(var + 1e-5) + beta
        xs.append(t)
        h = t
    pools = [jax.ops.segment_sum(xx, batch, num_segments=G) for xx in xs]
    global_rep = jnp.concatenate(pools, axis=1)
    return global_rep, h


def reference(x, edge_index, batch,
              W1_0, b1_0, W2_0, b2_0, gamma_0, beta_0,
              W1_1, b1_1, W2_1, b2_1, gamma_1, beta_1,
              W1_2, b1_2, W2_2, b2_2, gamma_2, beta_2):
    params = [
        (W1_0, b1_0, W2_0, b2_0, gamma_0, beta_0),
        (W1_1, b1_1, W2_1, b2_1, gamma_1, beta_1),
        (W1_2, b1_2, W2_2, b2_2, gamma_2, beta_2),
    ]
    return _gin(x, params, edge_index, batch)

if __name__ == "__main__":
    import jax
    _d = setup_inputs()
    print(jax.jit(kernel)(*tuple(_d.values())))

</pallas_src>

<mosaic_0001>
#map = affine_map<(d0, d1) -> (0, 0)>
#map1 = affine_map<(d0, d1) -> (0)>
#map2 = affine_map<(d0, d1) -> (0, 0, 0)>
module attributes {stable_mosaic.version = 14 : i64} {
  func.func @sc_segment_sum(%arg0: i32, %arg1: i32, %arg2: memref<10000x128xf32, #tpu.memory_space<hbm>>, %arg3: memref<327680xi32, #tpu.memory_space<hbm>>, %arg4: memref<327680xi32, #tpu.memory_space<hbm>>, %arg5: memref<640x128xf32, #tpu.memory_space<hbm>>, %arg6: memref<2x10240x128xf32, #tpu.memory_space<hbm>>, %arg7: memref<8x64xi32, #tpu.memory_space<vmem>>, %arg8: memref<8x64xi32, #tpu.memory_space<vmem>>, %arg9: memref<4x64x128xf32, #tpu.memory_space<vmem>>, %arg10: memref<10240x128xf32, #tpu.memory_space<vmem_shared>>, %arg11: memref<!tpu.dma_semaphore, #tpu.memory_space<semaphore_mem>>, %arg12: memref<!tpu.dma_semaphore, #tpu.memory_space<semaphore_mem>>, %arg13: memref<!tpu.dma_semaphore, #tpu.memory_space<semaphore_mem>>, %arg14: memref<!tpu.dma_semaphore, #tpu.memory_space<semaphore_mem>>, %arg15: memref<!tpu.dma_semaphore, #tpu.memory_space<semaphore_mem>>) attributes {dimension_semantics = [#tpu.dimension_semantics<core_parallel>, #tpu.dimension_semantics<subcore_parallel>], iteration_bounds = array<i64: 2, 16>, scalar_prefetch = 0 : i64, scratch_operands = 9 : i64, tpu.core_type = #tpu.core_type<sc_vector_subcore>, window_params = [{transform_indices = #map}, {transform_indices = #map1}, {transform_indices = #map1}, {transform_indices = #map}, {transform_indices = #map2}]} {
    %mul3A = arith.constant 16 : i32
    %mul3A_0 = arith.muli %arg0, %mul3A : i32
    %add3A = arith.addi %mul3A_0, %arg1 : i32
    %mul3A_1 = arith.constant 640 : i32
    %mul3A_2 = arith.muli %arg1, %mul3A_1 : i32
    %multiple_of3A = tpu.assume_multiple %mul3A_2, 8 : i32
    %mul3A_3 = arith.constant 10240 : i32
    %mul3A_4 = arith.muli %add3A, %mul3A_3 : i32
    "tpu.region"() ({
      %run_scoped3A_270 = tpu.sem_alloc : memref<!tpu.dma_semaphore, #tpu.memory_space<semaphore_mem>>
      %dma_start3A_271 = arith.constant 0 : i32
      %dma_start3A_272 = tpu.memref_slice %arg10[%multiple_of3A, %dma_start3A_271] : memref<10240x128xf32, #tpu.memory_space<vmem_shared>> -> memref<640x128xf32, #tpu.memory_space<vmem_shared>>
      tpu.enqueue_dma source(%arg5 : memref<640x128xf32, #tpu.memory_space<hbm>>) target(%dma_start3A_272 : memref<640x128xf32, #tpu.memory_space<vmem_shared>>) target_semaphore(%run_scoped3A_270 : memref<!tpu.dma_semaphore, #tpu.memory_space<semaphore_mem>>)
      %dma_wait3A_273 = arith.constant 0 : i32
      %dma_wait3A_274 = tpu.memref_slice %arg10[%multiple_of3A, %dma_wait3A_273] : memref<10240x128xf32, #tpu.memory_space<vmem_shared>> -> memref<640x128xf32, #tpu.memory_space<vmem_shared>>
      tpu.wait_dma2 semaphore(%run_scoped3A_270 : memref<!tpu.dma_semaphore, #tpu.memory_space<semaphore_mem>>) src(%arg5 : memref<640x128xf32, #tpu.memory_space<hbm>>) dst(%dma_wait3A_274 : memref<640x128xf32, #tpu.memory_space<vmem_shared>>)
      tpu.yield
    }) : () -> ()
    %barrier3A = arith.constant 0 : index
    tpu.barrier barrier_id(%barrier3A)
    %add3A_5 = arith.constant 0 : i32
    %add3A_6 = arith.addi %mul3A_4, %add3A_5 : i32
    %multiple_of3A_7 = tpu.assume_multiple %add3A_6, 8 : i32
    %run_scoped3A = arith.constant 0 : i32
    "tpu.region"() ({
      %run_scoped3A_270 = tpu.sem_alloc : memref<!tpu.dma_semaphore, #tpu.memory_space<semaphore_mem>>
      %dma_start3A_271 = arith.constant 0 : i32
      %dma_start3A_272 = tpu.memref_slice %arg7[%run_scoped3A, %dma_start3A_271] : memref<8x64xi32, #tpu.memory_space<vmem>> -> memref<1x64xi32, #tpu.memory_space<vmem>>
      %dma_start3A_273 = tpu.memref_squeeze %dma_start3A_272 : memref<1x64xi32, #tpu.memory_space<vmem>> -> memref<64xi32, #tpu.memory_space<vmem>>
      %dma_start3A_274 = tpu.memref_slice %arg3[%multiple_of3A_7] : memref<327680xi32, #tpu.memory_space<hbm>> -> memref<64xi32, #tpu.memory_space<hbm>>
      %dma_start3A_275 = arith.constant 0 : i32
      %dma_start3A_276 = tpu.memref_slice %arg7[%run_scoped3A, %dma_start3A_275] : memref<8x64xi32, #tpu.memory_space<vmem>> -> memref<1x64xi32, #tpu.memory_space<vmem>>
      %dma_start3A_277 = tpu.memref_squeeze %dma_start3A_276 : memref<1x64xi32, #tpu.memory_space<vmem>> -> memref<64xi32, #tpu.memory_space<vmem>>
      %dma_start3A_278 = tpu.memref_slice %arg3[%multiple_of3A_7] : memref<327680xi32, #tpu.memory_space<hbm>> -> memref<64xi32, #tpu.memory_space<hbm>>
      tpu.enqueue_dma source(%dma_start3A_278 : memref<64xi32, #tpu.memory_space<hbm>>) target(%dma_start3A_277 : memref<64xi32, #tpu.memory_space<vmem>>) target_semaphore(%run_scoped3A_270 : memref<!tpu.dma_semaphore, #tpu.memory_space<semaphore_mem>>)
      %dma_wait3A_279 = arith.constant 0 : i32
      %dma_wait3A_280 = tpu.memref_slice %arg7[%run_scoped3A, %dma_wait3A_279] : memref<8x64xi32, #tpu.memory_space<vmem>> -> memref<1x64xi32, #tpu.memory_space<vmem>>
      %dma_wait3A_281 = tpu.memref_squeeze %dma_wait3A_280 : memref<1x64xi32, #tpu.memory_space<vmem>> -> memref<64xi32, #tpu.memory_space<vmem>>
      %dma_wait3A_282 = tpu.memref_slice %arg3[%multiple_of3A_7] : memref<327680xi32, #tpu.memory_space<hbm>> -> memref<64xi32, #tpu.memory_space<hbm>>
      %dma_wait3A_283 = arith.constant 0 : i32
      %dma_wait3A_284 = tpu.memref_slice %arg7[%run_scoped3A, %dma_wait3A_283] : memref<8x64xi32, #tpu.memory_space<vmem>> -> memref<1x64xi32, #tpu.memory_space<vmem>>
      %dma_wait3A_285 = tpu.memref_squeeze %dma_wait3A_284 : memref<1x64xi32, #tpu.memory_space<vmem>> -> memref<64xi32, #tpu.memory_space<vmem>>
      %dma_wait3A_286 = tpu.memref_slice %arg3[%multiple_of3A_7] : memref<327680xi32, #tpu.memory_space<hbm>> -> memref<64xi32, #tpu.memory_space<hbm>>
      tpu.wait_dma2 semaphore(%run_scoped3A_270 : memref<!tpu.dma_semaphore, #tpu.memory_space<semaphore_mem>>) src(%dma_wait3A_286 : memref<64xi32, #tpu.memory_space<hbm>>) dst(%dma_wait3A_285 : memref<64xi32, #tpu.memory_space<vmem>>)
      tpu.yield
    }) : () -> ()
    %run_scoped3A_8 = arith.constant 0 : i32
    "tpu.region"() ({
      %run_scoped3A_270 = tpu.sem_alloc : memref<!tpu.dma_semaphore, #tpu.memory_space<semaphore_mem>>
      %dma_start3A_271 = arith.constant 0 : i32
      %dma_start3A_272 = tpu.memref_slice %arg8[%run_scoped3A_8, %dma_start3A_271] : memref<8x64xi32, #tpu.memory_space<vmem>> -> memref<1x64xi32, #tpu.memory_space<vmem>>
      %dma_start3A_273 = tpu.memref_squeeze %dma_start3A_272 : memref<1x64xi32, #tpu.memory_space<vmem>> -> memref<64xi32, #tpu.memory_space<vmem>>
      %dma_start3A_274 = tpu.memref_slice %arg4[%multiple_of3A_7] : memref<327680xi32, #tpu.memory_space<hbm>> -> memref<64xi32, #tpu.memory_space<hbm>>
      %dma_start3A_275 = arith.constant 0 : i32
      %dma_start3A_276 = tpu.memref_slice %arg8[%run_scoped3A_8, %dma_start3A_275] : memref<8x64xi32, #tpu.memory_space<vmem>> -> memref<1x64xi32, #tpu.memory_space<vmem>>
      %dma_start3A_277 = tpu.memref_squeeze %dma_start3A_276 : memref<1x64xi32, #tpu.memory_space<vmem>> -> memref<64xi32, #tpu.memory_space<vmem>>
      %dma_start3A_278 = tpu.memref_slice %arg4[%multiple_of3A_7] : memref<327680xi32, #tpu.memory_space<hbm>> -> memref<64xi32, #tpu.memory_space<hbm>>
      tpu.enqueue_dma source(%dma_start3A_278 : memref<64xi32, #tpu.memory_space<hbm>>) target(%dma_start3A_277 : memref<64xi32, #tpu.memory_space<vmem>>) target_semaphore(%run_scoped3A_270 : memref<!tpu.dma_semaphore, #tpu.memory_space<semaphore_mem>>)
      %dma_wait3A_279 = arith.constant 0 : i32
      %dma_wait3A_280 = tpu.memref_slice %arg8[%run_scoped3A_8, %dma_wait3A_279] : memref<8x64xi32, #tpu.memory_space<vmem>> -> memref<1x64xi32, #tpu.memory_space<vmem>>
      %dma_wait3A_281 = tpu.memref_squeeze %dma_wait3A_280 : memref<1x64xi32, #tpu.memory_space<vmem>> -> memref<64xi32, #tpu.memory_space<vmem>>
      %dma_wait3A_282 = tpu.memref_slice %arg4[%multiple_of3A_7] : memref<327680xi32, #tpu.memory_space<hbm>> -> memref<64xi32, #tpu.memory_space<hbm>>
      %dma_wait3A_283 = arith.constant 0 : i32
      %dma_wait3A_284 = tpu.memref_slice %arg8[%run_scoped3A_8, %dma_wait3A_283] : memref<8x64xi32, #tpu.memory_space<vmem>> -> memref<1x64xi32, #tpu.memory_space<vmem>>
      %dma_wait3A_285 = tpu.memref_squeeze %dma_wait3A_284 : memref<1x64xi32, #tpu.memory_space<vmem>> -> memref<64xi32, #tpu.memory_space<vmem>>
      %dma_wait3A_286 = tpu.memref_slice %arg4[%multiple_of3A_7] : memref<327680xi32, #tpu.memory_space<hbm>> -> memref<64xi32, #tpu.memory_space<hbm>>
      tpu.wait_dma2 semaphore(%run_scoped3A_270 : memref<!tpu.dma_semaphore, #tpu.memory_space<semaphore_mem>>) src(%dma_wait3A_286 : memref<64xi32, #tpu.memory_space<hbm>>) dst(%dma_wait3A_285 : memref<64xi32, #tpu.memory_space<vmem>>)
      tpu.yield
    }) : () -> ()
    %dma_start3A = arith.constant 0 : i32
    %dma_start3A_9 = arith.constant 0 : i32
    %dma_start3A_10 = arith.constant 0 : i32
    %dma_start3A_11 = arith.constant 0 : i32
    %dma_start3A_12 = tpu.memref_slice %arg9[%dma_start3A_9, %dma_start3A_10, %dma_start3A_11] : memref<4x64x128xf32, #tpu.memory_space<vmem>> -> memref<1x64x128xf32, #tpu.memory_space<vmem>>
    %dma_start3A_13 = tpu.memref_squeeze %dma_start3A_12 : memref<1x64x128xf32, #tpu.memory_space<vmem>> -> memref<64x128xf32, #tpu.memory_space<vmem>>
    %dma_start3A_14 = arith.constant 0 : i32
    %dma_start3A_15 = tpu.memref_slice %arg7[%dma_start3A, %dma_start3A_14] : memref<8x64xi32, #tpu.memory_space<vmem>> -> memref<1x64xi32, #tpu.memory_space<vmem>>
    %dma_start3A_16 = tpu.memref_squeeze %dma_start3A_15 : memref<1x64xi32, #tpu.memory_space<vmem>> -> memref<64xi32, #tpu.memory_space<vmem>>
    %dma_start3A_17 = arith.constant 0 : i32
    %dma_start3A_18 = arith.constant 0 : i32
    %dma_start3A_19 = tpu.memref_slice %arg2[%dma_start3A_17, %dma_start3A_18] : memref<10000x128xf32, #tpu.memory_space<hbm>> -> memref<10000x128xf32, #tpu.memory_space<hbm>>
    tpu.enqueue_indirect_dma source(%dma_start3A_19 : memref<10000x128xf32, #tpu.memory_space<hbm>>) target(%dma_start3A_13 : memref<64x128xf32, #tpu.memory_space<vmem>>) offsets(%dma_start3A_16 : memref<64xi32, #tpu.memory_space<vmem>>) semaphore(%arg11 : memref<!tpu.dma_semaphore, #tpu.memory_space<semaphore_mem>>)
    %add3A_20 = arith.constant 64 : i32
    %add3A_21 = arith.addi %mul3A_4, %add3A_20 : i32
    %multiple_of3A_22 = tpu.assume_multiple %add3A_21, 8 : i32
    %run_scoped3A_23 = arith.constant 1 : i32
    "tpu.region"() ({
      %run_scoped3A_270 = tpu.sem_alloc : memref<!tpu.dma_semaphore, #tpu.memory_space<semaphore_mem>>
      %dma_start3A_271 = arith.constant 0 : i32
      %dma_start3A_272 = tpu.memref_slice %arg7[%run_scoped3A_23, %dma_start3A_271] : memref<8x64xi32, #tpu.memory_space<vmem>> -> memref<1x64xi32, #tpu.memory_space<vmem>>
      %dma_start3A_273 = tpu.memref_squeeze %dma_start3A_272 : memref<1x64xi32, #tpu.memory_space<vmem>> -> memref<64xi32, #tpu.memory_space<vmem>>
      %dma_start3A_274 = tpu.memref_slice %arg3[%multiple_of3A_22] : memref<327680xi32, #tpu.memory_space<hbm>> -> memref<64xi32, #tpu.memory_space<hbm>>
      %dma_start3A_275 = arith.constant 0 : i32
      %dma_start3A_276 = tpu.memref_slice %arg7[%run_scoped3A_23, %dma_start3A_275] : memref<8x64xi32, #tpu.memory_space<vmem>> -> memref<1x64xi32, #tpu.memory_space<vmem>>
      %dma_start3A_277 = tpu.memref_squeeze %dma_start3A_276 : memref<1x64xi32, #tpu.memory_space<vmem>> -> memref<64xi32, #tpu.memory_space<vmem>>
      %dma_start3A_278 = tpu.memref_slice %arg3[%multiple_of3A_22] : memref<327680xi32, #tpu.memory_space<hbm>> -> memref<64xi32, #tpu.memory_space<hbm>>
      tpu.enqueue_dma source(%dma_start3A_278 : memref<64xi32, #tpu.memory_space<hbm>>) target(%dma_start3A_277 : memref<64xi32, #tpu.memory_space<vmem>>) target_semaphore(%run_scoped3A_270 : memref<!tpu.dma_semaphore, #tpu.memory_space<semaphore_mem>>)
      %dma_wait3A_279 = arith.constant 0 : i32
      %dma_wait3A_280 = tpu.memref_slice %arg7[%run_scoped3A_23, %dma_wait3A_279] : memref<8x64xi32, #tpu.memory_space<vmem>> -> memref<1x64xi32, #tpu.memory_space<vmem>>
      %dma_wait3A_281 = tpu.memref_squeeze %dma_wait3A_280 : memref<1x64xi32, #tpu.memory_space<vmem>> -> memref<64xi32, #tpu.memory_space<vmem>>
      %dma_wait3A_282 = tpu.memref_slice %arg3[%multiple_of3A_22] : memref<327680xi32, #tpu.memory_space<hbm>> -> memref<64xi32, #tpu.memory_space<hbm>>
      %dma_wait3A_283 = arith.constant 0 : i32
      %dma_wait3A_284 = tpu.memref_slice %arg7[%run_scoped3A_23, %dma_wait3A_283] : memref<8x64xi32, #tpu.memory_space<vmem>> -> memref<1x64xi32, #tpu.memory_space<vmem>>
      %dma_wait3A_285 = tpu.memref_squeeze %dma_wait3A_284 : memref<1x64xi32, #tpu.memory_space<vmem>> -> memref<64xi32, #tpu.memory_space<vmem>>
      %dma_wait3A_286 = tpu.memref_slice %arg3[%multiple_of3A_22] : memref<327680xi32, #tpu.memory_space<hbm>> -> memref<64xi32, #tpu.memory_space<hbm>>
      tpu.wait_dma2 semaphore(%run_scoped3A_270 : memref<!tpu.dma_semaphore, #tpu.memory_space<semaphore_mem>>) src(%dma_wait3A_286 : memref<64xi32, #tpu.memory_space<hbm>>) dst(%dma_wait3A_285 : memref<64xi32, #tpu.memory_space<vmem>>)
      tpu.yield
    }) : () -> ()
    %run_scoped3A_24 = arith.constant 1 : i32
    "tpu.region"() ({
      %run_scoped3A_270 = tpu.sem_alloc : memref<!tpu.dma_semaphore, #tpu.memory_space<semaphore_mem>>
      %dma_start3A_271 = arith.constant 0 : i32
      %dma_start3A_272 = tpu.memref_slice %arg8[%run_scoped3A_24, %dma_start3A_271] : memref<8x64xi32, #tpu.memory_space<vmem>> -> memref<1x64xi32, #tpu.memory_space<vmem>>
      %dma_start3A_273 = tpu.memref_squeeze %dma_start3A_272 : memref<1x64xi32, #tpu.memory_space<vmem>> -> memref<64xi32, #tpu.memory_space<vmem>>
      %dma_start3A_274 = tpu.memref_slice %arg4[%multiple_of3A_22] : memref<327680xi32, #tpu.memory_space<hbm>> -> memref<64xi32, #tpu.memory_space<hbm>>
      %dma_start3A_275 = arith.constant 0 : i32
      %dma_start3A_276 = tpu.memref_slice %arg8[%run_scoped3A_24, %dma_start3A_275] : memref<8x64xi32, #tpu.memory_space<vmem>> -> memref<1x64xi32, #tpu.memory_space<vmem>>
      %dma_start3A_277 = tpu.memref_squeeze %dma_start3A_276 : memref<1x64xi32, #tpu.memory_space<vmem>> -> memref<64xi32, #tpu.memory_space<vmem>>
      %dma_start3A_278 = tpu.memref_slice %arg4[%multiple_of3A_22] : memref<327680xi32, #tpu.memory_space<hbm>> -> memref<64xi32, #tpu.memory_space<hbm>>
      tpu.enqueue_dma source(%dma_start3A_278 : memref<64xi32, #tpu.memory_space<hbm>>) target(%dma_start3A_277 : memref<64xi32, #tpu.memory_space<vmem>>) target_semaphore(%run_scoped3A_270 : memref<!tpu.dma_semaphore, #tpu.memory_space<semaphore_mem>>)
      %dma_wait3A_279 = arith.constant 0 : i32
      %dma_wait3A_280 = tpu.memref_slice %arg8[%run_scoped3A_24, %dma_wait3A_279] : memref<8x64xi32, #tpu.memory_space<vmem>> -> memref<1x64xi32, #tpu.memory_space<vmem>>
      %dma_wait3A_281 = tpu.memref_squeeze %dma_wait3A_280 : memref<1x64xi32, #tpu.memory_space<vmem>> -> memref<64xi32, #tpu.memory_space<vmem>>
      %dma_wait3A_282 = tpu.memref_slice %arg4[%multiple_of3A_22] : memref<327680xi32, #tpu.memory_space<hbm>> -> memref<64xi32, #tpu.memory_space<hbm>>
      %dma_wait3A_283 = arith.constant 0 : i32
      %dma_wait3A_284 = tpu.memref_slice %arg8[%run_scoped3A_24, %dma_wait3A_283] : memref<8x64xi32, #tpu.memory_space<vmem>> -> memref<1x64xi32, #tpu.memory_space<vmem>>
      %dma_wait3A_285 = tpu.memref_squeeze %dma_wait3A_284 : memref<1x64xi32, #tpu.memory_space<vmem>> -> memref<64xi32, #tpu.memory_space<vmem>>
      %dma_wait3A_286 = tpu.memref_slice %arg4[%multiple_of3A_22] : memref<327680xi32, #tpu.memory_space<hbm>> -> memref<64xi32, #tpu.memory_space<hbm>>
      tpu.wait_dma2 semaphore(%run_scoped3A_270 : memref<!tpu.dma_semaphore, #tpu.memory_space<semaphore_mem>>) src(%dma_wait3A_286 : memref<64xi32, #tpu.memory_space<hbm>>) dst(%dma_wait3A_285 : memref<64xi32, #tpu.memory_space<vmem>>)
      tpu.yield
    }) : () -> ()
    %dma_start3A_25 = arith.constant 1 : i32
    %dma_start3A_26 = arith.constant 1 : i32
    %dma_start3A_27 = arith.constant 0 : i32
    %dma_start3A_28 = arith.constant 0 : i32
    %dma_start3A_29 = tpu.memref_slice %arg9[%dma_start3A_26, %dma_start3A_27, %dma_start3A_28] : memref<4x64x128xf32, #tpu.memory_space<vmem>> -> memref<1x64x128xf32, #tpu.memory_space<vmem>>
    %dma_start3A_30 = tpu.memref_squeeze %dma_start3A_29 : memref<1x64x128xf32, #tpu.memory_space<vmem>> -> memref<64x128xf32, #tpu.memory_space<vmem>>
    %dma_start3A_31 = arith.constant 0 : i32
    %dma_start3A_32 = tpu.memref_slice %arg7[%dma_start3A_25, %dma_start3A_31] : memref<8x64xi32, #tpu.memory_space<vmem>> -> memref<1x64xi32, #tpu.memory_space<vmem>>
    %dma_start3A_33 = tpu.memref_squeeze %dma_start3A_32 : memref<1x64xi32, #tpu.memory_space<vmem>> -> memref<64xi32, #tpu.memory_space<vmem>>
    %dma_start3A_34 = arith.constant 0 : i32
    %dma_start3A_35 = arith.constant 0 : i32
    %dma_start3A_36 = tpu.memref_slice %arg2[%dma_start3A_34, %dma_start3A_35] : memref<10000x128xf32, #tpu.memory_space<hbm>> -> memref<10000x128xf32, #tpu.memory_space<hbm>>
    tpu.enqueue_indirect_dma source(%dma_start3A_36 : memref<10000x128xf32, #tpu.memory_space<hbm>>) target(%dma_start3A_30 : memref<64x128xf32, #tpu.memory_space<vmem>>) offsets(%dma_start3A_33 : memref<64xi32, #tpu.memory_space<vmem>>) semaphore(%arg12 : memref<!tpu.dma_semaphore, #tpu.memory_space<semaphore_mem>>)
    %add3A_37 = arith.constant 128 : i32
    %add3A_38 = arith.addi %mul3A_4, %add3A_37 : i32
    %multiple_of3A_39 = tpu.assume_multiple %add3A_38, 8 : i32
    %dma_start3A_40 = arith.constant 2 : i32
    %dma_start3A_41 = arith.constant 0 : i32
    %dma_start3A_42 = tpu.memref_slice %arg7[%dma_start3A_40, %dma_start3A_41] : memref<8x64xi32, #tpu.memory_space<vmem>> -> memref<1x64xi32, #tpu.memory_space<vmem>>
    %dma_start3A_43 = tpu.memref_squeeze %dma_start3A_42 : memref<1x64xi32, #tpu.memory_space<vmem>> -> memref<64xi32, #tpu.memory_space<vmem>>
    %dma_start3A_44 = tpu.memref_slice %arg3[%multiple_of3A_39] : memref<327680xi32, #tpu.memory_space<hbm>> -> memref<64xi32, #tpu.memory_space<hbm>>
    %dma_start3A_45 = arith.constant 0 : i32
    %dma_start3A_46 = tpu.memref_slice %arg7[%dma_start3A_40, %dma_start3A_45] : memref<8x64xi32, #tpu.memory_space<vmem>> -> memref<1x64xi32, #tpu.memory_space<vmem>>
    %dma_start3A_47 = tpu.memref_squeeze %dma_start3A_46 : memref<1x64xi32, #tpu.memory_space<vmem>> -> memref<64xi32, #tpu.memory_space<vmem>>
    %dma_start3A_48 = tpu.memref_slice %arg3[%multiple_of3A_39] : memref<327680xi32, #tpu.memory_space<hbm>> -> memref<64xi32, #tpu.memory_space<hbm>>
    tpu.enqueue_dma source(%dma_start3A_48 : memref<64xi32, #tpu.memory_space<hbm>>) target(%dma_start3A_47 : memref<64xi32, #tpu.memory_space<vmem>>) target_semaphore(%arg15 : memref<!tpu.dma_semaphore, #tpu.memory_space<semaphore_mem>>)
    %dma_start3A_49 = arith.constant 2 : i32
    %dma_start3A_50 = arith.constant 0 : i32
    %dma_start3A_51 = tpu.memref_slice %arg8[%dma_start3A_49, %dma_start3A_50] : memref<8x64xi32, #tpu.memory_space<vmem>> -> memref<1x64xi32, #tpu.memory_space<vmem>>
    %dma_start3A_52 = tpu.memref_squeeze %dma_start3A_51 : memref<1x64xi32, #tpu.memory_space<vmem>> -> memref<64xi32, #tpu.memory_space<vmem>>
    %dma_start3A_53 = tpu.memref_slice %arg4[%multiple_of3A_39] : memref<327680xi32, #tpu.memory_space<hbm>> -> memref<64xi32, #tpu.memory_space<hbm>>
    %dma_start3A_54 = arith.constant 0 : i32
    %dma_start3A_55 = tpu.memref_slice %arg8[%dma_start3A_49, %dma_start3A_54] : memref<8x64xi32, #tpu.memory_space<vmem>> -> memref<1x64xi32, #tpu.memory_space<vmem>>
    %dma_start3A_56 = tpu.memref_squeeze %dma_start3A_55 : memref<1x64xi32, #tpu.memory_space<vmem>> -> memref<64xi32, #tpu.memory_space<vmem>>
    %dma_start3A_57 = tpu.memref_slice %arg4[%multiple_of3A_39] : memref<327680xi32, #tpu.memory_space<hbm>> -> memref<64xi32, #tpu.memory_space<hbm>>
    tpu.enqueue_dma source(%dma_start3A_57 : memref<64xi32, #tpu.memory_space<hbm>>) target(%dma_start3A_56 : memref<64xi32, #tpu.memory_space<vmem>>) target_semaphore(%arg15 : memref<!tpu.dma_semaphore, #tpu.memory_space<semaphore_mem>>)
    %add3A_58 = arith.constant 192 : i32
    %add3A_59 = arith.addi %mul3A_4, %add3A_58 : i32
    %multiple_of3A_60 = tpu.assume_multiple %add3A_59, 8 : i32
    %dma_start3A_61 = arith.constant 3 : i32
    %dma_start3A_62 = arith.constant 0 : i32
    %dma_start3A_63 = tpu.memref_slice %arg7[%dma_start3A_61, %dma_start3A_62] : memref<8x64xi32, #tpu.memory_space<vmem>> -> memref<1x64xi32, #tpu.memory_space<vmem>>
    %dma_start3A_64 = tpu.memref_squeeze %dma_start3A_63 : memref<1x64xi32, #tpu.memory_space<vmem>> -> memref<64xi32, #tpu.memory_space<vmem>>
    %dma_start3A_65 = tpu.memref_slice %arg3[%multiple_of3A_60] : memref<327680xi32, #tpu.memory_space<hbm>> -> memref<64xi32, #tpu.memory_space<hbm>>
    %dma_start3A_66 = arith.constant 0 : i32
    %dma_start3A_67 = tpu.memref_slice %arg7[%dma_start3A_61, %dma_start3A_66] : memref<8x64xi32, #tpu.memory_space<vmem>> -> memref<1x64xi32, #tpu.memory_space<vmem>>
    %dma_start3A_68 = tpu.memref_squeeze %dma_start3A_67 : memref<1x64xi32, #tpu.memory_space<vmem>> -> memref<64xi32, #tpu.memory_space<vmem>>
    %dma_start3A_69 = tpu.memref_slice %arg3[%multiple_of3A_60] : memref<327680xi32, #tpu.memory_space<hbm>> -> memref<64xi32, #tpu.memory_space<hbm>>
    tpu.enqueue_dma source(%dma_start3A_69 : memref<64xi32, #tpu.memory_space<hbm>>) target(%dma_start3A_68 : memref<64xi32, #tpu.memory_space<vmem>>) target_semaphore(%arg15 : memref<!tpu.dma_semaphore, #tpu.memory_space<semaphore_mem>>)
    %dma_start3A_70 = arith.constant 3 : i32
    %dma_start3A_71 = arith.constant 0 : i32
    %dma_start3A_72 = tpu.memref_slice %arg8[%dma_start3A_70, %dma_start3A_71] : memref<8x64xi32, #tpu.memory_space<vmem>> -> memref<1x64xi32, #tpu.memory_space<vmem>>
    %dma_start3A_73 = tpu.memref_squeeze %dma_start3A_72 : memref<1x64xi32, #tpu.memory_space<vmem>> -> memref<64xi32, #tpu.memory_space<vmem>>
    %dma_start3A_74 = tpu.memref_slice %arg4[%multiple_of3A_60] : memref<327680xi32, #tpu.memory_space<hbm>> -> memref<64xi32, #tpu.memory_space<hbm>>
    %dma_start3A_75 = arith.constant 0 : i32
    %dma_start3A_76 = tpu.memref_slice %arg8[%dma_start3A_70, %dma_start3A_75] : memref<8x64xi32, #tpu.memory_space<vmem>> -> memref<1x64xi32, #tpu.memory_space<vmem>>
    %dma_start3A_77 = tpu.memref_squeeze %dma_start3A_76 : memref<1x64xi32, #tpu.memory_space<vmem>> -> memref<64xi32, #tpu.memory_space<vmem>>
    %dma_start3A_78 = tpu.memref_slice %arg4[%multiple_of3A_60] : memref<327680xi32, #tpu.memory_space<hbm>> -> memref<64xi32, #tpu.memory_space<hbm>>
    tpu.enqueue_dma source(%dma_start3A_78 : memref<64xi32, #tpu.memory_space<hbm>>) target(%dma_start3A_77 : memref<64xi32, #tpu.memory_space<vmem>>) target_semaphore(%arg15 : memref<!tpu.dma_semaphore, #tpu.memory_space<semaphore_mem>>)
    %dma_wait3A = arith.constant 0 : i32
    %dma_wait3A_79 = arith.constant 0 : i32
    %dma_wait3A_80 = arith.constant 0 : i32
    %dma_wait3A_81 = arith.constant 0 : i32
    %dma_wait3A_82 = tpu.memref_slice %arg9[%dma_wait3A_79, %dma_wait3A_80, %dma_wait3A_81] : memref<4x64x128xf32, #tpu.memory_space<vmem>> -> memref<1x64x128xf32, #tpu.memory_space<vmem>>
    %dma_wait3A_83 = tpu.memref_squeeze %dma_wait3A_82 : memref<1x64x128xf32, #tpu.memory_space<vmem>> -> memref<64x128xf32, #tpu.memory_space<vmem>>
    %dma_wait3A_84 = arith.constant 0 : i32
    %dma_wait3A_85 = tpu.memref_slice %arg7[%dma_wait3A, %dma_wait3A_84] : memref<8x64xi32, #tpu.memory_space<vmem>> -> memref<1x64xi32, #tpu.memory_space<vmem>>
    %dma_wait3A_86 = tpu.memref_squeeze %dma_wait3A_85 : memref<1x64xi32, #tpu.memory_space<vmem>> -> memref<64xi32, #tpu.memory_space<vmem>>
    %dma_wait3A_87 = arith.constant 0 : i32
    %dma_wait3A_88 = arith.constant 0 : i32
    %dma_wait3A_89 = tpu.memref_slice %arg2[%dma_wait3A_87, %dma_wait3A_88] : memref<10000x128xf32, #tpu.memory_space<hbm>> -> memref<10000x128xf32, #tpu.memory_space<hbm>>
    tpu.wait_indirect_dma semaphore(%arg11 : memref<!tpu.dma_semaphore, #tpu.memory_space<semaphore_mem>>) src(%dma_wait3A_89 : memref<10000x128xf32, #tpu.memory_space<hbm>>) dst(%dma_wait3A_83 : memref<64x128xf32, #tpu.memory_space<vmem>>)
    %dma_start3A_90 = arith.constant 0 : i32
    %dma_start3A_91 = arith.constant 0 : i32
    %dma_start3A_92 = arith.constant 0 : i32
    %dma_start3A_93 = arith.constant 0 : i32
    %dma_start3A_94 = tpu.memref_slice %arg9[%dma_start3A_90, %dma_start3A_92, %dma_start3A_93] : memref<4x64x128xf32, #tpu.memory_space<vmem>> -> memref<1x64x128xf32, #tpu.memory_space<vmem>>
    %dma_start3A_95 = tpu.memref_squeeze %dma_start3A_94 : memref<1x64x128xf32, #tpu.memory_space<vmem>> -> memref<64x128xf32, #tpu.memory_space<vmem>>
    %dma_start3A_96 = arith.constant 0 : i32
    %dma_start3A_97 = tpu.memref_slice %arg8[%dma_start3A_91, %dma_start3A_96] : memref<8x64xi32, #tpu.memory_space<vmem>> -> memref<1x64xi32, #tpu.memory_space<vmem>>
    %dma_start3A_98 = tpu.memref_squeeze %dma_start3A_97 : memref<1x64xi32, #tpu.memory_space<vmem>> -> memref<64xi32, #tpu.memory_space<vmem>>
    %dma_start3A_99 = arith.constant 0 : i32
    %dma_start3A_100 = arith.constant 0 : i32
    %dma_start3A_101 = tpu.memref_slice %arg10[%dma_start3A_99, %dma_start3A_100] : memref<10240x128xf32, #tpu.memory_space<vmem_shared>> -> memref<10240x128xf32, #tpu.memory_space<vmem_shared>>
    tpu.enqueue_indirect_dma source(%dma_start3A_95 : memref<64x128xf32, #tpu.memory_space<vmem>>) target(%dma_start3A_101 : memref<10240x128xf32, #tpu.memory_space<vmem_shared>>) offsets(%dma_start3A_98 : memref<64xi32, #tpu.memory_space<vmem>>) semaphore(%arg13 : memref<!tpu.dma_semaphore, #tpu.memory_space<semaphore_mem>>) {add = true}
    %add3A_102 = arith.constant 128 : i32
    %add3A_103 = arith.addi %mul3A_4, %add3A_102 : i32
    %multiple_of3A_104 = tpu.assume_multiple %add3A_103, 8 : i32
    %dma_wait3A_105 = arith.constant 2 : i32
    %dma_wait3A_106 = arith.constant 0 : i32
    %dma_wait3A_107 = tpu.memref_slice %arg7[%dma_wait3A_105, %dma_wait3A_106] : memref<8x64xi32, #tpu.memory_space<vmem>> -> memref<1x64xi32, #tpu.memory_space<vmem>>
    %dma_wait3A_108 = tpu.memref_squeeze %dma_wait3A_107 : memref<1x64xi32, #tpu.memory_space<vmem>> -> memref<64xi32, #tpu.memory_space<vmem>>
    %dma_wait3A_109 = tpu.memref_slice %arg3[%multiple_of3A_104] : memref<327680xi32, #tpu.memory_space<hbm>> -> memref<64xi32, #tpu.memory_space<hbm>>
    %dma_wait3A_110 = arith.constant 0 : i32
    %dma_wait3A_111 = tpu.memref_slice %arg7[%dma_wait3A_105, %dma_wait3A_110] : memref<8x64xi32, #tpu.memory_space<vmem>> -> memref<1x64xi32, #tpu.memory_space<vmem>>
    %dma_wait3A_112 = tpu.memref_squeeze %dma_wait3A_111 : memref<1x64xi32, #tpu.memory_space<vmem>> -> memref<64xi32, #tpu.memory_space<vmem>>
    %dma_wait3A_113 = tpu.memref_slice %arg3[%multiple_of3A_104] : memref<327680xi32, #tpu.memory_space<hbm>> -> memref<64xi32, #tpu.memory_space<hbm>>
    tpu.wait_dma2 semaphore(%arg15 : memref<!tpu.dma_semaphore, #tpu.memory_space<semaphore_mem>>) src(%dma_wait3A_113 : memref<64xi32, #tpu.memory_space<hbm>>) dst(%dma_wait3A_112 : memref<64xi32, #tpu.memory_space<vmem>>)
    %dma_wait3A_114 = arith.constant 2 : i32
    %dma_wait3A_115 = arith.constant 0 : i32
    %dma_wait3A_116 = tpu.memref_slice %arg8[%dma_wait3A_114, %dma_wait3A_115] : memref<8x64xi32, #tpu.memory_space<vmem>> -> memref<1x64xi32, #tpu.memory_space<vmem>>
    %dma_wait3A_117 = tpu.memref_squeeze %dma_wait3A_116 : memref<1x64xi32, #tpu.memory_space<vmem>> -> memref<64xi32, #tpu.memory_space<vmem>>
    %dma_wait3A_118 = tpu.memref_slice %arg4[%multiple_of3A_104] : memref<327680xi32, #tpu.memory_space<hbm>> -> memref<64xi32, #tpu.memory_space<hbm>>
    %dma_wait3A_119 = arith.constant 0 : i32
    %dma_wait3A_120 = tpu.memref_slice %arg8[%dma_wait3A_114, %dma_wait3A_119] : memref<8x64xi32, #tpu.memory_space<vmem>> -> memref<1x64xi32, #tpu.memory_space<vmem>>
    %dma_wait3A_121 = tpu.memref_squeeze %dma_wait3A_120 : memref<1x64xi32, #tpu.memory_space<vmem>> -> memref<64xi32, #tpu.memory_space<vmem>>
    %dma_wait3A_122 = tpu.memref_slice %arg4[%multiple_of3A_104] : memref<327680xi32, #tpu.memory_space<hbm>> -> memref<64xi32, #tpu.memory_space<hbm>>
    tpu.wait_dma2 semaphore(%arg15 : memref<!tpu.dma_semaphore, #tpu.memory_space<semaphore_mem>>) src(%dma_wait3A_122 : memref<64xi32, #tpu.memory_space<hbm>>) dst(%dma_wait3A_121 : memref<64xi32, #tpu.memory_space<vmem>>)
    %dma_start3A_123 = arith.constant 2 : i32
    %dma_start3A_124 = arith.constant 2 : i32
    %dma_start3A_125 = arith.constant 0 : i32
    %dma_start3A_126 = arith.constant 0 : i32
    %dma_start3A_127 = tpu.memref_slice %arg9[%dma_start3A_124, %dma_start3A_125, %dma_start3A_126] : memref<4x64x128xf32, #tpu.memory_space<vmem>> -> memref<1x64x128xf32, #tpu.memory_space<vmem>>
    %dma_start3A_128 = tpu.memref_squeeze %dma_start3A_127 : memref<1x64x128xf32, #tpu.memory_space<vmem>> -> memref<64x128xf32, #tpu.memory_space<vmem>>
    %dma_start3A_129 = arith.constant 0 : i32
    %dma_start3A_130 = tpu.memref_slice %arg7[%dma_start3A_123, %dma_start3A_129] : memref<8x64xi32, #tpu.memory_space<vmem>> -> memref<1x64xi32, #tpu.memory_space<vmem>>
    %dma_start3A_131 = tpu.memref_squeeze %dma_start3A_130 : memref<1x64xi32, #tpu.memory_space<vmem>> -> memref<64xi32, #tpu.memory_space<vmem>>
    %dma_start3A_132 = arith.constant 0 : i32
    %dma_start3A_133 = arith.constant 0 : i32
    %dma_start3A_134 = tpu.memref_slice %arg2[%dma_start3A_132, %dma_start3A_133] : memref<10000x128xf32, #tpu.memory_space<hbm>> -> memref<10000x128xf32, #tpu.memory_space<hbm>>
    tpu.enqueue_indirect_dma source(%dma_start3A_134 : memref<10000x128xf32, #tpu.memory_space<hbm>>) target(%dma_start3A_128 : memref<64x128xf32, #tpu.memory_space<vmem>>) offsets(%dma_start3A_131 : memref<64xi32, #tpu.memory_space<vmem>>) semaphore(%arg11 : memref<!tpu.dma_semaphore, #tpu.memory_space<semaphore_mem>>)
    %add3A_135 = arith.constant 256 : i32
    %add3A_136 = arith.addi %mul3A_4, %add3A_135 : i32
    %multiple_of3A_137 = tpu.assume_multiple %add3A_136, 8 : i32
    %dma_start3A_138 = arith.constant 4 : i32
    %dma_start3A_139 = arith.constant 0 : i32
    %dma_start3A_140 = tpu.memref_slice %arg7[%dma_start3A_138, %dma_start3A_139] : memref<8x64xi32, #tpu.memory_space<vmem>> -> memref<1x64xi32, #tpu.memory_space<vmem>>
    %dma_start3A_141 = tpu.memref_squeeze %dma_start3A_140 : memref<1x64xi32, #tpu.memory_space<vmem>> -> memref<64xi32, #tpu.memory_space<vmem>>
    %dma_start3A_142 = tpu.memref_slice %arg3[%multiple_of3A_137] : memref<327680xi32, #tpu.memory_space<hbm>> -> memref<64xi32, #tpu.memory_space<hbm>>
    %dma_start3A_143 = arith.constant 0 : i32
    %dma_start3A_144 = tpu.memref_slice %arg7[%dma_start3A_138, %dma_start3A_143] : memref<8x64xi32, #tpu.memory_space<vmem>> -> memref<1x64xi32, #tpu.memory_space<vmem>>
    %dma_start3A_145 = tpu.memref_squeeze %dma_start3A_144 : memref<1x64xi32, #tpu.memory_space<vmem>> -> memref<64xi32, #tpu.memory_space<vmem>>
    %dma_start3A_146 = tpu.memref_slice %arg3[%multiple_of3A_137] : memref<327680xi32, #tpu.memory_space<hbm>> -> memref<64xi32, #tpu.memory_space<hbm>>
    tpu.enqueue_dma source(%dma_start3A_146 : memref<64xi32, #tpu.memory_space<hbm>>) target(%dma_start3A_145 : memref<64xi32, #tpu.memory_space<vmem>>) target_semaphore(%arg15 : memref<!tpu.dma_semaphore, #tpu.memory_space<semaphore_mem>>)
    %dma_start3A_147 = arith.constant 4 : i32
    %dma_start3A_148 = arith.constant 0 : i32
    %dma_start3A_149 = tpu.memref_slice %arg8[%dma_start3A_147, %dma_start3A_148] : memref<8x64xi32, #tpu.memory_space<vmem>> -> memref<1x64xi32, #tpu.memory_space<vmem>>
    %dma_start3A_150 = tpu.memref_squeeze %dma_start3A_149 : memref<1x64xi32, #tpu.memory_space<vmem>> -> memref<64xi32, #tpu.memory_space<vmem>>
    %dma_start3A_151 = tpu.memref_slice %arg4[%multiple_of3A_137] : memref<327680xi32, #tpu.memory_space<hbm>> -> memref<64xi32, #tpu.memory_space<hbm>>
    %dma_start3A_152 = arith.constant 0 : i32
    %dma_start3A_153 = tpu.memref_slice %arg8[%dma_start3A_147, %dma_start3A_152] : memref<8x64xi32, #tpu.memory_space<vmem>> -> memref<1x64xi32, #tpu.memory_space<vmem>>
    %dma_start3A_154 = tpu.memref_squeeze %dma_start3A_153 : memref<1x64xi32, #tpu.memory_space<vmem>> -> memref<64xi32, #tpu.memory_space<vmem>>
    %dma_start3A_155 = tpu.memref_slice %arg4[%multiple_of3A_137] : memref<327680xi32, #tpu.memory_space<hbm>> -> memref<64xi32, #tpu.memory_space<hbm>>
    tpu.enqueue_dma source(%dma_start3A_155 : memref<64xi32, #tpu.memory_space<hbm>>) target(%dma_start3A_154 : memref<64xi32, #tpu.memory_space<vmem>>) target_semaphore(%arg15 : memref<!tpu.dma_semaphore, #tpu.memory_space<semaphore_mem>>)
    %dma_wait3A_156 = arith.constant 1 : i32
    %dma_wait3A_157 = arith.constant 1 : i32
    %dma_wait3A_158 = arith.constant 0 : i32
    %dma_wait3A_159 = arith.constant 0 : i32
    %dma_wait3A_160 = tpu.memref_slice %arg9[%dma_wait3A_157, %dma_wait3A_158, %dma_wait3A_159] : memref<4x64x128xf32, #tpu.memory_space<vmem>> -> memref<1x64x128xf32, #tpu.memory_space<vmem>>
    %dma_wait3A_161 = tpu.memref_squeeze %dma_wait3A_160 : memref<1x64x128xf32, #tpu.memory_space<vmem>> -> memref<64x128xf32, #tpu.memory_space<vmem>>
    %dma_wait3A_162 = arith.constant 0 : i32
    %dma_wait3A_163 = tpu.memref_slice %arg7[%dma_wait3A_156, %dma_wait3A_162] : memref<8x64xi32, #tpu.memory_space<vmem>> -> memref<1x64xi32, #tpu.memory_space<vmem>>
    %dma_wait3A_164 = tpu.memref_squeeze %dma_wait3A_163 : memref<1x64xi32, #tpu.memory_space<vmem>> -> memref<64xi32, #tpu.memory_space<vmem>>
    %dma_wait3A_165 = arith.constant 0 : i32
    %dma_wait3A_166 = arith.constant 0 : i32
    %dma_wait3A_167 = tpu.memref_slice %arg2[%dma_wait3A_165, %dma_wait3A_166] : memref<10000x128xf32, #tpu.memory_space<hbm>> -> memref<10000x128xf32, #tpu.memory_space<hbm>>
    tpu.wait_indirect_dma semaphore(%arg12 : memref<!tpu.dma_semaphore, #tpu.memory_space<semaphore_mem>>) src(%dma_wait3A_167 : memref<10000x128xf32, #tpu.memory_space<hbm>>) dst(%dma_wait3A_161 : memref<64x128xf32, #tpu.memory_space<vmem>>)
    %dma_start3A_168 = arith.constant 1 : i32
    %dma_start3A_169 = arith.constant 1 : i32
    %dma_start3A_170 = arith.constant 0 : i32
    %dma_start3A_171 = arith.constant 0 : i32
    %dma_start3A_172 = tpu.memref_slice %arg9[%dma_start3A_168, %dma_start3A_170, %dma_start3A_171] : memref<4x64x128xf32, #tpu.memory_space<vmem>> -> memref<1x64x128xf32, #tpu.memory_space<vmem>>
    %dma_start3A_173 = tpu.memref_squeeze %dma_start3A_172 : memref<1x64x128xf32, #tpu.memory_space<vmem>> -> memref<64x128xf32, #tpu.memory_space<vmem>>
    %dma_start3A_174 = arith.constant 0 : i32
    %dma_start3A_175 = tpu.memref_slice %arg8[%dma_start3A_169, %dma_start3A_174] : memref<8x64xi32, #tpu.memory_space<vmem>> -> memref<1x64xi32, #tpu.memory_space<vmem>>
    %dma_start3A_176 = tpu.memref_squeeze %dma_start3A_175 : memref<1x64xi32, #tpu.memory_space<vmem>> -> memref<64xi32, #tpu.memory_space<vmem>>
    %dma_start3A_177 = arith.constant 0 : i32
    %dma_start3A_178 = arith.constant 0 : i32
    %dma_start3A_179 = tpu.memref_slice %arg10[%dma_start3A_177, %dma_start3A_178] : memref<10240x128xf32, #tpu.memory_space<vmem_shared>> -> memref<10240x128xf32, #tpu.memory_space<vmem_shared>>
    tpu.enqueue_indirect_dma source(%dma_start3A_173 : memref<64x128xf32, #tpu.memory_space<vmem>>) target(%dma_start3A_179 : memref<10240x128xf32, #tpu.memory_space<vmem_shared>>) offsets(%dma_start3A_176 : memref<64xi32, #tpu.memory_space<vmem>>) semaphore(%arg14 : memref<!tpu.dma_semaphore, #tpu.memory_space<semaphore_mem>>) {add = true}
    %add3A_180 = arith.constant 192 : i32
    %add3A_181 = arith.addi %mul3A_4, %add3A_180 : i32
    %multiple_of3A_182 = tpu.assume_multiple %add3A_181, 8 : i32
    %dma_wait3A_183 = arith.constant 3 : i32
    %dma_wait3A_184 = arith.constant 0 : i32
    %dma_wait3A_185 = tpu.memref_slice %arg7[%dma_wait3A_183, %dma_wait3A_184] : memref<8x64xi32, #tpu.memory_space<vmem>> -> memref<1x64xi32, #tpu.memory_space<vmem>>
    %dma_wait3A_186 = tpu.memref_squeeze %dma_wait3A_185 : memref<1x64xi32, #tpu.memory_space<vmem>> -> memref<64xi32, #tpu.memory_space<vmem>>
    %dma_wait3A_187 = tpu.memref_slice %arg3[%multiple_of3A_182] : memref<327680xi32, #tpu.memory_space<hbm>> -> memref<64xi32, #tpu.memory_space<hbm>>
    %dma_wait3A_188 = arith.constant 0 : i32
    %dma_wait3A_189 = tpu.memref_slice %arg7[%dma_wait3A_183, %dma_wait3A_188] : memref<8x64xi32, #tpu.memory_space<vmem>> -> memref<1x64xi32, #tpu.memory_space<vmem>>
    %dma_wait3A_190 = tpu.memref_squeeze %dma_wait3A_189 : memref<1x64xi32, #tpu.memory_space<vmem>> -> memref<64xi32, #tpu.memory_space<vmem>>
    %dma_wait3A_191 = tpu.memref_slice %arg3[%multiple_of3A_182] : memref<327680xi32, #tpu.memory_space<hbm>> -> memref<64xi32, #tpu.memory_space<hbm>>
    tpu.wait_dma2 semaphore(%arg15 : memref<!tpu.dma_semaphore, #tpu.memory_space<semaphore_mem>>) src(%dma_wait3A_191 : memref<64xi32, #tpu.memory_space<hbm>>) dst(%dma_wait3A_190 : memref<64xi32, #tpu.memory_space<vmem>>)
    %dma_wait3A_192 = arith.constant 3 : i32
    %dma_wait3A_193 = arith.constant 0 : i32
    %dma_wait3A_194 = tpu.memref_slice %arg8[%dma_wait3A_192, %dma_wait3A_193] : memref<8x64xi32, #tpu.memory_space<vmem>> -> memref<1x64xi32, #tpu.memory_space<vmem>>
    %dma_wait3A_195 = tpu.memref_squeeze %dma_wait3A_194 : memref<1x64xi32, #tpu.memory_space<vmem>> -> memref<64xi32, #tpu.memory_space<vmem>>
    %dma_wait3A_196 = tpu.memref_slice %arg4[%multiple_of3A_182] : memref<327680xi32, #tpu.memory_space<hbm>> -> memref<64xi32, #tpu.memory_space<hbm>>
    %dma_wait3A_197 = arith.constant 0 : i32
    %dma_wait3A_198 = tpu.memref_slice %arg8[%dma_wait3A_192, %dma_wait3A_197] : memref<8x64xi32, #tpu.memory_space<vmem>> -> memref<1x64xi32, #tpu.memory_space<vmem>>
    %dma_wait3A_199 = tpu.memref_squeeze %dma_wait3A_198 : memref<1x64xi32, #tpu.memory_space<vmem>> -> memref<64xi32, #tpu.memory_space<vmem>>
    %dma_wait3A_200 = tpu.memref_slice %arg4[%multiple_of3A_182] : memref<327680xi32, #tpu.memory_space<hbm>> -> memref<64xi32, #tpu.memory_space<hbm>>
    tpu.wait_dma2 semaphore(%arg15 : memref<!tpu.dma_semaphore, #tpu.memory_space<semaphore_mem>>) src(%dma_wait3A_200 : memref<64xi32, #tpu.memory_space<hbm>>) dst(%dma_wait3A_199 : memref<64xi32, #tpu.memory_space<vmem>>)
    %dma_start3A_201 = arith.constant 3 : i32
    %dma_start3A_202 = arith.constant 3 : i32
    %dma_start3A_203 = arith.constant 0 : i32
    %dma_start3A_204 = arith.constant 0 : i32
    %dma_start3A_205 = tpu.memref_slice %arg9[%dma_start3A_202, %dma_start3A_203, %dma_start3A_204] : memref<4x64x128xf32, #tpu.memory_space<vmem>> -> memref<1x64x128xf32, #tpu.memory_space<vmem>>
    %dma_start3A_206 = tpu.memref_squeeze %dma_start3A_205 : memref<1x64x128xf32, #tpu.memory_space<vmem>> -> memref<64x128xf32, #tpu.memory_space<vmem>>
    %dma_start3A_207 = arith.constant 0 : i32
    %dma_start3A_208 = tpu.memref_slice %arg7[%dma_start3A_201, %dma_start3A_207] : memref<8x64xi32, #tpu.memory_space<vmem>> -> memref<1x64xi32, #tpu.memory_space<vmem>>
    %dma_start3A_209 = tpu.memref_squeeze %dma_start3A_208 : memref<1x64xi32, #tpu.memory_space<vmem>> -> memref<64xi32, #tpu.memory_space<vmem>>
    %dma_start3A_210 = arith.constant 0 : i32
    %dma_start3A_211 = arith.constant 0 : i32
    %dma_start3A_212 = tpu.memref_slice %arg2[%dma_start3A_210, %dma_start3A_211] : memref<10000x128xf32, #tpu.memory_space<hbm>> -> memref<10000x128xf32, #tpu.memory_space<hbm>>
    tpu.enqueue_indirect_dma source(%dma_start3A_212 : memref<10000x128xf32, #tpu.memory_space<hbm>>) target(%dma_start3A_206 : memref<64x128xf32, #tpu.memory_space<vmem>>) offsets(%dma_start3A_209 : memref<64xi32, #tpu.memory_space<vmem>>) semaphore(%arg12 : memref<!tpu.dma_semaphore, #tpu.memory_space<semaphore_mem>>)
    %add3A_213 = arith.constant 320 : i32
    %add3A_214 = arith.addi %mul3A_4, %add3A_213 : i32
    %multiple_of3A_215 = tpu.assume_multiple %add3A_214, 8 : i32
    %dma_start3A_216 = arith.constant 5 : i32
    %dma_start3A_217 = arith.constant 0 : i32
    %dma_start3A_218 = tpu.memref_slice %arg7[%dma_start3A_216, %dma_start3A_217] : memref<8x64xi32, #tpu.memory_space<vmem>> -> memref<1x64xi32, #tpu.memory_space<vmem>>
    %dma_start3A_219 = tpu.memref_squeeze %dma_start3A_218 : memref<1x64xi32, #tpu.memory_space<vmem>> -> memref<64xi32, #tpu.memory_space<vmem>>
    %dma_start3A_220 = tpu.memref_slice %arg3[%multiple_of3A_215] : memref<327680xi32, #tpu.memory_space<hbm>> -> memref<64xi32, #tpu.memory_space<hbm>>
    %dma_start3A_221 = arith.constant 0 : i32
    %dma_start3A_222 = tpu.memref_slice %arg7[%dma_start3A_216, %dma_start3A_221] : memref<8x64xi32, #tpu.memory_space<vmem>> -> memref<1x64xi32, #tpu.memory_space<vmem>>
    %dma_start3A_223 = tpu.memref_squeeze %dma_start3A_222 : memref<1x64xi32, #tpu.memory_space<vmem>> -> memref<64xi32, #tpu.memory_space<vmem>>
    %dma_start3A_224 = tpu.memref_slice %arg3[%multiple_of3A_215] : memref<327680xi32, #tpu.memory_space<hbm>> -> memref<64xi32, #tpu.memory_space<hbm>>
    tpu.enqueue_dma source(%dma_start3A_224 : memref<64xi32, #tpu.memory_space<hbm>>) target(%dma_start3A_223 : memref<64xi32, #tpu.memory_space<vmem>>) target_semaphore(%arg15 : memref<!tpu.dma_semaphore, #tpu.memory_space<semaphore_mem>>)
    %dma_start3A_225 = arith.constant 5 : i32
    %dma_start3A_226 = arith.constant 0 : i32
    %dma_start3A_227 = tpu.memref_slice %arg8[%dma_start3A_225, %dma_start3A_226] : memref<8x64xi32, #tpu.memory_space<vmem>> -> memref<1x64xi32, #tpu.memory_space<vmem>>
    %dma_start3A_228 = tpu.memref_squeeze %dma_start3A_227 : memref<1x64xi32, #tpu.memory_space<vmem>> -> memref<64xi32, #tpu.memory_space<vmem>>
    %dma_start3A_229 = tpu.memref_slice %arg4[%multiple_of3A_215] : memref<327680xi32, #tpu.memory_space<hbm>> -> memref<64xi32, #tpu.memory_space<hbm>>
    %dma_start3A_230 = arith.constant 0 : i32
    %dma_start3A_231 = tpu.memref_slice %arg8[%dma_start3A_225, %dma_start3A_230] : memref<8x64xi32, #tpu.memory_space<vmem>> -> memref<1x64xi32, #tpu.memory_space<vmem>>
    %dma_start3A_232 = tpu.memref_squeeze %dma_start3A_231 : memref<1x64xi32, #tpu.memory_space<vmem>> -> memref<64xi32, #tpu.memory_space<vmem>>
    %dma_start3A_233 = tpu.memref_slice %arg4[%multiple_of3A_215] : memref<327680xi32, #tpu.memory_space<hbm>> -> memref<64xi32, #tpu.memory_space<hbm>>
    tpu.enqueue_dma source(%dma_start3A_233 : memref<64xi32, #tpu.memory_space<hbm>>) target(%dma_start3A_232 : memref<64xi32, #tpu.memory_space<vmem>>) target_semaphore(%arg15 : memref<!tpu.dma_semaphore, #tpu.memory_space<semaphore_mem>>)
    %scan3A = arith.constant 0 : i32
    %scan3A_234 = arith.constant 1 : i32
    %scan3A_235 = arith.constant 79 : i32
    %scan3A_236 = arith.addi %scan3A_234, %scan3A_235 : i32
    %scan3A_237 = arith.constant 1 : i32
    scf.for %scan3A_270 = %scan3A_234 to %scan3A_236 step %scan3A_237  : i32 {
      %mul3A_271 = arith.constant 2 : i32
      %mul3A_272 = arith.muli %mul3A_271, %scan3A_270 : i32
      %jit3A = arith.constant 8 : i32
      %eq3A = arith.constant 0 : i32
      %eq3A_273 = arith.cmpi eq, %jit3A, %eq3A : i32
      %jit3A_274 = arith.constant 1 : i32
      %select_n3A = arith.select %eq3A_273, %jit3A_274, %jit3A : i32
      %rem3A = arith.remsi %mul3A_272, %select_n3A : i32
      %ne3A = arith.constant 0 : i32
      %ne3A_275 = arith.cmpi ne, %rem3A, %ne3A : i32
      %lt3A = arith.constant 0 : i32
      %lt3A_276 = arith.cmpi slt, %rem3A, %lt3A : i32
      %lt3A_277 = arith.constant 0 : i32
      %lt3A_278 = arith.cmpi slt, %select_n3A, %lt3A_277 : i32
      %ne3A_279 = arith.xori %lt3A_276, %lt3A_278 : i1
      %and3A = arith.andi %ne3A_279, %ne3A_275 : i1
      %add3A_280 = arith.addi %rem3A, %select_n3A : i32
      %select_n3A_281 = arith.select %and3A, %add3A_280, %rem3A : i32
      %jit3A_282 = arith.constant 4 : i32
      %eq3A_283 = arith.constant 0 : i32
      %eq3A_284 = arith.cmpi eq, %jit3A_282, %eq3A_283 : i32
      %jit3A_285 = arith.constant 1 : i32
      %select_n3A_286 = arith.select %eq3A_284, %jit3A_285, %jit3A_282 : i32
      %rem3A_287 = arith.remsi %mul3A_272, %select_n3A_286 : i32
      %ne3A_288 = arith.constant 0 : i32
      %ne3A_289 = arith.cmpi ne, %rem3A_287, %ne3A_288 : i32
      %lt3A_290 = arith.constant 0 : i32
      %lt3A_291 = arith.cmpi slt, %rem3A_287, %lt3A_290 : i32
      %lt3A_292 = arith.constant 0 : i32
      %lt3A_293 = arith.cmpi slt, %select_n3A_286, %lt3A_292 : i32
      %ne3A_294 = arith.xori %lt3A_291, %lt3A_293 : i1
      %and3A_295 = arith.andi %ne3A_294, %ne3A_289 : i1
      %add3A_296 = arith.addi %rem3A_287, %select_n3A_286 : i32
      %select_n3A_297 = arith.select %and3A_295, %add3A_296, %rem3A_287 : i32
      %dma_wait3A_298 = arith.constant 0 : i32
      %dma_wait3A_299 = arith.constant 0 : i32
      %dma_wait3A_300 = tpu.memref_slice %arg9[%select_n3A_297, %dma_wait3A_298, %dma_wait3A_299] : memref<4x64x128xf32, #tpu.memory_space<vmem>> -> memref<1x64x128xf32, #tpu.memory_space<vmem>>
      %dma_wait3A_301 = tpu.memref_squeeze %dma_wait3A_300 : memref<1x64x128xf32, #tpu.memory_space<vmem>> -> memref<64x128xf32, #tpu.memory_space<vmem>>
      %dma_wait3A_302 = arith.constant 0 : i32
      %dma_wait3A_303 = tpu.memref_slice %arg7[%select_n3A_281, %dma_wait3A_302] : memref<8x64xi32, #tpu.memory_space<vmem>> -> memref<1x64xi32, #tpu.memory_space<vmem>>
      %dma_wait3A_304 = tpu.memref_squeeze %dma_wait3A_303 : memref<1x64xi32, #tpu.memory_space<vmem>> -> memref<64xi32, #tpu.memory_space<vmem>>
      %dma_wait3A_305 = arith.constant 0 : i32
      %dma_wait3A_306 = arith.constant 0 : i32
      %dma_wait3A_307 = tpu.memref_slice %arg2[%dma_wait3A_305, %dma_wait3A_306] : memref<10000x128xf32, #tpu.memory_space<hbm>> -> memref<10000x128xf32, #tpu.memory_space<hbm>>
      tpu.wait_indirect_dma semaphore(%arg11 : memref<!tpu.dma_semaphore, #tpu.memory_space<semaphore_mem>>) src(%dma_wait3A_307 : memref<10000x128xf32, #tpu.memory_space<hbm>>) dst(%dma_wait3A_301 : memref<64x128xf32, #tpu.memory_space<vmem>>)
      %sub3A = arith.constant 2 : i32
      %sub3A_308 = arith.subi %mul3A_272, %sub3A : i32
      %jit3A_309 = arith.constant 4 : i32
      %eq3A_310 = arith.constant 0 : i32
      %eq3A_311 = arith.cmpi eq, %jit3A_309, %eq3A_310 : i32
      %jit3A_312 = arith.constant 1 : i32
      %select_n3A_313 = arith.select %eq3A_311, %jit3A_312, %jit3A_309 : i32
      %rem3A_314 = arith.remsi %sub3A_308, %select_n3A_313 : i32
      %ne3A_315 = arith.constant 0 : i32
      %ne3A_316 = arith.cmpi ne, %rem3A_314, %ne3A_315 : i32
      %lt3A_317 = arith.constant 0 : i32
      %lt3A_318 = arith.cmpi slt, %rem3A_314, %lt3A_317 : i32
      %lt3A_319 = arith.constant 0 : i32
      %lt3A_320 = arith.cmpi slt, %select_n3A_313, %lt3A_319 : i32
      %ne3A_321 = arith.xori %lt3A_318, %lt3A_320 : i1
      %and3A_322 = arith.andi %ne3A_321, %ne3A_316 : i1
      %add3A_323 = arith.addi %rem3A_314, %select_n3A_313 : i32
      %select_n3A_324 = arith.select %and3A_322, %add3A_323, %rem3A_314 : i32
      %dma_wait3A_325 = arith.constant 0 : i32
      %dma_wait3A_326 = arith.constant 0 : i32
      %dma_wait3A_327 = tpu.memref_slice %arg9[%select_n3A_324, %dma_wait3A_325, %dma_wait3A_326] : memref<4x64x128xf32, #tpu.memory_space<vmem>> -> memref<1x64x128xf32, #tpu.memory_space<vmem>>
      %dma_wait3A_328 = tpu.memref_squeeze %dma_wait3A_327 : memref<1x64x128xf32, #tpu.memory_space<vmem>> -> memref<64x128xf32, #tpu.memory_space<vmem>>
      %dma_wait3A_329 = arith.constant 0 : i32
      %dma_wait3A_330 = arith.constant 0 : i32
      %dma_wait3A_331 = tpu.memref_slice %arg5[%dma_wait3A_329, %dma_wait3A_330] : memref<640x128xf32, #tpu.memory_space<hbm>> -> memref<64x128xf32, #tpu.memory_space<hbm>>
      %dma_wait3A_332 = arith.constant 0 : i32
      %dma_wait3A_333 = arith.constant 0 : i32
      %dma_wait3A_334 = tpu.memref_slice %arg9[%select_n3A_324, %dma_wait3A_332, %dma_wait3A_333] : memref<4x64x128xf32, #tpu.memory_space<vmem>> -> memref<1x64x128xf32, #tpu.memory_space<vmem>>
      %dma_wait3A_335 = tpu.memref_squeeze %dma_wait3A_334 : memref<1x64x128xf32, #tpu.memory_space<vmem>> -> memref<64x128xf32, #tpu.memory_space<vmem>>
      %dma_wait3A_336 = arith.constant 0 : i32
      %dma_wait3A_337 = arith.constant 0 : i32
      %dma_wait3A_338 = tpu.memref_slice %arg5[%dma_wait3A_336, %dma_wait3A_337] : memref<640x128xf32, #tpu.memory_space<hbm>> -> memref<64x128xf32, #tpu.memory_space<hbm>>
      tpu.wait_dma2 semaphore(%arg13 : memref<!tpu.dma_semaphore, #tpu.memory_space<semaphore_mem>>) src(%dma_wait3A_338 : memref<64x128xf32, #tpu.memory_space<hbm>>) dst(%dma_wait3A_335 : memref<64x128xf32, #tpu.memory_space<vmem>>)
      %jit3A_339 = arith.constant 4 : i32
      %eq3A_340 = arith.constant 0 : i32
      %eq3A_341 = arith.cmpi eq, %jit3A_339, %eq3A_340 : i32
      %jit3A_342 = arith.constant 1 : i32
      %select_n3A_343 = arith.select %eq3A_341, %jit3A_342, %jit3A_339 : i32
      %rem3A_344 = arith.remsi %mul3A_272, %select_n3A_343 : i32
      %ne3A_345 = arith.constant 0 : i32
      %ne3A_346 = arith.cmpi ne, %rem3A_344, %ne3A_345 : i32
      %lt3A_347 = arith.constant 0 : i32
      %lt3A_348 = arith.cmpi slt, %rem3A_344, %lt3A_347 : i32
      %lt3A_349 = arith.constant 0 : i32
      %lt3A_350 = arith.cmpi slt, %select_n3A_343, %lt3A_349 : i32
      %ne3A_351 = arith.xori %lt3A_348, %lt3A_350 : i1
      %and3A_352 = arith.andi %ne3A_351, %ne3A_346 : i1
      %add3A_353 = arith.addi %rem3A_344, %select_n3A_343 : i32
      %select_n3A_354 = arith.select %and3A_352, %add3A_353, %rem3A_344 : i32
      %jit3A_355 = arith.constant 8 : i32
      %eq3A_356 = arith.constant 0 : i32
      %eq3A_357 = arith.cmpi eq, %jit3A_355, %eq3A_356 : i32
      %jit3A_358 = arith.constant 1 : i32
      %select_n3A_359 = arith.select %eq3A_357, %jit3A_358, %jit3A_355 : i32
      %rem3A_360 = arith.remsi %mul3A_272, %select_n3A_359 : i32
      %ne3A_361 = arith.constant 0 : i32
      %ne3A_362 = arith.cmpi ne, %rem3A_360, %ne3A_361 : i32
      %lt3A_363 = arith.constant 0 : i32
      %lt3A_364 = arith.cmpi slt, %rem3A_360, %lt3A_363 : i32
      %lt3A_365 = arith.constant 0 : i32
      %lt3A_366 = arith.cmpi slt, %select_n3A_359, %lt3A_365 : i32
      %ne3A_367 = arith.xori %lt3A_364, %lt3A_366 : i1
      %and3A_368 = arith.andi %ne3A_367, %ne3A_362 : i1
      %add3A_369 = arith.addi %rem3A_360, %select_n3A_359 : i32
      %select_n3A_370 = arith.select %and3A_368, %add3A_369, %rem3A_360 : i32
      %dma_start3A_371 = arith.constant 0 : i32
      %dma_start3A_372 = arith.constant 0 : i32
      %dma_start3A_373 = tpu.memref_slice %arg9[%select_n3A_354, %dma_start3A_371, %dma_start3A_372] : memref<4x64x128xf32, #tpu.memory_space<vmem>> -> memref<1x64x128xf32, #tpu.memory_space<vmem>>
      %dma_start3A_374 = tpu.memref_squeeze %dma_start3A_373 : memref<1x64x128xf32, #tpu.memory_space<vmem>> -> memref<64x128xf32, #tpu.memory_space<vmem>>
      %dma_start3A_375 = arith.constant 0 : i32
      %dma_start3A_376 = tpu.memref_slice %arg8[%select_n3A_370, %dma_start3A_375] : memref<8x64xi32, #tpu.memory_space<vmem>> -> memref<1x64xi32, #tpu.memory_space<vmem>>
      %dma_start3A_377 = tpu.memref_squeeze %dma_start3A_376 : memref<1x64xi32, #tpu.memory_space<vmem>> -> memref<64xi32, #tpu.memory_space<vmem>>
      %dma_start3A_378 = arith.constant 0 : i32
      %dma_start3A_379 = arith.constant 0 : i32
      %dma_start3A_380 = tpu.memref_slice %arg10[%dma_start3A_378, %dma_start3A_379] : memref<10240x128xf32, #tpu.memory_space<vmem_shared>> -> memref<10240x128xf32, #tpu.memory_space<vmem_shared>>
      tpu.enqueue_indirect_dma source(%dma_start3A_374 : memref<64x128xf32, #tpu.memory_space<vmem>>) target(%dma_start3A_380 : memref<10240x128xf32, #tpu.memory_space<vmem_shared>>) offsets(%dma_start3A_377 : memref<64xi32, #tpu.memory_space<vmem>>) semaphore(%arg13 : memref<!tpu.dma_semaphore, #tpu.memory_space<semaphore_mem>>) {add = true}
      %add3A_381 = arith.constant 2 : i32
      %add3A_382 = arith.addi %mul3A_272, %add3A_381 : i32
      %lt3A_383 = arith.constant 160 : i32
      %lt3A_384 = arith.cmpi slt, %add3A_382, %lt3A_383 : i32
      %convert_element_type3A = arith.extui %lt3A_384 : i1 to i32
      %cond3A = arith.constant 0 : i32
      %cond3A_385 = arith.cmpi ne, %convert_element_type3A, %cond3A : i32
      scf.if %cond3A_385 {
        %add3A_527 = arith.constant 2 : i32
        %add3A_528 = arith.addi %mul3A_272, %add3A_527 : i32
        %jit3A_529 = arith.constant 8 : i32
        %eq3A_530 = arith.constant 0 : i32
        %eq3A_531 = arith.cmpi eq, %jit3A_529, %eq3A_530 : i32
        %jit3A_532 = arith.constant 1 : i32
        %select_n3A_533 = arith.select %eq3A_531, %jit3A_532, %jit3A_529 : i32
        %rem3A_534 = arith.remsi %add3A_528, %select_n3A_533 : i32
        %ne3A_535 = arith.constant 0 : i32
        %ne3A_536 = arith.cmpi ne, %rem3A_534, %ne3A_535 : i32
        %lt3A_537 = arith.constant 0 : i32
        %lt3A_538 = arith.cmpi slt, %rem3A_534, %lt3A_537 : i32
        %lt3A_539 = arith.constant 0 : i32
        %lt3A_540 = arith.cmpi slt, %select_n3A_533, %lt3A_539 : i32
        %ne3A_541 = arith.xori %lt3A_538, %lt3A_540 : i1
        %and3A_542 = arith.andi %ne3A_541, %ne3A_536 : i1
        %add3A_543 = arith.addi %rem3A_534, %select_n3A_533 : i32
        %select_n3A_544 = arith.select %and3A_542, %add3A_543, %rem3A_534 : i32
        %mul3A_545 = arith.constant 64 : i32
        %mul3A_546 = arith.muli %add3A_528, %mul3A_545 : i32
        %add3A_547 = arith.addi %mul3A_4, %mul3A_546 : i32
        %multiple_of3A_548 = tpu.assume_multiple %add3A_547, 8 : i32
        %dma_wait3A_549 = arith.constant 0 : i32
        %dma_wait3A_550 = tpu.memref_slice %arg7[%select_n3A_544, %dma_wait3A_549] : memref<8x64xi32, #tpu.memory_space<vmem>> -> memref<1x64xi32, #tpu.memory_space<vmem>>
        %dma_wait3A_551 = tpu.memref_squeeze %dma_wait3A_550 : memref<1x64xi32, #tpu.memory_space<vmem>> -> memref<64xi32, #tpu.memory_space<vmem>>
        %dma_wait3A_552 = tpu.memref_slice %arg3[%multiple_of3A_548] : memref<327680xi32, #tpu.memory_space<hbm>> -> memref<64xi32, #tpu.memory_space<hbm>>
        %dma_wait3A_553 = arith.constant 0 : i32
        %dma_wait3A_554 = tpu.memref_slice %arg7[%select_n3A_544, %dma_wait3A_553] : memref<8x64xi32, #tpu.memory_space<vmem>> -> memref<1x64xi32, #tpu.memory_space<vmem>>
        %dma_wait3A_555 = tpu.memref_squeeze %dma_wait3A_554 : memref<1x64xi32, #tpu.memory_space<vmem>> -> memref<64xi32, #tpu.memory_space<vmem>>
        %dma_wait3A_556 = tpu.memref_slice %arg3[%multiple_of3A_548] : memref<327680xi32, #tpu.memory_space<hbm>> -> memref<64xi32, #tpu.memory_space<hbm>>
        tpu.wait_dma2 semaphore(%arg15 : memref<!tpu.dma_semaphore, #tpu.memory_space<semaphore_mem>>) src(%dma_wait3A_556 : memref<64xi32, #tpu.memory_space<hbm>>) dst(%dma_wait3A_555 : memref<64xi32, #tpu.memory_space<vmem>>)
        %dma_wait3A_557 = arith.constant 0 : i32
        %dma_wait3A_558 = tpu.memref_slice %arg8[%select_n3A_544, %dma_wait3A_557] : memref<8x64xi32, #tpu.memory_space<vmem>> -> memref<1x64xi32, #tpu.memory_space<vmem>>
        %dma_wait3A_559 = tpu.memref_squeeze %dma_wait3A_558 : memref<1x64xi32, #tpu.memory_space<vmem>> -> memref<64xi32, #tpu.memory_space<vmem>>
        %dma_wait3A_560 = tpu.memref_slice %arg4[%multiple_of3A_548] : memref<327680xi32, #tpu.memory_space<hbm>> -> memref<64xi32, #tpu.memory_space<hbm>>
        %dma_wait3A_561 = arith.constant 0 : i32
        %dma_wait3A_562 = tpu.memref_slice %arg8[%select_n3A_544, %dma_wait3A_561] : memref<8x64xi32, #tpu.memory_space<vmem>> -> memref<1x64xi32, #tpu.memory_space<vmem>>
        %dma_wait3A_563 = tpu.memref_squeeze %dma_wait3A_562 : memref<1x64xi32, #tpu.memory_space<vmem>> -> memref<64xi32, #tpu.memory_space<vmem>>
        %dma_wait3A_564 = tpu.memref_slice %arg4[%multiple_of3A_548] : memref<327680xi32, #tpu.memory_space<hbm>> -> memref<64xi32, #tpu.memory_space<hbm>>
        tpu.wait_dma2 semaphore(%arg15 : memref<!tpu.dma_semaphore, #tpu.memory_space<semaphore_mem>>) src(%dma_wait3A_564 : memref<64xi32, #tpu.memory_space<hbm>>) dst(%dma_wait3A_563 : memref<64xi32, #tpu.memory_space<vmem>>)
        %add3A_565 = arith.constant 2 : i32
        %add3A_566 = arith.addi %mul3A_272, %add3A_565 : i32
        %jit3A_567 = arith.constant 8 : i32
        %eq3A_568 = arith.constant 0 : i32
        %eq3A_569 = arith.cmpi eq, %jit3A_567, %eq3A_568 : i32
        %jit3A_570 = arith.constant 1 : i32
        %select_n3A_571 = arith.select %eq3A_569, %jit3A_570, %jit3A_567 : i32
        %rem3A_572 = arith.remsi %add3A_566, %select_n3A_571 : i32
        %ne3A_573 = arith.constant 0 : i32
        %ne3A_574 = arith.cmpi ne, %rem3A_572, %ne3A_573 : i32
        %lt3A_575 = arith.constant 0 : i32
        %lt3A_576 = arith.cmpi slt, %rem3A_572, %lt3A_575 : i32
        %lt3A_577 = arith.constant 0 : i32
        %lt3A_578 = arith.cmpi slt, %select_n3A_571, %lt3A_577 : i32
        %ne3A_579 = arith.xori %lt3A_576, %lt3A_578 : i1
        %and3A_580 = arith.andi %ne3A_579, %ne3A_574 : i1
        %add3A_581 = arith.addi %rem3A_572, %select_n3A_571 : i32
        %select_n3A_582 = arith.select %and3A_580, %add3A_581, %rem3A_572 : i32
        %jit3A_583 = arith.constant 4 : i32
        %eq3A_584 = arith.constant 0 : i32
        %eq3A_585 = arith.cmpi eq, %jit3A_583, %eq3A_584 : i32
        %jit3A_586 = arith.constant 1 : i32
        %select_n3A_587 = arith.select %eq3A_585, %jit3A_586, %jit3A_583 : i32
        %rem3A_588 = arith.remsi %add3A_566, %select_n3A_587 : i32
        %ne3A_589 = arith.constant 0 : i32
        %ne3A_590 = arith.cmpi ne, %rem3A_588, %ne3A_589 : i32
        %lt3A_591 = arith.constant 0 : i32
        %lt3A_592 = arith.cmpi slt, %rem3A_588, %lt3A_591 : i32
        %lt3A_593 = arith.constant 0 : i32
        %lt3A_594 = arith.cmpi slt, %select_n3A_587, %lt3A_593 : i32
        %ne3A_595 = arith.xori %lt3A_592, %lt3A_594 : i1
        %and3A_596 = arith.andi %ne3A_595, %ne3A_590 : i1
        %add3A_597 = arith.addi %rem3A_588, %select_n3A_587 : i32
        %select_n3A_598 = arith.select %and3A_596, %add3A_597, %rem3A_588 : i32
        %dma_start3A_599 = arith.constant 0 : i32
        %dma_start3A_600 = arith.constant 0 : i32
        %dma_start3A_601 = tpu.memref_slice %arg9[%select_n3A_598, %dma_start3A_599, %dma_start3A_600] : memref<4x64x128xf32, #tpu.memory_space<vmem>> -> memref<1x64x128xf32, #tpu.memory_space<vmem>>
        %dma_start3A_602 = tpu.memref_squeeze %dma_start3A_601 : memref<1x64x128xf32, #tpu.memory_space<vmem>> -> memref<64x128xf32, #tpu.memory_space<vmem>>
        %dma_start3A_603 = arith.constant 0 : i32
        %dma_start3A_604 = tpu.memref_slice %arg7[%select_n3A_582, %dma_start3A_603] : memref<8x64xi32, #tpu.memory_space<vmem>> -> memref<1x64xi32, #tpu.memory_space<vmem>>
        %dma_start3A_605 = tpu.memref_squeeze %dma_start3A_604 : memref<1x64xi32, #tpu.memory_space<vmem>> -> memref<64xi32, #tpu.memory_space<vmem>>
        %dma_start3A_606 = arith.constant 0 : i32
        %dma_start3A_607 = arith.constant 0 : i32
        %dma_start3A_608 = tpu.memref_slice %arg2[%dma_start3A_606, %dma_start3A_607] : memref<10000x128xf32, #tpu.memory_space<hbm>> -> memref<10000x128xf32, #tpu.memory_space<hbm>>
        tpu.enqueue_indirect_dma source(%dma_start3A_608 : memref<10000x128xf32, #tpu.memory_space<hbm>>) target(%dma_start3A_602 : memref<64x128xf32, #tpu.memory_space<vmem>>) offsets(%dma_start3A_605 : memref<64xi32, #tpu.memory_space<vmem>>) semaphore(%arg11 : memref<!tpu.dma_semaphore, #tpu.memory_space<semaphore_mem>>)
      } else {
      }
      %add3A_386 = arith.constant 4 : i32
      %add3A_387 = arith.addi %mul3A_272, %add3A_386 : i32
      %lt3A_388 = arith.constant 160 : i32
      %lt3A_389 = arith.cmpi slt, %add3A_387, %lt3A_388 : i32
      %convert_element_type3A_390 = arith.extui %lt3A_389 : i1 to i32
      %cond3A_391 = arith.constant 0 : i32
      %cond3A_392 = arith.cmpi ne, %convert_element_type3A_390, %cond3A_391 : i32
      scf.if %cond3A_392 {
        %add3A_527 = arith.constant 4 : i32
        %add3A_528 = arith.addi %mul3A_272, %add3A_527 : i32
        %jit3A_529 = arith.constant 8 : i32
        %eq3A_530 = arith.constant 0 : i32
        %eq3A_531 = arith.cmpi eq, %jit3A_529, %eq3A_530 : i32
        %jit3A_532 = arith.constant 1 : i32
        %select_n3A_533 = arith.select %eq3A_531, %jit3A_532, %jit3A_529 : i32
        %rem3A_534 = arith.remsi %add3A_528, %select_n3A_533 : i32
        %ne3A_535 = arith.constant 0 : i32
        %ne3A_536 = arith.cmpi ne, %rem3A_534, %ne3A_535 : i32
        %lt3A_537 = arith.constant 0 : i32
        %lt3A_538 = arith.cmpi slt, %rem3A_534, %lt3A_537 : i32
        %lt3A_539 = arith.constant 0 : i32
        %lt3A_540 = arith.cmpi slt, %select_n3A_533, %lt3A_539 : i32
        %ne3A_541 = arith.xori %lt3A_538, %lt3A_540 : i1
        %and3A_542 = arith.andi %ne3A_541, %ne3A_536 : i1
        %add3A_543 = arith.addi %rem3A_534, %select_n3A_533 : i32
        %select_n3A_544 = arith.select %and3A_542, %add3A_543, %rem3A_534 : i32
        %mul3A_545 = arith.constant 64 : i32
        %mul3A_546 = arith.muli %add3A_528, %mul3A_545 : i32
        %add3A_547 = arith.addi %mul3A_4, %mul3A_546 : i32
        %multiple_of3A_548 = tpu.assume_multiple %add3A_547, 8 : i32
        %dma_start3A_549 = arith.constant 0 : i32
        %dma_start3A_550 = tpu.memref_slice %arg7[%select_n3A_544, %dma_start3A_549] : memref<8x64xi32, #tpu.memory_space<vmem>> -> memref<1x64xi32, #tpu.memory_space<vmem>>
        %dma_start3A_551 = tpu.memref_squeeze %dma_start3A_550 : memref<1x64xi32, #tpu.memory_space<vmem>> -> memref<64xi32, #tpu.memory_space<vmem>>
        %dma_start3A_552 = tpu.memref_slice %arg3[%multiple_of3A_548] : memref<327680xi32, #tpu.memory_space<hbm>> -> memref<64xi32, #tpu.memory_space<hbm>>
        %dma_start3A_553 = arith.constant 0 : i32
        %dma_start3A_554 = tpu.memref_slice %arg7[%select_n3A_544, %dma_start3A_553] : memref<8x64xi32, #tpu.memory_space<vmem>> -> memref<1x64xi32, #tpu.memory_space<vmem>>
        %dma_start3A_555 = tpu.memref_squeeze %dma_start3A_554 : memref<1x64xi32, #tpu.memory_space<vmem>> -> memref<64xi32, #tpu.memory_space<vmem>>
        %dma_start3A_556 = tpu.memref_slice %arg3[%multiple_of3A_548] : memref<327680xi32, #tpu.memory_space<hbm>> -> memref<64xi32, #tpu.memory_space<hbm>>
        tpu.enqueue_dma source(%dma_start3A_556 : memref<64xi32, #tpu.memory_space<hbm>>) target(%dma_start3A_555 : memref<64xi32, #tpu.memory_space<vmem>>) target_semaphore(%arg15 : memref<!tpu.dma_semaphore, #tpu.memory_space<semaphore_mem>>)
        %dma_start3A_557 = arith.constant 0 : i32
        %dma_start3A_558 = tpu.memref_slice %arg8[%select_n3A_544, %dma_start3A_557] : memref<8x64xi32, #tpu.memory_space<vmem>> -> memref<1x64xi32, #tpu.memory_space<vmem>>
        %dma_start3A_559 = tpu.memref_squeeze %dma_start3A_558 : memref<1x64xi32, #tpu.memory_space<vmem>> -> memref<64xi32, #tpu.memory_space<vmem>>
        %dma_start3A_560 = tpu.memref_slice %arg4[%multiple_of3A_548] : memref<327680xi32, #tpu.memory_space<hbm>> -> memref<64xi32, #tpu.memory_space<hbm>>
        %dma_start3A_561 = arith.constant 0 : i32
        %dma_start3A_562 = tpu.memref_slice %arg8[%select_n3A_544, %dma_start3A_561] : memref<8x64xi32, #tpu.memory_space<vmem>> -> memref<1x64xi32, #tpu.memory_space<vmem>>
        %dma_start3A_563 = tpu.memref_squeeze %dma_start3A_562 : memref<1x64xi32, #tpu.memory_space<vmem>> -> memref<64xi32, #tpu.memory_space<vmem>>
        %dma_start3A_564 = tpu.memref_slice %arg4[%multiple_of3A_548] : memref<327680xi32, #tpu.memory_space<hbm>> -> memref<64xi32, #tpu.memory_space<hbm>>
        tpu.enqueue_dma source(%dma_start3A_564 : memref<64xi32, #tpu.memory_space<hbm>>) target(%dma_start3A_563 : memref<64xi32, #tpu.memory_space<vmem>>) target_semaphore(%arg15 : memref<!tpu.dma_semaphore, #tpu.memory_space<semaphore_mem>>)
      } else {
      }
      %mul3A_393 = arith.constant 2 : i32
      %mul3A_394 = arith.muli %mul3A_393, %scan3A_270 : i32
      %add3A_395 = arith.constant 1 : i32
      %add3A_396 = arith.addi %mul3A_394, %add3A_395 : i32
      %jit3A_397 = arith.constant 8 : i32
      %eq3A_398 = arith.constant 0 : i32
      %eq3A_399 = arith.cmpi eq, %jit3A_397, %eq3A_398 : i32
      %jit3A_400 = arith.constant 1 : i32
      %select_n3A_401 = arith.select %eq3A_399, %jit3A_400, %jit3A_397 : i32
      %rem3A_402 = arith.remsi %add3A_396, %select_n3A_401 : i32
      %ne3A_403 = arith.constant 0 : i32
      %ne3A_404 = arith.cmpi ne, %rem3A_402, %ne3A_403 : i32
      %lt3A_405 = arith.constant 0 : i32
      %lt3A_406 = arith.cmpi slt, %rem3A_402, %lt3A_405 : i32
      %lt3A_407 = arith.constant 0 : i32
      %lt3A_408 = arith.cmpi slt, %select_n3A_401, %lt3A_407 : i32
      %ne3A_409 = arith.xori %lt3A_406, %lt3A_408 : i1
      %and3A_410 = arith.andi %ne3A_409, %ne3A_404 : i1
      %add3A_411 = arith.addi %rem3A_402, %select_n3A_401 : i32
      %select_n3A_412 = arith.select %and3A_410, %add3A_411, %rem3A_402 : i32
      %jit3A_413 = arith.constant 4 : i32
      %eq3A_414 = arith.constant 0 : i32
      %eq3A_415 = arith.cmpi eq, %jit3A_413, %eq3A_414 : i32
      %jit3A_416 = arith.constant 1 : i32
      %select_n3A_417 = arith.select %eq3A_415, %jit3A_416, %jit3A_413 : i32
      %rem3A_418 = arith.remsi %add3A_396, %select_n3A_417 : i32
      %ne3A_419 = arith.constant 0 : i32
      %ne3A_420 = arith.cmpi ne, %rem3A_418, %ne3A_419 : i32
      %lt3A_421 = arith.constant 0 : i32
      %lt3A_422 = arith.cmpi slt, %rem3A_418, %lt3A_421 : i32
      %lt3A_423 = arith.constant 0 : i32
      %lt3A_424 = arith.cmpi slt, %select_n3A_417, %lt3A_423 : i32
      %ne3A_425 = arith.xori %lt3A_422, %lt3A_424 : i1
      %and3A_426 = arith.andi %ne3A_425, %ne3A_420 : i1
      %add3A_427 = arith.addi %rem3A_418, %select_n3A_417 : i32
      %select_n3A_428 = arith.select %and3A_426, %add3A_427, %rem3A_418 : i32
      %dma_wait3A_429 = arith.constant 0 : i32
      %dma_wait3A_430 = arith.constant 0 : i32
      %dma_wait3A_431 = tpu.memref_slice %arg9[%select_n3A_428, %dma_wait3A_429, %dma_wait3A_430] : memref<4x64x128xf32, #tpu.memory_space<vmem>> -> memref<1x64x128xf32, #tpu.memory_space<vmem>>
      %dma_wait3A_432 = tpu.memref_squeeze %dma_wait3A_431 : memref<1x64x128xf32, #tpu.memory_space<vmem>> -> memref<64x128xf32, #tpu.memory_space<vmem>>
      %dma_wait3A_433 = arith.constant 0 : i32
      %dma_wait3A_434 = tpu.memref_slice %arg7[%select_n3A_412, %dma_wait3A_433] : memref<8x64xi32, #tpu.memory_space<vmem>> -> memref<1x64xi32, #tpu.memory_space<vmem>>
      %dma_wait3A_435 = tpu.memref_squeeze %dma_wait3A_434 : memref<1x64xi32, #tpu.memory_space<vmem>> -> memref<64xi32, #tpu.memory_space<vmem>>
      %dma_wait3A_436 = arith.constant 0 : i32
      %dma_wait3A_437 = arith.constant 0 : i32
      %dma_wait3A_438 = tpu.memref_slice %arg2[%dma_wait3A_436, %dma_wait3A_437] : memref<10000x128xf32, #tpu.memory_space<hbm>> -> memref<10000x128xf32, #tpu.memory_space<hbm>>
      tpu.wait_indirect_dma semaphore(%arg12 : memref<!tpu.dma_semaphore, #tpu.memory_space<semaphore_mem>>) src(%dma_wait3A_438 : memref<10000x128xf32, #tpu.memory_space<hbm>>) dst(%dma_wait3A_432 : memref<64x128xf32, #tpu.memory_space<vmem>>)
      %sub3A_439 = arith.constant 2 : i32
      %sub3A_440 = arith.subi %add3A_396, %sub3A_439 : i32
      %jit3A_441 = arith.constant 4 : i32
      %eq3A_442 = arith.constant 0 : i32
      %eq3A_443 = arith.cmpi eq, %jit3A_441, %eq3A_442 : i32
      %jit3A_444 = arith.constant 1 : i32
      %select_n3A_445 = arith.select %eq3A_443, %jit3A_444, %jit3A_441 : i32
      %rem3A_446 = arith.remsi %sub3A_440, %select_n3A_445 : i32
      %ne3A_447 = arith.constant 0 : i32
      %ne3A_448 = arith.cmpi ne, %rem3A_446, %ne3A_447 : i32
      %lt3A_449 = arith.constant 0 : i32
      %lt3A_450 = arith.cmpi slt, %rem3A_446, %lt3A_449 : i32
      %lt3A_451 = arith.constant 0 : i32
      %lt3A_452 = arith.cmpi slt, %select_n3A_445, %lt3A_451 : i32
      %ne3A_453 = arith.xori %lt3A_450, %lt3A_452 : i1
      %and3A_454 = arith.andi %ne3A_453, %ne3A_448 : i1
      %add3A_455 = arith.addi %rem3A_446, %select_n3A_445 : i32
      %select_n3A_456 = arith.select %and3A_454, %add3A_455, %rem3A_446 : i32
      %dma_wait3A_457 = arith.constant 0 : i32
      %dma_wait3A_458 = arith.constant 0 : i32
      %dma_wait3A_459 = tpu.memref_slice %arg9[%select_n3A_456, %dma_wait3A_457, %dma_wait3A_458] : memref<4x64x128xf32, #tpu.memory_space<vmem>> -> memref<1x64x128xf32, #tpu.memory_space<vmem>>
      %dma_wait3A_460 = tpu.memref_squeeze %dma_wait3A_459 : memref<1x64x128xf32, #tpu.memory_space<vmem>> -> memref<64x128xf32, #tpu.memory_space<vmem>>
      %dma_wait3A_461 = arith.constant 0 : i32
      %dma_wait3A_462 = arith.constant 0 : i32
      %dma_wait3A_463 = tpu.memref_slice %arg5[%dma_wait3A_461, %dma_wait3A_462] : memref<640x128xf32, #tpu.memory_space<hbm>> -> memref<64x128xf32, #tpu.memory_space<hbm>>
      %dma_wait3A_464 = arith.constant 0 : i32
      %dma_wait3A_465 = arith.constant 0 : i32
      %dma_wait3A_466 = tpu.memref_slice %arg9[%select_n3A_456, %dma_wait3A_464, %dma_wait3A_465] : memref<4x64x128xf32, #tpu.memory_space<vmem>> -> memref<1x64x128xf32, #tpu.memory_space<vmem>>
      %dma_wait3A_467 = tpu.memref_squeeze %dma_wait3A_466 : memref<1x64x128xf32, #tpu.memory_space<vmem>> -> memref<64x128xf32, #tpu.memory_space<vmem>>
      %dma_wait3A_468 = arith.constant 0 : i32
      %dma_wait3A_469 = arith.constant 0 : i32
      %dma_wait3A_470 = tpu.memref_slice %arg5[%dma_wait3A_468, %dma_wait3A_469] : memref<640x128xf32, #tpu.memory_space<hbm>> -> memref<64x128xf32, #tpu.memory_space<hbm>>
      tpu.wait_dma2 semaphore(%arg14 : memref<!tpu.dma_semaphore, #tpu.memory_space<semaphore_mem>>) src(%dma_wait3A_470 : memref<64x128xf32, #tpu.memory_space<hbm>>) dst(%dma_wait3A_467 : memref<64x128xf32, #tpu.memory_space<vmem>>)
      %jit3A_471 = arith.constant 4 : i32
      %eq3A_472 = arith.constant 0 : i32
      %eq3A_473 = arith.cmpi eq, %jit3A_471, %eq3A_472 : i32
      %jit3A_474 = arith.constant 1 : i32
      %select_n3A_475 = arith.select %eq3A_473, %jit3A_474, %jit3A_471 : i32
      %rem3A_476 = arith.remsi %add3A_396, %select_n3A_475 : i32
      %ne3A_477 = arith.constant 0 : i32
      %ne3A_478 = arith.cmpi ne, %rem3A_476, %ne3A_477 : i32
      %lt3A_479 = arith.constant 0 : i32
      %lt3A_480 = arith.cmpi slt, %rem3A_476, %lt3A_479 : i32
      %lt3A_481 = arith.constant 0 : i32
      %lt3A_482 = arith.cmpi slt, %select_n3A_475, %lt3A_481 : i32
      %ne3A_483 = arith.xori %lt3A_480, %lt3A_482 : i1
      %and3A_484 = arith.andi %ne3A_483, %ne3A_478 : i1
      %add3A_485 = arith.addi %rem3A_476, %select_n3A_475 : i32
      %select_n3A_486 = arith.select %and3A_484, %add3A_485, %rem3A_476 : i32
      %jit3A_487 = arith.constant 8 : i32
      %eq3A_488 = arith.constant 0 : i32
      %eq3A_489 = arith.cmpi eq, %jit3A_487, %eq3A_488 : i32
      %jit3A_490 = arith.constant 1 : i32
      %select_n3A_491 = arith.select %eq3A_489, %jit3A_490, %jit3A_487 : i32
      %rem3A_492 = arith.remsi %add3A_396, %select_n3A_491 : i32
      %ne3A_493 = arith.constant 0 : i32
      %ne3A_494 = arith.cmpi ne, %rem3A_492, %ne3A_493 : i32
      %lt3A_495 = arith.constant 0 : i32
      %lt3A_496 = arith.cmpi slt, %rem3A_492, %lt3A_495 : i32
      %lt3A_497 = arith.constant 0 : i32
      %lt3A_498 = arith.cmpi slt, %select_n3A_491, %lt3A_497 : i32
      %ne3A_499 = arith.xori %lt3A_496, %lt3A_498 : i1
      %and3A_500 = arith.andi %ne3A_499, %ne3A_494 : i1
      %add3A_501 = arith.addi %rem3A_492, %select_n3A_491 : i32
      %select_n3A_502 = arith.select %and3A_500, %add3A_501, %rem3A_492 : i32
      %dma_start3A_503 = arith.constant 0 : i32
      %dma_start3A_504 = arith.constant 0 : i32
      %dma_start3A_505 = tpu.memref_slice %arg9[%select_n3A_486, %dma_start3A_503, %dma_start3A_504] : memref<4x64x128xf32, #tpu.memory_space<vmem>> -> memref<1x64x128xf32, #tpu.memory_space<vmem>>
      %dma_start3A_506 = tpu.memref_squeeze %dma_start3A_505 : memref<1x64x128xf32, #tpu.memory_space<vmem>> -> memref<64x128xf32, #tpu.memory_space<vmem>>
      %dma_start3A_507 = arith.constant 0 : i32
      %dma_start3A_508 = tpu.memref_slice %arg8[%select_n3A_502, %dma_start3A_507] : memref<8x64xi32, #tpu.memory_space<vmem>> -> memref<1x64xi32, #tpu.memory_space<vmem>>
      %dma_start3A_509 = tpu.memref_squeeze %dma_start3A_508 : memref<1x64xi32, #tpu.memory_space<vmem>> -> memref<64xi32, #tpu.memory_space<vmem>>
      %dma_start3A_510 = arith.constant 0 : i32
      %dma_start3A_511 = arith.constant 0 : i32
      %dma_start3A_512 = tpu.memref_slice %arg10[%dma_start3A_510, %dma_start3A_511] : memref<10240x128xf32, #tpu.memory_space<vmem_shared>> -> memref<10240x128xf32, #tpu.memory_space<vmem_shared>>
      tpu.enqueue_indirect_dma source(%dma_start3A_506 : memref<64x128xf32, #tpu.memory_space<vmem>>) target(%dma_start3A_512 : memref<10240x128xf32, #tpu.memory_space<vmem_shared>>) offsets(%dma_start3A_509 : memref<64xi32, #tpu.memory_space<vmem>>) semaphore(%arg14 : memref<!tpu.dma_semaphore, #tpu.memory_space<semaphore_mem>>) {add = true}
      %add3A_513 = arith.constant 2 : i32
      %add3A_514 = arith.addi %add3A_396, %add3A_513 : i32
      %lt3A_515 = arith.constant 160 : i32
      %lt3A_516 = arith.cmpi slt, %add3A_514, %lt3A_515 : i32
      %convert_element_type3A_517 = arith.extui %lt3A_516 : i1 to i32
      %cond3A_518 = arith.constant 0 : i32
      %cond3A_519 = arith.cmpi ne, %convert_element_type3A_517, %cond3A_518 : i32
      scf.if %cond3A_519 {
        %add3A_527 = arith.constant 2 : i32
        %add3A_528 = arith.addi %add3A_396, %add3A_527 : i32
        %jit3A_529 = arith.constant 8 : i32
        %eq3A_530 = arith.constant 0 : i32
        %eq3A_531 = arith.cmpi eq, %jit3A_529, %eq3A_530 : i32
        %jit3A_532 = arith.constant 1 : i32
        %select_n3A_533 = arith.select %eq3A_531, %jit3A_532, %jit3A_529 : i32
        %rem3A_534 = arith.remsi %add3A_528, %select_n3A_533 : i32
        %ne3A_535 = arith.constant 0 : i32
        %ne3A_536 = arith.cmpi ne, %rem3A_534, %ne3A_535 : i32
        %lt3A_537 = arith.constant 0 : i32
        %lt3A_538 = arith.cmpi slt, %rem3A_534, %lt3A_537 : i32
        %lt3A_539 = arith.constant 0 : i32
        %lt3A_540 = arith.cmpi slt, %select_n3A_533, %lt3A_539 : i32
        %ne3A_541 = arith.xori %lt3A_538, %lt3A_540 : i1
        %and3A_542 = arith.andi %ne3A_541, %ne3A_536 : i1
        %add3A_543 = arith.addi %rem3A_534, %select_n3A_533 : i32
        %select_n3A_544 = arith.select %and3A_542, %add3A_543, %rem3A_534 : i32
        %mul3A_545 = arith.constant 64 : i32
        %mul3A_546 = arith.muli %add3A_528, %mul3A_545 : i32
        %add3A_547 = arith.addi %mul3A_4, %mul3A_546 : i32
        %multiple_of3A_548 = tpu.assume_multiple %add3A_547, 8 : i32
        %dma_wait3A_549 = arith.constant 0 : i32
        %dma_wait3A_550 = tpu.memref_slice %arg7[%select_n3A_544, %dma_wait3A_549] : memref<8x64xi32, #tpu.memory_space<vmem>> -> memref<1x64xi32, #tpu.memory_space<vmem>>
        %dma_wait3A_551 = tpu.memref_squeeze %dma_wait3A_550 : memref<1x64xi32, #tpu.memory_space<vmem>> -> memref<64xi32, #tpu.memory_space<vmem>>
        %dma_wait3A_552 = tpu.memref_slice %arg3[%multiple_of3A_548] : memref<327680xi32, #tpu.memory_space<hbm>> -> memref<64xi32, #tpu.memory_space<hbm>>
        %dma_wait3A_553 = arith.constant 0 : i32
        %dma_wait3A_554 = tpu.memref_slice %arg7[%select_n3A_544, %dma_wait3A_553] : memref<8x64xi32, #tpu.memory_space<vmem>> -> memref<1x64xi32, #tpu.memory_space<vmem>>
        %dma_wait3A_555 = tpu.memref_squeeze %dma_wait3A_554 : memref<1x64xi32, #tpu.memory_space<vmem>> -> memref<64xi32, #tpu.memory_space<vmem>>
        %dma_wait3A_556 = tpu.memref_slice %arg3[%multiple_of3A_548] : memref<327680xi32, #tpu.memory_space<hbm>> -> memref<64xi32, #tpu.memory_space<hbm>>
        tpu.wait_dma2 semaphore(%arg15 : memref<!tpu.dma_semaphore, #tpu.memory_space<semaphore_mem>>) src(%dma_wait3A_556 : memref<64xi32, #tpu.memory_space<hbm>>) dst(%dma_wait3A_555 : memref<64xi32, #tpu.memory_space<vmem>>)
        %dma_wait3A_557 = arith.constant 0 : i32
        %dma_wait3A_558 = tpu.memref_slice %arg8[%select_n3A_544, %dma_wait3A_557] : memref<8x64xi32, #tpu.memory_space<vmem>> -> memref<1x64xi32, #tpu.memory_space<vmem>>
        %dma_wait3A_559 = tpu.memref_squeeze %dma_wait3A_558 : memref<1x64xi32, #tpu.memory_space<vmem>> -> memref<64xi32, #tpu.memory_space<vmem>>
        %dma_wait3A_560 = tpu.memref_slice %arg4[%multiple_of3A_548] : memref<327680xi32, #tpu.memory_space<hbm>> -> memref<64xi32, #tpu.memory_space<hbm>>
        %dma_wait3A_561 = arith.constant 0 : i32
        %dma_wait3A_562 = tpu.memref_slice %arg8[%select_n3A_544, %dma_wait3A_561] : memref<8x64xi32, #tpu.memory_space<vmem>> -> memref<1x64xi32, #tpu.memory_space<vmem>>
        %dma_wait3A_563 = tpu.memref_squeeze %dma_wait3A_562 : memref<1x64xi32, #tpu.memory_space<vmem>> -> memref<64xi32, #tpu.memory_space<vmem>>
        %dma_wait3A_564 = tpu.memref_slice %arg4[%multiple_of3A_548] : memref<327680xi32, #tpu.memory_space<hbm>> -> memref<64xi32, #tpu.memory_space<hbm>>
        tpu.wait_dma2 semaphore(%arg15 : memref<!tpu.dma_semaphore, #tpu.memory_space<semaphore_mem>>) src(%dma_wait3A_564 : memref<64xi32, #tpu.memory_space<hbm>>) dst(%dma_wait3A_563 : memref<64xi32, #tpu.memory_space<vmem>>)
        %add3A_565 = arith.constant 2 : i32
        %add3A_566 = arith.addi %add3A_396, %add3A_565 : i32
        %jit3A_567 = arith.constant 8 : i32
        %eq3A_568 = arith.constant 0 : i32
        %eq3A_569 = arith.cmpi eq, %jit3A_567, %eq3A_568 : i32
        %jit3A_570 = arith.constant 1 : i32
        %select_n3A_571 = arith.select %eq3A_569, %jit3A_570, %jit3A_567 : i32
        %rem3A_572 = arith.remsi %add3A_566, %select_n3A_571 : i32
        %ne3A_573 = arith.constant 0 : i32
        %ne3A_574 = arith.cmpi ne, %rem3A_572, %ne3A_573 : i32
        %lt3A_575 = arith.constant 0 : i32
        %lt3A_576 = arith.cmpi slt, %rem3A_572, %lt3A_575 : i32
        %lt3A_577 = arith.constant 0 : i32
        %lt3A_578 = arith.cmpi slt, %select_n3A_571, %lt3A_577 : i32
        %ne3A_579 = arith.xori %lt3A_576, %lt3A_578 : i1
        %and3A_580 = arith.andi %ne3A_579, %ne3A_574 : i1
        %add3A_581 = arith.addi %rem3A_572, %select_n3A_571 : i32
        %select_n3A_582 = arith.select %and3A_580, %add3A_581, %rem3A_572 : i32
        %jit3A_583 = arith.constant 4 : i32
        %eq3A_584 = arith.constant 0 : i32
        %eq3A_585 = arith.cmpi eq, %jit3A_583, %eq3A_584 : i32
        %jit3A_586 = arith.constant 1 : i32
        %select_n3A_587 = arith.select %eq3A_585, %jit3A_586, %jit3A_583 : i32
        %rem3A_588 = arith.remsi %add3A_566, %select_n3A_587 : i32
        %ne3A_589 = arith.constant 0 : i32
        %ne3A_590 = arith.cmpi ne, %rem3A_588, %ne3A_589 : i32
        %lt3A_591 = arith.constant 0 : i32
        %lt3A_592 = arith.cmpi slt, %rem3A_588, %lt3A_591 : i32
        %lt3A_593 = arith.constant 0 : i32
        %lt3A_594 = arith.cmpi slt, %select_n3A_587, %lt3A_593 : i32
        %ne3A_595 = arith.xori %lt3A_592, %lt3A_594 : i1
        %and3A_596 = arith.andi %ne3A_595, %ne3A_590 : i1
        %add3A_597 = arith.addi %rem3A_588, %select_n3A_587 : i32
        %select_n3A_598 = arith.select %and3A_596, %add3A_597, %rem3A_588 : i32
        %dma_start3A_599 = arith.constant 0 : i32
        %dma_start3A_600 = arith.constant 0 : i32
        %dma_start3A_601 = tpu.memref_slice %arg9[%select_n3A_598, %dma_start3A_599, %dma_start3A_600] : memref<4x64x128xf32, #tpu.memory_space<vmem>> -> memref<1x64x128xf32, #tpu.memory_space<vmem>>
        %dma_start3A_602 = tpu.memref_squeeze %dma_start3A_601 : memref<1x64x128xf32, #tpu.memory_space<vmem>> -> memref<64x128xf32, #tpu.memory_space<vmem>>
        %dma_start3A_603 = arith.constant 0 : i32
        %dma_start3A_604 = tpu.memref_slice %arg7[%select_n3A_582, %dma_start3A_603] : memref<8x64xi32, #tpu.memory_space<vmem>> -> memref<1x64xi32, #tpu.memory_space<vmem>>
        %dma_start3A_605 = tpu.memref_squeeze %dma_start3A_604 : memref<1x64xi32, #tpu.memory_space<vmem>> -> memref<64xi32, #tpu.memory_space<vmem>>
        %dma_start3A_606 = arith.constant 0 : i32
        %dma_start3A_607 = arith.constant 0 : i32
        %dma_start3A_608 = tpu.memref_slice %arg2[%dma_start3A_606, %dma_start3A_607] : memref<10000x128xf32, #tpu.memory_space<hbm>> -> memref<10000x128xf32, #tpu.memory_space<hbm>>
        tpu.enqueue_indirect_dma source(%dma_start3A_608 : memref<10000x128xf32, #tpu.memory_space<hbm>>) target(%dma_start3A_602 : memref<64x128xf32, #tpu.memory_space<vmem>>) offsets(%dma_start3A_605 : memref<64xi32, #tpu.memory_space<vmem>>) semaphore(%arg12 : memref<!tpu.dma_semaphore, #tpu.memory_space<semaphore_mem>>)
      } else {
      }
      %add3A_520 = arith.constant 4 : i32
      %add3A_521 = arith.addi %add3A_396, %add3A_520 : i32
      %lt3A_522 = arith.constant 160 : i32
      %lt3A_523 = arith.cmpi slt, %add3A_521, %lt3A_522 : i32
      %convert_element_type3A_524 = arith.extui %lt3A_523 : i1 to i32
      %cond3A_525 = arith.constant 0 : i32
      %cond3A_526 = arith.cmpi ne, %convert_element_type3A_524, %cond3A_525 : i32
      scf.if %cond3A_526 {
        %add3A_527 = arith.constant 4 : i32
        %add3A_528 = arith.addi %add3A_396, %add3A_527 : i32
        %jit3A_529 = arith.constant 8 : i32
        %eq3A_530 = arith.constant 0 : i32
        %eq3A_531 = arith.cmpi eq, %jit3A_529, %eq3A_530 : i32
        %jit3A_532 = arith.constant 1 : i32
        %select_n3A_533 = arith.select %eq3A_531, %jit3A_532, %jit3A_529 : i32
        %rem3A_534 = arith.remsi %add3A_528, %select_n3A_533 : i32
        %ne3A_535 = arith.constant 0 : i32
        %ne3A_536 = arith.cmpi ne, %rem3A_534, %ne3A_535 : i32
        %lt3A_537 = arith.constant 0 : i32
        %lt3A_538 = arith.cmpi slt, %rem3A_534, %lt3A_537 : i32
        %lt3A_539 = arith.constant 0 : i32
        %lt3A_540 = arith.cmpi slt, %select_n3A_533, %lt3A_539 : i32
        %ne3A_541 = arith.xori %lt3A_538, %lt3A_540 : i1
        %and3A_542 = arith.andi %ne3A_541, %ne3A_536 : i1
        %add3A_543 = arith.addi %rem3A_534, %select_n3A_533 : i32
        %select_n3A_544 = arith.select %and3A_542, %add3A_543, %rem3A_534 : i32
        %mul3A_545 = arith.constant 64 : i32
        %mul3A_546 = arith.muli %add3A_528, %mul3A_545 : i32
        %add3A_547 = arith.addi %mul3A_4, %mul3A_546 : i32
        %multiple_of3A_548 = tpu.assume_multiple %add3A_547, 8 : i32
        %dma_start3A_549 = arith.constant 0 : i32
        %dma_start3A_550 = tpu.memref_slice %arg7[%select_n3A_544, %dma_start3A_549] : memref<8x64xi32, #tpu.memory_space<vmem>> -> memref<1x64xi32, #tpu.memory_space<vmem>>
        %dma_start3A_551 = tpu.memref_squeeze %dma_start3A_550 : memref<1x64xi32, #tpu.memory_space<vmem>> -> memref<64xi32, #tpu.memory_space<vmem>>
        %dma_start3A_552 = tpu.memref_slice %arg3[%multiple_of3A_548] : memref<327680xi32, #tpu.memory_space<hbm>> -> memref<64xi32, #tpu.memory_space<hbm>>
        %dma_start3A_553 = arith.constant 0 : i32
        %dma_start3A_554 = tpu.memref_slice %arg7[%select_n3A_544, %dma_start3A_553] : memref<8x64xi32, #tpu.memory_space<vmem>> -> memref<1x64xi32, #tpu.memory_space<vmem>>
        %dma_start3A_555 = tpu.memref_squeeze %dma_start3A_554 : memref<1x64xi32, #tpu.memory_space<vmem>> -> memref<64xi32, #tpu.memory_space<vmem>>
        %dma_start3A_556 = tpu.memref_slice %arg3[%multiple_of3A_548] : memref<327680xi32, #tpu.memory_space<hbm>> -> memref<64xi32, #tpu.memory_space<hbm>>
        tpu.enqueue_dma source(%dma_start3A_556 : memref<64xi32, #tpu.memory_space<hbm>>) target(%dma_start3A_555 : memref<64xi32, #tpu.memory_space<vmem>>) target_semaphore(%arg15 : memref<!tpu.dma_semaphore, #tpu.memory_space<semaphore_mem>>)
        %dma_start3A_557 = arith.constant 0 : i32
        %dma_start3A_558 = tpu.memref_slice %arg8[%select_n3A_544, %dma_start3A_557] : memref<8x64xi32, #tpu.memory_space<vmem>> -> memref<1x64xi32, #tpu.memory_space<vmem>>
        %dma_start3A_559 = tpu.memref_squeeze %dma_start3A_558 : memref<1x64xi32, #tpu.memory_space<vmem>> -> memref<64xi32, #tpu.memory_space<vmem>>
        %dma_start3A_560 = tpu.memref_slice %arg4[%multiple_of3A_548] : memref<327680xi32, #tpu.memory_space<hbm>> -> memref<64xi32, #tpu.memory_space<hbm>>
        %dma_start3A_561 = arith.constant 0 : i32
        %dma_start3A_562 = tpu.memref_slice %arg8[%select_n3A_544, %dma_start3A_561] : memref<8x64xi32, #tpu.memory_space<vmem>> -> memref<1x64xi32, #tpu.memory_space<vmem>>
        %dma_start3A_563 = tpu.memref_squeeze %dma_start3A_562 : memref<1x64xi32, #tpu.memory_space<vmem>> -> memref<64xi32, #tpu.memory_space<vmem>>
        %dma_start3A_564 = tpu.memref_slice %arg4[%multiple_of3A_548] : memref<327680xi32, #tpu.memory_space<hbm>> -> memref<64xi32, #tpu.memory_space<hbm>>
        tpu.enqueue_dma source(%dma_start3A_564 : memref<64xi32, #tpu.memory_space<hbm>>) target(%dma_start3A_563 : memref<64xi32, #tpu.memory_space<vmem>>) target_semaphore(%arg15 : memref<!tpu.dma_semaphore, #tpu.memory_space<semaphore_mem>>)
      } else {
      }
    }
    %scan3A_238 = arith.constant 79 : i32
    %dma_wait3A_239 = arith.constant 2 : i32
    %dma_wait3A_240 = arith.constant 0 : i32
    %dma_wait3A_241 = arith.constant 0 : i32
    %dma_wait3A_242 = tpu.memref_slice %arg9[%dma_wait3A_239, %dma_wait3A_240, %dma_wait3A_241] : memref<4x64x128xf32, #tpu.memory_space<vmem>> -> memref<1x64x128xf32, #tpu.memory_space<vmem>>
    %dma_wait3A_243 = tpu.memref_squeeze %dma_wait3A_242 : memref<1x64x128xf32, #tpu.memory_space<vmem>> -> memref<64x128xf32, #tpu.memory_space<vmem>>
    %dma_wait3A_244 = arith.constant 0 : i32
    %dma_wait3A_245 = arith.constant 0 : i32
    %dma_wait3A_246 = tpu.memref_slice %arg5[%dma_wait3A_244, %dma_wait3A_245] : memref<640x128xf32, #tpu.memory_space<hbm>> -> memref<64x128xf32, #tpu.memory_space<hbm>>
    %dma_wait3A_247 = arith.constant 0 : i32
    %dma_wait3A_248 = arith.constant 0 : i32
    %dma_wait3A_249 = tpu.memref_slice %arg9[%dma_wait3A_239, %dma_wait3A_247, %dma_wait3A_248] : memref<4x64x128xf32, #tpu.memory_space<vmem>> -> memref<1x64x128xf32, #tpu.memory_space<vmem>>
    %dma_wait3A_250 = tpu.memref_squeeze %dma_wait3A_249 : memref<1x64x128xf32, #tpu.memory_space<vmem>> -> memref<64x128xf32, #tpu.memory_space<vmem>>
    %dma_wait3A_251 = arith.constant 0 : i32
    %dma_wait3A_252 = arith.constant 0 : i32
    %dma_wait3A_253 = tpu.memref_slice %arg5[%dma_wait3A_251, %dma_wait3A_252] : memref<640x128xf32, #tpu.memory_space<hbm>> -> memref<64x128xf32, #tpu.memory_space<hbm>>
    tpu.wait_dma2 semaphore(%arg13 : memref<!tpu.dma_semaphore, #tpu.memory_space<semaphore_mem>>) src(%dma_wait3A_253 : memref<64x128xf32, #tpu.memory_space<hbm>>) dst(%dma_wait3A_250 : memref<64x128xf32, #tpu.memory_space<vmem>>)
    %dma_wait3A_254 = arith.constant 3 : i32
    %dma_wait3A_255 = arith.constant 0 : i32
    %dma_wait3A_256 = arith.constant 0 : i32
    %dma_wait3A_257 = tpu.memref_slice %arg9[%dma_wait3A_254, %dma_wait3A_255, %dma_wait3A_256] : memref<4x64x128xf32, #tpu.memory_space<vmem>> -> memref<1x64x128xf32, #tpu.memory_space<vmem>>
    %dma_wait3A_258 = tpu.memref_squeeze %dma_wait3A_257 : memref<1x64x128xf32, #tpu.memory_space<vmem>> -> memref<64x128xf32, #tpu.memory_space<vmem>>
    %dma_wait3A_259 = arith.constant 0 : i32
    %dma_wait3A_260 = arith.constant 0 : i32
    %dma_wait3A_261 = tpu.memref_slice %arg5[%dma_wait3A_259, %dma_wait3A_260] : memref<640x128xf32, #tpu.memory_space<hbm>> -> memref<64x128xf32, #tpu.memory_space<hbm>>
    %dma_wait3A_262 = arith.constant 0 : i32
    %dma_wait3A_263 = arith.constant 0 : i32
    %dma_wait3A_264 = tpu.memref_slice %arg9[%dma_wait3A_254, %dma_wait3A_262, %dma_wait3A_263] : memref<4x64x128xf32, #tpu.memory_space<vmem>> -> memref<1x64x128xf32, #tpu.memory_space<vmem>>
    %dma_wait3A_265 = tpu.memref_squeeze %dma_wait3A_264 : memref<1x64x128xf32, #tpu.memory_space<vmem>> -> memref<64x128xf32, #tpu.memory_space<vmem>>
    %dma_wait3A_266 = arith.constant 0 : i32
    %dma_wait3A_267 = arith.constant 0 : i32
    %dma_wait3A_268 = tpu.memref_slice %arg5[%dma_wait3A_266, %dma_wait3A_267] : memref<640x128xf32, #tpu.memory_space<hbm>> -> memref<64x128xf32, #tpu.memory_space<hbm>>
    tpu.wait_dma2 semaphore(%arg14 : memref<!tpu.dma_semaphore, #tpu.memory_space<semaphore_mem>>) src(%dma_wait3A_268 : memref<64x128xf32, #tpu.memory_space<hbm>>) dst(%dma_wait3A_265 : memref<64x128xf32, #tpu.memory_space<vmem>>)
    %barrier3A_269 = arith.constant 0 : index
    tpu.barrier barrier_id(%barrier3A_269)
    "tpu.region"() ({
      %run_scoped3A_270 = tpu.sem_alloc : memref<!tpu.dma_semaphore, #tpu.memory_space<semaphore_mem>>
      %dma_start3A_271 = arith.constant 0 : i32
      %dma_start3A_272 = tpu.memref_slice %arg6[%arg0, %multiple_of3A, %dma_start3A_271] : memref<2x10240x128xf32, #tpu.memory_space<hbm>> -> memref<1x640x128xf32, #tpu.memory_space<hbm>>
      %dma_start3A_273 = tpu.memref_squeeze %dma_start3A_272 : memref<1x640x128xf32, #tpu.memory_space<hbm>> -> memref<640x128xf32, #tpu.memory_space<hbm>>
      %dma_start3A_274 = arith.constant 0 : i32
      %dma_start3A_275 = tpu.memref_slice %arg10[%multiple_of3A, %dma_start3A_274] : memref<10240x128xf32, #tpu.memory_space<vmem_shared>> -> memref<640x128xf32, #tpu.memory_space<vmem_shared>>
      tpu.enqueue_dma source(%dma_start3A_275 : memref<640x128xf32, #tpu.memory_space<vmem_shared>>) target(%dma_start3A_273 : memref<640x128xf32, #tpu.memory_space<hbm>>) target_semaphore(%run_scoped3A_270 : memref<!tpu.dma_semaphore, #tpu.memory_space<semaphore_mem>>)
      %dma_wait3A_276 = arith.constant 0 : i32
      %dma_wait3A_277 = tpu.memref_slice %arg6[%arg0, %multiple_of3A, %dma_wait3A_276] : memref<2x10240x128xf32, #tpu.memory_space<hbm>> -> memref<1x640x128xf32, #tpu.memory_space<hbm>>
      %dma_wait3A_278 = tpu.memref_squeeze %dma_wait3A_277 : memref<1x640x128xf32, #tpu.memory_space<hbm>> -> memref<640x128xf32, #tpu.memory_space<hbm>>
      %dma_wait3A_279 = arith.constant 0 : i32
      %dma_wait3A_280 = tpu.memref_slice %arg10[%multiple_of3A, %dma_wait3A_279] : memref<10240x128xf32, #tpu.memory_space<vmem_shared>> -> memref<640x128xf32, #tpu.memory_space<vmem_shared>>
      tpu.wait_dma2 semaphore(%run_scoped3A_270 : memref<!tpu.dma_semaphore, #tpu.memory_space<semaphore_mem>>) src(%dma_wait3A_280 : memref<640x128xf32, #tpu.memory_space<vmem_shared>>) dst(%dma_wait3A_278 : memref<640x128xf32, #tpu.memory_space<hbm>>)
      tpu.yield
    }) : () -> ()
    return
  }
}

#map = affine_map<(d0, d1) -> (0, 0)>
#map1 = affine_map<(d0, d1) -> (0)>
#map2 = affine_map<(d0, d1) -> (0, 0, 0)>
module attributes {stable_mosaic.version = 14 : i64} {
  func.func @sc_segment_sum(%arg0: i32, %arg1: i32, %arg2: memref<10000x128xf32, #tpu.memory_space<hbm>>, %arg3: memref<327680xi32, #tpu.memory_space<hbm>>, %arg4: memref<327680xi32, #tpu.memory_space<hbm>>, %arg5: memref<640x128xf32, #tpu.memory_space<hbm>>, %arg6: memref<2x10240x128xf32, #tpu.memory_space<hbm>>, %arg7: memref<8x64xi32, #tpu.memory_space<vmem>>, %arg8: memref<8x64xi32, #tpu.memory_space<vmem>>, %arg9: memref<4x64x128xf32, #tpu.memory_space<vmem>>, %arg10: memref<10240x128xf32, #tpu.memory_space<vmem_shared>>, %arg11: memref<!tpu.dma_semaphore, #tpu.memory_space<semaphore_mem>>, %arg12: memref<!tpu.dma_semaphore, #tpu.memory_space<semaphore_mem>>, %arg13: memref<!tpu.dma_semaphore, #tpu.memory_space<semaphore_mem>>, %arg14: memref<!tpu.dma_semaphore, #tpu.memory_space<semaphore_mem>>, %arg15: memref<!tpu.dma_semaphore, #tpu.memory_space<semaphore_mem>>) attributes {dimension_semantics = [#tpu.dimension_semantics<core_parallel>, #tpu.dimension_semantics<subcore_parallel>], iteration_bounds = array<i64: 2, 16>, scalar_prefetch = 0 : i64, scratch_operands = 9 : i64, tpu.core_type = #tpu.core_type<sc_vector_subcore>, window_params = [{transform_indices = #map}, {transform_indices = #map1}, {transform_indices = #map1}, {transform_indices = #map}, {transform_indices = #map2}]} {
    %mul3A = arith.constant 16 : i32
    %mul3A_0 = arith.muli %arg0, %mul3A : i32
    %add3A = arith.addi %mul3A_0, %arg1 : i32
    %mul3A_1 = arith.constant 640 : i32
    %mul3A_2 = arith.muli %arg1, %mul3A_1 : i32
    %multiple_of3A = tpu.assume_multiple %mul3A_2, 8 : i32
    %mul3A_3 = arith.constant 10240 : i32
    %mul3A_4 = arith.muli %add3A, %mul3A_3 : i32
    "tpu.region"() ({
      %run_scoped3A_270 = tpu.sem_alloc : memref<!tpu.dma_semaphore, #tpu.memory_space<semaphore_mem>>
      %dma_start3A_271 = arith.constant 0 : i32
      %dma_start3A_272 = tpu.memref_slice %arg10[%multiple_of3A, %dma_start3A_271] : memref<10240x128xf32, #tpu.memory_space<vmem_shared>> -> memref<640x128xf32, #tpu.memory_space<vmem_shared>>
      tpu.enqueue_dma source(%arg5 : memref<640x128xf32, #tpu.memory_space<hbm>>) target(%dma_start3A_272 : memref<640x128xf32, #tpu.memory_space<vmem_shared>>) target_semaphore(%run_scoped3A_270 : memref<!tpu.dma_semaphore, #tpu.memory_space<semaphore_mem>>)
      %dma_wait3A_273 = arith.constant 0 : i32
      %dma_wait3A_274 = tpu.memref_slice %arg10[%multiple_of3A, %dma_wait3A_273] : memref<10240x128xf32, #tpu.memory_space<vmem_shared>> -> memref<640x128xf32, #tpu.memory_space<vmem_shared>>
      tpu.wait_dma2 semaphore(%run_scoped3A_270 : memref<!tpu.dma_semaphore, #tpu.memory_space<semaphore_mem>>) src(%arg5 : memref<640x128xf32, #tpu.memory_space<hbm>>) dst(%dma_wait3A_274 : memref<640x128xf32, #tpu.memory_space<vmem_shared>>)
      tpu.yield
    }) : () -> ()
    %barrier3A = arith.constant 0 : index
    tpu.barrier barrier_id(%barrier3A)
    %add3A_5 = arith.constant 0 : i32
    %add3A_6 = arith.addi %mul3A_4, %add3A_5 : i32
    %multiple_of3A_7 = tpu.assume_multiple %add3A_6, 8 : i32
    %run_scoped3A = arith.constant 0 : i32
    "tpu.region"() ({
      %run_scoped3A_270 = tpu.sem_alloc : memref<!tpu.dma_semaphore, #tpu.memory_space<semaphore_mem>>
      %dma_start3A_271 = arith.constant 0 : i32
      %dma_start3A_272 = tpu.memref_slice %arg7[%run_scoped3A, %dma_start3A_271] : memref<8x64xi32, #tpu.memory_space<vmem>> -> memref<1x64xi32, #tpu.memory_space<vmem>>
      %dma_start3A_273 = tpu.memref_squeeze %dma_start3A_272 : memref<1x64xi32, #tpu.memory_space<vmem>> -> memref<64xi32, #tpu.memory_space<vmem>>
      %dma_start3A_274 = tpu.memref_slice %arg3[%multiple_of3A_7] : memref<327680xi32, #tpu.memory_space<hbm>> -> memref<64xi32, #tpu.memory_space<hbm>>
      %dma_start3A_275 = arith.constant 0 : i32
      %dma_start3A_276 = tpu.memref_slice %arg7[%run_scoped3A, %dma_start3A_275] : memref<8x64xi32, #tpu.memory_space<vmem>> -> memref<1x64xi32, #tpu.memory_space<vmem>>
      %dma_start3A_277 = tpu.memref_squeeze %dma_start3A_276 : memref<1x64xi32, #tpu.memory_space<vmem>> -> memref<64xi32, #tpu.memory_space<vmem>>
      %dma_start3A_278 = tpu.memref_slice %arg3[%multiple_of3A_7] : memref<327680xi32, #tpu.memory_space<hbm>> -> memref<64xi32, #tpu.memory_space<hbm>>
      tpu.enqueue_dma source(%dma_start3A_278 : memref<64xi32, #tpu.memory_space<hbm>>) target(%dma_start3A_277 : memref<64xi32, #tpu.memory_space<vmem>>) target_semaphore(%run_scoped3A_270 : memref<!tpu.dma_semaphore, #tpu.memory_space<semaphore_mem>>)
      %dma_wait3A_279 = arith.constant 0 : i32
      %dma_wait3A_280 = tpu.memref_slice %arg7[%run_scoped3A, %dma_wait3A_279] : memref<8x64xi32, #tpu.memory_space<vmem>> -> memref<1x64xi32, #tpu.memory_space<vmem>>
      %dma_wait3A_281 = tpu.memref_squeeze %dma_wait3A_280 : memref<1x64xi32, #tpu.memory_space<vmem>> -> memref<64xi32, #tpu.memory_space<vmem>>
      %dma_wait3A_282 = tpu.memref_slice %arg3[%multiple_of3A_7] : memref<327680xi32, #tpu.memory_space<hbm>> -> memref<64xi32, #tpu.memory_space<hbm>>
      %dma_wait3A_283 = arith.constant 0 : i32
      %dma_wait3A_284 = tpu.memref_slice %arg7[%run_scoped3A, %dma_wait3A_283] : memref<8x64xi32, #tpu.memory_space<vmem>> -> memref<1x64xi32, #tpu.memory_space<vmem>>
      %dma_wait3A_285 = tpu.memref_squeeze %dma_wait3A_284 : memref<1x64xi32, #tpu.memory_space<vmem>> -> memref<64xi32, #tpu.memory_space<vmem>>
      %dma_wait3A_286 = tpu.memref_slice %arg3[%multiple_of3A_7] : memref<327680xi32, #tpu.memory_space<hbm>> -> memref<64xi32, #tpu.memory_space<hbm>>
      tpu.wait_dma2 semaphore(%run_scoped3A_270 : memref<!tpu.dma_semaphore, #tpu.memory_space<semaphore_mem>>) src(%dma_wait3A_286 : memref<64xi32, #tpu.memory_space<hbm>>) dst(%dma_wait3A_285 : memref<64xi32, #tpu.memory_space<vmem>>)
      tpu.yield
    }) : () -> ()
    %run_scoped3A_8 = arith.constant 0 : i32
    "tpu.region"() ({
      %run_scoped3A_270 = tpu.sem_alloc : memref<!tpu.dma_semaphore, #tpu.memory_space<semaphore_mem>>
      %dma_start3A_271 = arith.constant 0 : i32
      %dma_start3A_272 = tpu.memref_slice %arg8[%run_scoped3A_8, %dma_start3A_271] : memref<8x64xi32, #tpu.memory_space<vmem>> -> memref<1x64xi32, #tpu.memory_space<vmem>>
      %dma_start3A_273 = tpu.memref_squeeze %dma_start3A_272 : memref<1x64xi32, #tpu.memory_space<vmem>> -> memref<64xi32, #tpu.memory_space<vmem>>
      %dma_start3A_274 = tpu.memref_slice %arg4[%multiple_of3A_7] : memref<327680xi32, #tpu.memory_space<hbm>> -> memref<64xi32, #tpu.memory_space<hbm>>
      %dma_start3A_275 = arith.constant 0 : i32
      %dma_start3A_276 = tpu.memref_slice %arg8[%run_scoped3A_8, %dma_start3A_275] : memref<8x64xi32, #tpu.memory_space<vmem>> -> memref<1x64xi32, #tpu.memory_space<vmem>>
      %dma_start3A_277 = tpu.memref_squeeze %dma_start3A_276 : memref<1x64xi32, #tpu.memory_space<vmem>> -> memref<64xi32, #tpu.memory_space<vmem>>
      %dma_start3A_278 = tpu.memref_slice %arg4[%multiple_of3A_7] : memref<327680xi32, #tpu.memory_space<hbm>> -> memref<64xi32, #tpu.memory_space<hbm>>
      tpu.enqueue_dma source(%dma_start3A_278 : memref<64xi32, #tpu.memory_space<hbm>>) target(%dma_start3A_277 : memref<64xi32, #tpu.memory_space<vmem>>) target_semaphore(%run_scoped3A_270 : memref<!tpu.dma_semaphore, #tpu.memory_space<semaphore_mem>>)
      %dma_wait3A_279 = arith.constant 0 : i32
      %dma_wait3A_280 = tpu.memref_slice %arg8[%run_scoped3A_8, %dma_wait3A_279] : memref<8x64xi32, #tpu.memory_space<vmem>> -> memref<1x64xi32, #tpu.memory_space<vmem>>
      %dma_wait3A_281 = tpu.memref_squeeze %dma_wait3A_280 : memref<1x64xi32, #tpu.memory_space<vmem>> -> memref<64xi32, #tpu.memory_space<vmem>>
      %dma_wait3A_282 = tpu.memref_slice %arg4[%multiple_of3A_7] : memref<327680xi32, #tpu.memory_space<hbm>> -> memref<64xi32, #tpu.memory_space<hbm>>
      %dma_wait3A_283 = arith.constant 0 : i32
      %dma_wait3A_284 = tpu.memref_slice %arg8[%run_scoped3A_8, %dma_wait3A_283] : memref<8x64xi32, #tpu.memory_space<vmem>> -> memref<1x64xi32, #tpu.memory_space<vmem>>
      %dma_wait3A_285 = tpu.memref_squeeze %dma_wait3A_284 : memref<1x64xi32, #tpu.memory_space<vmem>> -> memref<64xi32, #tpu.memory_space<vmem>>
      %dma_wait3A_286 = tpu.memref_slice %arg4[%multiple_of3A_7] : memref<327680xi32, #tpu.memory_space<hbm>> -> memref<64xi32, #tpu.memory_space<hbm>>
      tpu.wait_dma2 semaphore(%run_scoped3A_270 : memref<!tpu.dma_semaphore, #tpu.memory_space<semaphore_mem>>) src(%dma_wait3A_286 : memref<64xi32, #tpu.memory_space<hbm>>) dst(%dma_wait3A_285 : memref<64xi32, #tpu.memory_space<vmem>>)
      tpu.yield
    }) : () -> ()
    %dma_start3A = arith.constant 0 : i32
    %dma_start3A_9 = arith.constant 0 : i32
    %dma_start3A_10 = arith.constant 0 : i32
    %dma_start3A_11 = arith.constant 0 : i32
    %dma_start3A_12 = tpu.memref_slice %arg9[%dma_start3A_9, %dma_start3A_10, %dma_start3A_11] : memref<4x64x128xf32, #tpu.memory_space<vmem>> -> memref<1x64x128xf32, #tpu.memory_space<vmem>>
    %dma_start3A_13 = tpu.memref_squeeze %dma_start3A_12 : memref<1x64x128xf32, #tpu.memory_space<vmem>> -> memref<64x128xf32, #tpu.memory_space<vmem>>
    %dma_start3A_14 = arith.constant 0 : i32
    %dma_start3A_15 = tpu.memref_slice %arg7[%dma_start3A, %dma_start3A_14] : memref<8x64xi32, #tpu.memory_space<vmem>> -> memref<1x64xi32, #tpu.memory_space<vmem>>
    %dma_start3A_16 = tpu.memref_squeeze %dma_start3A_15 : memref<1x64xi32, #tpu.memory_space<vmem>> -> memref<64xi32, #tpu.memory_space<vmem>>
    %dma_start3A_17 = arith.constant 0 : i32
    %dma_start3A_18 = arith.constant 0 : i32
    %dma_start3A_19 = tpu.memref_slice %arg2[%dma_start3A_17, %dma_start3A_18] : memref<10000x128xf32, #tpu.memory_space<hbm>> -> memref<10000x128xf32, #tpu.memory_space<hbm>>
    tpu.enqueue_indirect_dma source(%dma_start3A_19 : memref<10000x128xf32, #tpu.memory_space<hbm>>) target(%dma_start3A_13 : memref<64x128xf32, #tpu.memory_space<vmem>>) offsets(%dma_start3A_16 : memref<64xi32, #tpu.memory_space<vmem>>) semaphore(%arg11 : memref<!tpu.dma_semaphore, #tpu.memory_space<semaphore_mem>>)
    %add3A_20 = arith.constant 64 : i32
    %add3A_21 = arith.addi %mul3A_4, %add3A_20 : i32
    %multiple_of3A_22 = tpu.assume_multiple %add3A_21, 8 : i32
    %run_scoped3A_23 = arith.constant 1 : i32
    "tpu.region"() ({
      %run_scoped3A_270 = tpu.sem_alloc : memref<!tpu.dma_semaphore, #tpu.memory_space<semaphore_mem>>
      %dma_start3A_271 = arith.constant 0 : i32
      %dma_start3A_272 = tpu.memref_slice %arg7[%run_scoped3A_23, %dma_start3A_271] : memref<8x64xi32, #tpu.memory_space<vmem>> -> memref<1x64xi32, #tpu.memory_space<vmem>>
      %dma_start3A_273 = tpu.memref_squeeze %dma_start3A_272 : memref<1x64xi32, #tpu.memory_space<vmem>> -> memref<64xi32, #tpu.memory_space<vmem>>
      %dma_start3A_274 = tpu.memref_slice %arg3[%multiple_of3A_22] : memref<327680xi32, #tpu.memory_space<hbm>> -> memref<64xi32, #tpu.memory_space<hbm>>
      %dma_start3A_275 = arith.constant 0 : i32
      %dma_start3A_276 = tpu.memref_slice %arg7[%run_scoped3A_23, %dma_start3A_275] : memref<8x64xi32, #tpu.memory_space<vmem>> -> memref<1x64xi32, #tpu.memory_space<vmem>>
      %dma_start3A_277 = tpu.memref_squeeze %dma_start3A_276 : memref<1x64xi32, #tpu.memory_space<vmem>> -> memref<64xi32, #tpu.memory_space<vmem>>
      %dma_start3A_278 = tpu.memref_slice %arg3[%multiple_of3A_22] : memref<327680xi32, #tpu.memory_space<hbm>> -> memref<64xi32, #tpu.memory_space<hbm>>
      tpu.enqueue_dma source(%dma_start3A_278 : memref<64xi32, #tpu.memory_space<hbm>>) target(%dma_start3A_277 : memref<64xi32, #tpu.memory_space<vmem>>) target_semaphore(%run_scoped3A_270 : memref<!tpu.dma_semaphore, #tpu.memory_space<semaphore_mem>>)
      %dma_wait3A_279 = arith.constant 0 : i32
      %dma_wait3A_280 = tpu.memref_slice %arg7[%run_scoped3A_23, %dma_wait3A_279] : memref<8x64xi32, #tpu.memory_space<vmem>> -> memref<1x64xi32, #tpu.memory_space<vmem>>
      %dma_wait3A_281 = tpu.memref_squeeze %dma_wait3A_280 : memref<1x64xi32, #tpu.memory_space<vmem>> -> memref<64xi32, #tpu.memory_space<vmem>>
      %dma_wait3A_282 = tpu.memref_slice %arg3[%multiple_of3A_22] : memref<327680xi32, #tpu.memory_space<hbm>> -> memref<64xi32, #tpu.memory_space<hbm>>
      %dma_wait3A_283 = arith.constant 0 : i32
      %dma_wait3A_284 = tpu.memref_slice %arg7[%run_scoped3A_23, %dma_wait3A_283] : memref<8x64xi32, #tpu.memory_space<vmem>> -> memref<1x64xi32, #tpu.memory_space<vmem>>
      %dma_wait3A_285 = tpu.memref_squeeze %dma_wait3A_284 : memref<1x64xi32, #tpu.memory_space<vmem>> -> memref<64xi32, #tpu.memory_space<vmem>>
      %dma_wait3A_286 = tpu.memref_slice %arg3[%multiple_of3A_22] : memref<327680xi32, #tpu.memory_space<hbm>> -> memref<64xi32, #tpu.memory_space<hbm>>
      tpu.wait_dma2 semaphore(%run_scoped3A_270 : memref<!tpu.dma_semaphore, #tpu.memory_space<semaphore_mem>>) src(%dma_wait3A_286 : memref<64xi32, #tpu.memory_space<hbm>>) dst(%dma_wait3A_285 : memref<64xi32, #tpu.memory_space<vmem>>)
      tpu.yield
    }) : () -> ()
    %run_scoped3A_24 = arith.constant 1 : i32
    "tpu.region"() ({
      %run_scoped3A_270 = tpu.sem_alloc : memref<!tpu.dma_semaphore, #tpu.memory_space<semaphore_mem>>
      %dma_start3A_271 = arith.constant 0 : i32
      %dma_start3A_272 = tpu.memref_slice %arg8[%run_scoped3A_24, %dma_start3A_271] : memref<8x64xi32, #tpu.memory_space<vmem>> -> memref<1x64xi32, #tpu.memory_space<vmem>>
      %dma_start3A_273 = tpu.memref_squeeze %dma_start3A_272 : memref<1x64xi32, #tpu.memory_space<vmem>> -> memref<64xi32, #tpu.memory_space<vmem>>
      %dma_start3A_274 = tpu.memref_slice %arg4[%multiple_of3A_22] : memref<327680xi32, #tpu.memory_space<hbm>> -> memref<64xi32, #tpu.memory_space<hbm>>
      %dma_start3A_275 = arith.constant 0 : i32
      %dma_start3A_276 = tpu.memref_slice %arg8[%run_scoped3A_24, %dma_start3A_275] : memref<8x64xi32, #tpu.memory_space<vmem>> -> memref<1x64xi32, #tpu.memory_space<vmem>>
      %dma_start3A_277 = tpu.memref_squeeze %dma_start3A_276 : memref<1x64xi32, #tpu.memory_space<vmem>> -> memref<64xi32, #tpu.memory_space<vmem>>
      %dma_start3A_278 = tpu.memref_slice %arg4[%multiple_of3A_22] : memref<327680xi32, #tpu.memory_space<hbm>> -> memref<64xi32, #tpu.memory_space<hbm>>
      tpu.enqueue_dma source(%dma_start3A_278 : memref<64xi32, #tpu.memory_space<hbm>>) target(%dma_start3A_277 : memref<64xi32, #tpu.memory_space<vmem>>) target_semaphore(%run_scoped3A_270 : memref<!tpu.dma_semaphore, #tpu.memory_space<semaphore_mem>>)
      %dma_wait3A_279 = arith.constant 0 : i32
      %dma_wait3A_280 = tpu.memref_slice %arg8[%run_scoped3A_24, %dma_wait3A_279] : memref<8x64xi32, #tpu.memory_space<vmem>> -> memref<1x64xi32, #tpu.memory_space<vmem>>
      %dma_wait3A_281 = tpu.memref_squeeze %dma_wait3A_280 : memref<1x64xi32, #tpu.memory_space<vmem>> -> memref<64xi32, #tpu.memory_space<vmem>>
      %dma_wait3A_282 = tpu.memref_slice %arg4[%multiple_of3A_22] : memref<327680xi32, #tpu.memory_space<hbm>> -> memref<64xi32, #tpu.memory_space<hbm>>
      %dma_wait3A_283 = arith.constant 0 : i32
      %dma_wait3A_284 = tpu.memref_slice %arg8[%run_scoped3A_24, %dma_wait3A_283] : memref<8x64xi32, #tpu.memory_space<vmem>> -> memref<1x64xi32, #tpu.memory_space<vmem>>
      %dma_wait3A_285 = tpu.memref_squeeze %dma_wait3A_284 : memref<1x64xi32, #tpu.memory_space<vmem>> -> memref<64xi32, #tpu.memory_space<vmem>>
      %dma_wait3A_286 = tpu.memref_slice %arg4[%multiple_of3A_22] : memref<327680xi32, #tpu.memory_space<hbm>> -> memref<64xi32, #tpu.memory_space<hbm>>
      tpu.wait_dma2 semaphore(%run_scoped3A_270 : memref<!tpu.dma_semaphore, #tpu.memory_space<semaphore_mem>>) src(%dma_wait3A_286 : memref<64xi32, #tpu.memory_space<hbm>>) dst(%dma_wait3A_285 : memref<64xi32, #tpu.memory_space<vmem>>)
      tpu.yield
    }) : () -> ()
    %dma_start3A_25 = arith.constant 1 : i32
    %dma_start3A_26 = arith.constant 1 : i32
    %dma_start3A_27 = arith.constant 0 : i32
    %dma_start3A_28 = arith.constant 0 : i32
    %dma_start3A_29 = tpu.memref_slice %arg9[%dma_start3A_26, %dma_start3A_27, %dma_start3A_28] : memref<4x64x128xf32, #tpu.memory_space<vmem>> -> memref<1x64x128xf32, #tpu.memory_space<vmem>>
    %dma_start3A_30 = tpu.memref_squeeze %dma_start3A_29 : memref<1x64x128xf32, #tpu.memory_space<vmem>> -> memref<64x128xf32, #tpu.memory_space<vmem>>
    %dma_start3A_31 = arith.constant 0 : i32
    %dma_start3A_32 = tpu.memref_slice %arg7[%dma_start3A_25, %dma_start3A_31] : memref<8x64xi32, #tpu.memory_space<vmem>> -> memref<1x64xi32, #tpu.memory_space<vmem>>
    %dma_start3A_33 = tpu.memref_squeeze %dma_start3A_32 : memref<1x64xi32, #tpu.memory_space<vmem>> -> memref<64xi32, #tpu.memory_space<vmem>>
    %dma_start3A_34 = arith.constant 0 : i32
    %dma_start3A_35 = arith.constant 0 : i32
    %dma_start3A_36 = tpu.memref_slice %arg2[%dma_start3A_34, %dma_start3A_35] : memref<10000x128xf32, #tpu.memory_space<hbm>> -> memref<10000x128xf32, #tpu.memory_space<hbm>>
    tpu.enqueue_indirect_dma source(%dma_start3A_36 : memref<10000x128xf32, #tpu.memory_space<hbm>>) target(%dma_start3A_30 : memref<64x128xf32, #tpu.memory_space<vmem>>) offsets(%dma_start3A_33 : memref<64xi32, #tpu.memory_space<vmem>>) semaphore(%arg12 : memref<!tpu.dma_semaphore, #tpu.memory_space<semaphore_mem>>)
    %add3A_37 = arith.constant 128 : i32
    %add3A_38 = arith.addi %mul3A_4, %add3A_37 : i32
    %multiple_of3A_39 = tpu.assume_multiple %add3A_38, 8 : i32
    %dma_start3A_40 = arith.constant 2 : i32
    %dma_start3A_41 = arith.constant 0 : i32
    %dma_start3A_42 = tpu.memref_slice %arg7[%dma_start3A_40, %dma_start3A_41] : memref<8x64xi32, #tpu.memory_space<vmem>> -> memref<1x64xi32, #tpu.memory_space<vmem>>
    %dma_start3A_43 = tpu.memref_squeeze %dma_start3A_42 : memref<1x64xi32, #tpu.memory_space<vmem>> -> memref<64xi32, #tpu.memory_space<vmem>>
    %dma_start3A_44 = tpu.memref_slice %arg3[%multiple_of3A_39] : memref<327680xi32, #tpu.memory_space<hbm>> -> memref<64xi32, #tpu.memory_space<hbm>>
    %dma_start3A_45 = arith.constant 0 : i32
    %dma_start3A_46 = tpu.memref_slice %arg7[%dma_start3A_40, %dma_start3A_45] : memref<8x64xi32, #tpu.memory_space<vmem>> -> memref<1x64xi32, #tpu.memory_space<vmem>>
    %dma_start3A_47 = tpu.memref_squeeze %dma_start3A_46 : memref<1x64xi32, #tpu.memory_space<vmem>> -> memref<64xi32, #tpu.memory_space<vmem>>
    %dma_start3A_48 = tpu.memref_slice %arg3[%multiple_of3A_39] : memref<327680xi32, #tpu.memory_space<hbm>> -> memref<64xi32, #tpu.memory_space<hbm>>
    tpu.enqueue_dma source(%dma_start3A_48 : memref<64xi32, #tpu.memory_space<hbm>>) target(%dma_start3A_47 : memref<64xi32, #tpu.memory_space<vmem>>) target_semaphore(%arg15 : memref<!tpu.dma_semaphore, #tpu.memory_space<semaphore_mem>>)
    %dma_start3A_49 = arith.constant 2 : i32
    %dma_start3A_50 = arith.constant 0 : i32
    %dma_start3A_51 = tpu.memref_slice %arg8[%dma_start3A_49, %dma_start3A_50] : memref<8x64xi32, #tpu.memory_space<vmem>> -> memref<1x64xi32, #tpu.memory_space<vmem>>
    %dma_start3A_52 = tpu.memref_squeeze %dma_start3A_51 : memref<1x64xi32, #tpu.memory_space<vmem>> -> memref<64xi32, #tpu.memory_space<vmem>>
    %dma_start3A_53 = tpu.memref_slice %arg4[%multiple_of3A_39] : memref<327680xi32, #tpu.memory_space<hbm>> -> memref<64xi32, #tpu.memory_space<hbm>>
    %dma_start3A_54 = arith.constant 0 : i32
    %dma_start3A_55 = tpu.memref_slice %arg8[%dma_start3A_49, %dma_start3A_54] : memref<8x64xi32, #tpu.memory_space<vmem>> -> memref<1x64xi32, #tpu.memory_space<vmem>>
    %dma_start3A_56 = tpu.memref_squeeze %dma_start3A_55 : memref<1x64xi32, #tpu.memory_space<vmem>> -> memref<64xi32, #tpu.memory_space<vmem>>
    %dma_start3A_57 = tpu.memref_slice %arg4[%multiple_of3A_39] : memref<327680xi32, #tpu.memory_space<hbm>> -> memref<64xi32, #tpu.memory_space<hbm>>
    tpu.enqueue_dma source(%dma_start3A_57 : memref<64xi32, #tpu.memory_space<hbm>>) target(%dma_start3A_56 : memref<64xi32, #tpu.memory_space<vmem>>) target_semaphore(%arg15 : memref<!tpu.dma_semaphore, #tpu.memory_space<semaphore_mem>>)
    %add3A_58 = arith.constant 192 : i32
    %add3A_59 = arith.addi %mul3A_4, %add3A_58 : i32
    %multiple_of3A_60 = tpu.assume_multiple %add3A_59, 8 : i32
    %dma_start3A_61 = arith.constant 3 : i32
    %dma_start3A_62 = arith.constant 0 : i32
    %dma_start3A_63 = tpu.memref_slice %arg7[%dma_start3A_61, %dma_start3A_62] : memref<8x64xi32, #tpu.memory_space<vmem>> -> memref<1x64xi32, #tpu.memory_space<vmem>>
    %dma_start3A_64 = tpu.memref_squeeze %dma_start3A_63 : memref<1x64xi32, #tpu.memory_space<vmem>> -> memref<64xi32, #tpu.memory_space<vmem>>
    %dma_start3A_65 = tpu.memref_slice %arg3[%multiple_of3A_60] : memref<327680xi32, #tpu.memory_space<hbm>> -> memref<64xi32, #tpu.memory_space<hbm>>
    %dma_start3A_66 = arith.constant 0 : i32
    %dma_start3A_67 = tpu.memref_slice %arg7[%dma_start3A_61, %dma_start3A_66] : memref<8x64xi32, #tpu.memory_space<vmem>> -> memref<1x64xi32, #tpu.memory_space<vmem>>
    %dma_start3A_68 = tpu.memref_squeeze %dma_start3A_67 : memref<1x64xi32, #tpu.memory_space<vmem>> -> memref<64xi32, #tpu.memory_space<vmem>>
    %dma_start3A_69 = tpu.memref_slice %arg3[%multiple_of3A_60] : memref<327680xi32, #tpu.memory_space<hbm>> -> memref<64xi32, #tpu.memory_space<hbm>>
    tpu.enqueue_dma source(%dma_start3A_69 : memref<64xi32, #tpu.memory_space<hbm>>) target(%dma_start3A_68 : memref<64xi32, #tpu.memory_space<vmem>>) target_semaphore(%arg15 : memref<!tpu.dma_semaphore, #tpu.memory_space<semaphore_mem>>)
    %dma_start3A_70 = arith.constant 3 : i32
    %dma_start3A_71 = arith.constant 0 : i32
    %dma_start3A_72 = tpu.memref_slice %arg8[%dma_start3A_70, %dma_start3A_71] : memref<8x64xi32, #tpu.memory_space<vmem>> -> memref<1x64xi32, #tpu.memory_space<vmem>>
    %dma_start3A_73 = tpu.memref_squeeze %dma_start3A_72 : memref<1x64xi32, #tpu.memory_space<vmem>> -> memref<64xi32, #tpu.memory_space<vmem>>
    %dma_start3A_74 = tpu.memref_slice %arg4[%multiple_of3A_60] : memref<327680xi32, #tpu.memory_space<hbm>> -> memref<64xi32, #tpu.memory_space<hbm>>
    %dma_start3A_75 = arith.constant 0 : i32
    %dma_start3A_76 = tpu.memref_slice %arg8[%dma_start3A_70, %dma_start3A_75] : memref<8x64xi32, #tpu.memory_space<vmem>> -> memref<1x64xi32, #tpu.memory_space<vmem>>
    %dma_start3A_77 = tpu.memref_squeeze %dma_start3A_76 : memref<1x64xi32, #tpu.memory_space<vmem>> -> memref<64xi32, #tpu.memory_space<vmem>>
    %dma_start3A_78 = tpu.memref_slice %arg4[%multiple_of3A_60] : memref<327680xi32, #tpu.memory_space<hbm>> -> memref<64xi32, #tpu.memory_space<hbm>>
    tpu.enqueue_dma source(%dma_start3A_78 : memref<64xi32, #tpu.memory_space<hbm>>) target(%dma_start3A_77 : memref<64xi32, #tpu.memory_space<vmem>>) target_semaphore(%arg15 : memref<!tpu.dma_semaphore, #tpu.memory_space<semaphore_mem>>)
    %dma_wait3A = arith.constant 0 : i32
    %dma_wait3A_79 = arith.constant 0 : i32
    %dma_wait3A_80 = arith.constant 0 : i32
    %dma_wait3A_81 = arith.constant 0 : i32
    %dma_wait3A_82 = tpu.memref_slice %arg9[%dma_wait3A_79, %dma_wait3A_80, %dma_wait3A_81] : memref<4x64x128xf32, #tpu.memory_space<vmem>> -> memref<1x64x128xf32, #tpu.memory_space<vmem>>
    %dma_wait3A_83 = tpu.memref_squeeze %dma_wait3A_82 : memref<1x64x128xf32, #tpu.memory_space<vmem>> -> memref<64x128xf32, #tpu.memory_space<vmem>>
    %dma_wait3A_84 = arith.constant 0 : i32
    %dma_wait3A_85 = tpu.memref_slice %arg7[%dma_wait3A, %dma_wait3A_84] : memref<8x64xi32, #tpu.memory_space<vmem>> -> memref<1x64xi32, #tpu.memory_space<vmem>>
    %dma_wait3A_86 = tpu.memref_squeeze %dma_wait3A_85 : memref<1x64xi32, #tpu.memory_space<vmem>> -> memref<64xi32, #tpu.memory_space<vmem>>
    %dma_wait3A_87 = arith.constant 0 : i32
    %dma_wait3A_88 = arith.constant 0 : i32
    %dma_wait3A_89 = tpu.memref_slice %arg2[%dma_wait3A_87, %dma_wait3A_88] : memref<10000x128xf32, #tpu.memory_space<hbm>> -> memref<10000x128xf32, #tpu.memory_space<hbm>>
    tpu.wait_indirect_dma semaphore(%arg11 : memref<!tpu.dma_semaphore, #tpu.memory_space<semaphore_mem>>) src(%dma_wait3A_89 : memref<10000x128xf32, #tpu.memory_space<hbm>>) dst(%dma_wait3A_83 : memref<64x128xf32, #tpu.memory_space<vmem>>)
    %dma_start3A_90 = arith.constant 0 : i32
    %dma_start3A_91 = arith.constant 0 : i32
    %dma_start3A_92 = arith.constant 0 : i32
    %dma_start3A_93 = arith.constant 0 : i32
    %dma_start3A_94 = tpu.memref_slice %arg9[%dma_start3A_90, %dma_start3A_92, %dma_start3A_93] : memref<4x64x128xf32, #tpu.memory_space<vmem>> -> memref<1x64x128xf32, #tpu.memory_space<vmem>>
    %dma_start3A_95 = tpu.memref_squeeze %dma_start3A_94 : memref<1x64x128xf32, #tpu.memory_space<vmem>> -> memref<64x128xf32, #tpu.memory_space<vmem>>
    %dma_start3A_96 = arith.constant 0 : i32
    %dma_start3A_97 = tpu.memref_slice %arg8[%dma_start3A_91, %dma_start3A_96] : memref<8x64xi32, #tpu.memory_space<vmem>> -> memref<1x64xi32, #tpu.memory_space<vmem>>
    %dma_start3A_98 = tpu.memref_squeeze %dma_start3A_97 : memref<1x64xi32, #tpu.memory_space<vmem>> -> memref<64xi32, #tpu.memory_space<vmem>>
    %dma_start3A_99 = arith.constant 0 : i32
    %dma_start3A_100 = arith.constant 0 : i32
    %dma_start3A_101 = tpu.memref_slice %arg10[%dma_start3A_99, %dma_start3A_100] : memref<10240x128xf32, #tpu.memory_space<vmem_shared>> -> memref<10240x128xf32, #tpu.memory_space<vmem_shared>>
    tpu.enqueue_indirect_dma source(%dma_start3A_95 : memref<64x128xf32, #tpu.memory_space<vmem>>) target(%dma_start3A_101 : memref<10240x128xf32, #tpu.memory_space<vmem_shared>>) offsets(%dma_start3A_98 : memref<64xi32, #tpu.memory_space<vmem>>) semaphore(%arg13 : memref<!tpu.dma_semaphore, #tpu.memory_space<semaphore_mem>>) {add = true}
    %add3A_102 = arith.constant 128 : i32
    %add3A_103 = arith.addi %mul3A_4, %add3A_102 : i32
    %multiple_of3A_104 = tpu.assume_multiple %add3A_103, 8 : i32
    %dma_wait3A_105 = arith.constant 2 : i32
    %dma_wait3A_106 = arith.constant 0 : i32
    %dma_wait3A_107 = tpu.memref_slice %arg7[%dma_wait3A_105, %dma_wait3A_106] : memref<8x64xi32, #tpu.memory_space<vmem>> -> memref<1x64xi32, #tpu.memory_space<vmem>>
    %dma_wait3A_108 = tpu.memref_squeeze %dma_wait3A_107 : memref<1x64xi32, #tpu.memory_space<vmem>> -> memref<64xi32, #tpu.memory_space<vmem>>
    %dma_wait3A_109 = tpu.memref_slice %arg3[%multiple_of3A_104] : memref<327680xi32, #tpu.memory_space<hbm>> -> memref<64xi32, #tpu.memory_space<hbm>>
    %dma_wait3A_110 = arith.constant 0 : i32
    %dma_wait3A_111 = tpu.memref_slice %arg7[%dma_wait3A_105, %dma_wait3A_110] : memref<8x64xi32, #tpu.memory_space<vmem>> -> memref<1x64xi32, #tpu.memory_space<vmem>>
    %dma_wait3A_112 = tpu.memref_squeeze %dma_wait3A_111 : memref<1x64xi32, #tpu.memory_space<vmem>> -> memref<64xi32, #tpu.memory_space<vmem>>
    %dma_wait3A_113 = tpu.memref_slice %arg3[%multiple_of3A_104] : memref<327680xi32, #tpu.memory_space<hbm>> -> memref<64xi32, #tpu.memory_space<hbm>>
    tpu.wait_dma2 semaphore(%arg15 : memref<!tpu.dma_semaphore, #tpu.memory_space<semaphore_mem>>) src(%dma_wait3A_113 : memref<64xi32, #tpu.memory_space<hbm>>) dst(%dma_wait3A_112 : memref<64xi32, #tpu.memory_space<vmem>>)
    %dma_wait3A_114 = arith.constant 2 : i32
    %dma_wait3A_115 = arith.constant 0 : i32
    %dma_wait3A_116 = tpu.memref_slice %arg8[%dma_wait3A_114, %dma_wait3A_115] : memref<8x64xi32, #tpu.memory_space<vmem>> -> memref<1x64xi32, #tpu.memory_space<vmem>>
    %dma_wait3A_117 = tpu.memref_squeeze %dma_wait3A_116 : memref<1x64xi32, #tpu.memory_space<vmem>> -> memref<64xi32, #tpu.memory_space<vmem>>
    %dma_wait3A_118 = tpu.memref_slice %arg4[%multiple_of3A_104] : memref<327680xi32, #tpu.memory_space<hbm>> -> memref<64xi32, #tpu.memory_space<hbm>>
    %dma_wait3A_119 = arith.constant 0 : i32
    %dma_wait3A_120 = tpu.memref_slice %arg8[%dma_wait3A_114, %dma_wait3A_119] : memref<8x64xi32, #tpu.memory_space<vmem>> -> memref<1x64xi32, #tpu.memory_space<vmem>>
    %dma_wait3A_121 = tpu.memref_squeeze %dma_wait3A_120 : memref<1x64xi32, #tpu.memory_space<vmem>> -> memref<64xi32, #tpu.memory_space<vmem>>
    %dma_wait3A_122 = tpu.memref_slice %arg4[%multiple_of3A_104] : memref<327680xi32, #tpu.memory_space<hbm>> -> memref<64xi32, #tpu.memory_space<hbm>>
    tpu.wait_dma2 semaphore(%arg15 : memref<!tpu.dma_semaphore, #tpu.memory_space<semaphore_mem>>) src(%dma_wait3A_122 : memref<64xi32, #tpu.memory_space<hbm>>) dst(%dma_wait3A_121 : memref<64xi32, #tpu.memory_space<vmem>>)
    %dma_start3A_123 = arith.constant 2 : i32
    %dma_start3A_124 = arith.constant 2 : i32
    %dma_start3A_125 = arith.constant 0 : i32
    %dma_start3A_126 = arith.constant 0 : i32
    %dma_start3A_127 = tpu.memref_slice %arg9[%dma_start3A_124, %dma_start3A_125, %dma_start3A_126] : memref<4x64x128xf32, #tpu.memory_space<vmem>> -> memref<1x64x128xf32, #tpu.memory_space<vmem>>
    %dma_start3A_128 = tpu.memref_squeeze %dma_start3A_127 : memref<1x64x128xf32, #tpu.memory_space<vmem>> -> memref<64x128xf32, #tpu.memory_space<vmem>>
    %dma_start3A_129 = arith.constant 0 : i32
    %dma_start3A_130 = tpu.memref_slice %arg7[%dma_start3A_123, %dma_start3A_129] : memref<8x64xi32, #tpu.memory_space<vmem>> -> memref<1x64xi32, #tpu.memory_space<vmem>>
    %dma_start3A_131 = tpu.memref_squeeze %dma_start3A_130 : memref<1x64xi32, #tpu.memory_space<vmem>> -> memref<64xi32, #tpu.memory_space<vmem>>
    %dma_start3A_132 = arith.constant 0 : i32
    %dma_start3A_133 = arith.constant 0 : i32
    %dma_start3A_134 = tpu.memref_slice %arg2[%dma_start3A_132, %dma_start3A_133] : memref<10000x128xf32, #tpu.memory_space<hbm>> -> memref<10000x128xf32, #tpu.memory_space<hbm>>
    tpu.enqueue_indirect_dma source(%dma_start3A_134 : memref<10000x128xf32, #tpu.memory_space<hbm>>) target(%dma_start3A_128 : memref<64x128xf32, #tpu.memory_space<vmem>>) offsets(%dma_start3A_131 : memref<64xi32, #tpu.memory_space<vmem>>) semaphore(%arg11 : memref<!tpu.dma_semaphore, #tpu.memory_space<semaphore_mem>>)
    %add3A_135 = arith.constant 256 : i32
    %add3A_136 = arith.addi %mul3A_4, %add3A_135 : i32
    %multiple_of3A_137 = tpu.assume_multiple %add3A_136, 8 : i32
    %dma_start3A_138 = arith.constant 4 : i32
    %dma_start3A_139 = arith.constant 0 : i32
    %dma_start3A_140 = tpu.memref_slice %arg7[%dma_start3A_138, %dma_start3A_139] : memref<8x64xi32, #tpu.memory_space<vmem>> -> memref<1x64xi32, #tpu.memory_space<vmem>>
    %dma_start3A_141 = tpu.memref_squeeze %dma_start3A_140 : memref<1x64xi32, #tpu.memory_space<vmem>> -> memref<64xi32, #tpu.memory_space<vmem>>
    %dma_start3A_142 = tpu.memref_slice %arg3[%multiple_of3A_137] : memref<327680xi32, #tpu.memory_space<hbm>> -> memref<64xi32, #tpu.memory_space<hbm>>
    %dma_start3A_143 = arith.constant 0 : i32
    %dma_start3A_144 = tpu.memref_slice %arg7[%dma_start3A_138, %dma_start3A_143] : memref<8x64xi32, #tpu.memory_space<vmem>> -> memref<1x64xi32, #tpu.memory_space<vmem>>
    %dma_start3A_145 = tpu.memref_squeeze %dma_start3A_144 : memref<1x64xi32, #tpu.memory_space<vmem>> -> memref<64xi32, #tpu.memory_space<vmem>>
    %dma_start3A_146 = tpu.memref_slice %arg3[%multiple_of3A_137] : memref<327680xi32, #tpu.memory_space<hbm>> -> memref<64xi32, #tpu.memory_space<hbm>>
    tpu.enqueue_dma source(%dma_start3A_146 : memref<64xi32, #tpu.memory_space<hbm>>) target(%dma_start3A_145 : memref<64xi32, #tpu.memory_space<vmem>>) target_semaphore(%arg15 : memref<!tpu.dma_semaphore, #tpu.memory_space<semaphore_mem>>)
    %dma_start3A_147 = arith.constant 4 : i32
    %dma_start3A_148 = arith.constant 0 : i32
    %dma_start3A_149 = tpu.memref_slice %arg8[%dma_start3A_147, %dma_start3A_148] : memref<8x64xi32, #tpu.memory_space<vmem>> -> memref<1x64xi32, #tpu.memory_space<vmem>>
    %dma_start3A_150 = tpu.memref_squeeze %dma_start3A_149 : memref<1x64xi32, #tpu.memory_space<vmem>> -> memref<64xi32, #tpu.memory_space<vmem>>
    %dma_start3A_151 = tpu.memref_slice %arg4[%multiple_of3A_137] : memref<327680xi32, #tpu.memory_space<hbm>> -> memref<64xi32, #tpu.memory_space<hbm>>
    %dma_start3A_152 = arith.constant 0 : i32
    %dma_start3A_153 = tpu.memref_slice %arg8[%dma_start3A_147, %dma_start3A_152] : memref<8x64xi32, #tpu.memory_space<vmem>> -> memref<1x64xi32, #tpu.memory_space<vmem>>
    %dma_start3A_154 = tpu.memref_squeeze %dma_start3A_153 : memref<1x64xi32, #tpu.memory_space<vmem>> -> memref<64xi32, #tpu.memory_space<vmem>>
    %dma_start3A_155 = tpu.memref_slice %arg4[%multiple_of3A_137] : memref<327680xi32, #tpu.memory_space<hbm>> -> memref<64xi32, #tpu.memory_space<hbm>>
    tpu.enqueue_dma source(%dma_start3A_155 : memref<64xi32, #tpu.memory_space<hbm>>) target(%dma_start3A_154 : memref<64xi32, #tpu.memory_space<vmem>>) target_semaphore(%arg15 : memref<!tpu.dma_semaphore, #tpu.memory_space<semaphore_mem>>)
    %dma_wait3A_156 = arith.constant 1 : i32
    %dma_wait3A_157 = arith.constant 1 : i32
    %dma_wait3A_158 = arith.constant 0 : i32
    %dma_wait3A_159 = arith.constant 0 : i32
    %dma_wait3A_160 = tpu.memref_slice %arg9[%dma_wait3A_157, %dma_wait3A_158, %dma_wait3A_159] : memref<4x64x128xf32, #tpu.memory_space<vmem>> -> memref<1x64x128xf32, #tpu.memory_space<vmem>>
    %dma_wait3A_161 = tpu.memref_squeeze %dma_wait3A_160 : memref<1x64x128xf32, #tpu.memory_space<vmem>> -> memref<64x128xf32, #tpu.memory_space<vmem>>
    %dma_wait3A_162 = arith.constant 0 : i32
    %dma_wait3A_163 = tpu.memref_slice %arg7[%dma_wait3A_156, %dma_wait3A_162] : memref<8x64xi32, #tpu.memory_space<vmem>> -> memref<1x64xi32, #tpu.memory_space<vmem>>
    %dma_wait3A_164 = tpu.memref_squeeze %dma_wait3A_163 : memref<1x64xi32, #tpu.memory_space<vmem>> -> memref<64xi32, #tpu.memory_space<vmem>>
    %dma_wait3A_165 = arith.constant 0 : i32
    %dma_wait3A_166 = arith.constant 0 : i32
    %dma_wait3A_167 = tpu.memref_slice %arg2[%dma_wait3A_165, %dma_wait3A_166] : memref<10000x128xf32, #tpu.memory_space<hbm>> -> memref<10000x128xf32, #tpu.memory_space<hbm>>
    tpu.wait_indirect_dma semaphore(%arg12 : memref<!tpu.dma_semaphore, #tpu.memory_space<semaphore_mem>>) src(%dma_wait3A_167 : memref<10000x128xf32, #tpu.memory_space<hbm>>) dst(%dma_wait3A_161 : memref<64x128xf32, #tpu.memory_space<vmem>>)
    %dma_start3A_168 = arith.constant 1 : i32
    %dma_start3A_169 = arith.constant 1 : i32
    %dma_start3A_170 = arith.constant 0 : i32
    %dma_start3A_171 = arith.constant 0 : i32
    %dma_start3A_172 = tpu.memref_slice %arg9[%dma_start3A_168, %dma_start3A_170, %dma_start3A_171] : memref<4x64x128xf32, #tpu.memory_space<vmem>> -> memref<1x64x128xf32, #tpu.memory_space<vmem>>
    %dma_start3A_173 = tpu.memref_squeeze %dma_start3A_172 : memref<1x64x128xf32, #tpu.memory_space<vmem>> -> memref<64x128xf32, #tpu.memory_space<vmem>>
    %dma_start3A_174 = arith.constant 0 : i32
    %dma_start3A_175 = tpu.memref_slice %arg8[%dma_start3A_169, %dma_start3A_174] : memref<8x64xi32, #tpu.memory_space<vmem>> -> memref<1x64xi32, #tpu.memory_space<vmem>>
    %dma_start3A_176 = tpu.memref_squeeze %dma_start3A_175 : memref<1x64xi32, #tpu.memory_space<vmem>> -> memref<64xi32, #tpu.memory_space<vmem>>
    %dma_start3A_177 = arith.constant 0 : i32
    %dma_start3A_178 = arith.constant 0 : i32
    %dma_start3A_179 = tpu.memref_slice %arg10[%dma_start3A_177, %dma_start3A_178] : memref<10240x128xf32, #tpu.memory_space<vmem_shared>> -> memref<10240x128xf32, #tpu.memory_space<vmem_shared>>
    tpu.enqueue_indirect_dma source(%dma_start3A_173 : memref<64x128xf32, #tpu.memory_space<vmem>>) target(%dma_start3A_179 : memref<10240x128xf32, #tpu.memory_space<vmem_shared>>) offsets(%dma_start3A_176 : memref<64xi32, #tpu.memory_space<vmem>>) semaphore(%arg14 : memref<!tpu.dma_semaphore, #tpu.memory_space<semaphore_mem>>) {add = true}
    %add3A_180 = arith.constant 192 : i32
    %add3A_181 = arith.addi %mul3A_4, %add3A_180 : i32
    %multiple_of3A_182 = tpu.assume_multiple %add3A_181, 8 : i32
    %dma_wait3A_183 = arith.constant 3 : i32
    %dma_wait3A_184 = arith.constant 0 : i32
    %dma_wait3A_185 = tpu.memref_slice %arg7[%dma_wait3A_183, %dma_wait3A_184] : memref<8x64xi32, #tpu.memory_space<vmem>> -> memref<1x64xi32, #tpu.memory_space<vmem>>
    %dma_wait3A_186 = tpu.memref_squeeze %dma_wait3A_185 : memref<1x64xi32, #tpu.memory_space<vmem>> -> memref<64xi32, #tpu.memory_space<vmem>>
    %dma_wait3A_187 = tpu.memref_slice %arg3[%multiple_of3A_182] : memref<327680xi32, #tpu.memory_space<hbm>> -> memref<64xi32, #tpu.memory_space<hbm>>
    %dma_wait3A_188 = arith.constant 0 : i32
    %dma_wait3A_189 = tpu.memref_slice %arg7[%dma_wait3A_183, %dma_wait3A_188] : memref<8x64xi32, #tpu.memory_space<vmem>> -> memref<1x64xi32, #tpu.memory_space<vmem>>
    %dma_wait3A_190 = tpu.memref_squeeze %dma_wait3A_189 : memref<1x64xi32, #tpu.memory_space<vmem>> -> memref<64xi32, #tpu.memory_space<vmem>>
    %dma_wait3A_191 = tpu.memref_slice %arg3[%multiple_of3A_182] : memref<327680xi32, #tpu.memory_space<hbm>> -> memref<64xi32, #tpu.memory_space<hbm>>
    tpu.wait_dma2 semaphore(%arg15 : memref<!tpu.dma_semaphore, #tpu.memory_space<semaphore_mem>>) src(%dma_wait3A_191 : memref<64xi32, #tpu.memory_space<hbm>>) dst(%dma_wait3A_190 : memref<64xi32, #tpu.memory_space<vmem>>)
    %dma_wait3A_192 = arith.constant 3 : i32
    %dma_wait3A_193 = arith.constant 0 : i32
    %dma_wait3A_194 = tpu.memref_slice %arg8[%dma_wait3A_192, %dma_wait3A_193] : memref<8x64xi32, #tpu.memory_space<vmem>> -> memref<1x64xi32, #tpu.memory_space<vmem>>
    %dma_wait3A_195 = tpu.memref_squeeze %dma_wait3A_194 : memref<1x64xi32, #tpu.memory_space<vmem>> -> memref<64xi32, #tpu.memory_space<vmem>>
    %dma_wait3A_196 = tpu.memref_slice %arg4[%multiple_of3A_182] : memref<327680xi32, #tpu.memory_space<hbm>> -> memref<64xi32, #tpu.memory_space<hbm>>
    %dma_wait3A_197 = arith.constant 0 : i32
    %dma_wait3A_198 = tpu.memref_slice %arg8[%dma_wait3A_192, %dma_wait3A_197] : memref<8x64xi32, #tpu.memory_space<vmem>> -> memref<1x64xi32, #tpu.memory_space<vmem>>
    %dma_wait3A_199 = tpu.memref_squeeze %dma_wait3A_198 : memref<1x64xi32, #tpu.memory_space<vmem>> -> memref<64xi32, #tpu.memory_space<vmem>>
    %dma_wait3A_200 = tpu.memref_slice %arg4[%multiple_of3A_182] : memref<327680xi32, #tpu.memory_space<hbm>> -> memref<64xi32, #tpu.memory_space<hbm>>
    tpu.wait_dma2 semaphore(%arg15 : memref<!tpu.dma_semaphore, #tpu.memory_space<semaphore_mem>>) src(%dma_wait3A_200 : memref<64xi32, #tpu.memory_space<hbm>>) dst(%dma_wait3A_199 : memref<64xi32, #tpu.memory_space<vmem>>)
    %dma_start3A_201 = arith.constant 3 : i32
    %dma_start3A_202 = arith.constant 3 : i32
    %dma_start3A_203 = arith.constant 0 : i32
    %dma_start3A_204 = arith.constant 0 : i32
    %dma_start3A_205 = tpu.memref_slice %arg9[%dma_start3A_202, %dma_start3A_203, %dma_start3A_204] : memref<4x64x128xf32, #tpu.memory_space<vmem>> -> memref<1x64x128xf32, #tpu.memory_space<vmem>>
    %dma_start3A_206 = tpu.memref_squeeze %dma_start3A_205 : memref<1x64x128xf32, #tpu.memory_space<vmem>> -> memref<64x128xf32, #tpu.memory_space<vmem>>
    %dma_start3A_207 = arith.constant 0 : i32
    %dma_start3A_208 = tpu.memref_slice %arg7[%dma_start3A_201, %dma_start3A_207] : memref<8x64xi32, #tpu.memory_space<vmem>> -> memref<1x64xi32, #tpu.memory_space<vmem>>
    %dma_start3A_209 = tpu.memref_squeeze %dma_start3A_208 : memref<1x64xi32, #tpu.memory_space<vmem>> -> memref<64xi32, #tpu.memory_space<vmem>>
    %dma_start3A_210 = arith.constant 0 : i32
    %dma_start3A_211 = arith.constant 0 : i32
    %dma_start3A_212 = tpu.memref_slice %arg2[%dma_start3A_210, %dma_start3A_211] : memref<10000x128xf32, #tpu.memory_space<hbm>> -> memref<10000x128xf32, #tpu.memory_space<hbm>>
    tpu.enqueue_indirect_dma source(%dma_start3A_212 : memref<10000x128xf32, #tpu.memory_space<hbm>>) target(%dma_start3A_206 : memref<64x128xf32, #tpu.memory_space<vmem>>) offsets(%dma_start3A_209 : memref<64xi32, #tpu.memory_space<vmem>>) semaphore(%arg12 : memref<!tpu.dma_semaphore, #tpu.memory_space<semaphore_mem>>)
    %add3A_213 = arith.constant 320 : i32
    %add3A_214 = arith.addi %mul3A_4, %add3A_213 : i32
    %multiple_of3A_215 = tpu.assume_multiple %add3A_214, 8 : i32
    %dma_start3A_216 = arith.constant 5 : i32
    %dma_start3A_217 = arith.constant 0 : i32
    %dma_start3A_218 = tpu.memref_slice %arg7[%dma_start3A_216, %dma_start3A_217] : memref<8x64xi32, #tpu.memory_space<vmem>> -> memref<1x64xi32, #tpu.memory_space<vmem>>
    %dma_start3A_219 = tpu.memref_squeeze %dma_start3A_218 : memref<1x64xi32, #tpu.memory_space<vmem>> -> memref<64xi32, #tpu.memory_space<vmem>>
    %dma_start3A_220 = tpu.memref_slice %arg3[%multiple_of3A_215] : memref<327680xi32, #tpu.memory_space<hbm>> -> memref<64xi32, #tpu.memory_space<hbm>>
    %dma_start3A_221 = arith.constant 0 : i32
    %dma_start3A_222 = tpu.memref_slice %arg7[%dma_start3A_216, %dma_start3A_221] : memref<8x64xi32, #tpu.memory_space<vmem>> -> memref<1x64xi32, #tpu.memory_space<vmem>>
    %dma_start3A_223 = tpu.memref_squeeze %dma_start3A_222 : memref<1x64xi32, #tpu.memory_space<vmem>> -> memref<64xi32, #tpu.memory_space<vmem>>
    %dma_start3A_224 = tpu.memref_slice %arg3[%multiple_of3A_215] : memref<327680xi32, #tpu.memory_space<hbm>> -> memref<64xi32, #tpu.memory_space<hbm>>
    tpu.enqueue_dma source(%dma_start3A_224 : memref<64xi32, #tpu.memory_space<hbm>>) target(%dma_start3A_223 : memref<64xi32, #tpu.memory_space<vmem>>) target_semaphore(%arg15 : memref<!tpu.dma_semaphore, #tpu.memory_space<semaphore_mem>>)
    %dma_start3A_225 = arith.constant 5 : i32
    %dma_start3A_226 = arith.constant 0 : i32
    %dma_start3A_227 = tpu.memref_slice %arg8[%dma_start3A_225, %dma_start3A_226] : memref<8x64xi32, #tpu.memory_space<vmem>> -> memref<1x64xi32, #tpu.memory_space<vmem>>
    %dma_start3A_228 = tpu.memref_squeeze %dma_start3A_227 : memref<1x64xi32, #tpu.memory_space<vmem>> -> memref<64xi32, #tpu.memory_space<vmem>>
    %dma_start3A_229 = tpu.memref_slice %arg4[%multiple_of3A_215] : memref<327680xi32, #tpu.memory_space<hbm>> -> memref<64xi32, #tpu.memory_space<hbm>>
    %dma_start3A_230 = arith.constant 0 : i32
    %dma_start3A_231 = tpu.memref_slice %arg8[%dma_start3A_225, %dma_start3A_230] : memref<8x64xi32, #tpu.memory_space<vmem>> -> memref<1x64xi32, #tpu.memory_space<vmem>>
    %dma_start3A_232 = tpu.memref_squeeze %dma_start3A_231 : memref<1x64xi32, #tpu.memory_space<vmem>> -> memref<64xi32, #tpu.memory_space<vmem>>
    %dma_start3A_233 = tpu.memref_slice %arg4[%multiple_of3A_215] : memref<327680xi32, #tpu.memory_space<hbm>> -> memref<64xi32, #tpu.memory_space<hbm>>
    tpu.enqueue_dma source(%dma_start3A_233 : memref<64xi32, #tpu.memory_space<hbm>>) target(%dma_start3A_232 : memref<64xi32, #tpu.memory_space<vmem>>) target_semaphore(%arg15 : memref<!tpu.dma_semaphore, #tpu.memory_space<semaphore_mem>>)
    %scan3A = arith.constant 0 : i32
    %scan3A_234 = arith.constant 1 : i32
    %scan3A_235 = arith.constant 79 : i32
    %scan3A_236 = arith.addi %scan3A_234, %scan3A_235 : i32
    %scan3A_237 = arith.constant 1 : i32
    scf.for %scan3A_270 = %scan3A_234 to %scan3A_236 step %scan3A_237  : i32 {
      %mul3A_271 = arith.constant 2 : i32
      %mul3A_272 = arith.muli %mul3A_271, %scan3A_270 : i32
      %jit3A = arith.constant 8 : i32
      %eq3A = arith.constant 0 : i32
      %eq3A_273 = arith.cmpi eq, %jit3A, %eq3A : i32
      %jit3A_274 = arith.constant 1 : i32
      %select_n3A = arith.select %eq3A_273, %jit3A_274, %jit3A : i32
      %rem3A = arith.remsi %mul3A_272, %select_n3A : i32
      %ne3A = arith.constant 0 : i32
      %ne3A_275 = arith.cmpi ne, %rem3A, %ne3A : i32
      %lt3A = arith.constant 0 : i32
      %lt3A_276 = arith.cmpi slt, %rem3A, %lt3A : i32
      %lt3A_277 = arith.constant 0 : i32
      %lt3A_278 = arith.cmpi slt, %select_n3A, %lt3A_277 : i32
      %ne3A_279 = arith.xori %lt3A_276, %lt3A_278 : i1
      %and3A = arith.andi %ne3A_279, %ne3A_275 : i1
      %add3A_280 = arith.addi %rem3A, %select_n3A : i32
      %select_n3A_281 = arith.select %and3A, %add3A_280, %rem3A : i32
      %jit3A_282 = arith.constant 4 : i32
      %eq3A_283 = arith.constant 0 : i32
      %eq3A_284 = arith.cmpi eq, %jit3A_282, %eq3A_283 : i32
      %jit3A_285 = arith.constant 1 : i32
      %select_n3A_286 = arith.select %eq3A_284, %jit3A_285, %jit3A_282 : i32
      %rem3A_287 = arith.remsi %mul3A_272, %select_n3A_286 : i32
      %ne3A_288 = arith.constant 0 : i32
      %ne3A_289 = arith.cmpi ne, %rem3A_287, %ne3A_288 : i32
      %lt3A_290 = arith.constant 0 : i32
      %lt3A_291 = arith.cmpi slt, %rem3A_287, %lt3A_290 : i32
      %lt3A_292 = arith.constant 0 : i32
      %lt3A_293 = arith.cmpi slt, %select_n3A_286, %lt3A_292 : i32
      %ne3A_294 = arith.xori %lt3A_291, %lt3A_293 : i1
      %and3A_295 = arith.andi %ne3A_294, %ne3A_289 : i1
      %add3A_296 = arith.addi %rem3A_287, %select_n3A_286 : i32
      %select_n3A_297 = arith.select %and3A_295, %add3A_296, %rem3A_287 : i32
      %dma_wait3A_298 = arith.constant 0 : i32
      %dma_wait3A_299 = arith.constant 0 : i32
      %dma_wait3A_300 = tpu.memref_slice %arg9[%select_n3A_297, %dma_wait3A_298, %dma_wait3A_299] : memref<4x64x128xf32, #tpu.memory_space<vmem>> -> memref<1x64x128xf32, #tpu.memory_space<vmem>>
      %dma_wait3A_301 = tpu.memref_squeeze %dma_wait3A_300 : memref<1x64x128xf32, #tpu.memory_space<vmem>> -> memref<64x128xf32, #tpu.memory_space<vmem>>
      %dma_wait3A_302 = arith.constant 0 : i32
      %dma_wait3A_303 = tpu.memref_slice %arg7[%select_n3A_281, %dma_wait3A_302] : memref<8x64xi32, #tpu.memory_space<vmem>> -> memref<1x64xi32, #tpu.memory_space<vmem>>
      %dma_wait3A_304 = tpu.memref_squeeze %dma_wait3A_303 : memref<1x64xi32, #tpu.memory_space<vmem>> -> memref<64xi32, #tpu.memory_space<vmem>>
      %dma_wait3A_305 = arith.constant 0 : i32
      %dma_wait3A_306 = arith.constant 0 : i32
      %dma_wait3A_307 = tpu.memref_slice %arg2[%dma_wait3A_305, %dma_wait3A_306] : memref<10000x128xf32, #tpu.memory_space<hbm>> -> memref<10000x128xf32, #tpu.memory_space<hbm>>
      tpu.wait_indirect_dma semaphore(%arg11 : memref<!tpu.dma_semaphore, #tpu.memory_space<semaphore_mem>>) src(%dma_wait3A_307 : memref<10000x128xf32, #tpu.memory_space<hbm>>) dst(%dma_wait3A_301 : memref<64x128xf32, #tpu.memory_space<vmem>>)
      %sub3A = arith.constant 2 : i32
      %sub3A_308 = arith.subi %mul3A_272, %sub3A : i32
      %jit3A_309 = arith.constant 4 : i32
      %eq3A_310 = arith.constant 0 : i32
      %eq3A_311 = arith.cmpi eq, %jit3A_309, %eq3A_310 : i32
      %jit3A_312 = arith.constant 1 : i32
      %select_n3A_313 = arith.select %eq3A_311, %jit3A_312, %jit3A_309 : i32
      %rem3A_314 = arith.remsi %sub3A_308, %select_n3A_313 : i32
      %ne3A_315 = arith.constant 0 : i32
      %ne3A_316 = arith.cmpi ne, %rem3A_314, %ne3A_315 : i32
      %lt3A_317 = arith.constant 0 : i32
      %lt3A_318 = arith.cmpi slt, %rem3A_314, %lt3A_317 : i32
      %lt3A_319 = arith.constant 0 : i32
      %lt3A_320 = arith.cmpi slt, %select_n3A_313, %lt3A_319 : i32
      %ne3A_321 = arith.xori %lt3A_318, %lt3A_320 : i1
      %and3A_322 = arith.andi %ne3A_321, %ne3A_316 : i1
      %add3A_323 = arith.addi %rem3A_314, %select_n3A_313 : i32
      %select_n3A_324 = arith.select %and3A_322, %add3A_323, %rem3A_314 : i32
      %dma_wait3A_325 = arith.constant 0 : i32
      %dma_wait3A_326 = arith.constant 0 : i32
      %dma_wait3A_327 = tpu.memref_slice %arg9[%select_n3A_324, %dma_wait3A_325, %dma_wait3A_326] : memref<4x64x128xf32, #tpu.memory_space<vmem>> -> memref<1x64x128xf32, #tpu.memory_space<vmem>>
      %dma_wait3A_328 = tpu.memref_squeeze %dma_wait3A_327 : memref<1x64x128xf32, #tpu.memory_space<vmem>> -> memref<64x128xf32, #tpu.memory_space<vmem>>
      %dma_wait3A_329 = arith.constant 0 : i32
      %dma_wait3A_330 = arith.constant 0 : i32
      %dma_wait3A_331 = tpu.memref_slice %arg5[%dma_wait3A_329, %dma_wait3A_330] : memref<640x128xf32, #tpu.memory_space<hbm>> -> memref<64x128xf32, #tpu.memory_space<hbm>>
      %dma_wait3A_332 = arith.constant 0 : i32
      %dma_wait3A_333 = arith.constant 0 : i32
      %dma_wait3A_334 = tpu.memref_slice %arg9[%select_n3A_324, %dma_wait3A_332, %dma_wait3A_333] : memref<4x64x128xf32, #tpu.memory_space<vmem>> -> memref<1x64x128xf32, #tpu.memory_space<vmem>>
      %dma_wait3A_335 = tpu.memref_squeeze %dma_wait3A_334 : memref<1x64x128xf32, #tpu.memory_space<vmem>> -> memref<64x128xf32, #tpu.memory_space<vmem>>
      %dma_wait3A_336 = arith.constant 0 : i32
      %dma_wait3A_337 = arith.constant 0 : i32
      %dma_wait3A_338 = tpu.memref_slice %arg5[%dma_wait3A_336, %dma_wait3A_337] : memref<640x128xf32, #tpu.memory_space<hbm>> -> memref<64x128xf32, #tpu.memory_space<hbm>>
      tpu.wait_dma2 semaphore(%arg13 : memref<!tpu.dma_semaphore, #tpu.memory_space<semaphore_mem>>) src(%dma_wait3A_338 : memref<64x128xf32, #tpu.memory_space<hbm>>) dst(%dma_wait3A_335 : memref<64x128xf32, #tpu.memory_space<vmem>>)
      %jit3A_339 = arith.constant 4 : i32
      %eq3A_340 = arith.constant 0 : i32
      %eq3A_341 = arith.cmpi eq, %jit3A_339, %eq3A_340 : i32
      %jit3A_342 = arith.constant 1 : i32
      %select_n3A_343 = arith.select %eq3A_341, %jit3A_342, %jit3A_339 : i32
      %rem3A_344 = arith.remsi %mul3A_272, %select_n3A_343 : i32
      %ne3A_345 = arith.constant 0 : i32
      %ne3A_346 = arith.cmpi ne, %rem3A_344, %ne3A_345 : i32
      %lt3A_347 = arith.constant 0 : i32
      %lt3A_348 = arith.cmpi slt, %rem3A_344, %lt3A_347 : i32
      %lt3A_349 = arith.constant 0 : i32
      %lt3A_350 = arith.cmpi slt, %select_n3A_343, %lt3A_349 : i32
      %ne3A_351 = arith.xori %lt3A_348, %lt3A_350 : i1
      %and3A_352 = arith.andi %ne3A_351, %ne3A_346 : i1
      %add3A_353 = arith.addi %rem3A_344, %select_n3A_343 : i32
      %select_n3A_354 = arith.select %and3A_352, %add3A_353, %rem3A_344 : i32
      %jit3A_355 = arith.constant 8 : i32
      %eq3A_356 = arith.constant 0 : i32
      %eq3A_357 = arith.cmpi eq, %jit3A_355, %eq3A_356 : i32
      %jit3A_358 = arith.constant 1 : i32
      %select_n3A_359 = arith.select %eq3A_357, %jit3A_358, %jit3A_355 : i32
      %rem3A_360 = arith.remsi %mul3A_272, %select_n3A_359 : i32
      %ne3A_361 = arith.constant 0 : i32
      %ne3A_362 = arith.cmpi ne, %rem3A_360, %ne3A_361 : i32
      %lt3A_363 = arith.constant 0 : i32
      %lt3A_364 = arith.cmpi slt, %rem3A_360, %lt3A_363 : i32
      %lt3A_365 = arith.constant 0 : i32
      %lt3A_366 = arith.cmpi slt, %select_n3A_359, %lt3A_365 : i32
      %ne3A_367 = arith.xori %lt3A_364, %lt3A_366 : i1
      %and3A_368 = arith.andi %ne3A_367, %ne3A_362 : i1
      %add3A_369 = arith.addi %rem3A_360, %select_n3A_359 : i32
      %select_n3A_370 = arith.select %and3A_368, %add3A_369, %rem3A_360 : i32
      %dma_start3A_371 = arith.constant 0 : i32
      %dma_start3A_372 = arith.constant 0 : i32
      %dma_start3A_373 = tpu.memref_slice %arg9[%select_n3A_354, %dma_start3A_371, %dma_start3A_372] : memref<4x64x128xf32, #tpu.memory_space<vmem>> -> memref<1x64x128xf32, #tpu.memory_space<vmem>>
      %dma_start3A_374 = tpu.memref_squeeze %dma_start3A_373 : memref<1x64x128xf32, #tpu.memory_space<vmem>> -> memref<64x128xf32, #tpu.memory_space<vmem>>
      %dma_start3A_375 = arith.constant 0 : i32
      %dma_start3A_376 = tpu.memref_slice %arg8[%select_n3A_370, %dma_start3A_375] : memref<8x64xi32, #tpu.memory_space<vmem>> -> memref<1x64xi32, #tpu.memory_space<vmem>>
      %dma_start3A_377 = tpu.memref_squeeze %dma_start3A_376 : memref<1x64xi32, #tpu.memory_space<vmem>> -> memref<64xi32, #tpu.memory_space<vmem>>
      %dma_start3A_378 = arith.constant 0 : i32
      %dma_start3A_379 = arith.constant 0 : i32
      %dma_start3A_380 = tpu.memref_slice %arg10[%dma_start3A_378, %dma_start3A_379] : memref<10240x128xf32, #tpu.memory_space<vmem_shared>> -> memref<10240x128xf32, #tpu.memory_space<vmem_shared>>
      tpu.enqueue_indirect_dma source(%dma_start3A_374 : memref<64x128xf32, #tpu.memory_space<vmem>>) target(%dma_start3A_380 : memref<10240x128xf32, #tpu.memory_space<vmem_shared>>) offsets(%dma_start3A_377 : memref<64xi32, #tpu.memory_space<vmem>>) semaphore(%arg13 : memref<!tpu.dma_semaphore, #tpu.memory_space<semaphore_mem>>) {add = true}
      %add3A_381 = arith.constant 2 : i32
      %add3A_382 = arith.addi %mul3A_272, %add3A_381 : i32
      %lt3A_383 = arith.constant 160 : i32
      %lt3A_384 = arith.cmpi slt, %add3A_382, %lt3A_383 : i32
      %convert_element_type3A = arith.extui %lt3A_384 : i1 to i32
      %cond3A = arith.constant 0 : i32
      %cond3A_385 = arith.cmpi ne, %convert_element_type3A, %cond3A : i32
      scf.if %cond3A_385 {
        %add3A_527 = arith.constant 2 : i32
        %add3A_528 = arith.addi %mul3A_272, %add3A_527 : i32
        %jit3A_529 = arith.constant 8 : i32
        %eq3A_530 = arith.constant 0 : i32
        %eq3A_531 = arith.cmpi eq, %jit3A_529, %eq3A_530 : i32
        %jit3A_532 = arith.constant 1 : i32
        %select_n3A_533 = arith.select %eq3A_531, %jit3A_532, %jit3A_529 : i32
        %rem3A_534 = arith.remsi %add3A_528, %select_n3A_533 : i32
        %ne3A_535 = arith.constant 0 : i32
        %ne3A_536 = arith.cmpi ne, %rem3A_534, %ne3A_535 : i32
        %lt3A_537 = arith.constant 0 : i32
        %lt3A_538 = arith.cmpi slt, %rem3A_534, %lt3A_537 : i32
        %lt3A_539 = arith.constant 0 : i32
        %lt3A_540 = arith.cmpi slt, %select_n3A_533, %lt3A_539 : i32
        %ne3A_541 = arith.xori %lt3A_538, %lt3A_540 : i1
        %and3A_542 = arith.andi %ne3A_541, %ne3A_536 : i1
        %add3A_543 = arith.addi %rem3A_534, %select_n3A_533 : i32
        %select_n3A_544 = arith.select %and3A_542, %add3A_543, %rem3A_534 : i32
        %mul3A_545 = arith.constant 64 : i32
        %mul3A_546 = arith.muli %add3A_528, %mul3A_545 : i32
        %add3A_547 = arith.addi %mul3A_4, %mul3A_546 : i32
        %multiple_of3A_548 = tpu.assume_multiple %add3A_547, 8 : i32
        %dma_wait3A_549 = arith.constant 0 : i32
        %dma_wait3A_550 = tpu.memref_slice %arg7[%select_n3A_544, %dma_wait3A_549] : memref<8x64xi32, #tpu.memory_space<vmem>> -> memref<1x64xi32, #tpu.memory_space<vmem>>
        %dma_wait3A_551 = tpu.memref_squeeze %dma_wait3A_550 : memref<1x64xi32, #tpu.memory_space<vmem>> -> memref<64xi32, #tpu.memory_space<vmem>>
        %dma_wait3A_552 = tpu.memref_slice %arg3[%multiple_of3A_548] : memref<327680xi32, #tpu.memory_space<hbm>> -> memref<64xi32, #tpu.memory_space<hbm>>
        %dma_wait3A_553 = arith.constant 0 : i32
        %dma_wait3A_554 = tpu.memref_slice %arg7[%select_n3A_544, %dma_wait3A_553] : memref<8x64xi32, #tpu.memory_space<vmem>> -> memref<1x64xi32, #tpu.memory_space<vmem>>
        %dma_wait3A_555 = tpu.memref_squeeze %dma_wait3A_554 : memref<1x64xi32, #tpu.memory_space<vmem>> -> memref<64xi32, #tpu.memory_space<vmem>>
        %dma_wait3A_556 = tpu.memref_slice %arg3[%multiple_of3A_548] : memref<327680xi32, #tpu.memory_space<hbm>> -> memref<64xi32, #tpu.memory_space<hbm>>
        tpu.wait_dma2 semaphore(%arg15 : memref<!tpu.dma_semaphore, #tpu.memory_space<semaphore_mem>>) src(%dma_wait3A_556 : memref<64xi32, #tpu.memory_space<hbm>>) dst(%dma_wait3A_555 : memref<64xi32, #tpu.memory_space<vmem>>)
        %dma_wait3A_557 = arith.constant 0 : i32
        %dma_wait3A_558 = tpu.memref_slice %arg8[%select_n3A_544, %dma_wait3A_557] : memref<8x64xi32, #tpu.memory_space<vmem>> -> memref<1x64xi32, #tpu.memory_space<vmem>>
        %dma_wait3A_559 = tpu.memref_squeeze %dma_wait3A_558 : memref<1x64xi32, #tpu.memory_space<vmem>> -> memref<64xi32, #tpu.memory_space<vmem>>
        %dma_wait3A_560 = tpu.memref_slice %arg4[%multiple_of3A_548] : memref<327680xi32, #tpu.memory_space<hbm>> -> memref<64xi32, #tpu.memory_space<hbm>>
        %dma_wait3A_561 = arith.constant 0 : i32
        %dma_wait3A_562 = tpu.memref_slice %arg8[%select_n3A_544, %dma_wait3A_561] : memref<8x64xi32, #tpu.memory_space<vmem>> -> memref<1x64xi32, #tpu.memory_space<vmem>>
        %dma_wait3A_563 = tpu.memref_squeeze %dma_wait3A_562 : memref<1x64xi32, #tpu.memory_space<vmem>> -> memref<64xi32, #tpu.memory_space<vmem>>
        %dma_wait3A_564 = tpu.memref_slice %arg4[%multiple_of3A_548] : memref<327680xi32, #tpu.memory_space<hbm>> -> memref<64xi32, #tpu.memory_space<hbm>>
        tpu.wait_dma2 semaphore(%arg15 : memref<!tpu.dma_semaphore, #tpu.memory_space<semaphore_mem>>) src(%dma_wait3A_564 : memref<64xi32, #tpu.memory_space<hbm>>) dst(%dma_wait3A_563 : memref<64xi32, #tpu.memory_space<vmem>>)
        %add3A_565 = arith.constant 2 : i32
        %add3A_566 = arith.addi %mul3A_272, %add3A_565 : i32
        %jit3A_567 = arith.constant 8 : i32
        %eq3A_568 = arith.constant 0 : i32
        %eq3A_569 = arith.cmpi eq, %jit3A_567, %eq3A_568 : i32
        %jit3A_570 = arith.constant 1 : i32
        %select_n3A_571 = arith.select %eq3A_569, %jit3A_570, %jit3A_567 : i32
        %rem3A_572 = arith.remsi %add3A_566, %select_n3A_571 : i32
        %ne3A_573 = arith.constant 0 : i32
        %ne3A_574 = arith.cmpi ne, %rem3A_572, %ne3A_573 : i32
        %lt3A_575 = arith.constant 0 : i32
        %lt3A_576 = arith.cmpi slt, %rem3A_572, %lt3A_575 : i32
        %lt3A_577 = arith.constant 0 : i32
        %lt3A_578 = arith.cmpi slt, %select_n3A_571, %lt3A_577 : i32
        %ne3A_579 = arith.xori %lt3A_576, %lt3A_578 : i1
        %and3A_580 = arith.andi %ne3A_579, %ne3A_574 : i1
        %add3A_581 = arith.addi %rem3A_572, %select_n3A_571 : i32
        %select_n3A_582 = arith.select %and3A_580, %add3A_581, %rem3A_572 : i32
        %jit3A_583 = arith.constant 4 : i32
        %eq3A_584 = arith.constant 0 : i32
        %eq3A_585 = arith.cmpi eq, %jit3A_583, %eq3A_584 : i32
        %jit3A_586 = arith.constant 1 : i32
        %select_n3A_587 = arith.select %eq3A_585, %jit3A_586, %jit3A_583 : i32
        %rem3A_588 = arith.remsi %add3A_566, %select_n3A_587 : i32
        %ne3A_589 = arith.constant 0 : i32
        %ne3A_590 = arith.cmpi ne, %rem3A_588, %ne3A_589 : i32
        %lt3A_591 = arith.constant 0 : i32
        %lt3A_592 = arith.cmpi slt, %rem3A_588, %lt3A_591 : i32
        %lt3A_593 = arith.constant 0 : i32
        %lt3A_594 = arith.cmpi slt, %select_n3A_587, %lt3A_593 : i32
        %ne3A_595 = arith.xori %lt3A_592, %lt3A_594 : i1
        %and3A_596 = arith.andi %ne3A_595, %ne3A_590 : i1
        %add3A_597 = arith.addi %rem3A_588, %select_n3A_587 : i32
        %select_n3A_598 = arith.select %and3A_596, %add3A_597, %rem3A_588 : i32
        %dma_start3A_599 = arith.constant 0 : i32
        %dma_start3A_600 = arith.constant 0 : i32
        %dma_start3A_601 = tpu.memref_slice %arg9[%select_n3A_598, %dma_start3A_599, %dma_start3A_600] : memref<4x64x128xf32, #tpu.memory_space<vmem>> -> memref<1x64x128xf32, #tpu.memory_space<vmem>>
        %dma_start3A_602 = tpu.memref_squeeze %dma_start3A_601 : memref<1x64x128xf32, #tpu.memory_space<vmem>> -> memref<64x128xf32, #tpu.memory_space<vmem>>
        %dma_start3A_603 = arith.constant 0 : i32
        %dma_start3A_604 = tpu.memref_slice %arg7[%select_n3A_582, %dma_start3A_603] : memref<8x64xi32, #tpu.memory_space<vmem>> -> memref<1x64xi32, #tpu.memory_space<vmem>>
        %dma_start3A_605 = tpu.memref_squeeze %dma_start3A_604 : memref<1x64xi32, #tpu.memory_space<vmem>> -> memref<64xi32, #tpu.memory_space<vmem>>
        %dma_start3A_606 = arith.constant 0 : i32
        %dma_start3A_607 = arith.constant 0 : i32
        %dma_start3A_608 = tpu.memref_slice %arg2[%dma_start3A_606, %dma_start3A_607] : memref<10000x128xf32, #tpu.memory_space<hbm>> -> memref<10000x128xf32, #tpu.memory_space<hbm>>
        tpu.enqueue_indirect_dma source(%dma_start3A_608 : memref<10000x128xf32, #tpu.memory_space<hbm>>) target(%dma_start3A_602 : memref<64x128xf32, #tpu.memory_space<vmem>>) offsets(%dma_start3A_605 : memref<64xi32, #tpu.memory_space<vmem>>) semaphore(%arg11 : memref<!tpu.dma_semaphore, #tpu.memory_space<semaphore_mem>>)
      } else {
      }
      %add3A_386 = arith.constant 4 : i32
      %add3A_387 = arith.addi %mul3A_272, %add3A_386 : i32
      %lt3A_388 = arith.constant 160 : i32
      %lt3A_389 = arith.cmpi slt, %add3A_387, %lt3A_388 : i32
      %convert_element_type3A_390 = arith.extui %lt3A_389 : i1 to i32
      %cond3A_391 = arith.constant 0 : i32
      %cond3A_392 = arith.cmpi ne, %convert_element_type3A_390, %cond3A_391 : i32
      scf.if %cond3A_392 {
        %add3A_527 = arith.constant 4 : i32
        %add3A_528 = arith.addi %mul3A_272, %add3A_527 : i32
        %jit3A_529 = arith.constant 8 : i32
        %eq3A_530 = arith.constant 0 : i32
        %eq3A_531 = arith.cmpi eq, %jit3A_529, %eq3A_530 : i32
        %jit3A_532 = arith.constant 1 : i32
        %select_n3A_533 = arith.select %eq3A_531, %jit3A_532, %jit3A_529 : i32
        %rem3A_534 = arith.remsi %add3A_528, %select_n3A_533 : i32
        %ne3A_535 = arith.constant 0 : i32
        %ne3A_536 = arith.cmpi ne, %rem3A_534, %ne3A_535 : i32
        %lt3A_537 = arith.constant 0 : i32
        %lt3A_538 = arith.cmpi slt, %rem3A_534, %lt3A_537 : i32
        %lt3A_539 = arith.constant 0 : i32
        %lt3A_540 = arith.cmpi slt, %select_n3A_533, %lt3A_539 : i32
        %ne3A_541 = arith.xori %lt3A_538, %lt3A_540 : i1
        %and3A_542 = arith.andi %ne3A_541, %ne3A_536 : i1
        %add3A_543 = arith.addi %rem3A_534, %select_n3A_533 : i32
        %select_n3A_544 = arith.select %and3A_542, %add3A_543, %rem3A_534 : i32
        %mul3A_545 = arith.constant 64 : i32
        %mul3A_546 = arith.muli %add3A_528, %mul3A_545 : i32
        %add3A_547 = arith.addi %mul3A_4, %mul3A_546 : i32
        %multiple_of3A_548 = tpu.assume_multiple %add3A_547, 8 : i32
        %dma_start3A_549 = arith.constant 0 : i32
        %dma_start3A_550 = tpu.memref_slice %arg7[%select_n3A_544, %dma_start3A_549] : memref<8x64xi32, #tpu.memory_space<vmem>> -> memref<1x64xi32, #tpu.memory_space<vmem>>
        %dma_start3A_551 = tpu.memref_squeeze %dma_start3A_550 : memref<1x64xi32, #tpu.memory_space<vmem>> -> memref<64xi32, #tpu.memory_space<vmem>>
        %dma_start3A_552 = tpu.memref_slice %arg3[%multiple_of3A_548] : memref<327680xi32, #tpu.memory_space<hbm>> -> memref<64xi32, #tpu.memory_space<hbm>>
        %dma_start3A_553 = arith.constant 0 : i32
        %dma_start3A_554 = tpu.memref_slice %arg7[%select_n3A_544, %dma_start3A_553] : memref<8x64xi32, #tpu.memory_space<vmem>> -> memref<1x64xi32, #tpu.memory_space<vmem>>
        %dma_start3A_555 = tpu.memref_squeeze %dma_start3A_554 : memref<1x64xi32, #tpu.memory_space<vmem>> -> memref<64xi32, #tpu.memory_space<vmem>>
        %dma_start3A_556 = tpu.memref_slice %arg3[%multiple_of3A_548] : memref<327680xi32, #tpu.memory_space<hbm>> -> memref<64xi32, #tpu.memory_space<hbm>>
        tpu.enqueue_dma source(%dma_start3A_556 : memref<64xi32, #tpu.memory_space<hbm>>) target(%dma_start3A_555 : memref<64xi32, #tpu.memory_space<vmem>>) target_semaphore(%arg15 : memref<!tpu.dma_semaphore, #tpu.memory_space<semaphore_mem>>)
        %dma_start3A_557 = arith.constant 0 : i32
        %dma_start3A_558 = tpu.memref_slice %arg8[%select_n3A_544, %dma_start3A_557] : memref<8x64xi32, #tpu.memory_space<vmem>> -> memref<1x64xi32, #tpu.memory_space<vmem>>
        %dma_start3A_559 = tpu.memref_squeeze %dma_start3A_558 : memref<1x64xi32, #tpu.memory_space<vmem>> -> memref<64xi32, #tpu.memory_space<vmem>>
        %dma_start3A_560 = tpu.memref_slice %arg4[%multiple_of3A_548] : memref<327680xi32, #tpu.memory_space<hbm>> -> memref<64xi32, #tpu.memory_space<hbm>>
        %dma_start3A_561 = arith.constant 0 : i32
        %dma_start3A_562 = tpu.memref_slice %arg8[%select_n3A_544, %dma_start3A_561] : memref<8x64xi32, #tpu.memory_space<vmem>> -> memref<1x64xi32, #tpu.memory_space<vmem>>
        %dma_start3A_563 = tpu.memref_squeeze %dma_start3A_562 : memref<1x64xi32, #tpu.memory_space<vmem>> -> memref<64xi32, #tpu.memory_space<vmem>>
        %dma_start3A_564 = tpu.memref_slice %arg4[%multiple_of3A_548] : memref<327680xi32, #tpu.memory_space<hbm>> -> memref<64xi32, #tpu.memory_space<hbm>>
        tpu.enqueue_dma source(%dma_start3A_564 : memref<64xi32, #tpu.memory_space<hbm>>) target(%dma_start3A_563 : memref<64xi32, #tpu.memory_space<vmem>>) target_semaphore(%arg15 : memref<!tpu.dma_semaphore, #tpu.memory_space<semaphore_mem>>)
      } else {
      }
      %mul3A_393 = arith.constant 2 : i32
      %mul3A_394 = arith.muli %mul3A_393, %scan3A_270 : i32
      %add3A_395 = arith.constant 1 : i32
      %add3A_396 = arith.addi %mul3A_394, %add3A_395 : i32
      %jit3A_397 = arith.constant 8 : i32
      %eq3A_398 = arith.constant 0 : i32
      %eq3A_399 = arith.cmpi eq, %jit3A_397, %eq3A_398 : i32
      %jit3A_400 = arith.constant 1 : i32
      %select_n3A_401 = arith.select %eq3A_399, %jit3A_400, %jit3A_397 : i32
      %rem3A_402 = arith.remsi %add3A_396, %select_n3A_401 : i32
      %ne3A_403 = arith.constant 0 : i32
      %ne3A_404 = arith.cmpi ne, %rem3A_402, %ne3A_403 : i32
      %lt3A_405 = arith.constant 0 : i32
      %lt3A_406 = arith.cmpi slt, %rem3A_402, %lt3A_405 : i32
      %lt3A_407 = arith.constant 0 : i32
      %lt3A_408 = arith.cmpi slt, %select_n3A_401, %lt3A_407 : i32
      %ne3A_409 = arith.xori %lt3A_406, %lt3A_408 : i1
      %and3A_410 = arith.andi %ne3A_409, %ne3A_404 : i1
      %add3A_411 = arith.addi %rem3A_402, %select_n3A_401 : i32
      %select_n3A_412 = arith.select %and3A_410, %add3A_411, %rem3A_402 : i32
      %jit3A_413 = arith.constant 4 : i32
      %eq3A_414 = arith.constant 0 : i32
      %eq3A_415 = arith.cmpi eq, %jit3A_413, %eq3A_414 : i32
      %jit3A_416 = arith.constant 1 : i32
      %select_n3A_417 = arith.select %eq3A_415, %jit3A_416, %jit3A_413 : i32
      %rem3A_418 = arith.remsi %add3A_396, %select_n3A_417 : i32
      %ne3A_419 = arith.constant 0 : i32
      %ne3A_420 = arith.cmpi ne, %rem3A_418, %ne3A_419 : i32
      %lt3A_421 = arith.constant 0 : i32
      %lt3A_422 = arith.cmpi slt, %rem3A_418, %lt3A_421 : i32
      %lt3A_423 = arith.constant 0 : i32
      %lt3A_424 = arith.cmpi slt, %select_n3A_417, %lt3A_423 : i32
      %ne3A_425 = arith.xori %lt3A_422, %lt3A_424 : i1
      %and3A_426 = arith.andi %ne3A_425, %ne3A_420 : i1
      %add3A_427 = arith.addi %rem3A_418, %select_n3A_417 : i32
      %select_n3A_428 = arith.select %and3A_426, %add3A_427, %rem3A_418 : i32
      %dma_wait3A_429 = arith.constant 0 : i32
      %dma_wait3A_430 = arith.constant 0 : i32
      %dma_wait3A_431 = tpu.memref_slice %arg9[%select_n3A_428, %dma_wait3A_429, %dma_wait3A_430] : memref<4x64x128xf32, #tpu.memory_space<vmem>> -> memref<1x64x128xf32, #tpu.memory_space<vmem>>
      %dma_wait3A_432 = tpu.memref_squeeze %dma_wait3A_431 : memref<1x64x128xf32, #tpu.memory_space<vmem>> -> memref<64x128xf32, #tpu.memory_space<vmem>>
      %dma_wait3A_433 = arith.constant 0 : i32
      %dma_wait3A_434 = tpu.memref_slice %arg7[%select_n3A_412, %dma_wait3A_433] : memref<8x64xi32, #tpu.memory_space<vmem>> -> memref<1x64xi32, #tpu.memory_space<vmem>>
      %dma_wait3A_435 = tpu.memref_squeeze %dma_wait3A_434 : memref<1x64xi32, #tpu.memory_space<vmem>> -> memref<64xi32, #tpu.memory_space<vmem>>
      %dma_wait3A_436 = arith.constant 0 : i32
      %dma_wait3A_437 = arith.constant 0 : i32
      %dma_wait3A_438 = tpu.memref_slice %arg2[%dma_wait3A_436, %dma_wait3A_437] : memref<10000x128xf32, #tpu.memory_space<hbm>> -> memref<10000x128xf32, #tpu.memory_space<hbm>>
      tpu.wait_indirect_dma semaphore(%arg12 : memref<!tpu.dma_semaphore, #tpu.memory_space<semaphore_mem>>) src(%dma_wait3A_438 : memref<10000x128xf32, #tpu.memory_space<hbm>>) dst(%dma_wait3A_432 : memref<64x128xf32, #tpu.memory_space<vmem>>)
      %sub3A_439 = arith.constant 2 : i32
      %sub3A_440 = arith.subi %add3A_396, %sub3A_439 : i32
      %jit3A_441 = arith.constant 4 : i32
      %eq3A_442 = arith.constant 0 : i32
      %eq3A_443 = arith.cmpi eq, %jit3A_441, %eq3A_442 : i32
      %jit3A_444 = arith.constant 1 : i32
      %select_n3A_445 = arith.select %eq3A_443, %jit3A_444, %jit3A_441 : i32
      %rem3A_446 = arith.remsi %sub3A_440, %select_n3A_445 : i32
      %ne3A_447 = arith.constant 0 : i32
      %ne3A_448 = arith.cmpi ne, %rem3A_446, %ne3A_447 : i32
      %lt3A_449 = arith.constant 0 : i32
      %lt3A_450 = arith.cmpi slt, %rem3A_446, %lt3A_449 : i32
      %lt3A_451 = arith.constant 0 : i32
      %lt3A_452 = arith.cmpi slt, %select_n3A_445, %lt3A_451 : i32
      %ne3A_453 = arith.xori %lt3A_450, %lt3A_452 : i1
      %and3A_454 = arith.andi %ne3A_453, %ne3A_448 : i1
      %add3A_455 = arith.addi %rem3A_446, %select_n3A_445 : i32
      %select_n3A_456 = arith.select %and3A_454, %add3A_455, %rem3A_446 : i32
      %dma_wait3A_457 = arith.constant 0 : i32
      %dma_wait3A_458 = arith.constant 0 : i32
      %dma_wait3A_459 = tpu.memref_slice %arg9[%select_n3A_456, %dma_wait3A_457, %dma_wait3A_458] : memref<4x64x128xf32, #tpu.memory_space<vmem>> -> memref<1x64x128xf32, #tpu.memory_space<vmem>>
      %dma_wait3A_460 = tpu.memref_squeeze %dma_wait3A_459 : memref<1x64x128xf32, #tpu.memory_space<vmem>> -> memref<64x128xf32, #tpu.memory_space<vmem>>
      %dma_wait3A_461 = arith.constant 0 : i32
      %dma_wait3A_462 = arith.constant 0 : i32
      %dma_wait3A_463 = tpu.memref_slice %arg5[%dma_wait3A_461, %dma_wait3A_462] : memref<640x128xf32, #tpu.memory_space<hbm>> -> memref<64x128xf32, #tpu.memory_space<hbm>>
      %dma_wait3A_464 = arith.constant 0 : i32
      %dma_wait3A_465 = arith.constant 0 : i32
      %dma_wait3A_466 = tpu.memref_slice %arg9[%select_n3A_456, %dma_wait3A_464, %dma_wait3A_465] : memref<4x64x128xf32, #tpu.memory_space<vmem>> -> memref<1x64x128xf32, #tpu.memory_space<vmem>>
      %dma_wait3A_467 = tpu.memref_squeeze %dma_wait3A_466 : memref<1x64x128xf32, #tpu.memory_space<vmem>> -> memref<64x128xf32, #tpu.memory_space<vmem>>
      %dma_wait3A_468 = arith.constant 0 : i32
      %dma_wait3A_469 = arith.constant 0 : i32
      %dma_wait3A_470 = tpu.memref_slice %arg5[%dma_wait3A_468, %dma_wait3A_469] : memref<640x128xf32, #tpu.memory_space<hbm>> -> memref<64x128xf32, #tpu.memory_space<hbm>>
      tpu.wait_dma2 semaphore(%arg14 : memref<!tpu.dma_semaphore, #tpu.memory_space<semaphore_mem>>) src(%dma_wait3A_470 : memref<64x128xf32, #tpu.memory_space<hbm>>) dst(%dma_wait3A_467 : memref<64x128xf32, #tpu.memory_space<vmem>>)
      %jit3A_471 = arith.constant 4 : i32
      %eq3A_472 = arith.constant 0 : i32
      %eq3A_473 = arith.cmpi eq, %jit3A_471, %eq3A_472 : i32
      %jit3A_474 = arith.constant 1 : i32
      %select_n3A_475 = arith.select %eq3A_473, %jit3A_474, %jit3A_471 : i32
      %rem3A_476 = arith.remsi %add3A_396, %select_n3A_475 : i32
      %ne3A_477 = arith.constant 0 : i32
      %ne3A_478 = arith.cmpi ne, %rem3A_476, %ne3A_477 : i32
      %lt3A_479 = arith.constant 0 : i32
      %lt3A_480 = arith.cmpi slt, %rem3A_476, %lt3A_479 : i32
      %lt3A_481 = arith.constant 0 : i32
      %lt3A_482 = arith.cmpi slt, %select_n3A_475, %lt3A_481 : i32
      %ne3A_483 = arith.xori %lt3A_480, %lt3A_482 : i1
      %and3A_484 = arith.andi %ne3A_483, %ne3A_478 : i1
      %add3A_485 = arith.addi %rem3A_476, %select_n3A_475 : i32
      %select_n3A_486 = arith.select %and3A_484, %add3A_485, %rem3A_476 : i32
      %jit3A_487 = arith.constant 8 : i32
      %eq3A_488 = arith.constant 0 : i32
      %eq3A_489 = arith.cmpi eq, %jit3A_487, %eq3A_488 : i32
      %jit3A_490 = arith.constant 1 : i32
      %select_n3A_491 = arith.select %eq3A_489, %jit3A_490, %jit3A_487 : i32
      %rem3A_492 = arith.remsi %add3A_396, %select_n3A_491 : i32
      %ne3A_493 = arith.constant 0 : i32
      %ne3A_494 = arith.cmpi ne, %rem3A_492, %ne3A_493 : i32
      %lt3A_495 = arith.constant 0 : i32
      %lt3A_496 = arith.cmpi slt, %rem3A_492, %lt3A_495 : i32
      %lt3A_497 = arith.constant 0 : i32
      %lt3A_498 = arith.cmpi slt, %select_n3A_491, %lt3A_497 : i32
      %ne3A_499 = arith.xori %lt3A_496, %lt3A_498 : i1
      %and3A_500 = arith.andi %ne3A_499, %ne3A_494 : i1
      %add3A_501 = arith.addi %rem3A_492, %select_n3A_491 : i32
      %select_n3A_502 = arith.select %and3A_500, %add3A_501, %rem3A_492 : i32
      %dma_start3A_503 = arith.constant 0 : i32
      %dma_start3A_504 = arith.constant 0 : i32
      %dma_start3A_505 = tpu.memref_slice %arg9[%select_n3A_486, %dma_start3A_503, %dma_start3A_504] : memref<4x64x128xf32, #tpu.memory_space<vmem>> -> memref<1x64x128xf32, #tpu.memory_space<vmem>>
      %dma_start3A_506 = tpu.memref_squeeze %dma_start3A_505 : memref<1x64x128xf32, #tpu.memory_space<vmem>> -> memref<64x128xf32, #tpu.memory_space<vmem>>
      %dma_start3A_507 = arith.constant 0 : i32
      %dma_start3A_508 = tpu.memref_slice %arg8[%select_n3A_502, %dma_start3A_507] : memref<8x64xi32, #tpu.memory_space<vmem>> -> memref<1x64xi32, #tpu.memory_space<vmem>>
      %dma_start3A_509 = tpu.memref_squeeze %dma_start3A_508 : memref<1x64xi32, #tpu.memory_space<vmem>> -> memref<64xi32, #tpu.memory_space<vmem>>
      %dma_start3A_510 = arith.constant 0 : i32
      %dma_start3A_511 = arith.constant 0 : i32
      %dma_start3A_512 = tpu.memref_slice %arg10[%dma_start3A_510, %dma_start3A_511] : memref<10240x128xf32, #tpu.memory_space<vmem_shared>> -> memref<10240x128xf32, #tpu.memory_space<vmem_shared>>
      tpu.enqueue_indirect_dma source(%dma_start3A_506 : memref<64x128xf32, #tpu.memory_space<vmem>>) target(%dma_start3A_512 : memref<10240x128xf32, #tpu.memory_space<vmem_shared>>) offsets(%dma_start3A_509 : memref<64xi32, #tpu.memory_space<vmem>>) semaphore(%arg14 : memref<!tpu.dma_semaphore, #tpu.memory_space<semaphore_mem>>) {add = true}
      %add3A_513 = arith.constant 2 : i32
      %add3A_514 = arith.addi %add3A_396, %add3A_513 : i32
      %lt3A_515 = arith.constant 160 : i32
      %lt3A_516 = arith.cmpi slt, %add3A_514, %lt3A_515 : i32
      %convert_element_type3A_517 = arith.extui %lt3A_516 : i1 to i32
      %cond3A_518 = arith.constant 0 : i32
      %cond3A_519 = arith.cmpi ne, %convert_element_type3A_517, %cond3A_518 : i32
      scf.if %cond3A_519 {
        %add3A_527 = arith.constant 2 : i32
        %add3A_528 = arith.addi %add3A_396, %add3A_527 : i32
        %jit3A_529 = arith.constant 8 : i32
        %eq3A_530 = arith.constant 0 : i32
        %eq3A_531 = arith.cmpi eq, %jit3A_529, %eq3A_530 : i32
        %jit3A_532 = arith.constant 1 : i32
        %select_n3A_533 = arith.select %eq3A_531, %jit3A_532, %jit3A_529 : i32
        %rem3A_534 = arith.remsi %add3A_528, %select_n3A_533 : i32
        %ne3A_535 = arith.constant 0 : i32
        %ne3A_536 = arith.cmpi ne, %rem3A_534, %ne3A_535 : i32
        %lt3A_537 = arith.constant 0 : i32
        %lt3A_538 = arith.cmpi slt, %rem3A_534, %lt3A_537 : i32
        %lt3A_539 = arith.constant 0 : i32
        %lt3A_540 = arith.cmpi slt, %select_n3A_533, %lt3A_539 : i32
        %ne3A_541 = arith.xori %lt3A_538, %lt3A_540 : i1
        %and3A_542 = arith.andi %ne3A_541, %ne3A_536 : i1
        %add3A_543 = arith.addi %rem3A_534, %select_n3A_533 : i32
        %select_n3A_544 = arith.select %and3A_542, %add3A_543, %rem3A_534 : i32
        %mul3A_545 = arith.constant 64 : i32
        %mul3A_546 = arith.muli %add3A_528, %mul3A_545 : i32
        %add3A_547 = arith.addi %mul3A_4, %mul3A_546 : i32
        %multiple_of3A_548 = tpu.assume_multiple %add3A_547, 8 : i32
        %dma_wait3A_549 = arith.constant 0 : i32
        %dma_wait3A_550 = tpu.memref_slice %arg7[%select_n3A_544, %dma_wait3A_549] : memref<8x64xi32, #tpu.memory_space<vmem>> -> memref<1x64xi32, #tpu.memory_space<vmem>>
        %dma_wait3A_551 = tpu.memref_squeeze %dma_wait3A_550 : memref<1x64xi32, #tpu.memory_space<vmem>> -> memref<64xi32, #tpu.memory_space<vmem>>
        %dma_wait3A_552 = tpu.memref_slice %arg3[%multiple_of3A_548] : memref<327680xi32, #tpu.memory_space<hbm>> -> memref<64xi32, #tpu.memory_space<hbm>>
        %dma_wait3A_553 = arith.constant 0 : i32
        %dma_wait3A_554 = tpu.memref_slice %arg7[%select_n3A_544, %dma_wait3A_553] : memref<8x64xi32, #tpu.memory_space<vmem>> -> memref<1x64xi32, #tpu.memory_space<vmem>>
        %dma_wait3A_555 = tpu.memref_squeeze %dma_wait3A_554 : memref<1x64xi32, #tpu.memory_space<vmem>> -> memref<64xi32, #tpu.memory_space<vmem>>
        %dma_wait3A_556 = tpu.memref_slice %arg3[%multiple_of3A_548] : memref<327680xi32, #tpu.memory_space<hbm>> -> memref<64xi32, #tpu.memory_space<hbm>>
        tpu.wait_dma2 semaphore(%arg15 : memref<!tpu.dma_semaphore, #tpu.memory_space<semaphore_mem>>) src(%dma_wait3A_556 : memref<64xi32, #tpu.memory_space<hbm>>) dst(%dma_wait3A_555 : memref<64xi32, #tpu.memory_space<vmem>>)
        %dma_wait3A_557 = arith.constant 0 : i32
        %dma_wait3A_558 = tpu.memref_slice %arg8[%select_n3A_544, %dma_wait3A_557] : memref<8x64xi32, #tpu.memory_space<vmem>> -> memref<1x64xi32, #tpu.memory_space<vmem>>
        %dma_wait3A_559 = tpu.memref_squeeze %dma_wait3A_558 : memref<1x64xi32, #tpu.memory_space<vmem>> -> memref<64xi32, #tpu.memory_space<vmem>>
        %dma_wait3A_560 = tpu.memref_slice %arg4[%multiple_of3A_548] : memref<327680xi32, #tpu.memory_space<hbm>> -> memref<64xi32, #tpu.memory_space<hbm>>
        %dma_wait3A_561 = arith.constant 0 : i32
        %dma_wait3A_562 = tpu.memref_slice %arg8[%select_n3A_544, %dma_wait3A_561] : memref<8x64xi32, #tpu.memory_space<vmem>> -> memref<1x64xi32, #tpu.memory_space<vmem>>
        %dma_wait3A_563 = tpu.memref_squeeze %dma_wait3A_562 : memref<1x64xi32, #tpu.memory_space<vmem>> -> memref<64xi32, #tpu.memory_space<vmem>>
        %dma_wait3A_564 = tpu.memref_slice %arg4[%multiple_of3A_548] : memref<327680xi32, #tpu.memory_space<hbm>> -> memref<64xi32, #tpu.memory_space<hbm>>
        tpu.wait_dma2 semaphore(%arg15 : memref<!tpu.dma_semaphore, #tpu.memory_space<semaphore_mem>>) src(%dma_wait3A_564 : memref<64xi32, #tpu.memory_space<hbm>>) dst(%dma_wait3A_563 : memref<64xi32, #tpu.memory_space<vmem>>)
        %add3A_565 = arith.constant 2 : i32
        %add3A_566 = arith.addi %add3A_396, %add3A_565 : i32
        %jit3A_567 = arith.constant 8 : i32
        %eq3A_568 = arith.constant 0 : i32
        %eq3A_569 = arith.cmpi eq, %jit3A_567, %eq3A_568 : i32
        %jit3A_570 = arith.constant 1 : i32
        %select_n3A_571 = arith.select %eq3A_569, %jit3A_570, %jit3A_567 : i32
        %rem3A_572 = arith.remsi %add3A_566, %select_n3A_571 : i32
        %ne3A_573 = arith.constant 0 : i32
        %ne3A_574 = arith.cmpi ne, %rem3A_572, %ne3A_573 : i32
        %lt3A_575 = arith.constant 0 : i32
        %lt3A_576 = arith.cmpi slt, %rem3A_572, %lt3A_575 : i32
        %lt3A_577 = arith.constant 0 : i32
        %lt3A_578 = arith.cmpi slt, %select_n3A_571, %lt3A_577 : i32
        %ne3A_579 = arith.xori %lt3A_576, %lt3A_578 : i1
        %and3A_580 = arith.andi %ne3A_579, %ne3A_574 : i1
        %add3A_581 = arith.addi %rem3A_572, %select_n3A_571 : i32
        %select_n3A_582 = arith.select %and3A_580, %add3A_581, %rem3A_572 : i32
        %jit3A_583 = arith.constant 4 : i32
        %eq3A_584 = arith.constant 0 : i32
        %eq3A_585 = arith.cmpi eq, %jit3A_583, %eq3A_584 : i32
        %jit3A_586 = arith.constant 1 : i32
        %select_n3A_587 = arith.select %eq3A_585, %jit3A_586, %jit3A_583 : i32
        %rem3A_588 = arith.remsi %add3A_566, %select_n3A_587 : i32
        %ne3A_589 = arith.constant 0 : i32
        %ne3A_590 = arith.cmpi ne, %rem3A_588, %ne3A_589 : i32
        %lt3A_591 = arith.constant 0 : i32
        %lt3A_592 = arith.cmpi slt, %rem3A_588, %lt3A_591 : i32
        %lt3A_593 = arith.constant 0 : i32
        %lt3A_594 = arith.cmpi slt, %select_n3A_587, %lt3A_593 : i32
        %ne3A_595 = arith.xori %lt3A_592, %lt3A_594 : i1
        %and3A_596 = arith.andi %ne3A_595, %ne3A_590 : i1
        %add3A_597 = arith.addi %rem3A_588, %select_n3A_587 : i32
        %select_n3A_598 = arith.select %and3A_596, %add3A_597, %rem3A_588 : i32
        %dma_start3A_599 = arith.constant 0 : i32
        %dma_start3A_600 = arith.constant 0 : i32
        %dma_start3A_601 = tpu.memref_slice %arg9[%select_n3A_598, %dma_start3A_599, %dma_start3A_600] : memref<4x64x128xf32, #tpu.memory_space<vmem>> -> memref<1x64x128xf32, #tpu.memory_space<vmem>>
        %dma_start3A_602 = tpu.memref_squeeze %dma_start3A_601 : memref<1x64x128xf32, #tpu.memory_space<vmem>> -> memref<64x128xf32, #tpu.memory_space<vmem>>
        %dma_start3A_603 = arith.constant 0 : i32
        %dma_start3A_604 = tpu.memref_slice %arg7[%select_n3A_582, %dma_start3A_603] : memref<8x64xi32, #tpu.memory_space<vmem>> -> memref<1x64xi32, #tpu.memory_space<vmem>>
        %dma_start3A_605 = tpu.memref_squeeze %dma_start3A_604 : memref<1x64xi32, #tpu.memory_space<vmem>> -> memref<64xi32, #tpu.memory_space<vmem>>
        %dma_start3A_606 = arith.constant 0 : i32
        %dma_start3A_607 = arith.constant 0 : i32
        %dma_start3A_608 = tpu.memref_slice %arg2[%dma_start3A_606, %dma_start3A_607] : memref<10000x128xf32, #tpu.memory_space<hbm>> -> memref<10000x128xf32, #tpu.memory_space<hbm>>
        tpu.enqueue_indirect_dma source(%dma_start3A_608 : memref<10000x128xf32, #tpu.memory_space<hbm>>) target(%dma_start3A_602 : memref<64x128xf32, #tpu.memory_space<vmem>>) offsets(%dma_start3A_605 : memref<64xi32, #tpu.memory_space<vmem>>) semaphore(%arg12 : memref<!tpu.dma_semaphore, #tpu.memory_space<semaphore_mem>>)
      } else {
      }
      %add3A_520 = arith.constant 4 : i32
      %add3A_521 = arith.addi %add3A_396, %add3A_520 : i32
      %lt3A_522 = arith.constant 160 : i32
      %lt3A_523 = arith.cmpi slt, %add3A_521, %lt3A_522 : i32
      %convert_element_type3A_524 = arith.extui %lt3A_523 : i1 to i32
      %cond3A_525 = arith.constant 0 : i32
      %cond3A_526 = arith.cmpi ne, %convert_element_type3A_524, %cond3A_525 : i32
      scf.if %cond3A_526 {
        %add3A_527 = arith.constant 4 : i32
        %add3A_528 = arith.addi %add3A_396, %add3A_527 : i32
        %jit3A_529 = arith.constant 8 : i32
        %eq3A_530 = arith.constant 0 : i32
        %eq3A_531 = arith.cmpi eq, %jit3A_529, %eq3A_530 : i32
        %jit3A_532 = arith.constant 1 : i32
        %select_n3A_533 = arith.select %eq3A_531, %jit3A_532, %jit3A_529 : i32
        %rem3A_534 = arith.remsi %add3A_528, %select_n3A_533 : i32
        %ne3A_535 = arith.constant 0 : i32
        %ne3A_536 = arith.cmpi ne, %rem3A_534, %ne3A_535 : i32
        %lt3A_537 = arith.constant 0 : i32
        %lt3A_538 = arith.cmpi slt, %rem3A_534, %lt3A_537 : i32
        %lt3A_539 = arith.constant 0 : i32
        %lt3A_540 = arith.cmpi slt, %select_n3A_533, %lt3A_539 : i32
        %ne3A_541 = arith.xori %lt3A_538, %lt3A_540 : i1
        %and3A_542 = arith.andi %ne3A_541, %ne3A_536 : i1
        %add3A_543 = arith.addi %rem3A_534, %select_n3A_533 : i32
        %select_n3A_544 = arith.select %and3A_542, %add3A_543, %rem3A_534 : i32
        %mul3A_545 = arith.constant 64 : i32
        %mul3A_546 = arith.muli %add3A_528, %mul3A_545 : i32
        %add3A_547 = arith.addi %mul3A_4, %mul3A_546 : i32
        %multiple_of3A_548 = tpu.assume_multiple %add3A_547, 8 : i32
        %dma_start3A_549 = arith.constant 0 : i32
        %dma_start3A_550 = tpu.memref_slice %arg7[%select_n3A_544, %dma_start3A_549] : memref<8x64xi32, #tpu.memory_space<vmem>> -> memref<1x64xi32, #tpu.memory_space<vmem>>
        %dma_start3A_551 = tpu.memref_squeeze %dma_start3A_550 : memref<1x64xi32, #tpu.memory_space<vmem>> -> memref<64xi32, #tpu.memory_space<vmem>>
        %dma_start3A_552 = tpu.memref_slice %arg3[%multiple_of3A_548] : memref<327680xi32, #tpu.memory_space<hbm>> -> memref<64xi32, #tpu.memory_space<hbm>>
        %dma_start3A_553 = arith.constant 0 : i32
        %dma_start3A_554 = tpu.memref_slice %arg7[%select_n3A_544, %dma_start3A_553] : memref<8x64xi32, #tpu.memory_space<vmem>> -> memref<1x64xi32, #tpu.memory_space<vmem>>
        %dma_start3A_555 = tpu.memref_squeeze %dma_start3A_554 : memref<1x64xi32, #tpu.memory_space<vmem>> -> memref<64xi32, #tpu.memory_space<vmem>>
        %dma_start3A_556 = tpu.memref_slice %arg3[%multiple_of3A_548] : memref<327680xi32, #tpu.memory_space<hbm>> -> memref<64xi32, #tpu.memory_space<hbm>>
        tpu.enqueue_dma source(%dma_start3A_556 : memref<64xi32, #tpu.memory_space<hbm>>) target(%dma_start3A_555 : memref<64xi32, #tpu.memory_space<vmem>>) target_semaphore(%arg15 : memref<!tpu.dma_semaphore, #tpu.memory_space<semaphore_mem>>)
        %dma_start3A_557 = arith.constant 0 : i32
        %dma_start3A_558 = tpu.memref_slice %arg8[%select_n3A_544, %dma_start3A_557] : memref<8x64xi32, #tpu.memory_space<vmem>> -> memref<1x64xi32, #tpu.memory_space<vmem>>
        %dma_start3A_559 = tpu.memref_squeeze %dma_start3A_558 : memref<1x64xi32, #tpu.memory_space<vmem>> -> memref<64xi32, #tpu.memory_space<vmem>>
        %dma_start3A_560 = tpu.memref_slice %arg4[%multiple_of3A_548] : memref<327680xi32, #tpu.memory_space<hbm>> -> memref<64xi32, #tpu.memory_space<hbm>>
        %dma_start3A_561 = arith.constant 0 : i32
        %dma_start3A_562 = tpu.memref_slice %arg8[%select_n3A_544, %dma_start3A_561] : memref<8x64xi32, #tpu.memory_space<vmem>> -> memref<1x64xi32, #tpu.memory_space<vmem>>
        %dma_start3A_563 = tpu.memref_squeeze %dma_start3A_562 : memref<1x64xi32, #tpu.memory_space<vmem>> -> memref<64xi32, #tpu.memory_space<vmem>>
        %dma_start3A_564 = tpu.memref_slice %arg4[%multiple_of3A_548] : memref<327680xi32, #tpu.memory_space<hbm>> -> memref<64xi32, #tpu.memory_space<hbm>>
        tpu.enqueue_dma source(%dma_start3A_564 : memref<64xi32, #tpu.memory_space<hbm>>) target(%dma_start3A_563 : memref<64xi32, #tpu.memory_space<vmem>>) target_semaphore(%arg15 : memref<!tpu.dma_semaphore, #tpu.memory_space<semaphore_mem>>)
      } else {
      }
    }
    %scan3A_238 = arith.constant 79 : i32
    %dma_wait3A_239 = arith.constant 2 : i32
    %dma_wait3A_240 = arith.constant 0 : i32
    %dma_wait3A_241 = arith.constant 0 : i32
    %dma_wait3A_242 = tpu.memref_slice %arg9[%dma_wait3A_239, %dma_wait3A_240, %dma_wait3A_241] : memref<4x64x128xf32, #tpu.memory_space<vmem>> -> memref<1x64x128xf32, #tpu.memory_space<vmem>>
    %dma_wait3A_243 = tpu.memref_squeeze %dma_wait3A_242 : memref<1x64x128xf32, #tpu.memory_space<vmem>> -> memref<64x128xf32, #tpu.memory_space<vmem>>
    %dma_wait3A_244 = arith.constant 0 : i32
    %dma_wait3A_245 = arith.constant 0 : i32
    %dma_wait3A_246 = tpu.memref_slice %arg5[%dma_wait3A_244, %dma_wait3A_245] : memref<640x128xf32, #tpu.memory_space<hbm>> -> memref<64x128xf32, #tpu.memory_space<hbm>>
    %dma_wait3A_247 = arith.constant 0 : i32
    %dma_wait3A_248 = arith.constant 0 : i32
    %dma_wait3A_249 = tpu.memref_slice %arg9[%dma_wait3A_239, %dma_wait3A_247, %dma_wait3A_248] : memref<4x64x128xf32, #tpu.memory_space<vmem>> -> memref<1x64x128xf32, #tpu.memory_space<vmem>>
    %dma_wait3A_250 = tpu.memref_squeeze %dma_wait3A_249 : memref<1x64x128xf32, #tpu.memory_space<vmem>> -> memref<64x128xf32, #tpu.memory_space<vmem>>
    %dma_wait3A_251 = arith.constant 0 : i32
    %dma_wait3A_252 = arith.constant 0 : i32
    %dma_wait3A_253 = tpu.memref_slice %arg5[%dma_wait3A_251, %dma_wait3A_252] : memref<640x128xf32, #tpu.memory_space<hbm>> -> memref<64x128xf32, #tpu.memory_space<hbm>>
    tpu.wait_dma2 semaphore(%arg13 : memref<!tpu.dma_semaphore, #tpu.memory_space<semaphore_mem>>) src(%dma_wait3A_253 : memref<64x128xf32, #tpu.memory_space<hbm>>) dst(%dma_wait3A_250 : memref<64x128xf32, #tpu.memory_space<vmem>>)
    %dma_wait3A_254 = arith.constant 3 : i32
    %dma_wait3A_255 = arith.constant 0 : i32
    %dma_wait3A_256 = arith.constant 0 : i32
    %dma_wait3A_257 = tpu.memref_slice %arg9[%dma_wait3A_254, %dma_wait3A_255, %dma_wait3A_256] : memref<4x64x128xf32, #tpu.memory_space<vmem>> -> memref<1x64x128xf32, #tpu.memory_space<vmem>>
    %dma_wait3A_258 = tpu.memref_squeeze %dma_wait3A_257 : memref<1x64x128xf32, #tpu.memory_space<vmem>> -> memref<64x128xf32, #tpu.memory_space<vmem>>
    %dma_wait3A_259 = arith.constant 0 : i32
    %dma_wait3A_260 = arith.constant 0 : i32
    %dma_wait3A_261 = tpu.memref_slice %arg5[%dma_wait3A_259, %dma_wait3A_260] : memref<640x128xf32, #tpu.memory_space<hbm>> -> memref<64x128xf32, #tpu.memory_space<hbm>>
    %dma_wait3A_262 = arith.constant 0 : i32
    %dma_wait3A_263 = arith.constant 0 : i32
    %dma_wait3A_264 = tpu.memref_slice %arg9[%dma_wait3A_254, %dma_wait3A_262, %dma_wait3A_263] : memref<4x64x128xf32, #tpu.memory_space<vmem>> -> memref<1x64x128xf32, #tpu.memory_space<vmem>>
    %dma_wait3A_265 = tpu.memref_squeeze %dma_wait3A_264 : memref<1x64x128xf32, #tpu.memory_space<vmem>> -> memref<64x128xf32, #tpu.memory_space<vmem>>
    %dma_wait3A_266 = arith.constant 0 : i32
    %dma_wait3A_267 = arith.constant 0 : i32
    %dma_wait3A_268 = tpu.memref_slice %arg5[%dma_wait3A_266, %dma_wait3A_267] : memref<640x128xf32, #tpu.memory_space<hbm>> -> memref<64x128xf32, #tpu.memory_space<hbm>>
    tpu.wait_dma2 semaphore(%arg14 : memref<!tpu.dma_semaphore, #tpu.memory_space<semaphore_mem>>) src(%dma_wait3A_268 : memref<64x128xf32, #tpu.memory_space<hbm>>) dst(%dma_wait3A_265 : memref<64x128xf32, #tpu.memory_space<vmem>>)
    %barrier3A_269 = arith.constant 0 : index
    tpu.barrier barrier_id(%barrier3A_269)
    "tpu.region"() ({
      %run_scoped3A_270 = tpu.sem_alloc : memref<!tpu.dma_semaphore, #tpu.memory_space<semaphore_mem>>
      %dma_start3A_271 = arith.constant 0 : i32
      %dma_start3A_272 = tpu.memref_slice %arg6[%arg0, %multiple_of3A, %dma_start3A_271] : memref<2x10240x128xf32, #tpu.memory_space<hbm>> -> memref<1x640x128xf32, #tpu.memory_space<hbm>>
      %dma_start3A_273 = tpu.memref_squeeze %dma_start3A_272 : memref<1x640x128xf32, #tpu.memory_space<hbm>> -> memref<640x128xf32, #tpu.memory_space<hbm>>
      %dma_start3A_274 = arith.constant 0 : i32
      %dma_start3A_275 = tpu.memref_slice %arg10[%multiple_of3A, %dma_start3A_274] : memref<10240x128xf32, #tpu.memory_space<vmem_shared>> -> memref<640x128xf32, #tpu.memory_space<vmem_shared>>
      tpu.enqueue_dma source(%dma_start3A_275 : memref<640x128xf32, #tpu.memory_space<vmem_shared>>) target(%dma_start3A_273 : memref<640x128xf32, #tpu.memory_space<hbm>>) target_semaphore(%run_scoped3A_270 : memref<!tpu.dma_semaphore, #tpu.memory_space<semaphore_mem>>)
      %dma_wait3A_276 = arith.constant 0 : i32
      %dma_wait3A_277 = tpu.memref_slice %arg6[%arg0, %multiple_of3A, %dma_wait3A_276] : memref<2x10240x128xf32, #tpu.memory_space<hbm>> -> memref<1x640x128xf32, #tpu.memory_space<hbm>>
      %dma_wait3A_278 = tpu.memref_squeeze %dma_wait3A_277 : memref<1x640x128xf32, #tpu.memory_space<hbm>> -> memref<640x128xf32, #tpu.memory_space<hbm>>
      %dma_wait3A_279 = arith.constant 0 : i32
      %dma_wait3A_280 = tpu.memref_slice %arg10[%multiple_of3A, %dma_wait3A_279] : memref<10240x128xf32, #tpu.memory_space<vmem_shared>> -> memref<640x128xf32, #tpu.memory_space<vmem_shared>>
      tpu.wait_dma2 semaphore(%run_scoped3A_270 : memref<!tpu.dma_semaphore, #tpu.memory_space<semaphore_mem>>) src(%dma_wait3A_280 : memref<640x128xf32, #tpu.memory_space<vmem_shared>>) dst(%dma_wait3A_278 : memref<640x128xf32, #tpu.memory_space<hbm>>)
      tpu.yield
    }) : () -> ()
    return
  }
}

#map = affine_map<(d0, d1) -> (0, 0)>
#map1 = affine_map<(d0, d1) -> (0)>
#map2 = affine_map<(d0, d1) -> (0, 0, 0)>
module attributes {stable_mosaic.version = 14 : i64} {
  func.func @sc_segment_sum(%arg0: i32, %arg1: i32, %arg2: memref<10000x128xf32, #tpu.memory_space<hbm>>, %arg3: memref<327680xi32, #tpu.memory_space<hbm>>, %arg4: memref<327680xi32, #tpu.memory_space<hbm>>, %arg5: memref<640x128xf32, #tpu.memory_space<hbm>>, %arg6: memref<2x10240x128xf32, #tpu.memory_space<hbm>>, %arg7: memref<8x64xi32, #tpu.memory_space<vmem>>, %arg8: memref<8x64xi32, #tpu.memory_space<vmem>>, %arg9: memref<4x64x128xf32, #tpu.memory_space<vmem>>, %arg10: memref<10240x128xf32, #tpu.memory_space<vmem_shared>>, %arg11: memref<!tpu.dma_semaphore, #tpu.memory_space<semaphore_mem>>, %arg12: memref<!tpu.dma_semaphore, #tpu.memory_space<semaphore_mem>>, %arg13: memref<!tpu.dma_semaphore, #tpu.memory_space<semaphore_mem>>, %arg14: memref<!tpu.dma_semaphore, #tpu.memory_space<semaphore_mem>>, %arg15: memref<!tpu.dma_semaphore, #tpu.memory_space<semaphore_mem>>) attributes {dimension_semantics = [#tpu.dimension_semantics<core_parallel>, #tpu.dimension_semantics<subcore_parallel>], iteration_bounds = array<i64: 2, 16>, scalar_prefetch = 0 : i64, scratch_operands = 9 : i64, tpu.core_type = #tpu.core_type<sc_vector_subcore>, window_params = [{transform_indices = #map}, {transform_indices = #map1}, {transform_indices = #map1}, {transform_indices = #map}, {transform_indices = #map2}]} {
    %mul3A = arith.constant 16 : i32
    %mul3A_0 = arith.muli %arg0, %mul3A : i32
    %add3A = arith.addi %mul3A_0, %arg1 : i32
    %mul3A_1 = arith.constant 640 : i32
    %mul3A_2 = arith.muli %arg1, %mul3A_1 : i32
    %multiple_of3A = tpu.assume_multiple %mul3A_2, 8 : i32
    %mul3A_3 = arith.constant 10240 : i32
    %mul3A_4 = arith.muli %add3A, %mul3A_3 : i32
    "tpu.region"() ({
      %run_scoped3A_270 = tpu.sem_alloc : memref<!tpu.dma_semaphore, #tpu.memory_space<semaphore_mem>>
      %dma_start3A_271 = arith.constant 0 : i32
      %dma_start3A_272 = tpu.memref_slice %arg10[%multiple_of3A, %dma_start3A_271] : memref<10240x128xf32, #tpu.memory_space<vmem_shared>> -> memref<640x128xf32, #tpu.memory_space<vmem_shared>>
      tpu.enqueue_dma source(%arg5 : memref<640x128xf32, #tpu.memory_space<hbm>>) target(%dma_start3A_272 : memref<640x128xf32, #tpu.memory_space<vmem_shared>>) target_semaphore(%run_scoped3A_270 : memref<!tpu.dma_semaphore, #tpu.memory_space<semaphore_mem>>)
      %dma_wait3A_273 = arith.constant 0 : i32
      %dma_wait3A_274 = tpu.memref_slice %arg10[%multiple_of3A, %dma_wait3A_273] : memref<10240x128xf32, #tpu.memory_space<vmem_shared>> -> memref<640x128xf32, #tpu.memory_space<vmem_shared>>
      tpu.wait_dma2 semaphore(%run_scoped3A_270 : memref<!tpu.dma_semaphore, #tpu.memory_space<semaphore_mem>>) src(%arg5 : memref<640x128xf32, #tpu.memory_space<hbm>>) dst(%dma_wait3A_274 : memref<640x128xf32, #tpu.memory_space<vmem_shared>>)
      tpu.yield
    }) : () -> ()
    %barrier3A = arith.constant 0 : index
    tpu.barrier barrier_id(%barrier3A)
    %add3A_5 = arith.constant 0 : i32
    %add3A_6 = arith.addi %mul3A_4, %add3A_5 : i32
    %multiple_of3A_7 = tpu.assume_multiple %add3A_6, 8 : i32
    %run_scoped3A = arith.constant 0 : i32
    "tpu.region"() ({
      %run_scoped3A_270 = tpu.sem_alloc : memref<!tpu.dma_semaphore, #tpu.memory_space<semaphore_mem>>
      %dma_start3A_271 = arith.constant 0 : i32
      %dma_start3A_272 = tpu.memref_slice %arg7[%run_scoped3A, %dma_start3A_271] : memref<8x64xi32, #tpu.memory_space<vmem>> -> memref<1x64xi32, #tpu.memory_space<vmem>>
      %dma_start3A_273 = tpu.memref_squeeze %dma_start3A_272 : memref<1x64xi32, #tpu.memory_space<vmem>> -> memref<64xi32, #tpu.memory_space<vmem>>
      %dma_start3A_274 = tpu.memref_slice %arg3[%multiple_of3A_7] : memref<327680xi32, #tpu.memory_space<hbm>> -> memref<64xi32, #tpu.memory_space<hbm>>
      %dma_start3A_275 = arith.constant 0 : i32
      %dma_start3A_276 = tpu.memref_slice %arg7[%run_scoped3A, %dma_start3A_275] : memref<8x64xi32, #tpu.memory_space<vmem>> -> memref<1x64xi32, #tpu.memory_space<vmem>>
      %dma_start3A_277 = tpu.memref_squeeze %dma_start3A_276 : memref<1x64xi32, #tpu.memory_space<vmem>> -> memref<64xi32, #tpu.memory_space<vmem>>
      %dma_start3A_278 = tpu.memref_slice %arg3[%multiple_of3A_7] : memref<327680xi32, #tpu.memory_space<hbm>> -> memref<64xi32, #tpu.memory_space<hbm>>
      tpu.enqueue_dma source(%dma_start3A_278 : memref<64xi32, #tpu.memory_space<hbm>>) target(%dma_start3A_277 : memref<64xi32, #tpu.memory_space<vmem>>) target_semaphore(%run_scoped3A_270 : memref<!tpu.dma_semaphore, #tpu.memory_space<semaphore_mem>>)
      %dma_wait3A_279 = arith.constant 0 : i32
      %dma_wait3A_280 = tpu.memref_slice %arg7[%run_scoped3A, %dma_wait3A_279] : memref<8x64xi32, #tpu.memory_space<vmem>> -> memref<1x64xi32, #tpu.memory_space<vmem>>
      %dma_wait3A_281 = tpu.memref_squeeze %dma_wait3A_280 : memref<1x64xi32, #tpu.memory_space<vmem>> -> memref<64xi32, #tpu.memory_space<vmem>>
      %dma_wait3A_282 = tpu.memref_slice %arg3[%multiple_of3A_7] : memref<327680xi32, #tpu.memory_space<hbm>> -> memref<64xi32, #tpu.memory_space<hbm>>
      %dma_wait3A_283 = arith.constant 0 : i32
      %dma_wait3A_284 = tpu.memref_slice %arg7[%run_scoped3A, %dma_wait3A_283] : memref<8x64xi32, #tpu.memory_space<vmem>> -> memref<1x64xi32, #tpu.memory_space<vmem>>
      %dma_wait3A_285 = tpu.memref_squeeze %dma_wait3A_284 : memref<1x64xi32, #tpu.memory_space<vmem>> -> memref<64xi32, #tpu.memory_space<vmem>>
      %dma_wait3A_286 = tpu.memref_slice %arg3[%multiple_of3A_7] : memref<327680xi32, #tpu.memory_space<hbm>> -> memref<64xi32, #tpu.memory_space<hbm>>
      tpu.wait_dma2 semaphore(%run_scoped3A_270 : memref<!tpu.dma_semaphore, #tpu.memory_space<semaphore_mem>>) src(%dma_wait3A_286 : memref<64xi32, #tpu.memory_space<hbm>>) dst(%dma_wait3A_285 : memref<64xi32, #tpu.memory_space<vmem>>)
      tpu.yield
    }) : () -> ()
    %run_scoped3A_8 = arith.constant 0 : i32
    "tpu.region"() ({
      %run_scoped3A_270 = tpu.sem_alloc : memref<!tpu.dma_semaphore, #tpu.memory_space<semaphore_mem>>
      %dma_start3A_271 = arith.constant 0 : i32
      %dma_start3A_272 = tpu.memref_slice %arg8[%run_scoped3A_8, %dma_start3A_271] : memref<8x64xi32, #tpu.memory_space<vmem>> -> memref<1x64xi32, #tpu.memory_space<vmem>>
      %dma_start3A_273 = tpu.memref_squeeze %dma_start3A_272 : memref<1x64xi32, #tpu.memory_space<vmem>> -> memref<64xi32, #tpu.memory_space<vmem>>
      %dma_start3A_274 = tpu.memref_slice %arg4[%multiple_of3A_7] : memref<327680xi32, #tpu.memory_space<hbm>> -> memref<64xi32, #tpu.memory_space<hbm>>
      %dma_start3A_275 = arith.constant 0 : i32
      %dma_start3A_276 = tpu.memref_slice %arg8[%run_scoped3A_8, %dma_start3A_275] : memref<8x64xi32, #tpu.memory_space<vmem>> -> memref<1x64xi32, #tpu.memory_space<vmem>>
      %dma_start3A_277 = tpu.memref_squeeze %dma_start3A_276 : memref<1x64xi32, #tpu.memory_space<vmem>> -> memref<64xi32, #tpu.memory_space<vmem>>
      %dma_start3A_278 = tpu.memref_slice %arg4[%multiple_of3A_7] : memref<327680xi32, #tpu.memory_space<hbm>> -> memref<64xi32, #tpu.memory_space<hbm>>
      tpu.enqueue_dma source(%dma_start3A_278 : memref<64xi32, #tpu.memory_space<hbm>>) target(%dma_start3A_277 : memref<64xi32, #tpu.memory_space<vmem>>) target_semaphore(%run_scoped3A_270 : memref<!tpu.dma_semaphore, #tpu.memory_space<semaphore_mem>>)
      %dma_wait3A_279 = arith.constant 0 : i32
      %dma_wait3A_280 = tpu.memref_slice %arg8[%run_scoped3A_8, %dma_wait3A_279] : memref<8x64xi32, #tpu.memory_space<vmem>> -> memref<1x64xi32, #tpu.memory_space<vmem>>
      %dma_wait3A_281 = tpu.memref_squeeze %dma_wait3A_280 : memref<1x64xi32, #tpu.memory_space<vmem>> -> memref<64xi32, #tpu.memory_space<vmem>>
      %dma_wait3A_282 = tpu.memref_slice %arg4[%multiple_of3A_7] : memref<327680xi32, #tpu.memory_space<hbm>> -> memref<64xi32, #tpu.memory_space<hbm>>
      %dma_wait3A_283 = arith.constant 0 : i32
      %dma_wait3A_284 = tpu.memref_slice %arg8[%run_scoped3A_8, %dma_wait3A_283] : memref<8x64xi32, #tpu.memory_space<vmem>> -> memref<1x64xi32, #tpu.memory_space<vmem>>
      %dma_wait3A_285 = tpu.memref_squeeze %dma_wait3A_284 : memref<1x64xi32, #tpu.memory_space<vmem>> -> memref<64xi32, #tpu.memory_space<vmem>>
      %dma_wait3A_286 = tpu.memref_slice %arg4[%multiple_of3A_7] : memref<327680xi32, #tpu.memory_space<hbm>> -> memref<64xi32, #tpu.memory_space<hbm>>
      tpu.wait_dma2 semaphore(%run_scoped3A_270 : memref<!tpu.dma_semaphore, #tpu.memory_space<semaphore_mem>>) src(%dma_wait3A_286 : memref<64xi32, #tpu.memory_space<hbm>>) dst(%dma_wait3A_285 : memref<64xi32, #tpu.memory_space<vmem>>)
      tpu.yield
    }) : () -> ()
    %dma_start3A = arith.constant 0 : i32
    %dma_start3A_9 = arith.constant 0 : i32
    %dma_start3A_10 = arith.constant 0 : i32
    %dma_start3A_11 = arith.constant 0 : i32
    %dma_start3A_12 = tpu.memref_slice %arg9[%dma_start3A_9, %dma_start3A_10, %dma_start3A_11] : memref<4x64x128xf32, #tpu.memory_space<vmem>> -> memref<1x64x128xf32, #tpu.memory_space<vmem>>
    %dma_start3A_13 = tpu.memref_squeeze %dma_start3A_12 : memref<1x64x128xf32, #tpu.memory_space<vmem>> -> memref<64x128xf32, #tpu.memory_space<vmem>>
    %dma_start3A_14 = arith.constant 0 : i32
    %dma_start3A_15 = tpu.memref_slice %arg7[%dma_start3A, %dma_start3A_14] : memref<8x64xi32, #tpu.memory_space<vmem>> -> memref<1x64xi32, #tpu.memory_space<vmem>>
    %dma_start3A_16 = tpu.memref_squeeze %dma_start3A_15 : memref<1x64xi32, #tpu.memory_space<vmem>> -> memref<64xi32, #tpu.memory_space<vmem>>
    %dma_start3A_17 = arith.constant 0 : i32
    %dma_start3A_18 = arith.constant 0 : i32
    %dma_start3A_19 = tpu.memref_slice %arg2[%dma_start3A_17, %dma_start3A_18] : memref<10000x128xf32, #tpu.memory_space<hbm>> -> memref<10000x128xf32, #tpu.memory_space<hbm>>
    tpu.enqueue_indirect_dma source(%dma_start3A_19 : memref<10000x128xf32, #tpu.memory_space<hbm>>) target(%dma_start3A_13 : memref<64x128xf32, #tpu.memory_space<vmem>>) offsets(%dma_start3A_16 : memref<64xi32, #tpu.memory_space<vmem>>) semaphore(%arg11 : memref<!tpu.dma_semaphore, #tpu.memory_space<semaphore_mem>>)
    %add3A_20 = arith.constant 64 : i32
    %add3A_21 = arith.addi %mul3A_4, %add3A_20 : i32
    %multiple_of3A_22 = tpu.assume_multiple %add3A_21, 8 : i32
    %run_scoped3A_23 = arith.constant 1 : i32
    "tpu.region"() ({
      %run_scoped3A_270 = tpu.sem_alloc : memref<!tpu.dma_semaphore, #tpu.memory_space<semaphore_mem>>
      %dma_start3A_271 = arith.constant 0 : i32
      %dma_start3A_272 = tpu.memref_slice %arg7[%run_scoped3A_23, %dma_start3A_271] : memref<8x64xi32, #tpu.memory_space<vmem>> -> memref<1x64xi32, #tpu.memory_space<vmem>>
      %dma_start3A_273 = tpu.memref_squeeze %dma_start3A_272 : memref<1x64xi32, #tpu.memory_space<vmem>> -> memref<64xi32, #tpu.memory_space<vmem>>
      %dma_start3A_274 = tpu.memref_slice %arg3[%multiple_of3A_22] : memref<327680xi32, #tpu.memory_space<hbm>> -> memref<64xi32, #tpu.memory_space<hbm>>
      %dma_start3A_275 = arith.constant 0 : i32
      %dma_start3A_276 = tpu.memref_slice %arg7[%run_scoped3A_23, %dma_start3A_275] : memref<8x64xi32, #tpu.memory_space<vmem>> -> memref<1x64xi32, #tpu.memory_space<vmem>>
      %dma_start3A_277 = tpu.memref_squeeze %dma_start3A_276 : memref<1x64xi32, #tpu.memory_space<vmem>> -> memref<64xi32, #tpu.memory_space<vmem>>
      %dma_start3A_278 = tpu.memref_slice %arg3[%multiple_of3A_22] : memref<327680xi32, #tpu.memory_space<hbm>> -> memref<64xi32, #tpu.memory_space<hbm>>
      tpu.enqueue_dma source(%dma_start3A_278 : memref<64xi32, #tpu.memory_space<hbm>>) target(%dma_start3A_277 : memref<64xi32, #tpu.memory_space<vmem>>) target_semaphore(%run_scoped3A_270 : memref<!tpu.dma_semaphore, #tpu.memory_space<semaphore_mem>>)
      %dma_wait3A_279 = arith.constant 0 : i32
      %dma_wait3A_280 = tpu.memref_slice %arg7[%run_scoped3A_23, %dma_wait3A_279] : memref<8x64xi32, #tpu.memory_space<vmem>> -> memref<1x64xi32, #tpu.memory_space<vmem>>
      %dma_wait3A_281 = tpu.memref_squeeze %dma_wait3A_280 : memref<1x64xi32, #tpu.memory_space<vmem>> -> memref<64xi32, #tpu.memory_space<vmem>>
      %dma_wait3A_282 = tpu.memref_slice %arg3[%multiple_of3A_22] : memref<327680xi32, #tpu.memory_space<hbm>> -> memref<64xi32, #tpu.memory_space<hbm>>
      %dma_wait3A_283 = arith.constant 0 : i32
      %dma_wait3A_284 = tpu.memref_slice %arg7[%run_scoped3A_23, %dma_wait3A_283] : memref<8x64xi32, #tpu.memory_space<vmem>> -> memref<1x64xi32, #tpu.memory_space<vmem>>
      %dma_wait3A_285 = tpu.memref_squeeze %dma_wait3A_284 : memref<1x64xi32, #tpu.memory_space<vmem>> -> memref<64xi32, #tpu.memory_space<vmem>>
      %dma_wait3A_286 = tpu.memref_slice %arg3[%multiple_of3A_22] : memref<327680xi32, #tpu.memory_space<hbm>> -> memref<64xi32, #tpu.memory_space<hbm>>
      tpu.wait_dma2 semaphore(%run_scoped3A_270 : memref<!tpu.dma_semaphore, #tpu.memory_space<semaphore_mem>>) src(%dma_wait3A_286 : memref<64xi32, #tpu.memory_space<hbm>>) dst(%dma_wait3A_285 : memref<64xi32, #tpu.memory_space<vmem>>)
      tpu.yield
    }) : () -> ()
    %run_scoped3A_24 = arith.constant 1 : i32
    "tpu.region"() ({
      %run_scoped3A_270 = tpu.sem_alloc : memref<!tpu.dma_semaphore, #tpu.memory_space<semaphore_mem>>
      %dma_start3A_271 = arith.constant 0 : i32
      %dma_start3A_272 = tpu.memref_slice %arg8[%run_scoped3A_24, %dma_start3A_271] : memref<8x64xi32, #tpu.memory_space<vmem>> -> memref<1x64xi32, #tpu.memory_space<vmem>>
      %dma_start3A_273 = tpu.memref_squeeze %dma_start3A_272 : memref<1x64xi32, #tpu.memory_space<vmem>> -> memref<64xi32, #tpu.memory_space<vmem>>
      %dma_start3A_274 = tpu.memref_slice %arg4[%multiple_of3A_22] : memref<327680xi32, #tpu.memory_space<hbm>> -> memref<64xi32, #tpu.memory_space<hbm>>
      %dma_start3A_275 = arith.constant 0 : i32
      %dma_start3A_276 = tpu.memref_slice %arg8[%run_scoped3A_24, %dma_start3A_275] : memref<8x64xi32, #tpu.memory_space<vmem>> -> memref<1x64xi32, #tpu.memory_space<vmem>>
      %dma_start3A_277 = tpu.memref_squeeze %dma_start3A_276 : memref<1x64xi32, #tpu.memory_space<vmem>> -> memref<64xi32, #tpu.memory_space<vmem>>
      %dma_start3A_278 = tpu.memref_slice %arg4[%multiple_of3A_22] : memref<327680xi32, #tpu.memory_space<hbm>> -> memref<64xi32, #tpu.memory_space<hbm>>
      tpu.enqueue_dma source(%dma_start3A_278 : memref<64xi32, #tpu.memory_space<hbm>>) target(%dma_start3A_277 : memref<64xi32, #tpu.memory_space<vmem>>) target_semaphore(%run_scoped3A_270 : memref<!tpu.dma_semaphore, #tpu.memory_space<semaphore_mem>>)
      %dma_wait3A_279 = arith.constant 0 : i32
      %dma_wait3A_280 = tpu.memref_slice %arg8[%run_scoped3A_24, %dma_wait3A_279] : memref<8x64xi32, #tpu.memory_space<vmem>> -> memref<1x64xi32, #tpu.memory_space<vmem>>
      %dma_wait3A_281 = tpu.memref_squeeze %dma_wait3A_280 : memref<1x64xi32, #tpu.memory_space<vmem>> -> memref<64xi32, #tpu.memory_space<vmem>>
      %dma_wait3A_282 = tpu.memref_slice %arg4[%multiple_of3A_22] : memref<327680xi32, #tpu.memory_space<hbm>> -> memref<64xi32, #tpu.memory_space<hbm>>
      %dma_wait3A_283 = arith.constant 0 : i32
      %dma_wait3A_284 = tpu.memref_slice %arg8[%run_scoped3A_24, %dma_wait3A_283] : memref<8x64xi32, #tpu.memory_space<vmem>> -> memref<1x64xi32, #tpu.memory_space<vmem>>
      %dma_wait3A_285 = tpu.memref_squeeze %dma_wait3A_284 : memref<1x64xi32, #tpu.memory_space<vmem>> -> memref<64xi32, #tpu.memory_space<vmem>>
      %dma_wait3A_286 = tpu.memref_slice %arg4[%multiple_of3A_22] : memref<327680xi32, #tpu.memory_space<hbm>> -> memref<64xi32, #tpu.memory_space<hbm>>
      tpu.wait_dma2 semaphore(%run_scoped3A_270 : memref<!tpu.dma_semaphore, #tpu.memory_space<semaphore_mem>>) src(%dma_wait3A_286 : memref<64xi32, #tpu.memory_space<hbm>>) dst(%dma_wait3A_285 : memref<64xi32, #tpu.memory_space<vmem>>)
      tpu.yield
    }) : () -> ()
    %dma_start3A_25 = arith.constant 1 : i32
    %dma_start3A_26 = arith.constant 1 : i32
    %dma_start3A_27 = arith.constant 0 : i32
    %dma_start3A_28 = arith.constant 0 : i32
    %dma_start3A_29 = tpu.memref_slice %arg9[%dma_start3A_26, %dma_start3A_27, %dma_start3A_28] : memref<4x64x128xf32, #tpu.memory_space<vmem>> -> memref<1x64x128xf32, #tpu.memory_space<vmem>>
    %dma_start3A_30 = tpu.memref_squeeze %dma_start3A_29 : memref<1x64x128xf32, #tpu.memory_space<vmem>> -> memref<64x128xf32, #tpu.memory_space<vmem>>
    %dma_start3A_31 = arith.constant 0 : i32
    %dma_start3A_32 = tpu.memref_slice %arg7[%dma_start3A_25, %dma_start3A_31] : memref<8x64xi32, #tpu.memory_space<vmem>> -> memref<1x64xi32, #tpu.memory_space<vmem>>
    %dma_start3A_33 = tpu.memref_squeeze %dma_start3A_32 : memref<1x64xi32, #tpu.memory_space<vmem>> -> memref<64xi32, #tpu.memory_space<vmem>>
    %dma_start3A_34 = arith.constant 0 : i32
    %dma_start3A_35 = arith.constant 0 : i32
    %dma_start3A_36 = tpu.memref_slice %arg2[%dma_start3A_34, %dma_start3A_35] : memref<10000x128xf32, #tpu.memory_space<hbm>> -> memref<10000x128xf32, #tpu.memory_space<hbm>>
    tpu.enqueue_indirect_dma source(%dma_start3A_36 : memref<10000x128xf32, #tpu.memory_space<hbm>>) target(%dma_start3A_30 : memref<64x128xf32, #tpu.memory_space<vmem>>) offsets(%dma_start3A_33 : memref<64xi32, #tpu.memory_space<vmem>>) semaphore(%arg12 : memref<!tpu.dma_semaphore, #tpu.memory_space<semaphore_mem>>)
    %add3A_37 = arith.constant 128 : i32
    %add3A_38 = arith.addi %mul3A_4, %add3A_37 : i32
    %multiple_of3A_39 = tpu.assume_multiple %add3A_38, 8 : i32
    %dma_start3A_40 = arith.constant 2 : i32
    %dma_start3A_41 = arith.constant 0 : i32
    %dma_start3A_42 = tpu.memref_slice %arg7[%dma_start3A_40, %dma_start3A_41] : memref<8x64xi32, #tpu.memory_space<vmem>> -> memref<1x64xi32, #tpu.memory_space<vmem>>
    %dma_start3A_43 = tpu.memref_squeeze %dma_start3A_42 : memref<1x64xi32, #tpu.memory_space<vmem>> -> memref<64xi32, #tpu.memory_space<vmem>>
    %dma_start3A_44 = tpu.memref_slice %arg3[%multiple_of3A_39] : memref<327680xi32, #tpu.memory_space<hbm>> -> memref<64xi32, #tpu.memory_space<hbm>>
    %dma_start3A_45 = arith.constant 0 : i32
    %dma_start3A_46 = tpu.memref_slice %arg7[%dma_start3A_40, %dma_start3A_45] : memref<8x64xi32, #tpu.memory_space<vmem>> -> memref<1x64xi32, #tpu.memory_space<vmem>>
    %dma_start3A_47 = tpu.memref_squeeze %dma_start3A_46 : memref<1x64xi32, #tpu.memory_space<vmem>> -> memref<64xi32, #tpu.memory_space<vmem>>
    %dma_start3A_48 = tpu.memref_slice %arg3[%multiple_of3A_39] : memref<327680xi32, #tpu.memory_space<hbm>> -> memref<64xi32, #tpu.memory_space<hbm>>
    tpu.enqueue_dma source(%dma_start3A_48 : memref<64xi32, #tpu.memory_space<hbm>>) target(%dma_start3A_47 : memref<64xi32, #tpu.memory_space<vmem>>) target_semaphore(%arg15 : memref<!tpu.dma_semaphore, #tpu.memory_space<semaphore_mem>>)
    %dma_start3A_49 = arith.constant 2 : i32
    %dma_start3A_50 = arith.constant 0 : i32
    %dma_start3A_51 = tpu.memref_slice %arg8[%dma_start3A_49, %dma_start3A_50] : memref<8x64xi32, #tpu.memory_space<vmem>> -> memref<1x64xi32, #tpu.memory_space<vmem>>
    %dma_start3A_52 = tpu.memref_squeeze %dma_start3A_51 : memref<1x64xi32, #tpu.memory_space<vmem>> -> memref<64xi32, #tpu.memory_space<vmem>>
    %dma_start3A_53 = tpu.memref_slice %arg4[%multiple_of3A_39] : memref<327680xi32, #tpu.memory_space<hbm>> -> memref<64xi32, #tpu.memory_space<hbm>>
    %dma_start3A_54 = arith.constant 0 : i32
    %dma_start3A_55 = tpu.memref_slice %arg8[%dma_start3A_49, %dma_start3A_54] : memref<8x64xi32, #tpu.memory_space<vmem>> -> memref<1x64xi32, #tpu.memory_space<vmem>>
    %dma_start3A_56 = tpu.memref_squeeze %dma_start3A_55 : memref<1x64xi32, #tpu.memory_space<vmem>> -> memref<64xi32, #tpu.memory_space<vmem>>
    %dma_start3A_57 = tpu.memref_slice %arg4[%multiple_of3A_39] : memref<327680xi32, #tpu.memory_space<hbm>> -> memref<64xi32, #tpu.memory_space<hbm>>
    tpu.enqueue_dma source(%dma_start3A_57 : memref<64xi32, #tpu.memory_space<hbm>>) target(%dma_start3A_56 : memref<64xi32, #tpu.memory_space<vmem>>) target_semaphore(%arg15 : memref<!tpu.dma_semaphore, #tpu.memory_space<semaphore_mem>>)
    %add3A_58 = arith.constant 192 : i32
    %add3A_59 = arith.addi %mul3A_4, %add3A_58 : i32
    %multiple_of3A_60 = tpu.assume_multiple %add3A_59, 8 : i32
    %dma_start3A_61 = arith.constant 3 : i32
    %dma_start3A_62 = arith.constant 0 : i32
    %dma_start3A_63 = tpu.memref_slice %arg7[%dma_start3A_61, %dma_start3A_62] : memref<8x64xi32, #tpu.memory_space<vmem>> -> memref<1x64xi32, #tpu.memory_space<vmem>>
    %dma_start3A_64 = tpu.memref_squeeze %dma_start3A_63 : memref<1x64xi32, #tpu.memory_space<vmem>> -> memref<64xi32, #tpu.memory_space<vmem>>
    %dma_start3A_65 = tpu.memref_slice %arg3[%multiple_of3A_60] : memref<327680xi32, #tpu.memory_space<hbm>> -> memref<64xi32, #tpu.memory_space<hbm>>
    %dma_start3A_66 = arith.constant 0 : i32
    %dma_start3A_67 = tpu.memref_slice %arg7[%dma_start3A_61, %dma_start3A_66] : memref<8x64xi32, #tpu.memory_space<vmem>> -> memref<1x64xi32, #tpu.memory_space<vmem>>
    %dma_start3A_68 = tpu.memref_squeeze %dma_start3A_67 : memref<1x64xi32, #tpu.memory_space<vmem>> -> memref<64xi32, #tpu.memory_space<vmem>>
    %dma_start3A_69 = tpu.memref_slice %arg3[%multiple_of3A_60] : memref<327680xi32, #tpu.memory_space<hbm>> -> memref<64xi32, #tpu.memory_space<hbm>>
    tpu.enqueue_dma source(%dma_start3A_69 : memref<64xi32, #tpu.memory_space<hbm>>) target(%dma_start3A_68 : memref<64xi32, #tpu.memory_space<vmem>>) target_semaphore(%arg15 : memref<!tpu.dma_semaphore, #tpu.memory_space<semaphore_mem>>)
    %dma_start3A_70 = arith.constant 3 : i32
    %dma_start3A_71 = arith.constant 0 : i32
    %dma_start3A_72 = tpu.memref_slice %arg8[%dma_start3A_70, %dma_start3A_71] : memref<8x64xi32, #tpu.memory_space<vmem>> -> memref<1x64xi32, #tpu.memory_space<vmem>>
    %dma_start3A_73 = tpu.memref_squeeze %dma_start3A_72 : memref<1x64xi32, #tpu.memory_space<vmem>> -> memref<64xi32, #tpu.memory_space<vmem>>
    %dma_start3A_74 = tpu.memref_slice %arg4[%multiple_of3A_60] : memref<327680xi32, #tpu.memory_space<hbm>> -> memref<64xi32, #tpu.memory_space<hbm>>
    %dma_start3A_75 = arith.constant 0 : i32
    %dma_start3A_76 = tpu.memref_slice %arg8[%dma_start3A_70, %dma_start3A_75] : memref<8x64xi32, #tpu.memory_space<vmem>> -> memref<1x64xi32, #tpu.memory_space<vmem>>
    %dma_start3A_77 = tpu.memref_squeeze %dma_start3A_76 : memref<1x64xi32, #tpu.memory_space<vmem>> -> memref<64xi32, #tpu.memory_space<vmem>>
    %dma_start3A_78 = tpu.memref_slice %arg4[%multiple_of3A_60] : memref<327680xi32, #tpu.memory_space<hbm>> -> memref<64xi32, #tpu.memory_space<hbm>>
    tpu.enqueue_dma source(%dma_start3A_78 : memref<64xi32, #tpu.memory_space<hbm>>) target(%dma_start3A_77 : memref<64xi32, #tpu.memory_space<vmem>>) target_semaphore(%arg15 : memref<!tpu.dma_semaphore, #tpu.memory_space<semaphore_mem>>)
    %dma_wait3A = arith.constant 0 : i32
    %dma_wait3A_79 = arith.constant 0 : i32
    %dma_wait3A_80 = arith.constant 0 : i32
    %dma_wait3A_81 = arith.constant 0 : i32
    %dma_wait3A_82 = tpu.memref_slice %arg9[%dma_wait3A_79, %dma_wait3A_80, %dma_wait3A_81] : memref<4x64x128xf32, #tpu.memory_space<vmem>> -> memref<1x64x128xf32, #tpu.memory_space<vmem>>
    %dma_wait3A_83 = tpu.memref_squeeze %dma_wait3A_82 : memref<1x64x128xf32, #tpu.memory_space<vmem>> -> memref<64x128xf32, #tpu.memory_space<vmem>>
    %dma_wait3A_84 = arith.constant 0 : i32
    %dma_wait3A_85 = tpu.memref_slice %arg7[%dma_wait3A, %dma_wait3A_84] : memref<8x64xi32, #tpu.memory_space<vmem>> -> memref<1x64xi32, #tpu.memory_space<vmem>>
    %dma_wait3A_86 = tpu.memref_squeeze %dma_wait3A_85 : memref<1x64xi32, #tpu.memory_space<vmem>> -> memref<64xi32, #tpu.memory_space<vmem>>
    %dma_wait3A_87 = arith.constant 0 : i32
    %dma_wait3A_88 = arith.constant 0 : i32
    %dma_wait3A_89 = tpu.memref_slice %arg2[%dma_wait3A_87, %dma_wait3A_88] : memref<10000x128xf32, #tpu.memory_space<hbm>> -> memref<10000x128xf32, #tpu.memory_space<hbm>>
    tpu.wait_indirect_dma semaphore(%arg11 : memref<!tpu.dma_semaphore, #tpu.memory_space<semaphore_mem>>) src(%dma_wait3A_89 : memref<10000x128xf32, #tpu.memory_space<hbm>>) dst(%dma_wait3A_83 : memref<64x128xf32, #tpu.memory_space<vmem>>)
    %dma_start3A_90 = arith.constant 0 : i32
    %dma_start3A_91 = arith.constant 0 : i32
    %dma_start3A_92 = arith.constant 0 : i32
    %dma_start3A_93 = arith.constant 0 : i32
    %dma_start3A_94 = tpu.memref_slice %arg9[%dma_start3A_90, %dma_start3A_92, %dma_start3A_93] : memref<4x64x128xf32, #tpu.memory_space<vmem>> -> memref<1x64x128xf32, #tpu.memory_space<vmem>>
    %dma_start3A_95 = tpu.memref_squeeze %dma_start3A_94 : memref<1x64x128xf32, #tpu.memory_space<vmem>> -> memref<64x128xf32, #tpu.memory_space<vmem>>
    %dma_start3A_96 = arith.constant 0 : i32
    %dma_start3A_97 = tpu.memref_slice %arg8[%dma_start3A_91, %dma_start3A_96] : memref<8x64xi32, #tpu.memory_space<vmem>> -> memref<1x64xi32, #tpu.memory_space<vmem>>
    %dma_start3A_98 = tpu.memref_squeeze %dma_start3A_97 : memref<1x64xi32, #tpu.memory_space<vmem>> -> memref<64xi32, #tpu.memory_space<vmem>>
    %dma_start3A_99 = arith.constant 0 : i32
    %dma_start3A_100 = arith.constant 0 : i32
    %dma_start3A_101 = tpu.memref_slice %arg10[%dma_start3A_99, %dma_start3A_100] : memref<10240x128xf32, #tpu.memory_space<vmem_shared>> -> memref<10240x128xf32, #tpu.memory_space<vmem_shared>>
    tpu.enqueue_indirect_dma source(%dma_start3A_95 : memref<64x128xf32, #tpu.memory_space<vmem>>) target(%dma_start3A_101 : memref<10240x128xf32, #tpu.memory_space<vmem_shared>>) offsets(%dma_start3A_98 : memref<64xi32, #tpu.memory_space<vmem>>) semaphore(%arg13 : memref<!tpu.dma_semaphore, #tpu.memory_space<semaphore_mem>>) {add = true}
    %add3A_102 = arith.constant 128 : i32
    %add3A_103 = arith.addi %mul3A_4, %add3A_102 : i32
    %multiple_of3A_104 = tpu.assume_multiple %add3A_103, 8 : i32
    %dma_wait3A_105 = arith.constant 2 : i32
    %dma_wait3A_106 = arith.constant 0 : i32
    %dma_wait3A_107 = tpu.memref_slice %arg7[%dma_wait3A_105, %dma_wait3A_106] : memref<8x64xi32, #tpu.memory_space<vmem>> -> memref<1x64xi32, #tpu.memory_space<vmem>>
    %dma_wait3A_108 = tpu.memref_squeeze %dma_wait3A_107 : memref<1x64xi32, #tpu.memory_space<vmem>> -> memref<64xi32, #tpu.memory_space<vmem>>
    %dma_wait3A_109 = tpu.memref_slice %arg3[%multiple_of3A_104] : memref<327680xi32, #tpu.memory_space<hbm>> -> memref<64xi32, #tpu.memory_space<hbm>>
    %dma_wait3A_110 = arith.constant 0 : i32
    %dma_wait3A_111 = tpu.memref_slice %arg7[%dma_wait3A_105, %dma_wait3A_110] : memref<8x64xi32, #tpu.memory_space<vmem>> -> memref<1x64xi32, #tpu.memory_space<vmem>>
    %dma_wait3A_112 = tpu.memref_squeeze %dma_wait3A_111 : memref<1x64xi32, #tpu.memory_space<vmem>> -> memref<64xi32, #tpu.memory_space<vmem>>
    %dma_wait3A_113 = tpu.memref_slice %arg3[%multiple_of3A_104] : memref<327680xi32, #tpu.memory_space<hbm>> -> memref<64xi32, #tpu.memory_space<hbm>>
    tpu.wait_dma2 semaphore(%arg15 : memref<!tpu.dma_semaphore, #tpu.memory_space<semaphore_mem>>) src(%dma_wait3A_113 : memref<64xi32, #tpu.memory_space<hbm>>) dst(%dma_wait3A_112 : memref<64xi32, #tpu.memory_space<vmem>>)
    %dma_wait3A_114 = arith.constant 2 : i32
    %dma_wait3A_115 = arith.constant 0 : i32
    %dma_wait3A_116 = tpu.memref_slice %arg8[%dma_wait3A_114, %dma_wait3A_115] : memref<8x64xi32, #tpu.memory_space<vmem>> -> memref<1x64xi32, #tpu.memory_space<vmem>>
    %dma_wait3A_117 = tpu.memref_squeeze %dma_wait3A_116 : memref<1x64xi32, #tpu.memory_space<vmem>> -> memref<64xi32, #tpu.memory_space<vmem>>
    %dma_wait3A_118 = tpu.memref_slice %arg4[%multiple_of3A_104] : memref<327680xi32, #tpu.memory_space<hbm>> -> memref<64xi32, #tpu.memory_space<hbm>>
    %dma_wait3A_119 = arith.constant 0 : i32
    %dma_wait3A_120 = tpu.memref_slice %arg8[%dma_wait3A_114, %dma_wait3A_119] : memref<8x64xi32, #tpu.memory_space<vmem>> -> memref<1x64xi32, #tpu.memory_space<vmem>>
    %dma_wait3A_121 = tpu.memref_squeeze %dma_wait3A_120 : memref<1x64xi32, #tpu.memory_space<vmem>> -> memref<64xi32, #tpu.memory_space<vmem>>
    %dma_wait3A_122 = tpu.memref_slice %arg4[%multiple_of3A_104] : memref<327680xi32, #tpu.memory_space<hbm>> -> memref<64xi32, #tpu.memory_space<hbm>>
    tpu.wait_dma2 semaphore(%arg15 : memref<!tpu.dma_semaphore, #tpu.memory_space<semaphore_mem>>) src(%dma_wait3A_122 : memref<64xi32, #tpu.memory_space<hbm>>) dst(%dma_wait3A_121 : memref<64xi32, #tpu.memory_space<vmem>>)
    %dma_start3A_123 = arith.constant 2 : i32
    %dma_start3A_124 = arith.constant 2 : i32
    %dma_start3A_125 = arith.constant 0 : i32
    %dma_start3A_126 = arith.constant 0 : i32
    %dma_start3A_127 = tpu.memref_slice %arg9[%dma_start3A_124, %dma_start3A_125, %dma_start3A_126] : memref<4x64x128xf32, #tpu.memory_space<vmem>> -> memref<1x64x128xf32, #tpu.memory_space<vmem>>
    %dma_start3A_128 = tpu.memref_squeeze %dma_start3A_127 : memref<1x64x128xf32, #tpu.memory_space<vmem>> -> memref<64x128xf32, #tpu.memory_space<vmem>>
    %dma_start3A_129 = arith.constant 0 : i32
    %dma_start3A_130 = tpu.memref_slice %arg7[%dma_start3A_123, %dma_start3A_129] : memref<8x64xi32, #tpu.memory_space<vmem>> -> memref<1x64xi32, #tpu.memory_space<vmem>>
    %dma_start3A_131 = tpu.memref_squeeze %dma_start3A_130 : memref<1x64xi32, #tpu.memory_space<vmem>> -> memref<64xi32, #tpu.memory_space<vmem>>
    %dma_start3A_132 = arith.constant 0 : i32
    %dma_start3A_133 = arith.constant 0 : i32
    %dma_start3A_134 = tpu.memref_slice %arg2[%dma_start3A_132, %dma_start3A_133] : memref<10000x128xf32, #tpu.memory_space<hbm>> -> memref<10000x128xf32, #tpu.memory_space<hbm>>
    tpu.enqueue_indirect_dma source(%dma_start3A_134 : memref<10000x128xf32, #tpu.memory_space<hbm>>) target(%dma_start3A_128 : memref<64x128xf32, #tpu.memory_space<vmem>>) offsets(%dma_start3A_131 : memref<64xi32, #tpu.memory_space<vmem>>) semaphore(%arg11 : memref<!tpu.dma_semaphore, #tpu.memory_space<semaphore_mem>>)
    %add3A_135 = arith.constant 256 : i32
    %add3A_136 = arith.addi %mul3A_4, %add3A_135 : i32
    %multiple_of3A_137 = tpu.assume_multiple %add3A_136, 8 : i32
    %dma_start3A_138 = arith.constant 4 : i32
    %dma_start3A_139 = arith.constant 0 : i32
    %dma_start3A_140 = tpu.memref_slice %arg7[%dma_start3A_138, %dma_start3A_139] : memref<8x64xi32, #tpu.memory_space<vmem>> -> memref<1x64xi32, #tpu.memory_space<vmem>>
    %dma_start3A_141 = tpu.memref_squeeze %dma_start3A_140 : memref<1x64xi32, #tpu.memory_space<vmem>> -> memref<64xi32, #tpu.memory_space<vmem>>
    %dma_start3A_142 = tpu.memref_slice %arg3[%multiple_of3A_137] : memref<327680xi32, #tpu.memory_space<hbm>> -> memref<64xi32, #tpu.memory_space<hbm>>
    %dma_start3A_143 = arith.constant 0 : i32
    %dma_start3A_144 = tpu.memref_slice %arg7[%dma_start3A_138, %dma_start3A_143] : memref<8x64xi32, #tpu.memory_space<vmem>> -> memref<1x64xi32, #tpu.memory_space<vmem>>
    %dma_start3A_145 = tpu.memref_squeeze %dma_start3A_144 : memref<1x64xi32, #tpu.memory_space<vmem>> -> memref<64xi32, #tpu.memory_space<vmem>>
    %dma_start3A_146 = tpu.memref_slice %arg3[%multiple_of3A_137] : memref<327680xi32, #tpu.memory_space<hbm>> -> memref<64xi32, #tpu.memory_space<hbm>>
    tpu.enqueue_dma source(%dma_start3A_146 : memref<64xi32, #tpu.memory_space<hbm>>) target(%dma_start3A_145 : memref<64xi32, #tpu.memory_space<vmem>>) target_semaphore(%arg15 : memref<!tpu.dma_semaphore, #tpu.memory_space<semaphore_mem>>)
    %dma_start3A_147 = arith.constant 4 : i32
    %dma_start3A_148 = arith.constant 0 : i32
    %dma_start3A_149 = tpu.memref_slice %arg8[%dma_start3A_147, %dma_start3A_148] : memref<8x64xi32, #tpu.memory_space<vmem>> -> memref<1x64xi32, #tpu.memory_space<vmem>>
    %dma_start3A_150 = tpu.memref_squeeze %dma_start3A_149 : memref<1x64xi32, #tpu.memory_space<vmem>> -> memref<64xi32, #tpu.memory_space<vmem>>
    %dma_start3A_151 = tpu.memref_slice %arg4[%multiple_of3A_137] : memref<327680xi32, #tpu.memory_space<hbm>> -> memref<64xi32, #tpu.memory_space<hbm>>
    %dma_start3A_152 = arith.constant 0 : i32
    %dma_start3A_153 = tpu.memref_slice %arg8[%dma_start3A_147, %dma_start3A_152] : memref<8x64xi32, #tpu.memory_space<vmem>> -> memref<1x64xi32, #tpu.memory_space<vmem>>
    %dma_start3A_154 = tpu.memref_squeeze %dma_start3A_153 : memref<1x64xi32, #tpu.memory_space<vmem>> -> memref<64xi32, #tpu.memory_space<vmem>>
    %dma_start3A_155 = tpu.memref_slice %arg4[%multiple_of3A_137] : memref<327680xi32, #tpu.memory_space<hbm>> -> memref<64xi32, #tpu.memory_space<hbm>>
    tpu.enqueue_dma source(%dma_start3A_155 : memref<64xi32, #tpu.memory_space<hbm>>) target(%dma_start3A_154 : memref<64xi32, #tpu.memory_space<vmem>>) target_semaphore(%arg15 : memref<!tpu.dma_semaphore, #tpu.memory_space<semaphore_mem>>)
    %dma_wait3A_156 = arith.constant 1 : i32
    %dma_wait3A_157 = arith.constant 1 : i32
    %dma_wait3A_158 = arith.constant 0 : i32
    %dma_wait3A_159 = arith.constant 0 : i32
    %dma_wait3A_160 = tpu.memref_slice %arg9[%dma_wait3A_157, %dma_wait3A_158, %dma_wait3A_159] : memref<4x64x128xf32, #tpu.memory_space<vmem>> -> memref<1x64x128xf32, #tpu.memory_space<vmem>>
    %dma_wait3A_161 = tpu.memref_squeeze %dma_wait3A_160 : memref<1x64x128xf32, #tpu.memory_space<vmem>> -> memref<64x128xf32, #tpu.memory_space<vmem>>
    %dma_wait3A_162 = arith.constant 0 : i32
    %dma_wait3A_163 = tpu.memref_slice %arg7[%dma_wait3A_156, %dma_wait3A_162] : memref<8x64xi32, #tpu.memory_space<vmem>> -> memref<1x64xi32, #tpu.memory_space<vmem>>
    %dma_wait3A_164 = tpu.memref_squeeze %dma_wait3A_163 : memref<1x64xi32, #tpu.memory_space<vmem>> -> memref<64xi32, #tpu.memory_space<vmem>>
    %dma_wait3A_165 = arith.constant 0 : i32
    %dma_wait3A_166 = arith.constant 0 : i32
    %dma_wait3A_167 = tpu.memref_slice %arg2[%dma_wait3A_165, %dma_wait3A_166] : memref<10000x128xf32, #tpu.memory_space<hbm>> -> memref<10000x128xf32, #tpu.memory_space<hbm>>
    tpu.wait_indirect_dma semaphore(%arg12 : memref<!tpu.dma_semaphore, #tpu.memory_space<semaphore_mem>>) src(%dma_wait3A_167 : memref<10000x128xf32, #tpu.memory_space<hbm>>) dst(%dma_wait3A_161 : memref<64x128xf32, #tpu.memory_space<vmem>>)
    %dma_start3A_168 = arith.constant 1 : i32
    %dma_start3A_169 = arith.constant 1 : i32
    %dma_start3A_170 = arith.constant 0 : i32
    %dma_start3A_171 = arith.constant 0 : i32
    %dma_start3A_172 = tpu.memref_slice %arg9[%dma_start3A_168, %dma_start3A_170, %dma_start3A_171] : memref<4x64x128xf32, #tpu.memory_space<vmem>> -> memref<1x64x128xf32, #tpu.memory_space<vmem>>
    %dma_start3A_173 = tpu.memref_squeeze %dma_start3A_172 : memref<1x64x128xf32, #tpu.memory_space<vmem>> -> memref<64x128xf32, #tpu.memory_space<vmem>>
    %dma_start3A_174 = arith.constant 0 : i32
    %dma_start3A_175 = tpu.memref_slice %arg8[%dma_start3A_169, %dma_start3A_174] : memref<8x64xi32, #tpu.memory_space<vmem>> -> memref<1x64xi32, #tpu.memory_space<vmem>>
    %dma_start3A_176 = tpu.memref_squeeze %dma_start3A_175 : memref<1x64xi32, #tpu.memory_space<vmem>> -> memref<64xi32, #tpu.memory_space<vmem>>
    %dma_start3A_177 = arith.constant 0 : i32
    %dma_start3A_178 = arith.constant 0 : i32
    %dma_start3A_179 = tpu.memref_slice %arg10[%dma_start3A_177, %dma_start3A_178] : memref<10240x128xf32, #tpu.memory_space<vmem_shared>> -> memref<10240x128xf32, #tpu.memory_space<vmem_shared>>
    tpu.enqueue_indirect_dma source(%dma_start3A_173 : memref<64x128xf32, #tpu.memory_space<vmem>>) target(%dma_start3A_179 : memref<10240x128xf32, #tpu.memory_space<vmem_shared>>) offsets(%dma_start3A_176 : memref<64xi32, #tpu.memory_space<vmem>>) semaphore(%arg14 : memref<!tpu.dma_semaphore, #tpu.memory_space<semaphore_mem>>) {add = true}
    %add3A_180 = arith.constant 192 : i32
    %add3A_181 = arith.addi %mul3A_4, %add3A_180 : i32
    %multiple_of3A_182 = tpu.assume_multiple %add3A_181, 8 : i32
    %dma_wait3A_183 = arith.constant 3 : i32
    %dma_wait3A_184 = arith.constant 0 : i32
    %dma_wait3A_185 = tpu.memref_slice %arg7[%dma_wait3A_183, %dma_wait3A_184] : memref<8x64xi32, #tpu.memory_space<vmem>> -> memref<1x64xi32, #tpu.memory_space<vmem>>
    %dma_wait3A_186 = tpu.memref_squeeze %dma_wait3A_185 : memref<1x64xi32, #tpu.memory_space<vmem>> -> memref<64xi32, #tpu.memory_space<vmem>>
    %dma_wait3A_187 = tpu.memref_slice %arg3[%multiple_of3A_182] : memref<327680xi32, #tpu.memory_space<hbm>> -> memref<64xi32, #tpu.memory_space<hbm>>
    %dma_wait3A_188 = arith.constant 0 : i32
    %dma_wait3A_189 = tpu.memref_slice %arg7[%dma_wait3A_183, %dma_wait3A_188] : memref<8x64xi32, #tpu.memory_space<vmem>> -> memref<1x64xi32, #tpu.memory_space<vmem>>
    %dma_wait3A_190 = tpu.memref_squeeze %dma_wait3A_189 : memref<1x64xi32, #tpu.memory_space<vmem>> -> memref<64xi32, #tpu.memory_space<vmem>>
    %dma_wait3A_191 = tpu.memref_slice %arg3[%multiple_of3A_182] : memref<327680xi32, #tpu.memory_space<hbm>> -> memref<64xi32, #tpu.memory_space<hbm>>
    tpu.wait_dma2 semaphore(%arg15 : memref<!tpu.dma_semaphore, #tpu.memory_space<semaphore_mem>>) src(%dma_wait3A_191 : memref<64xi32, #tpu.memory_space<hbm>>) dst(%dma_wait3A_190 : memref<64xi32, #tpu.memory_space<vmem>>)
    %dma_wait3A_192 = arith.constant 3 : i32
    %dma_wait3A_193 = arith.constant 0 : i32
    %dma_wait3A_194 = tpu.memref_slice %arg8[%dma_wait3A_192, %dma_wait3A_193] : memref<8x64xi32, #tpu.memory_space<vmem>> -> memref<1x64xi32, #tpu.memory_space<vmem>>
    %dma_wait3A_195 = tpu.memref_squeeze %dma_wait3A_194 : memref<1x64xi32, #tpu.memory_space<vmem>> -> memref<64xi32, #tpu.memory_space<vmem>>
    %dma_wait3A_196 = tpu.memref_slice %arg4[%multiple_of3A_182] : memref<327680xi32, #tpu.memory_space<hbm>> -> memref<64xi32, #tpu.memory_space<hbm>>
    %dma_wait3A_197 = arith.constant 0 : i32
    %dma_wait3A_198 = tpu.memref_slice %arg8[%dma_wait3A_192, %dma_wait3A_197] : memref<8x64xi32, #tpu.memory_space<vmem>> -> memref<1x64xi32, #tpu.memory_space<vmem>>
    %dma_wait3A_199 = tpu.memref_squeeze %dma_wait3A_198 : memref<1x64xi32, #tpu.memory_space<vmem>> -> memref<64xi32, #tpu.memory_space<vmem>>
    %dma_wait3A_200 = tpu.memref_slice %arg4[%multiple_of3A_182] : memref<327680xi32, #tpu.memory_space<hbm>> -> memref<64xi32, #tpu.memory_space<hbm>>
    tpu.wait_dma2 semaphore(%arg15 : memref<!tpu.dma_semaphore, #tpu.memory_space<semaphore_mem>>) src(%dma_wait3A_200 : memref<64xi32, #tpu.memory_space<hbm>>) dst(%dma_wait3A_199 : memref<64xi32, #tpu.memory_space<vmem>>)
    %dma_start3A_201 = arith.constant 3 : i32
    %dma_start3A_202 = arith.constant 3 : i32
    %dma_start3A_203 = arith.constant 0 : i32
    %dma_start3A_204 = arith.constant 0 : i32
    %dma_start3A_205 = tpu.memref_slice %arg9[%dma_start3A_202, %dma_start3A_203, %dma_start3A_204] : memref<4x64x128xf32, #tpu.memory_space<vmem>> -> memref<1x64x128xf32, #tpu.memory_space<vmem>>
    %dma_start3A_206 = tpu.memref_squeeze %dma_start3A_205 : memref<1x64x128xf32, #tpu.memory_space<vmem>> -> memref<64x128xf32, #tpu.memory_space<vmem>>
    %dma_start3A_207 = arith.constant 0 : i32
    %dma_start3A_208 = tpu.memref_slice %arg7[%dma_start3A_201, %dma_start3A_207] : memref<8x64xi32, #tpu.memory_space<vmem>> -> memref<1x64xi32, #tpu.memory_space<vmem>>
    %dma_start3A_209 = tpu.memref_squeeze %dma_start3A_208 : memref<1x64xi32, #tpu.memory_space<vmem>> -> memref<64xi32, #tpu.memory_space<vmem>>
    %dma_start3A_210 = arith.constant 0 : i32
    %dma_start3A_211 = arith.constant 0 : i32
    %dma_start3A_212 = tpu.memref_slice %arg2[%dma_start3A_210, %dma_start3A_211] : memref<10000x128xf32, #tpu.memory_space<hbm>> -> memref<10000x128xf32, #tpu.memory_space<hbm>>
    tpu.enqueue_indirect_dma source(%dma_start3A_212 : memref<10000x128xf32, #tpu.memory_space<hbm>>) target(%dma_start3A_206 : memref<64x128xf32, #tpu.memory_space<vmem>>) offsets(%dma_start3A_209 : memref<64xi32, #tpu.memory_space<vmem>>) semaphore(%arg12 : memref<!tpu.dma_semaphore, #tpu.memory_space<semaphore_mem>>)
    %add3A_213 = arith.constant 320 : i32
    %add3A_214 = arith.addi %mul3A_4, %add3A_213 : i32
    %multiple_of3A_215 = tpu.assume_multiple %add3A_214, 8 : i32
    %dma_start3A_216 = arith.constant 5 : i32
    %dma_start3A_217 = arith.constant 0 : i32
    %dma_start3A_218 = tpu.memref_slice %arg7[%dma_start3A_216, %dma_start3A_217] : memref<8x64xi32, #tpu.memory_space<vmem>> -> memref<1x64xi32, #tpu.memory_space<vmem>>
    %dma_start3A_219 = tpu.memref_squeeze %dma_start3A_218 : memref<1x64xi32, #tpu.memory_space<vmem>> -> memref<64xi32, #tpu.memory_space<vmem>>
    %dma_start3A_220 = tpu.memref_slice %arg3[%multiple_of3A_215] : memref<327680xi32, #tpu.memory_space<hbm>> -> memref<64xi32, #tpu.memory_space<hbm>>
    %dma_start3A_221 = arith.constant 0 : i32
    %dma_start3A_222 = tpu.memref_slice %arg7[%dma_start3A_216, %dma_start3A_221] : memref<8x64xi32, #tpu.memory_space<vmem>> -> memref<1x64xi32, #tpu.memory_space<vmem>>
    %dma_start3A_223 = tpu.memref_squeeze %dma_start3A_222 : memref<1x64xi32, #tpu.memory_space<vmem>> -> memref<64xi32, #tpu.memory_space<vmem>>
    %dma_start3A_224 = tpu.memref_slice %arg3[%multiple_of3A_215] : memref<327680xi32, #tpu.memory_space<hbm>> -> memref<64xi32, #tpu.memory_space<hbm>>
    tpu.enqueue_dma source(%dma_start3A_224 : memref<64xi32, #tpu.memory_space<hbm>>) target(%dma_start3A_223 : memref<64xi32, #tpu.memory_space<vmem>>) target_semaphore(%arg15 : memref<!tpu.dma_semaphore, #tpu.memory_space<semaphore_mem>>)
    %dma_start3A_225 = arith.constant 5 : i32
    %dma_start3A_226 = arith.constant 0 : i32
    %dma_start3A_227 = tpu.memref_slice %arg8[%dma_start3A_225, %dma_start3A_226] : memref<8x64xi32, #tpu.memory_space<vmem>> -> memref<1x64xi32, #tpu.memory_space<vmem>>
    %dma_start3A_228 = tpu.memref_squeeze %dma_start3A_227 : memref<1x64xi32, #tpu.memory_space<vmem>> -> memref<64xi32, #tpu.memory_space<vmem>>
    %dma_start3A_229 = tpu.memref_slice %arg4[%multiple_of3A_215] : memref<327680xi32, #tpu.memory_space<hbm>> -> memref<64xi32, #tpu.memory_space<hbm>>
    %dma_start3A_230 = arith.constant 0 : i32
    %dma_start3A_231 = tpu.memref_slice %arg8[%dma_start3A_225, %dma_start3A_230] : memref<8x64xi32, #tpu.memory_space<vmem>> -> memref<1x64xi32, #tpu.memory_space<vmem>>
    %dma_start3A_232 = tpu.memref_squeeze %dma_start3A_231 : memref<1x64xi32, #tpu.memory_space<vmem>> -> memref<64xi32, #tpu.memory_space<vmem>>
    %dma_start3A_233 = tpu.memref_slice %arg4[%multiple_of3A_215] : memref<327680xi32, #tpu.memory_space<hbm>> -> memref<64xi32, #tpu.memory_space<hbm>>
    tpu.enqueue_dma source(%dma_start3A_233 : memref<64xi32, #tpu.memory_space<hbm>>) target(%dma_start3A_232 : memref<64xi32, #tpu.memory_space<vmem>>) target_semaphore(%arg15 : memref<!tpu.dma_semaphore, #tpu.memory_space<semaphore_mem>>)
    %scan3A = arith.constant 0 : i32
    %scan3A_234 = arith.constant 1 : i32
    %scan3A_235 = arith.constant 79 : i32
    %scan3A_236 = arith.addi %scan3A_234, %scan3A_235 : i32
    %scan3A_237 = arith.constant 1 : i32
    scf.for %scan3A_270 = %scan3A_234 to %scan3A_236 step %scan3A_237  : i32 {
      %mul3A_271 = arith.constant 2 : i32
      %mul3A_272 = arith.muli %mul3A_271, %scan3A_270 : i32
      %jit3A = arith.constant 8 : i32
      %eq3A = arith.constant 0 : i32
      %eq3A_273 = arith.cmpi eq, %jit3A, %eq3A : i32
      %jit3A_274 = arith.constant 1 : i32
      %select_n3A = arith.select %eq3A_273, %jit3A_274, %jit3A : i32
      %rem3A = arith.remsi %mul3A_272, %select_n3A : i32
      %ne3A = arith.constant 0 : i32
      %ne3A_275 = arith.cmpi ne, %rem3A, %ne3A : i32
      %lt3A = arith.constant 0 : i32
      %lt3A_276 = arith.cmpi slt, %rem3A, %lt3A : i32
      %lt3A_277 = arith.constant 0 : i32
      %lt3A_278 = arith.cmpi slt, %select_n3A, %lt3A_277 : i32
      %ne3A_279 = arith.xori %lt3A_276, %lt3A_278 : i1
      %and3A = arith.andi %ne3A_279, %ne3A_275 : i1
      %add3A_280 = arith.addi %rem3A, %select_n3A : i32
      %select_n3A_281 = arith.select %and3A, %add3A_280, %rem3A : i32
      %jit3A_282 = arith.constant 4 : i32
      %eq3A_283 = arith.constant 0 : i32
      %eq3A_284 = arith.cmpi eq, %jit3A_282, %eq3A_283 : i32
      %jit3A_285 = arith.constant 1 : i32
      %select_n3A_286 = arith.select %eq3A_284, %jit3A_285, %jit3A_282 : i32
      %rem3A_287 = arith.remsi %mul3A_272, %select_n3A_286 : i32
      %ne3A_288 = arith.constant 0 : i32
      %ne3A_289 = arith.cmpi ne, %rem3A_287, %ne3A_288 : i32
      %lt3A_290 = arith.constant 0 : i32
      %lt3A_291 = arith.cmpi slt, %rem3A_287, %lt3A_290 : i32
      %lt3A_292 = arith.constant 0 : i32
      %lt3A_293 = arith.cmpi slt, %select_n3A_286, %lt3A_292 : i32
      %ne3A_294 = arith.xori %lt3A_291, %lt3A_293 : i1
      %and3A_295 = arith.andi %ne3A_294, %ne3A_289 : i1
      %add3A_296 = arith.addi %rem3A_287, %select_n3A_286 : i32
      %select_n3A_297 = arith.select %and3A_295, %add3A_296, %rem3A_287 : i32
      %dma_wait3A_298 = arith.constant 0 : i32
      %dma_wait3A_299 = arith.constant 0 : i32
      %dma_wait3A_300 = tpu.memref_slice %arg9[%select_n3A_297, %dma_wait3A_298, %dma_wait3A_299] : memref<4x64x128xf32, #tpu.memory_space<vmem>> -> memref<1x64x128xf32, #tpu.memory_space<vmem>>
      %dma_wait3A_301 = tpu.memref_squeeze %dma_wait3A_300 : memref<1x64x128xf32, #tpu.memory_space<vmem>> -> memref<64x128xf32, #tpu.memory_space<vmem>>
      %dma_wait3A_302 = arith.constant 0 : i32
      %dma_wait3A_303 = tpu.memref_slice %arg7[%select_n3A_281, %dma_wait3A_302] : memref<8x64xi32, #tpu.memory_space<vmem>> -> memref<1x64xi32, #tpu.memory_space<vmem>>
      %dma_wait3A_304 = tpu.memref_squeeze %dma_wait3A_303 : memref<1x64xi32, #tpu.memory_space<vmem>> -> memref<64xi32, #tpu.memory_space<vmem>>
      %dma_wait3A_305 = arith.constant 0 : i32
      %dma_wait3A_306 = arith.constant 0 : i32
      %dma_wait3A_307 = tpu.memref_slice %arg2[%dma_wait3A_305, %dma_wait3A_306] : memref<10000x128xf32, #tpu.memory_space<hbm>> -> memref<10000x128xf32, #tpu.memory_space<hbm>>
      tpu.wait_indirect_dma semaphore(%arg11 : memref<!tpu.dma_semaphore, #tpu.memory_space<semaphore_mem>>) src(%dma_wait3A_307 : memref<10000x128xf32, #tpu.memory_space<hbm>>) dst(%dma_wait3A_301 : memref<64x128xf32, #tpu.memory_space<vmem>>)
      %sub3A = arith.constant 2 : i32
      %sub3A_308 = arith.subi %mul3A_272, %sub3A : i32
      %jit3A_309 = arith.constant 4 : i32
      %eq3A_310 = arith.constant 0 : i32
      %eq3A_311 = arith.cmpi eq, %jit3A_309, %eq3A_310 : i32
      %jit3A_312 = arith.constant 1 : i32
      %select_n3A_313 = arith.select %eq3A_311, %jit3A_312, %jit3A_309 : i32
      %rem3A_314 = arith.remsi %sub3A_308, %select_n3A_313 : i32
      %ne3A_315 = arith.constant 0 : i32
      %ne3A_316 = arith.cmpi ne, %rem3A_314, %ne3A_315 : i32
      %lt3A_317 = arith.constant 0 : i32
      %lt3A_318 = arith.cmpi slt, %rem3A_314, %lt3A_317 : i32
      %lt3A_319 = arith.constant 0 : i32
      %lt3A_320 = arith.cmpi slt, %select_n3A_313, %lt3A_319 : i32
      %ne3A_321 = arith.xori %lt3A_318, %lt3A_320 : i1
      %and3A_322 = arith.andi %ne3A_321, %ne3A_316 : i1
      %add3A_323 = arith.addi %rem3A_314, %select_n3A_313 : i32
      %select_n3A_324 = arith.select %and3A_322, %add3A_323, %rem3A_314 : i32
      %dma_wait3A_325 = arith.constant 0 : i32
      %dma_wait3A_326 = arith.constant 0 : i32
      %dma_wait3A_327 = tpu.memref_slice %arg9[%select_n3A_324, %dma_wait3A_325, %dma_wait3A_326] : memref<4x64x128xf32, #tpu.memory_space<vmem>> -> memref<1x64x128xf32, #tpu.memory_space<vmem>>
      %dma_wait3A_328 = tpu.memref_squeeze %dma_wait3A_327 : memref<1x64x128xf32, #tpu.memory_space<vmem>> -> memref<64x128xf32, #tpu.memory_space<vmem>>
      %dma_wait3A_329 = arith.constant 0 : i32
      %dma_wait3A_330 = arith.constant 0 : i32
      %dma_wait3A_331 = tpu.memref_slice %arg5[%dma_wait3A_329, %dma_wait3A_330] : memref<640x128xf32, #tpu.memory_space<hbm>> -> memref<64x128xf32, #tpu.memory_space<hbm>>
      %dma_wait3A_332 = arith.constant 0 : i32
      %dma_wait3A_333 = arith.constant 0 : i32
      %dma_wait3A_334 = tpu.memref_slice %arg9[%select_n3A_324, %dma_wait3A_332, %dma_wait3A_333] : memref<4x64x128xf32, #tpu.memory_space<vmem>> -> memref<1x64x128xf32, #tpu.memory_space<vmem>>
      %dma_wait3A_335 = tpu.memref_squeeze %dma_wait3A_334 : memref<1x64x128xf32, #tpu.memory_space<vmem>> -> memref<64x128xf32, #tpu.memory_space<vmem>>
      %dma_wait3A_336 = arith.constant 0 : i32
      %dma_wait3A_337 = arith.constant 0 : i32
      %dma_wait3A_338 = tpu.memref_slice %arg5[%dma_wait3A_336, %dma_wait3A_337] : memref<640x128xf32, #tpu.memory_space<hbm>> -> memref<64x128xf32, #tpu.memory_space<hbm>>
      tpu.wait_dma2 semaphore(%arg13 : memref<!tpu.dma_semaphore, #tpu.memory_space<semaphore_mem>>) src(%dma_wait3A_338 : memref<64x128xf32, #tpu.memory_space<hbm>>) dst(%dma_wait3A_335 : memref<64x128xf32, #tpu.memory_space<vmem>>)
      %jit3A_339 = arith.constant 4 : i32
      %eq3A_340 = arith.constant 0 : i32
      %eq3A_341 = arith.cmpi eq, %jit3A_339, %eq3A_340 : i32
      %jit3A_342 = arith.constant 1 : i32
      %select_n3A_343 = arith.select %eq3A_341, %jit3A_342, %jit3A_339 : i32
      %rem3A_344 = arith.remsi %mul3A_272, %select_n3A_343 : i32
      %ne3A_345 = arith.constant 0 : i32
      %ne3A_346 = arith.cmpi ne, %rem3A_344, %ne3A_345 : i32
      %lt3A_347 = arith.constant 0 : i32
      %lt3A_348 = arith.cmpi slt, %rem3A_344, %lt3A_347 : i32
      %lt3A_349 = arith.constant 0 : i32
      %lt3A_350 = arith.cmpi slt, %select_n3A_343, %lt3A_349 : i32
      %ne3A_351 = arith.xori %lt3A_348, %lt3A_350 : i1
      %and3A_352 = arith.andi %ne3A_351, %ne3A_346 : i1
      %add3A_353 = arith.addi %rem3A_344, %select_n3A_343 : i32
      %select_n3A_354 = arith.select %and3A_352, %add3A_353, %rem3A_344 : i32
      %jit3A_355 = arith.constant 8 : i32
      %eq3A_356 = arith.constant 0 : i32
      %eq3A_357 = arith.cmpi eq, %jit3A_355, %eq3A_356 : i32
      %jit3A_358 = arith.constant 1 : i32
      %select_n3A_359 = arith.select %eq3A_357, %jit3A_358, %jit3A_355 : i32
      %rem3A_360 = arith.remsi %mul3A_272, %select_n3A_359 : i32
      %ne3A_361 = arith.constant 0 : i32
      %ne3A_362 = arith.cmpi ne, %rem3A_360, %ne3A_361 : i32
      %lt3A_363 = arith.constant 0 : i32
      %lt3A_364 = arith.cmpi slt, %rem3A_360, %lt3A_363 : i32
      %lt3A_365 = arith.constant 0 : i32
      %lt3A_366 = arith.cmpi slt, %select_n3A_359, %lt3A_365 : i32
      %ne3A_367 = arith.xori %lt3A_364, %lt3A_366 : i1
      %and3A_368 = arith.andi %ne3A_367, %ne3A_362 : i1
      %add3A_369 = arith.addi %rem3A_360, %select_n3A_359 : i32
      %select_n3A_370 = arith.select %and3A_368, %add3A_369, %rem3A_360 : i32
      %dma_start3A_371 = arith.constant 0 : i32
      %dma_start3A_372 = arith.constant 0 : i32
      %dma_start3A_373 = tpu.memref_slice %arg9[%select_n3A_354, %dma_start3A_371, %dma_start3A_372] : memref<4x64x128xf32, #tpu.memory_space<vmem>> -> memref<1x64x128xf32, #tpu.memory_space<vmem>>
      %dma_start3A_374 = tpu.memref_squeeze %dma_start3A_373 : memref<1x64x128xf32, #tpu.memory_space<vmem>> -> memref<64x128xf32, #tpu.memory_space<vmem>>
      %dma_start3A_375 = arith.constant 0 : i32
      %dma_start3A_376 = tpu.memref_slice %arg8[%select_n3A_370, %dma_start3A_375] : memref<8x64xi32, #tpu.memory_space<vmem>> -> memref<1x64xi32, #tpu.memory_space<vmem>>
      %dma_start3A_377 = tpu.memref_squeeze %dma_start3A_376 : memref<1x64xi32, #tpu.memory_space<vmem>> -> memref<64xi32, #tpu.memory_space<vmem>>
      %dma_start3A_378 = arith.constant 0 : i32
      %dma_start3A_379 = arith.constant 0 : i32
      %dma_start3A_380 = tpu.memref_slice %arg10[%dma_start3A_378, %dma_start3A_379] : memref<10240x128xf32, #tpu.memory_space<vmem_shared>> -> memref<10240x128xf32, #tpu.memory_space<vmem_shared>>
      tpu.enqueue_indirect_dma source(%dma_start3A_374 : memref<64x128xf32, #tpu.memory_space<vmem>>) target(%dma_start3A_380 : memref<10240x128xf32, #tpu.memory_space<vmem_shared>>) offsets(%dma_start3A_377 : memref<64xi32, #tpu.memory_space<vmem>>) semaphore(%arg13 : memref<!tpu.dma_semaphore, #tpu.memory_space<semaphore_mem>>) {add = true}
      %add3A_381 = arith.constant 2 : i32
      %add3A_382 = arith.addi %mul3A_272, %add3A_381 : i32
      %lt3A_383 = arith.constant 160 : i32
      %lt3A_384 = arith.cmpi slt, %add3A_382, %lt3A_383 : i32
      %convert_element_type3A = arith.extui %lt3A_384 : i1 to i32
      %cond3A = arith.constant 0 : i32
      %cond3A_385 = arith.cmpi ne, %convert_element_type3A, %cond3A : i32
      scf.if %cond3A_385 {
        %add3A_527 = arith.constant 2 : i32
        %add3A_528 = arith.addi %mul3A_272, %add3A_527 : i32
        %jit3A_529 = arith.constant 8 : i32
        %eq3A_530 = arith.constant 0 : i32
        %eq3A_531 = arith.cmpi eq, %jit3A_529, %eq3A_530 : i32
        %jit3A_532 = arith.constant 1 : i32
        %select_n3A_533 = arith.select %eq3A_531, %jit3A_532, %jit3A_529 : i32
        %rem3A_534 = arith.remsi %add3A_528, %select_n3A_533 : i32
        %ne3A_535 = arith.constant 0 : i32
        %ne3A_536 = arith.cmpi ne, %rem3A_534, %ne3A_535 : i32
        %lt3A_537 = arith.constant 0 : i32
        %lt3A_538 = arith.cmpi slt, %rem3A_534, %lt3A_537 : i32
        %lt3A_539 = arith.constant 0 : i32
        %lt3A_540 = arith.cmpi slt, %select_n3A_533, %lt3A_539 : i32
        %ne3A_541 = arith.xori %lt3A_538, %lt3A_540 : i1
        %and3A_542 = arith.andi %ne3A_541, %ne3A_536 : i1
        %add3A_543 = arith.addi %rem3A_534, %select_n3A_533 : i32
        %select_n3A_544 = arith.select %and3A_542, %add3A_543, %rem3A_534 : i32
        %mul3A_545 = arith.constant 64 : i32
        %mul3A_546 = arith.muli %add3A_528, %mul3A_545 : i32
        %add3A_547 = arith.addi %mul3A_4, %mul3A_546 : i32
        %multiple_of3A_548 = tpu.assume_multiple %add3A_547, 8 : i32
        %dma_wait3A_549 = arith.constant 0 : i32
        %dma_wait3A_550 = tpu.memref_slice %arg7[%select_n3A_544, %dma_wait3A_549] : memref<8x64xi32, #tpu.memory_space<vmem>> -> memref<1x64xi32, #tpu.memory_space<vmem>>
        %dma_wait3A_551 = tpu.memref_squeeze %dma_wait3A_550 : memref<1x64xi32, #tpu.memory_space<vmem>> -> memref<64xi32, #tpu.memory_space<vmem>>
        %dma_wait3A_552 = tpu.memref_slice %arg3[%multiple_of3A_548] : memref<327680xi32, #tpu.memory_space<hbm>> -> memref<64xi32, #tpu.memory_space<hbm>>
        %dma_wait3A_553 = arith.constant 0 : i32
        %dma_wait3A_554 = tpu.memref_slice %arg7[%select_n3A_544, %dma_wait3A_553] : memref<8x64xi32, #tpu.memory_space<vmem>> -> memref<1x64xi32, #tpu.memory_space<vmem>>
        %dma_wait3A_555 = tpu.memref_squeeze %dma_wait3A_554 : memref<1x64xi32, #tpu.memory_space<vmem>> -> memref<64xi32, #tpu.memory_space<vmem>>
        %dma_wait3A_556 = tpu.memref_slice %arg3[%multiple_of3A_548] : memref<327680xi32, #tpu.memory_space<hbm>> -> memref<64xi32, #tpu.memory_space<hbm>>
        tpu.wait_dma2 semaphore(%arg15 : memref<!tpu.dma_semaphore, #tpu.memory_space<semaphore_mem>>) src(%dma_wait3A_556 : memref<64xi32, #tpu.memory_space<hbm>>) dst(%dma_wait3A_555 : memref<64xi32, #tpu.memory_space<vmem>>)
        %dma_wait3A_557 = arith.constant 0 : i32
        %dma_wait3A_558 = tpu.memref_slice %arg8[%select_n3A_544, %dma_wait3A_557] : memref<8x64xi32, #tpu.memory_space<vmem>> -> memref<1x64xi32, #tpu.memory_space<vmem>>
        %dma_wait3A_559 = tpu.memref_squeeze %dma_wait3A_558 : memref<1x64xi32, #tpu.memory_space<vmem>> -> memref<64xi32, #tpu.memory_space<vmem>>
        %dma_wait3A_560 = tpu.memref_slice %arg4[%multiple_of3A_548] : memref<327680xi32, #tpu.memory_space<hbm>> -> memref<64xi32, #tpu.memory_space<hbm>>
        %dma_wait3A_561 = arith.constant 0 : i32
        %dma_wait3A_562 = tpu.memref_slice %arg8[%select_n3A_544, %dma_wait3A_561] : memref<8x64xi32, #tpu.memory_space<vmem>> -> memref<1x64xi32, #tpu.memory_space<vmem>>
        %dma_wait3A_563 = tpu.memref_squeeze %dma_wait3A_562 : memref<1x64xi32, #tpu.memory_space<vmem>> -> memref<64xi32, #tpu.memory_space<vmem>>
        %dma_wait3A_564 = tpu.memref_slice %arg4[%multiple_of3A_548] : memref<327680xi32, #tpu.memory_space<hbm>> -> memref<64xi32, #tpu.memory_space<hbm>>
        tpu.wait_dma2 semaphore(%arg15 : memref<!tpu.dma_semaphore, #tpu.memory_space<semaphore_mem>>) src(%dma_wait3A_564 : memref<64xi32, #tpu.memory_space<hbm>>) dst(%dma_wait3A_563 : memref<64xi32, #tpu.memory_space<vmem>>)
        %add3A_565 = arith.constant 2 : i32
        %add3A_566 = arith.addi %mul3A_272, %add3A_565 : i32
        %jit3A_567 = arith.constant 8 : i32
        %eq3A_568 = arith.constant 0 : i32
        %eq3A_569 = arith.cmpi eq, %jit3A_567, %eq3A_568 : i32
        %jit3A_570 = arith.constant 1 : i32
        %select_n3A_571 = arith.select %eq3A_569, %jit3A_570, %jit3A_567 : i32
        %rem3A_572 = arith.remsi %add3A_566, %select_n3A_571 : i32
        %ne3A_573 = arith.constant 0 : i32
        %ne3A_574 = arith.cmpi ne, %rem3A_572, %ne3A_573 : i32
        %lt3A_575 = arith.constant 0 : i32
        %lt3A_576 = arith.cmpi slt, %rem3A_572, %lt3A_575 : i32
        %lt3A_577 = arith.constant 0 : i32
        %lt3A_578 = arith.cmpi slt, %select_n3A_571, %lt3A_577 : i32
        %ne3A_579 = arith.xori %lt3A_576, %lt3A_578 : i1
        %and3A_580 = arith.andi %ne3A_579, %ne3A_574 : i1
        %add3A_581 = arith.addi %rem3A_572, %select_n3A_571 : i32
        %select_n3A_582 = arith.select %and3A_580, %add3A_581, %rem3A_572 : i32
        %jit3A_583 = arith.constant 4 : i32
        %eq3A_584 = arith.constant 0 : i32
        %eq3A_585 = arith.cmpi eq, %jit3A_583, %eq3A_584 : i32
        %jit3A_586 = arith.constant 1 : i32
        %select_n3A_587 = arith.select %eq3A_585, %jit3A_586, %jit3A_583 : i32
        %rem3A_588 = arith.remsi %add3A_566, %select_n3A_587 : i32
        %ne3A_589 = arith.constant 0 : i32
        %ne3A_590 = arith.cmpi ne, %rem3A_588, %ne3A_589 : i32
        %lt3A_591 = arith.constant 0 : i32
        %lt3A_592 = arith.cmpi slt, %rem3A_588, %lt3A_591 : i32
        %lt3A_593 = arith.constant 0 : i32
        %lt3A_594 = arith.cmpi slt, %select_n3A_587, %lt3A_593 : i32
        %ne3A_595 = arith.xori %lt3A_592, %lt3A_594 : i1
        %and3A_596 = arith.andi %ne3A_595, %ne3A_590 : i1
        %add3A_597 = arith.addi %rem3A_588, %select_n3A_587 : i32
        %select_n3A_598 = arith.select %and3A_596, %add3A_597, %rem3A_588 : i32
        %dma_start3A_599 = arith.constant 0 : i32
        %dma_start3A_600 = arith.constant 0 : i32
        %dma_start3A_601 = tpu.memref_slice %arg9[%select_n3A_598, %dma_start3A_599, %dma_start3A_600] : memref<4x64x128xf32, #tpu.memory_space<vmem>> -> memref<1x64x128xf32, #tpu.memory_space<vmem>>
        %dma_start3A_602 = tpu.memref_squeeze %dma_start3A_601 : memref<1x64x128xf32, #tpu.memory_space<vmem>> -> memref<64x128xf32, #tpu.memory_space<vmem>>
        %dma_start3A_603 = arith.constant 0 : i32
        %dma_start3A_604 = tpu.memref_slice %arg7[%select_n3A_582, %dma_start3A_603] : memref<8x64xi32, #tpu.memory_space<vmem>> -> memref<1x64xi32, #tpu.memory_space<vmem>>
        %dma_start3A_605 = tpu.memref_squeeze %dma_start3A_604 : memref<1x64xi32, #tpu.memory_space<vmem>> -> memref<64xi32, #tpu.memory_space<vmem>>
        %dma_start3A_606 = arith.constant 0 : i32
        %dma_start3A_607 = arith.constant 0 : i32
        %dma_start3A_608 = tpu.memref_slice %arg2[%dma_start3A_606, %dma_start3A_607] : memref<10000x128xf32, #tpu.memory_space<hbm>> -> memref<10000x128xf32, #tpu.memory_space<hbm>>
        tpu.enqueue_indirect_dma source(%dma_start3A_608 : memref<10000x128xf32, #tpu.memory_space<hbm>>) target(%dma_start3A_602 : memref<64x128xf32, #tpu.memory_space<vmem>>) offsets(%dma_start3A_605 : memref<64xi32, #tpu.memory_space<vmem>>) semaphore(%arg11 : memref<!tpu.dma_semaphore, #tpu.memory_space<semaphore_mem>>)
      } else {
      }
      %add3A_386 = arith.constant 4 : i32
      %add3A_387 = arith.addi %mul3A_272, %add3A_386 : i32
      %lt3A_388 = arith.constant 160 : i32
      %lt3A_389 = arith.cmpi slt, %add3A_387, %lt3A_388 : i32
      %convert_element_type3A_390 = arith.extui %lt3A_389 : i1 to i32
      %cond3A_391 = arith.constant 0 : i32
      %cond3A_392 = arith.cmpi ne, %convert_element_type3A_390, %cond3A_391 : i32
      scf.if %cond3A_392 {
        %add3A_527 = arith.constant 4 : i32
        %add3A_528 = arith.addi %mul3A_272, %add3A_527 : i32
        %jit3A_529 = arith.constant 8 : i32
        %eq3A_530 = arith.constant 0 : i32
        %eq3A_531 = arith.cmpi eq, %jit3A_529, %eq3A_530 : i32
        %jit3A_532 = arith.constant 1 : i32
        %select_n3A_533 = arith.select %eq3A_531, %jit3A_532, %jit3A_529 : i32
        %rem3A_534 = arith.remsi %add3A_528, %select_n3A_533 : i32
        %ne3A_535 = arith.constant 0 : i32
        %ne3A_536 = arith.cmpi ne, %rem3A_534, %ne3A_535 : i32
        %lt3A_537 = arith.constant 0 : i32
        %lt3A_538 = arith.cmpi slt, %rem3A_534, %lt3A_537 : i32
        %lt3A_539 = arith.constant 0 : i32
        %lt3A_540 = arith.cmpi slt, %select_n3A_533, %lt3A_539 : i32
        %ne3A_541 = arith.xori %lt3A_538, %lt3A_540 : i1
        %and3A_542 = arith.andi %ne3A_541, %ne3A_536 : i1
        %add3A_543 = arith.addi %rem3A_534, %select_n3A_533 : i32
        %select_n3A_544 = arith.select %and3A_542, %add3A_543, %rem3A_534 : i32
        %mul3A_545 = arith.constant 64 : i32
        %mul3A_546 = arith.muli %add3A_528, %mul3A_545 : i32
        %add3A_547 = arith.addi %mul3A_4, %mul3A_546 : i32
        %multiple_of3A_548 = tpu.assume_multiple %add3A_547, 8 : i32
        %dma_start3A_549 = arith.constant 0 : i32
        %dma_start3A_550 = tpu.memref_slice %arg7[%select_n3A_544, %dma_start3A_549] : memref<8x64xi32, #tpu.memory_space<vmem>> -> memref<1x64xi32, #tpu.memory_space<vmem>>
        %dma_start3A_551 = tpu.memref_squeeze %dma_start3A_550 : memref<1x64xi32, #tpu.memory_space<vmem>> -> memref<64xi32, #tpu.memory_space<vmem>>
        %dma_start3A_552 = tpu.memref_slice %arg3[%multiple_of3A_548] : memref<327680xi32, #tpu.memory_space<hbm>> -> memref<64xi32, #tpu.memory_space<hbm>>
        %dma_start3A_553 = arith.constant 0 : i32
        %dma_start3A_554 = tpu.memref_slice %arg7[%select_n3A_544, %dma_start3A_553] : memref<8x64xi32, #tpu.memory_space<vmem>> -> memref<1x64xi32, #tpu.memory_space<vmem>>
        %dma_start3A_555 = tpu.memref_squeeze %dma_start3A_554 : memref<1x64xi32, #tpu.memory_space<vmem>> -> memref<64xi32, #tpu.memory_space<vmem>>
        %dma_start3A_556 = tpu.memref_slice %arg3[%multiple_of3A_548] : memref<327680xi32, #tpu.memory_space<hbm>> -> memref<64xi32, #tpu.memory_space<hbm>>
        tpu.enqueue_dma source(%dma_start3A_556 : memref<64xi32, #tpu.memory_space<hbm>>) target(%dma_start3A_555 : memref<64xi32, #tpu.memory_space<vmem>>) target_semaphore(%arg15 : memref<!tpu.dma_semaphore, #tpu.memory_space<semaphore_mem>>)
        %dma_start3A_557 = arith.constant 0 : i32
        %dma_start3A_558 = tpu.memref_slice %arg8[%select_n3A_544, %dma_start3A_557] : memref<8x64xi32, #tpu.memory_space<vmem>> -> memref<1x64xi32, #tpu.memory_space<vmem>>
        %dma_start3A_559 = tpu.memref_squeeze %dma_start3A_558 : memref<1x64xi32, #tpu.memory_space<vmem>> -> memref<64xi32, #tpu.memory_space<vmem>>
        %dma_start3A_560 = tpu.memref_slice %arg4[%multiple_of3A_548] : memref<327680xi32, #tpu.memory_space<hbm>> -> memref<64xi32, #tpu.memory_space<hbm>>
        %dma_start3A_561 = arith.constant 0 : i32
        %dma_start3A_562 = tpu.memref_slice %arg8[%select_n3A_544, %dma_start3A_561] : memref<8x64xi32, #tpu.memory_space<vmem>> -> memref<1x64xi32, #tpu.memory_space<vmem>>
        %dma_start3A_563 = tpu.memref_squeeze %dma_start3A_562 : memref<1x64xi32, #tpu.memory_space<vmem>> -> memref<64xi32, #tpu.memory_space<vmem>>
        %dma_start3A_564 = tpu.memref_slice %arg4[%multiple_of3A_548] : memref<327680xi32, #tpu.memory_space<hbm>> -> memref<64xi32, #tpu.memory_space<hbm>>
        tpu.enqueue_dma source(%dma_start3A_564 : memref<64xi32, #tpu.memory_space<hbm>>) target(%dma_start3A_563 : memref<64xi32, #tpu.memory_space<vmem>>) target_semaphore(%arg15 : memref<!tpu.dma_semaphore, #tpu.memory_space<semaphore_mem>>)
      } else {
      }
      %mul3A_393 = arith.constant 2 : i32
      %mul3A_394 = arith.muli %mul3A_393, %scan3A_270 : i32
      %add3A_395 = arith.constant 1 : i32
      %add3A_396 = arith.addi %mul3A_394, %add3A_395 : i32
      %jit3A_397 = arith.constant 8 : i32
      %eq3A_398 = arith.constant 0 : i32
      %eq3A_399 = arith.cmpi eq, %jit3A_397, %eq3A_398 : i32
      %jit3A_400 = arith.constant 1 : i32
      %select_n3A_401 = arith.select %eq3A_399, %jit3A_400, %jit3A_397 : i32
      %rem3A_402 = arith.remsi %add3A_396, %select_n3A_401 : i32
      %ne3A_403 = arith.constant 0 : i32
      %ne3A_404 = arith.cmpi ne, %rem3A_402, %ne3A_403 : i32
      %lt3A_405 = arith.constant 0 : i32
      %lt3A_406 = arith.cmpi slt, %rem3A_402, %lt3A_405 : i32
      %lt3A_407 = arith.constant 0 : i32
      %lt3A_408 = arith.cmpi slt, %select_n3A_401, %lt3A_407 : i32
      %ne3A_409 = arith.xori %lt3A_406, %lt3A_408 : i1
      %and3A_410 = arith.andi %ne3A_409, %ne3A_404 : i1
      %add3A_411 = arith.addi %rem3A_402, %select_n3A_401 : i32
      %select_n3A_412 = arith.select %and3A_410, %add3A_411, %rem3A_402 : i32
      %jit3A_413 = arith.constant 4 : i32
      %eq3A_414 = arith.constant 0 : i32
      %eq3A_415 = arith.cmpi eq, %jit3A_413, %eq3A_414 : i32
      %jit3A_416 = arith.constant 1 : i32
      %select_n3A_417 = arith.select %eq3A_415, %jit3A_416, %jit3A_413 : i32
      %rem3A_418 = arith.remsi %add3A_396, %select_n3A_417 : i32
      %ne3A_419 = arith.constant 0 : i32
      %ne3A_420 = arith.cmpi ne, %rem3A_418, %ne3A_419 : i32
      %lt3A_421 = arith.constant 0 : i32
      %lt3A_422 = arith.cmpi slt, %rem3A_418, %lt3A_421 : i32
      %lt3A_423 = arith.constant 0 : i32
      %lt3A_424 = arith.cmpi slt, %select_n3A_417, %lt3A_423 : i32
      %ne3A_425 = arith.xori %lt3A_422, %lt3A_424 : i1
      %and3A_426 = arith.andi %ne3A_425, %ne3A_420 : i1
      %add3A_427 = arith.addi %rem3A_418, %select_n3A_417 : i32
      %select_n3A_428 = arith.select %and3A_426, %add3A_427, %rem3A_418 : i32
      %dma_wait3A_429 = arith.constant 0 : i32
      %dma_wait3A_430 = arith.constant 0 : i32
      %dma_wait3A_431 = tpu.memref_slice %arg9[%select_n3A_428, %dma_wait3A_429, %dma_wait3A_430] : memref<4x64x128xf32, #tpu.memory_space<vmem>> -> memref<1x64x128xf32, #tpu.memory_space<vmem>>
      %dma_wait3A_432 = tpu.memref_squeeze %dma_wait3A_431 : memref<1x64x128xf32, #tpu.memory_space<vmem>> -> memref<64x128xf32, #tpu.memory_space<vmem>>
      %dma_wait3A_433 = arith.constant 0 : i32
      %dma_wait3A_434 = tpu.memref_slice %arg7[%select_n3A_412, %dma_wait3A_433] : memref<8x64xi32, #tpu.memory_space<vmem>> -> memref<1x64xi32, #tpu.memory_space<vmem>>
      %dma_wait3A_435 = tpu.memref_squeeze %dma_wait3A_434 : memref<1x64xi32, #tpu.memory_space<vmem>> -> memref<64xi32, #tpu.memory_space<vmem>>
      %dma_wait3A_436 = arith.constant 0 : i32
      %dma_wait3A_437 = arith.constant 0 : i32
      %dma_wait3A_438 = tpu.memref_slice %arg2[%dma_wait3A_436, %dma_wait3A_437] : memref<10000x128xf32, #tpu.memory_space<hbm>> -> memref<10000x128xf32, #tpu.memory_space<hbm>>
      tpu.wait_indirect_dma semaphore(%arg12 : memref<!tpu.dma_semaphore, #tpu.memory_space<semaphore_mem>>) src(%dma_wait3A_438 : memref<10000x128xf32, #tpu.memory_space<hbm>>) dst(%dma_wait3A_432 : memref<64x128xf32, #tpu.memory_space<vmem>>)
      %sub3A_439 = arith.constant 2 : i32
      %sub3A_440 = arith.subi %add3A_396, %sub3A_439 : i32
      %jit3A_441 = arith.constant 4 : i32
      %eq3A_442 = arith.constant 0 : i32
      %eq3A_443 = arith.cmpi eq, %jit3A_441, %eq3A_442 : i32
      %jit3A_444 = arith.constant 1 : i32
      %select_n3A_445 = arith.select %eq3A_443, %jit3A_444, %jit3A_441 : i32
      %rem3A_446 = arith.remsi %sub3A_440, %select_n3A_445 : i32
      %ne3A_447 = arith.constant 0 : i32
      %ne3A_448 = arith.cmpi ne, %rem3A_446, %ne3A_447 : i32
      %lt3A_449 = arith.constant 0 : i32
      %lt3A_450 = arith.cmpi slt, %rem3A_446, %lt3A_449 : i32
      %lt3A_451 = arith.constant 0 : i32
      %lt3A_452 = arith.cmpi slt, %select_n3A_445, %lt3A_451 : i32
      %ne3A_453 = arith.xori %lt3A_450, %lt3A_452 : i1
      %and3A_454 = arith.andi %ne3A_453, %ne3A_448 : i1
      %add3A_455 = arith.addi %rem3A_446, %select_n3A_445 : i32
      %select_n3A_456 = arith.select %and3A_454, %add3A_455, %rem3A_446 : i32
      %dma_wait3A_457 = arith.constant 0 : i32
      %dma_wait3A_458 = arith.constant 0 : i32
      %dma_wait3A_459 = tpu.memref_slice %arg9[%select_n3A_456, %dma_wait3A_457, %dma_wait3A_458] : memref<4x64x128xf32, #tpu.memory_space<vmem>> -> memref<1x64x128xf32, #tpu.memory_space<vmem>>
      %dma_wait3A_460 = tpu.memref_squeeze %dma_wait3A_459 : memref<1x64x128xf32, #tpu.memory_space<vmem>> -> memref<64x128xf32, #tpu.memory_space<vmem>>
      %dma_wait3A_461 = arith.constant 0 : i32
      %dma_wait3A_462 = arith.constant 0 : i32
      %dma_wait3A_463 = tpu.memref_slice %arg5[%dma_wait3A_461, %dma_wait3A_462] : memref<640x128xf32, #tpu.memory_space<hbm>> -> memref<64x128xf32, #tpu.memory_space<hbm>>
      %dma_wait3A_464 = arith.constant 0 : i32
      %dma_wait3A_465 = arith.constant 0 : i32
      %dma_wait3A_466 = tpu.memref_slice %arg9[%select_n3A_456, %dma_wait3A_464, %dma_wait3A_465] : memref<4x64x128xf32, #tpu.memory_space<vmem>> -> memref<1x64x128xf32, #tpu.memory_space<vmem>>
      %dma_wait3A_467 = tpu.memref_squeeze %dma_wait3A_466 : memref<1x64x128xf32, #tpu.memory_space<vmem>> -> memref<64x128xf32, #tpu.memory_space<vmem>>
      %dma_wait3A_468 = arith.constant 0 : i32
      %dma_wait3A_469 = arith.constant 0 : i32
      %dma_wait3A_470 = tpu.memref_slice %arg5[%dma_wait3A_468, %dma_wait3A_469] : memref<640x128xf32, #tpu.memory_space<hbm>> -> memref<64x128xf32, #tpu.memory_space<hbm>>
      tpu.wait_dma2 semaphore(%arg14 : memref<!tpu.dma_semaphore, #tpu.memory_space<semaphore_mem>>) src(%dma_wait3A_470 : memref<64x128xf32, #tpu.memory_space<hbm>>) dst(%dma_wait3A_467 : memref<64x128xf32, #tpu.memory_space<vmem>>)
      %jit3A_471 = arith.constant 4 : i32
      %eq3A_472 = arith.constant 0 : i32
      %eq3A_473 = arith.cmpi eq, %jit3A_471, %eq3A_472 : i32
      %jit3A_474 = arith.constant 1 : i32
      %select_n3A_475 = arith.select %eq3A_473, %jit3A_474, %jit3A_471 : i32
      %rem3A_476 = arith.remsi %add3A_396, %select_n3A_475 : i32
      %ne3A_477 = arith.constant 0 : i32
      %ne3A_478 = arith.cmpi ne, %rem3A_476, %ne3A_477 : i32
      %lt3A_479 = arith.constant 0 : i32
      %lt3A_480 = arith.cmpi slt, %rem3A_476, %lt3A_479 : i32
      %lt3A_481 = arith.constant 0 : i32
      %lt3A_482 = arith.cmpi slt, %select_n3A_475, %lt3A_481 : i32
      %ne3A_483 = arith.xori %lt3A_480, %lt3A_482 : i1
      %and3A_484 = arith.andi %ne3A_483, %ne3A_478 : i1
      %add3A_485 = arith.addi %rem3A_476, %select_n3A_475 : i32
      %select_n3A_486 = arith.select %and3A_484, %add3A_485, %rem3A_476 : i32
      %jit3A_487 = arith.constant 8 : i32
      %eq3A_488 = arith.constant 0 : i32
      %eq3A_489 = arith.cmpi eq, %jit3A_487, %eq3A_488 : i32
      %jit3A_490 = arith.constant 1 : i32
      %select_n3A_491 = arith.select %eq3A_489, %jit3A_490, %jit3A_487 : i32
      %rem3A_492 = arith.remsi %add3A_396, %select_n3A_491 : i32
      %ne3A_493 = arith.constant 0 : i32
      %ne3A_494 = arith.cmpi ne, %rem3A_492, %ne3A_493 : i32
      %lt3A_495 = arith.constant 0 : i32
      %lt3A_496 = arith.cmpi slt, %rem3A_492, %lt3A_495 : i32
      %lt3A_497 = arith.constant 0 : i32
      %lt3A_498 = arith.cmpi slt, %select_n3A_491, %lt3A_497 : i32
      %ne3A_499 = arith.xori %lt3A_496, %lt3A_498 : i1
      %and3A_500 = arith.andi %ne3A_499, %ne3A_494 : i1
      %add3A_501 = arith.addi %rem3A_492, %select_n3A_491 : i32
      %select_n3A_502 = arith.select %and3A_500, %add3A_501, %rem3A_492 : i32
      %dma_start3A_503 = arith.constant 0 : i32
      %dma_start3A_504 = arith.constant 0 : i32
      %dma_start3A_505 = tpu.memref_slice %arg9[%select_n3A_486, %dma_start3A_503, %dma_start3A_504] : memref<4x64x128xf32, #tpu.memory_space<vmem>> -> memref<1x64x128xf32, #tpu.memory_space<vmem>>
      %dma_start3A_506 = tpu.memref_squeeze %dma_start3A_505 : memref<1x64x128xf32, #tpu.memory_space<vmem>> -> memref<64x128xf32, #tpu.memory_space<vmem>>
      %dma_start3A_507 = arith.constant 0 : i32
      %dma_start3A_508 = tpu.memref_slice %arg8[%select_n3A_502, %dma_start3A_507] : memref<8x64xi32, #tpu.memory_space<vmem>> -> memref<1x64xi32, #tpu.memory_space<vmem>>
      %dma_start3A_509 = tpu.memref_squeeze %dma_start3A_508 : memref<1x64xi32, #tpu.memory_space<vmem>> -> memref<64xi32, #tpu.memory_space<vmem>>
      %dma_start3A_510 = arith.constant 0 : i32
      %dma_start3A_511 = arith.constant 0 : i32
      %dma_start3A_512 = tpu.memref_slice %arg10[%dma_start3A_510, %dma_start3A_511] : memref<10240x128xf32, #tpu.memory_space<vmem_shared>> -> memref<10240x128xf32, #tpu.memory_space<vmem_shared>>
      tpu.enqueue_indirect_dma source(%dma_start3A_506 : memref<64x128xf32, #tpu.memory_space<vmem>>) target(%dma_start3A_512 : memref<10240x128xf32, #tpu.memory_space<vmem_shared>>) offsets(%dma_start3A_509 : memref<64xi32, #tpu.memory_space<vmem>>) semaphore(%arg14 : memref<!tpu.dma_semaphore, #tpu.memory_space<semaphore_mem>>) {add = true}
      %add3A_513 = arith.constant 2 : i32
      %add3A_514 = arith.addi %add3A_396, %add3A_513 : i32
      %lt3A_515 = arith.constant 160 : i32
      %lt3A_516 = arith.cmpi slt, %add3A_514, %lt3A_515 : i32
      %convert_element_type3A_517 = arith.extui %lt3A_516 : i1 to i32
      %cond3A_518 = arith.constant 0 : i32
      %cond3A_519 = arith.cmpi ne, %convert_element_type3A_517, %cond3A_518 : i32
      scf.if %cond3A_519 {
        %add3A_527 = arith.constant 2 : i32
        %add3A_528 = arith.addi %add3A_396, %add3A_527 : i32
        %jit3A_529 = arith.constant 8 : i32
        %eq3A_530 = arith.constant 0 : i32
        %eq3A_531 = arith.cmpi eq, %jit3A_529, %eq3A_530 : i32
        %jit3A_532 = arith.constant 1 : i32
        %select_n3A_533 = arith.select %eq3A_531, %jit3A_532, %jit3A_529 : i32
        %rem3A_534 = arith.remsi %add3A_528, %select_n3A_533 : i32
        %ne3A_535 = arith.constant 0 : i32
        %ne3A_536 = arith.cmpi ne, %rem3A_534, %ne3A_535 : i32
        %lt3A_537 = arith.constant 0 : i32
        %lt3A_538 = arith.cmpi slt, %rem3A_534, %lt3A_537 : i32
        %lt3A_539 = arith.constant 0 : i32
        %lt3A_540 = arith.cmpi slt, %select_n3A_533, %lt3A_539 : i32
        %ne3A_541 = arith.xori %lt3A_538, %lt3A_540 : i1
        %and3A_542 = arith.andi %ne3A_541, %ne3A_536 : i1
        %add3A_543 = arith.addi %rem3A_534, %select_n3A_533 : i32
        %select_n3A_544 = arith.select %and3A_542, %add3A_543, %rem3A_534 : i32
        %mul3A_545 = arith.constant 64 : i32
        %mul3A_546 = arith.muli %add3A_528, %mul3A_545 : i32
        %add3A_547 = arith.addi %mul3A_4, %mul3A_546 : i32
        %multiple_of3A_548 = tpu.assume_multiple %add3A_547, 8 : i32
        %dma_wait3A_549 = arith.constant 0 : i32
        %dma_wait3A_550 = tpu.memref_slice %arg7[%select_n3A_544, %dma_wait3A_549] : memref<8x64xi32, #tpu.memory_space<vmem>> -> memref<1x64xi32, #tpu.memory_space<vmem>>
        %dma_wait3A_551 = tpu.memref_squeeze %dma_wait3A_550 : memref<1x64xi32, #tpu.memory_space<vmem>> -> memref<64xi32, #tpu.memory_space<vmem>>
        %dma_wait3A_552 = tpu.memref_slice %arg3[%multiple_of3A_548] : memref<327680xi32, #tpu.memory_space<hbm>> -> memref<64xi32, #tpu.memory_space<hbm>>
        %dma_wait3A_553 = arith.constant 0 : i32
        %dma_wait3A_554 = tpu.memref_slice %arg7[%select_n3A_544, %dma_wait3A_553] : memref<8x64xi32, #tpu.memory_space<vmem>> -> memref<1x64xi32, #tpu.memory_space<vmem>>
        %dma_wait3A_555 = tpu.memref_squeeze %dma_wait3A_554 : memref<1x64xi32, #tpu.memory_space<vmem>> -> memref<64xi32, #tpu.memory_space<vmem>>
        %dma_wait3A_556 = tpu.memref_slice %arg3[%multiple_of3A_548] : memref<327680xi32, #tpu.memory_space<hbm>> -> memref<64xi32, #tpu.memory_space<hbm>>
        tpu.wait_dma2 semaphore(%arg15 : memref<!tpu.dma_semaphore, #tpu.memory_space<semaphore_mem>>) src(%dma_wait3A_556 : memref<64xi32, #tpu.memory_space<hbm>>) dst(%dma_wait3A_555 : memref<64xi32, #tpu.memory_space<vmem>>)
        %dma_wait3A_557 = arith.constant 0 : i32
        %dma_wait3A_558 = tpu.memref_slice %arg8[%select_n3A_544, %dma_wait3A_557] : memref<8x64xi32, #tpu.memory_space<vmem>> -> memref<1x64xi32, #tpu.memory_space<vmem>>
        %dma_wait3A_559 = tpu.memref_squeeze %dma_wait3A_558 : memref<1x64xi32, #tpu.memory_space<vmem>> -> memref<64xi32, #tpu.memory_space<vmem>>
        %dma_wait3A_560 = tpu.memref_slice %arg4[%multiple_of3A_548] : memref<327680xi32, #tpu.memory_space<hbm>> -> memref<64xi32, #tpu.memory_space<hbm>>
        %dma_wait3A_561 = arith.constant 0 : i32
        %dma_wait3A_562 = tpu.memref_slice %arg8[%select_n3A_544, %dma_wait3A_561] : memref<8x64xi32, #tpu.memory_space<vmem>> -> memref<1x64xi32, #tpu.memory_space<vmem>>
        %dma_wait3A_563 = tpu.memref_squeeze %dma_wait3A_562 : memref<1x64xi32, #tpu.memory_space<vmem>> -> memref<64xi32, #tpu.memory_space<vmem>>
        %dma_wait3A_564 = tpu.memref_slice %arg4[%multiple_of3A_548] : memref<327680xi32, #tpu.memory_space<hbm>> -> memref<64xi32, #tpu.memory_space<hbm>>
        tpu.wait_dma2 semaphore(%arg15 : memref<!tpu.dma_semaphore, #tpu.memory_space<semaphore_mem>>) src(%dma_wait3A_564 : memref<64xi32, #tpu.memory_space<hbm>>) dst(%dma_wait3A_563 : memref<64xi32, #tpu.memory_space<vmem>>)
        %add3A_565 = arith.constant 2 : i32
        %add3A_566 = arith.addi %add3A_396, %add3A_565 : i32
        %jit3A_567 = arith.constant 8 : i32
        %eq3A_568 = arith.constant 0 : i32
        %eq3A_569 = arith.cmpi eq, %jit3A_567, %eq3A_568 : i32
        %jit3A_570 = arith.constant 1 : i32
        %select_n3A_571 = arith.select %eq3A_569, %jit3A_570, %jit3A_567 : i32
        %rem3A_572 = arith.remsi %add3A_566, %select_n3A_571 : i32
        %ne3A_573 = arith.constant 0 : i32
        %ne3A_574 = arith.cmpi ne, %rem3A_572, %ne3A_573 : i32
        %lt3A_575 = arith.constant 0 : i32
        %lt3A_576 = arith.cmpi slt, %rem3A_572, %lt3A_575 : i32
        %lt3A_577 = arith.constant 0 : i32
        %lt3A_578 = arith.cmpi slt, %select_n3A_571, %lt3A_577 : i32
        %ne3A_579 = arith.xori %lt3A_576, %lt3A_578 : i1
        %and3A_580 = arith.andi %ne3A_579, %ne3A_574 : i1
        %add3A_581 = arith.addi %rem3A_572, %select_n3A_571 : i32
        %select_n3A_582 = arith.select %and3A_580, %add3A_581, %rem3A_572 : i32
        %jit3A_583 = arith.constant 4 : i32
        %eq3A_584 = arith.constant 0 : i32
        %eq3A_585 = arith.cmpi eq, %jit3A_583, %eq3A_584 : i32
        %jit3A_586 = arith.constant 1 : i32
        %select_n3A_587 = arith.select %eq3A_585, %jit3A_586, %jit3A_583 : i32
        %rem3A_588 = arith.remsi %add3A_566, %select_n3A_587 : i32
        %ne3A_589 = arith.constant 0 : i32
        %ne3A_590 = arith.cmpi ne, %rem3A_588, %ne3A_589 : i32
        %lt3A_591 = arith.constant 0 : i32
        %lt3A_592 = arith.cmpi slt, %rem3A_588, %lt3A_591 : i32
        %lt3A_593 = arith.constant 0 : i32
        %lt3A_594 = arith.cmpi slt, %select_n3A_587, %lt3A_593 : i32
        %ne3A_595 = arith.xori %lt3A_592, %lt3A_594 : i1
        %and3A_596 = arith.andi %ne3A_595, %ne3A_590 : i1
        %add3A_597 = arith.addi %rem3A_588, %select_n3A_587 : i32
        %select_n3A_598 = arith.select %and3A_596, %add3A_597, %rem3A_588 : i32
        %dma_start3A_599 = arith.constant 0 : i32
        %dma_start3A_600 = arith.constant 0 : i32
        %dma_start3A_601 = tpu.memref_slice %arg9[%select_n3A_598, %dma_start3A_599, %dma_start3A_600] : memref<4x64x128xf32, #tpu.memory_space<vmem>> -> memref<1x64x128xf32, #tpu.memory_space<vmem>>
        %dma_start3A_602 = tpu.memref_squeeze %dma_start3A_601 : memref<1x64x128xf32, #tpu.memory_space<vmem>> -> memref<64x128xf32, #tpu.memory_space<vmem>>
        %dma_start3A_603 = arith.constant 0 : i32
        %dma_start3A_604 = tpu.memref_slice %arg7[%select_n3A_582, %dma_start3A_603] : memref<8x64xi32, #tpu.memory_space<vmem>> -> memref<1x64xi32, #tpu.memory_space<vmem>>
        %dma_start3A_605 = tpu.memref_squeeze %dma_start3A_604 : memref<1x64xi32, #tpu.memory_space<vmem>> -> memref<64xi32, #tpu.memory_space<vmem>>
        %dma_start3A_606 = arith.constant 0 : i32
        %dma_start3A_607 = arith.constant 0 : i32
        %dma_start3A_608 = tpu.memref_slice %arg2[%dma_start3A_606, %dma_start3A_607] : memref<10000x128xf32, #tpu.memory_space<hbm>> -> memref<10000x128xf32, #tpu.memory_space<hbm>>
        tpu.enqueue_indirect_dma source(%dma_start3A_608 : memref<10000x128xf32, #tpu.memory_space<hbm>>) target(%dma_start3A_602 : memref<64x128xf32, #tpu.memory_space<vmem>>) offsets(%dma_start3A_605 : memref<64xi32, #tpu.memory_space<vmem>>) semaphore(%arg12 : memref<!tpu.dma_semaphore, #tpu.memory_space<semaphore_mem>>)
      } else {
      }
      %add3A_520 = arith.constant 4 : i32
      %add3A_521 = arith.addi %add3A_396, %add3A_520 : i32
      %lt3A_522 = arith.constant 160 : i32
      %lt3A_523 = arith.cmpi slt, %add3A_521, %lt3A_522 : i32
      %convert_element_type3A_524 = arith.extui %lt3A_523 : i1 to i32
      %cond3A_525 = arith.constant 0 : i32
      %cond3A_526 = arith.cmpi ne, %convert_element_type3A_524, %cond3A_525 : i32
      scf.if %cond3A_526 {
        %add3A_527 = arith.constant 4 : i32
        %add3A_528 = arith.addi %add3A_396, %add3A_527 : i32
        %jit3A_529 = arith.constant 8 : i32
        %eq3A_530 = arith.constant 0 : i32
        %eq3A_531 = arith.cmpi eq, %jit3A_529, %eq3A_530 : i32
        %jit3A_532 = arith.constant 1 : i32
        %select_n3A_533 = arith.select %eq3A_531, %jit3A_532, %jit3A_529 : i32
        %rem3A_534 = arith.remsi %add3A_528, %select_n3A_533 : i32
        %ne3A_535 = arith.constant 0 : i32
        %ne3A_536 = arith.cmpi ne, %rem3A_534, %ne3A_535 : i32
        %lt3A_537 = arith.constant 0 : i32
        %lt3A_538 = arith.cmpi slt, %rem3A_534, %lt3A_537 : i32
        %lt3A_539 = arith.constant 0 : i32
        %lt3A_540 = arith.cmpi slt, %select_n3A_533, %lt3A_539 : i32
        %ne3A_541 = arith.xori %lt3A_538, %lt3A_540 : i1
        %and3A_542 = arith.andi %ne3A_541, %ne3A_536 : i1
        %add3A_543 = arith.addi %rem3A_534, %select_n3A_533 : i32
        %select_n3A_544 = arith.select %and3A_542, %add3A_543, %rem3A_534 : i32
        %mul3A_545 = arith.constant 64 : i32
        %mul3A_546 = arith.muli %add3A_528, %mul3A_545 : i32
        %add3A_547 = arith.addi %mul3A_4, %mul3A_546 : i32
        %multiple_of3A_548 = tpu.assume_multiple %add3A_547, 8 : i32
        %dma_start3A_549 = arith.constant 0 : i32
        %dma_start3A_550 = tpu.memref_slice %arg7[%select_n3A_544, %dma_start3A_549] : memref<8x64xi32, #tpu.memory_space<vmem>> -> memref<1x64xi32, #tpu.memory_space<vmem>>
        %dma_start3A_551 = tpu.memref_squeeze %dma_start3A_550 : memref<1x64xi32, #tpu.memory_space<vmem>> -> memref<64xi32, #tpu.memory_space<vmem>>
        %dma_start3A_552 = tpu.memref_slice %arg3[%multiple_of3A_548] : memref<327680xi32, #tpu.memory_space<hbm>> -> memref<64xi32, #tpu.memory_space<hbm>>
        %dma_start3A_553 = arith.constant 0 : i32
        %dma_start3A_554 = tpu.memref_slice %arg7[%select_n3A_544, %dma_start3A_553] : memref<8x64xi32, #tpu.memory_space<vmem>> -> memref<1x64xi32, #tpu.memory_space<vmem>>
        %dma_start3A_555 = tpu.memref_squeeze %dma_start3A_554 : memref<1x64xi32, #tpu.memory_space<vmem>> -> memref<64xi32, #tpu.memory_space<vmem>>
        %dma_start3A_556 = tpu.memref_slice %arg3[%multiple_of3A_548] : memref<327680xi32, #tpu.memory_space<hbm>> -> memref<64xi32, #tpu.memory_space<hbm>>
        tpu.enqueue_dma source(%dma_start3A_556 : memref<64xi32, #tpu.memory_space<hbm>>) target(%dma_start3A_555 : memref<64xi32, #tpu.memory_space<vmem>>) target_semaphore(%arg15 : memref<!tpu.dma_semaphore, #tpu.memory_space<semaphore_mem>>)
        %dma_start3A_557 = arith.constant 0 : i32
        %dma_start3A_558 = tpu.memref_slice %arg8[%select_n3A_544, %dma_start3A_557] : memref<8x64xi32, #tpu.memory_space<vmem>> -> memref<1x64xi32, #tpu.memory_space<vmem>>
        %dma_start3A_559 = tpu.memref_squeeze %dma_start3A_558 : memref<1x64xi32, #tpu.memory_space<vmem>> -> memref<64xi32, #tpu.memory_space<vmem>>
        %dma_start3A_560 = tpu.memref_slice %arg4[%multiple_of3A_548] : memref<327680xi32, #tpu.memory_space<hbm>> -> memref<64xi32, #tpu.memory_space<hbm>>
        %dma_start3A_561 = arith.constant 0 : i32
        %dma_start3A_562 = tpu.memref_slice %arg8[%select_n3A_544, %dma_start3A_561] : memref<8x64xi32, #tpu.memory_space<vmem>> -> memref<1x64xi32, #tpu.memory_space<vmem>>
        %dma_start3A_563 = tpu.memref_squeeze %dma_start3A_562 : memref<1x64xi32, #tpu.memory_space<vmem>> -> memref<64xi32, #tpu.memory_space<vmem>>
        %dma_start3A_564 = tpu.memref_slice %arg4[%multiple_of3A_548] : memref<327680xi32, #tpu.memory_space<hbm>> -> memref<64xi32, #tpu.memory_space<hbm>>
        tpu.enqueue_dma source(%dma_start3A_564 : memref<64xi32, #tpu.memory_space<hbm>>) target(%dma_start3A_563 : memref<64xi32, #tpu.memory_space<vmem>>) target_semaphore(%arg15 : memref<!tpu.dma_semaphore, #tpu.memory_space<semaphore_mem>>)
      } else {
      }
    }
    %scan3A_238 = arith.constant 79 : i32
    %dma_wait3A_239 = arith.constant 2 : i32
    %dma_wait3A_240 = arith.constant 0 : i32
    %dma_wait3A_241 = arith.constant 0 : i32
    %dma_wait3A_242 = tpu.memref_slice %arg9[%dma_wait3A_239, %dma_wait3A_240, %dma_wait3A_241] : memref<4x64x128xf32, #tpu.memory_space<vmem>> -> memref<1x64x128xf32, #tpu.memory_space<vmem>>
    %dma_wait3A_243 = tpu.memref_squeeze %dma_wait3A_242 : memref<1x64x128xf32, #tpu.memory_space<vmem>> -> memref<64x128xf32, #tpu.memory_space<vmem>>
    %dma_wait3A_244 = arith.constant 0 : i32
    %dma_wait3A_245 = arith.constant 0 : i32
    %dma_wait3A_246 = tpu.memref_slice %arg5[%dma_wait3A_244, %dma_wait3A_245] : memref<640x128xf32, #tpu.memory_space<hbm>> -> memref<64x128xf32, #tpu.memory_space<hbm>>
    %dma_wait3A_247 = arith.constant 0 : i32
    %dma_wait3A_248 = arith.constant 0 : i32
    %dma_wait3A_249 = tpu.memref_slice %arg9[%dma_wait3A_239, %dma_wait3A_247, %dma_wait3A_248] : memref<4x64x128xf32, #tpu.memory_space<vmem>> -> memref<1x64x128xf32, #tpu.memory_space<vmem>>
    %dma_wait3A_250 = tpu.memref_squeeze %dma_wait3A_249 : memref<1x64x128xf32, #tpu.memory_space<vmem>> -> memref<64x128xf32, #tpu.memory_space<vmem>>
    %dma_wait3A_251 = arith.constant 0 : i32
    %dma_wait3A_252 = arith.constant 0 : i32
    %dma_wait3A_253 = tpu.memref_slice %arg5[%dma_wait3A_251, %dma_wait3A_252] : memref<640x128xf32, #tpu.memory_space<hbm>> -> memref<64x128xf32, #tpu.memory_space<hbm>>
    tpu.wait_dma2 semaphore(%arg13 : memref<!tpu.dma_semaphore, #tpu.memory_space<semaphore_mem>>) src(%dma_wait3A_253 : memref<64x128xf32, #tpu.memory_space<hbm>>) dst(%dma_wait3A_250 : memref<64x128xf32, #tpu.memory_space<vmem>>)
    %dma_wait3A_254 = arith.constant 3 : i32
    %dma_wait3A_255 = arith.constant 0 : i32
    %dma_wait3A_256 = arith.constant 0 : i32
    %dma_wait3A_257 = tpu.memref_slice %arg9[%dma_wait3A_254, %dma_wait3A_255, %dma_wait3A_256] : memref<4x64x128xf32, #tpu.memory_space<vmem>> -> memref<1x64x128xf32, #tpu.memory_space<vmem>>
    %dma_wait3A_258 = tpu.memref_squeeze %dma_wait3A_257 : memref<1x64x128xf32, #tpu.memory_space<vmem>> -> memref<64x128xf32, #tpu.memory_space<vmem>>
    %dma_wait3A_259 = arith.constant 0 : i32
    %dma_wait3A_260 = arith.constant 0 : i32
    %dma_wait3A_261 = tpu.memref_slice %arg5[%dma_wait3A_259, %dma_wait3A_260] : memref<640x128xf32, #tpu.memory_space<hbm>> -> memref<64x128xf32, #tpu.memory_space<hbm>>
    %dma_wait3A_262 = arith.constant 0 : i32
    %dma_wait3A_263 = arith.constant 0 : i32
    %dma_wait3A_264 = tpu.memref_slice %arg9[%dma_wait3A_254, %dma_wait3A_262, %dma_wait3A_263] : memref<4x64x128xf32, #tpu.memory_space<vmem>> -> memref<1x64x128xf32, #tpu.memory_space<vmem>>
    %dma_wait3A_265 = tpu.memref_squeeze %dma_wait3A_264 : memref<1x64x128xf32, #tpu.memory_space<vmem>> -> memref<64x128xf32, #tpu.memory_space<vmem>>
    %dma_wait3A_266 = arith.constant 0 : i32
    %dma_wait3A_267 = arith.constant 0 : i32
    %dma_wait3A_268 = tpu.memref_slice %arg5[%dma_wait3A_266, %dma_wait3A_267] : memref<640x128xf32, #tpu.memory_space<hbm>> -> memref<64x128xf32, #tpu.memory_space<hbm>>
    tpu.wait_dma2 semaphore(%arg14 : memref<!tpu.dma_semaphore, #tpu.memory_space<semaphore_mem>>) src(%dma_wait3A_268 : memref<64x128xf32, #tpu.memory_space<hbm>>) dst(%dma_wait3A_265 : memref<64x128xf32, #tpu.memory_space<vmem>>)
    %barrier3A_269 = arith.constant 0 : index
    tpu.barrier barrier_id(%barrier3A_269)
    "tpu.region"() ({
      %run_scoped3A_270 = tpu.sem_alloc : memref<!tpu.dma_semaphore, #tpu.memory_space<semaphore_mem>>
      %dma_start3A_271 = arith.constant 0 : i32
      %dma_start3A_272 = tpu.memref_slice %arg6[%arg0, %multiple_of3A, %dma_start3A_271] : memref<2x10240x128xf32, #tpu.memory_space<hbm>> -> memref<1x640x128xf32, #tpu.memory_space<hbm>>
      %dma_start3A_273 = tpu.memref_squeeze %dma_start3A_272 : memref<1x640x128xf32, #tpu.memory_space<hbm>> -> memref<640x128xf32, #tpu.memory_space<hbm>>
      %dma_start3A_274 = arith.constant 0 : i32
      %dma_start3A_275 = tpu.memref_slice %arg10[%multiple_of3A, %dma_start3A_274] : memref<10240x128xf32, #tpu.memory_space<vmem_shared>> -> memref<640x128xf32, #tpu.memory_space<vmem_shared>>
      tpu.enqueue_dma source(%dma_start3A_275 : memref<640x128xf32, #tpu.memory_space<vmem_shared>>) target(%dma_start3A_273 : memref<640x128xf32, #tpu.memory_space<hbm>>) target_semaphore(%run_scoped3A_270 : memref<!tpu.dma_semaphore, #tpu.memory_space<semaphore_mem>>)
      %dma_wait3A_276 = arith.constant 0 : i32
      %dma_wait3A_277 = tpu.memref_slice %arg6[%arg0, %multiple_of3A, %dma_wait3A_276] : memref<2x10240x128xf32, #tpu.memory_space<hbm>> -> memref<1x640x128xf32, #tpu.memory_space<hbm>>
      %dma_wait3A_278 = tpu.memref_squeeze %dma_wait3A_277 : memref<1x640x128xf32, #tpu.memory_space<hbm>> -> memref<640x128xf32, #tpu.memory_space<hbm>>
      %dma_wait3A_279 = arith.constant 0 : i32
      %dma_wait3A_280 = tpu.memref_slice %arg10[%multiple_of3A, %dma_wait3A_279] : memref<10240x128xf32, #tpu.memory_space<vmem_shared>> -> memref<640x128xf32, #tpu.memory_space<vmem_shared>>
      tpu.wait_dma2 semaphore(%run_scoped3A_270 : memref<!tpu.dma_semaphore, #tpu.memory_space<semaphore_mem>>) src(%dma_wait3A_280 : memref<640x128xf32, #tpu.memory_space<vmem_shared>>) dst(%dma_wait3A_278 : memref<640x128xf32, #tpu.memory_space<hbm>>)
      tpu.yield
    }) : () -> ()
    return
  }
}

module attributes {stable_mosaic.version = 14 : i64} {
  func.func @_mlp_stats_body(%arg0: i32, %arg1: memref<2000x128xf32, #tpu.memory_space<vmem>>, %arg2: memref<2x2000x128xf32, #tpu.memory_space<vmem>>, %arg3: memref<128x128xf32, #tpu.memory_space<vmem>>, %arg4: memref<1x128xf32, #tpu.memory_space<vmem>>, %arg5: memref<128x128xf32, #tpu.memory_space<vmem>>, %arg6: memref<1x128xf32, #tpu.memory_space<vmem>>, %arg7: memref<2000x128xf32, #tpu.memory_space<vmem>>, %arg8: memref<1x128xf32, #tpu.memory_space<vmem>>, %arg9: memref<1x128xf32, #tpu.memory_space<vmem>>) attributes {dimension_semantics = [#tpu.dimension_semantics<arbitrary>], iteration_bounds = array<i64: 5>, scalar_prefetch = 0 : i64, scratch_operands = 0 : i64, tpu.core_type = #tpu.core_type<tc>, window_params = [{transform_indices = @transform_0, window_bounds = array<i64: 2000, 128>}, {transform_indices = @transform_1, window_bounds = array<i64: 2, 2000, 128>}, {pipeline_mode = #tpu.pipeline_mode<synchronous>, transform_indices = @transform_2, window_bounds = array<i64: 128, 128>}, {pipeline_mode = #tpu.pipeline_mode<synchronous>, transform_indices = @transform_3, window_bounds = array<i64: 1, 128>}, {pipeline_mode = #tpu.pipeline_mode<synchronous>, transform_indices = @transform_4, window_bounds = array<i64: 128, 128>}, {pipeline_mode = #tpu.pipeline_mode<synchronous>, transform_indices = @transform_5, window_bounds = array<i64: 1, 128>}, {transform_indices = @transform_6, window_bounds = array<i64: 2000, 128>}, {pipeline_mode = #tpu.pipeline_mode<synchronous>, transform_indices = @transform_7, window_bounds = array<i64: 1, 128>}, {pipeline_mode = #tpu.pipeline_mode<synchronous>, transform_indices = @transform_8, window_bounds = array<i64: 1, 128>}]} {
    %get3A = arith.constant 0 : index
    %get3A_0 = arith.constant 0 : index
    %get3A_1 = vector.load %arg1[%get3A, %get3A_0] : memref<2000x128xf32, #tpu.memory_space<vmem>>, vector<2000x128xf32>
    %get3A_2 = arith.constant 0 : index
    %get3A_3 = arith.constant 0 : index
    %get3A_4 = arith.constant 0 : index
    %get3A_5 = vector.load %arg2[%get3A_2, %get3A_3, %get3A_4] : memref<2x2000x128xf32, #tpu.memory_space<vmem>>, vector<1x2000x128xf32>
    %get3A_6 = vector.shape_cast %get3A_5 : vector<1x2000x128xf32> to vector<2000x128xf32>
    %add3A = arith.addf %get3A_1, %get3A_6 : vector<2000x128xf32>
    %get3A_7 = arith.constant 1 : index
    %get3A_8 = arith.constant 0 : index
    %get3A_9 = arith.constant 0 : index
    %get3A_10 = vector.load %arg2[%get3A_7, %get3A_8, %get3A_9] : memref<2x2000x128xf32, #tpu.memory_space<vmem>>, vector<1x2000x128xf32>
    %get3A_11 = vector.shape_cast %get3A_10 : vector<1x2000x128xf32> to vector<2000x128xf32>
    %add3A_12 = arith.addf %add3A, %get3A_11 : vector<2000x128xf32>
    %get3A_13 = arith.constant 0 : index
    %get3A_14 = arith.constant 0 : index
    %get3A_15 = vector.load %arg3[%get3A_13, %get3A_14] : memref<128x128xf32, #tpu.memory_space<vmem>>, vector<128x128xf32>
    %dot_general3A = arith.constant dense<0.000000e+00> : vector<2000x128xf32>
    %dot_general3A_16 = tpu.matmul %add3A_12, %get3A_15, %dot_general3A {dimension_numbers = #tpu.dot_dimension_numbers<[1], [0], [0], [1], [0, 0, 1, 1], [], []>, transpose_lhs_hint = false} : vector<2000x128xf32>, vector<128x128xf32>, vector<2000x128xf32> -> vector<2000x128xf32>
    %get3A_17 = arith.constant 0 : index
    %get3A_18 = arith.constant 0 : index
    %get3A_19 = vector.load %arg4[%get3A_17, %get3A_18] : memref<1x128xf32, #tpu.memory_space<vmem>>, vector<1x128xf32>
    %add3A_20 = vector.broadcast %get3A_19 : vector<1x128xf32> to vector<2000x128xf32>
    %add3A_21 = arith.addf %dot_general3A_16, %add3A_20 : vector<2000x128xf32>
    %max3A = arith.constant 0.000000e+00 : f32
    %max3A_22 = vector.broadcast %max3A : f32 to vector<2000x128xf32>
    %max3A_23 = arith.maximumf %add3A_21, %max3A_22 : vector<2000x128xf32>
    %get3A_24 = arith.constant 0 : index
    %get3A_25 = arith.constant 0 : index
    %get3A_26 = vector.load %arg5[%get3A_24, %get3A_25] : memref<128x128xf32, #tpu.memory_space<vmem>>, vector<128x128xf32>
    %dot_general3A_27 = arith.constant dense<0.000000e+00> : vector<2000x128xf32>
    %dot_general3A_28 = tpu.matmul %max3A_23, %get3A_26, %dot_general3A_27 {dimension_numbers = #tpu.dot_dimension_numbers<[1], [0], [0], [1], [0, 0, 1, 1], [], []>, transpose_lhs_hint = false} : vector<2000x128xf32>, vector<128x128xf32>, vector<2000x128xf32> -> vector<2000x128xf32>
    %get3A_29 = arith.constant 0 : index
    %get3A_30 = arith.constant 0 : index
    %get3A_31 = vector.load %arg6[%get3A_29, %get3A_30] : memref<1x128xf32, #tpu.memory_space<vmem>>, vector<1x128xf32>
    %add3A_32 = vector.broadcast %get3A_31 : vector<1x128xf32> to vector<2000x128xf32>
    %add3A_33 = arith.addf %dot_general3A_28, %add3A_32 : vector<2000x128xf32>
    %max3A_34 = arith.constant 0.000000e+00 : f32
    %max3A_35 = vector.broadcast %max3A_34 : f32 to vector<2000x128xf32>
    %max3A_36 = arith.maximumf %add3A_33, %max3A_35 : vector<2000x128xf32>
    %swap3A = arith.constant 0 : index
    %swap3A_37 = arith.constant 0 : index
    %swap3A_38 = vector.load %arg7[%swap3A, %swap3A_37] : memref<2000x128xf32, #tpu.memory_space<vmem>>, vector<2000x128xf32>
    tpu.vector_store %arg7[%swap3A, %swap3A_37], %max3A_36 {strides = array<i32>} : memref<2000x128xf32, #tpu.memory_space<vmem>>, vector<2000x128xf32>,
    %eq3A = arith.constant 0 : i32
    %eq3A_39 = arith.cmpi eq, %arg0, %eq3A : i32
    %convert_element_type3A = arith.extui %eq3A_39 : i1 to i32
    %cond3A = arith.constant 0 : i32
    %cond3A_40 = arith.cmpi ne, %convert_element_type3A, %cond3A : i32
    scf.if %cond3A_40 {
      %broadcast_in_dim3A_59 = arith.constant 0.000000e+00 : f32
      %broadcast_in_dim3A_60 = vector.broadcast %broadcast_in_dim3A_59 : f32 to vector<1x128xf32>
      %swap3A_61 = arith.constant 0 : index
      %swap3A_62 = arith.constant 0 : index
      %swap3A_63 = vector.load %arg8[%swap3A_61, %swap3A_62] : memref<1x128xf32, #tpu.memory_space<vmem>>, vector<1x128xf32>
      tpu.vector_store %arg8[%swap3A_61, %swap3A_62], %broadcast_in_dim3A_60 {strides = array<i32>} : memref<1x128xf32, #tpu.memory_space<vmem>>, vector<1x128xf32>,
      %broadcast_in_dim3A_64 = arith.constant 0.000000e+00 : f32
      %broadcast_in_dim3A_65 = vector.broadcast %broadcast_in_dim3A_64 : f32 to vector<1x128xf32>
      %swap3A_66 = arith.constant 0 : index
      %swap3A_67 = arith.constant 0 : index
      %swap3A_68 = vector.load %arg9[%swap3A_66, %swap3A_67] : memref<1x128xf32, #tpu.memory_space<vmem>>, vector<1x128xf32>
      tpu.vector_store %arg9[%swap3A_66, %swap3A_67], %broadcast_in_dim3A_65 {strides = array<i32>} : memref<1x128xf32, #tpu.memory_space<vmem>>, vector<1x128xf32>,
    } else {
    }
    %get3A_41 = arith.constant 0 : index
    %get3A_42 = arith.constant 0 : index
    %get3A_43 = vector.load %arg8[%get3A_41, %get3A_42] : memref<1x128xf32, #tpu.memory_space<vmem>>, vector<1x128xf32>
    %reduce_sum3A = arith.constant dense<0.000000e+00> : vector<128xf32>
    %reduce_sum3A_44 = vector.multi_reduction <add>, %max3A_36, %reduce_sum3A [0] : vector<2000x128xf32> to vector<128xf32>
    %broadcast_in_dim3A = vector.shape_cast %reduce_sum3A_44 : vector<128xf32> to vector<1x128xf32>
    %add3A_45 = arith.addf %get3A_43, %broadcast_in_dim3A : vector<1x128xf32>
    %swap3A_46 = arith.constant 0 : index
    %swap3A_47 = arith.constant 0 : index
    %swap3A_48 = vector.load %arg8[%swap3A_46, %swap3A_47] : memref<1x128xf32, #tpu.memory_space<vmem>>, vector<1x128xf32>
    tpu.vector_store %arg8[%swap3A_46, %swap3A_47], %add3A_45 {strides = array<i32>} : memref<1x128xf32, #tpu.memory_space<vmem>>, vector<1x128xf32>,
    %get3A_49 = arith.constant 0 : index
    %get3A_50 = arith.constant 0 : index
    %get3A_51 = vector.load %arg9[%get3A_49, %get3A_50] : memref<1x128xf32, #tpu.memory_space<vmem>>, vector<1x128xf32>
    %mul3A = arith.mulf %max3A_36, %max3A_36 : vector<2000x128xf32>
    %reduce_sum3A_52 = arith.constant dense<0.000000e+00> : vector<128xf32>
    %reduce_sum3A_53 = vector.multi_reduction <add>, %mul3A, %reduce_sum3A_52 [0] : vector<2000x128xf32> to vector<128xf32>
    %broadcast_in_dim3A_54 = vector.shape_cast %reduce_sum3A_53 : vector<128xf32> to vector<1x128xf32>
    %add3A_55 = arith.addf %get3A_51, %broadcast_in_dim3A_54 : vector<1x128xf32>
    %swap3A_56 = arith.constant 0 : index
    %swap3A_57 = arith.constant 0 : index
    %swap3A_58 = vector.load %arg9[%swap3A_56, %swap3A_57] : memref<1x128xf32, #tpu.memory_space<vmem>>, vector<1x128xf32>
    tpu.vector_store %arg9[%swap3A_56, %swap3A_57], %add3A_55 {strides = array<i32>} : memref<1x128xf32, #tpu.memory_space<vmem>>, vector<1x128xf32>,
    return
  }
  func.func @transform_0(%arg0: i32) -> (i32, i32) {
    %c0_i32 = arith.constant 0 : i32
    %c0_i32_0 = arith.constant 0 : i32
    return %arg0, %c0_i32 : i32, i32
  }
  func.func @transform_1(%arg0: i32) -> (i32, i32, i32) {
    %c0_i32 = arith.constant 0 : i32
    %c0_i32_0 = arith.constant 0 : i32
    %c0_i32_1 = arith.constant 0 : i32
    return %c0_i32, %arg0, %c0_i32_0 : i32, i32, i32
  }
  func.func @transform_2(%arg0: i32) -> (i32, i32) {
    %c0_i32 = arith.constant 0 : i32
    %c0_i32_0 = arith.constant 0 : i32
    %c0_i32_1 = arith.constant 0 : i32
    return %c0_i32, %c0_i32_0 : i32, i32
  }
  func.func @transform_3(%arg0: i32) -> (i32, i32) {
    %c0_i32 = arith.constant 0 : i32
    %c0_i32_0 = arith.constant 0 : i32
    %c0_i32_1 = arith.constant 0 : i32
    return %c0_i32, %c0_i32_0 : i32, i32
  }
  func.func @transform_4(%arg0: i32) -> (i32, i32) {
    %c0_i32 = arith.constant 0 : i32
    %c0_i32_0 = arith.constant 0 : i32
    %c0_i32_1 = arith.constant 0 : i32
    return %c0_i32, %c0_i32_0 : i32, i32
  }
  func.func @transform_5(%arg0: i32) -> (i32, i32) {
    %c0_i32 = arith.constant 0 : i32
    %c0_i32_0 = arith.constant 0 : i32
    %c0_i32_1 = arith.constant 0 : i32
    return %c0_i32, %c0_i32_0 : i32, i32
  }
  func.func @transform_6(%arg0: i32) -> (i32, i32) {
    %c0_i32 = arith.constant 0 : i32
    %c0_i32_0 = arith.constant 0 : i32
    return %arg0, %c0_i32 : i32, i32
  }
  func.func @transform_7(%arg0: i32) -> (i32, i32) {
    %c0_i32 = arith.constant 0 : i32
    %c0_i32_0 = arith.constant 0 : i32
    %c0_i32_1 = arith.constant 0 : i32
    return %c0_i32, %c0_i32_0 : i32, i32
  }
  func.func @transform_8(%arg0: i32) -> (i32, i32) {
    %c0_i32 = arith.constant 0 : i32
    %c0_i32_0 = arith.constant 0 : i32
    %c0_i32_1 = arith.constant 0 : i32
    return %c0_i32, %c0_i32_0 : i32, i32
  }
}

module attributes {stable_mosaic.version = 14 : i64} {
  func.func @_bn_pool_body(%arg0: i32, %arg1: memref<2000x128xf32, #tpu.memory_space<vmem>>, %arg2: memref<1x128xf32, #tpu.memory_space<vmem>>, %arg3: memref<1x128xf32, #tpu.memory_space<vmem>>, %arg4: memref<1x128xf32, #tpu.memory_space<vmem>>, %arg5: memref<1x128xf32, #tpu.memory_space<vmem>>, %arg6: memref<2000x1xi32, #tpu.memory_space<vmem>>, %arg7: memref<2000x128xf32, #tpu.memory_space<vmem>>, %arg8: memref<64x128xf32, #tpu.memory_space<vmem>>) attributes {dimension_semantics = [#tpu.dimension_semantics<arbitrary>], iteration_bounds = array<i64: 5>, scalar_prefetch = 0 : i64, scratch_operands = 0 : i64, tpu.core_type = #tpu.core_type<tc>, window_params = [{transform_indices = @transform_0, window_bounds = array<i64: 2000, 128>}, {pipeline_mode = #tpu.pipeline_mode<synchronous>, transform_indices = @transform_1, window_bounds = array<i64: 1, 128>}, {pipeline_mode = #tpu.pipeline_mode<synchronous>, transform_indices = @transform_2, window_bounds = array<i64: 1, 128>}, {pipeline_mode = #tpu.pipeline_mode<synchronous>, transform_indices = @transform_3, window_bounds = array<i64: 1, 128>}, {pipeline_mode = #tpu.pipeline_mode<synchronous>, transform_indices = @transform_4, window_bounds = array<i64: 1, 128>}, {transform_indices = @transform_5, window_bounds = array<i64: 2000, 1>}, {transform_indices = @transform_6, window_bounds = array<i64: 2000, 128>}, {pipeline_mode = #tpu.pipeline_mode<synchronous>, transform_indices = @transform_7, window_bounds = array<i64: 64, 128>}]} {
    %get3A = arith.constant 0 : index
    %get3A_0 = arith.constant 0 : index
    %get3A_1 = vector.load %arg2[%get3A, %get3A_0] : memref<1x128xf32, #tpu.memory_space<vmem>>, vector<1x128xf32>
    %mul3A = arith.constant 9.99999974E-5 : f32
    %mul3A_2 = vector.broadcast %mul3A : f32 to vector<1x128xf32>
    %mul3A_3 = arith.mulf %get3A_1, %mul3A_2 : vector<1x128xf32>
    %get3A_4 = arith.constant 0 : index
    %get3A_5 = arith.constant 0 : index
    %get3A_6 = vector.load %arg3[%get3A_4, %get3A_5] : memref<1x128xf32, #tpu.memory_space<vmem>>, vector<1x128xf32>
    %mul3A_7 = arith.constant 9.99999974E-5 : f32
    %mul3A_8 = vector.broadcast %mul3A_7 : f32 to vector<1x128xf32>
    %mul3A_9 = arith.mulf %get3A_6, %mul3A_8 : vector<1x128xf32>
    %mul3A_10 = arith.mulf %mul3A_3, %mul3A_3 : vector<1x128xf32>
    %sub3A = arith.subf %mul3A_9, %mul3A_10 : vector<1x128xf32>
    %add3A = arith.constant 9.99999974E-6 : f32
    %add3A_11 = vector.broadcast %add3A : f32 to vector<1x128xf32>
    %add3A_12 = arith.addf %sub3A, %add3A_11 : vector<1x128xf32>
    %rsqrt3A = math.rsqrt %add3A_12 : vector<1x128xf32>
    %get3A_13 = arith.constant 0 : index
    %get3A_14 = arith.constant 0 : index
    %get3A_15 = vector.load %arg4[%get3A_13, %get3A_14] : memref<1x128xf32, #tpu.memory_space<vmem>>, vector<1x128xf32>
    %get3A_16 = arith.constant 0 : index
    %get3A_17 = arith.constant 0 : index
    %get3A_18 = vector.load %arg1[%get3A_16, %get3A_17] : memref<2000x128xf32, #tpu.memory_space<vmem>>, vector<2000x128xf32>
    %sub3A_19 = vector.broadcast %mul3A_3 : vector<1x128xf32> to vector<2000x128xf32>
    %sub3A_20 = arith.subf %get3A_18, %sub3A_19 : vector<2000x128xf32>
    %mul3A_21 = vector.broadcast %get3A_15 : vector<1x128xf32> to vector<2000x128xf32>
    %mul3A_22 = arith.mulf %mul3A_21, %sub3A_20 : vector<2000x128xf32>
    %mul3A_23 = vector.broadcast %rsqrt3A : vector<1x128xf32> to vector<2000x128xf32>
    %mul3A_24 = arith.mulf %mul3A_22, %mul3A_23 : vector<2000x128xf32>
    %get3A_25 = arith.constant 0 : index
    %get3A_26 = arith.constant 0 : index
    %get3A_27 = vector.load %arg5[%get3A_25, %get3A_26] : memref<1x128xf32, #tpu.memory_space<vmem>>, vector<1x128xf32>
    %add3A_28 = vector.broadcast %get3A_27 : vector<1x128xf32> to vector<2000x128xf32>
    %add3A_29 = arith.addf %mul3A_24, %add3A_28 : vector<2000x128xf32>
    %swap3A = arith.constant 0 : index
    %swap3A_30 = arith.constant 0 : index
    %swap3A_31 = vector.load %arg7[%swap3A, %swap3A_30] : memref<2000x128xf32, #tpu.memory_space<vmem>>, vector<2000x128xf32>
    tpu.vector_store %arg7[%swap3A, %swap3A_30], %add3A_29 {strides = array<i32>} : memref<2000x128xf32, #tpu.memory_space<vmem>>, vector<2000x128xf32>,
    %get3A_32 = arith.constant 0 : index
    %get3A_33 = arith.constant 0 : index
    %get3A_34 = vector.load %arg6[%get3A_32, %get3A_33] : memref<2000x1xi32, #tpu.memory_space<vmem>>, vector<2000x1xi32>
    %iota3A = tpu.iota {dimensions = array<i32: 1>} : vector<2000x64xi32>
    %eq3A = vector.broadcast %get3A_34 : vector<2000x1xi32> to vector<2000x64xi32>
    %eq3A_35 = arith.cmpi eq, %eq3A, %iota3A : vector<2000x64xi32>
    %convert_element_type3A = arith.extui %eq3A_35 : vector<2000x64xi1> to vector<2000x64xi32>
    %convert_element_type3A_36 = arith.sitofp %convert_element_type3A : vector<2000x64xi32> to vector<2000x64xf32>
    %eq3A_37 = arith.constant 0 : i32
    %eq3A_38 = arith.cmpi eq, %arg0, %eq3A_37 : i32
    %convert_element_type3A_39 = arith.extui %eq3A_38 : i1 to i32
    %cond3A = arith.constant 0 : i32
    %cond3A_40 = arith.cmpi ne, %convert_element_type3A_39, %cond3A : i32
    scf.if %cond3A_40 {
      %broadcast_in_dim3A = arith.constant 0.000000e+00 : f32
      %broadcast_in_dim3A_49 = vector.broadcast %broadcast_in_dim3A : f32 to vector<64x128xf32>
      %swap3A_50 = arith.constant 0 : index
      %swap3A_51 = arith.constant 0 : index
      %swap3A_52 = vector.load %arg8[%swap3A_50, %swap3A_51] : memref<64x128xf32, #tpu.memory_space<vmem>>, vector<64x128xf32>
      tpu.vector_store %arg8[%swap3A_50, %swap3A_51], %broadcast_in_dim3A_49 {strides = array<i32>} : memref<64x128xf32, #tpu.memory_space<vmem>>, vector<64x128xf32>,
    } else {
    }
    %get3A_41 = arith.constant 0 : index
    %get3A_42 = arith.constant 0 : index
    %get3A_43 = vector.load %arg8[%get3A_41, %get3A_42] : memref<64x128xf32, #tpu.memory_space<vmem>>, vector<64x128xf32>
    %dot_general3A = arith.constant dense<0.000000e+00> : vector<64x128xf32>
    %dot_general3A_44 = tpu.matmul %convert_element_type3A_36, %add3A_29, %dot_general3A {dimension_numbers = #tpu.dot_dimension_numbers<[0], [0], [1], [1], [0, 1, 1, 1], [], []>, transpose_lhs_hint = false} : vector<2000x64xf32>, vector<2000x128xf32>, vector<64x128xf32> -> vector<64x128xf32>
    %add3A_45 = arith.addf %get3A_43, %dot_general3A_44 : vector<64x128xf32>
    %swap3A_46 = arith.constant 0 : index
    %swap3A_47 = arith.constant 0 : index
    %swap3A_48 = vector.load %arg8[%swap3A_46, %swap3A_47] : memref<64x128xf32, #tpu.memory_space<vmem>>, vector<64x128xf32>
    tpu.vector_store %arg8[%swap3A_46, %swap3A_47], %add3A_45 {strides = array<i32>} : memref<64x128xf32, #tpu.memory_space<vmem>>, vector<64x128xf32>,
    return
  }
  func.func @transform_0(%arg0: i32) -> (i32, i32) {
    %c0_i32 = arith.constant 0 : i32
    %c0_i32_0 = arith.constant 0 : i32
    return %arg0, %c0_i32 : i32, i32
  }
  func.func @transform_1(%arg0: i32) -> (i32, i32) {
    %c0_i32 = arith.constant 0 : i32
    %c0_i32_0 = arith.constant 0 : i32
    %c0_i32_1 = arith.constant 0 : i32
    return %c0_i32, %c0_i32_0 : i32, i32
  }
  func.func @transform_2(%arg0: i32) -> (i32, i32) {
    %c0_i32 = arith.constant 0 : i32
    %c0_i32_0 = arith.constant 0 : i32
    %c0_i32_1 = arith.constant 0 : i32
    return %c0_i32, %c0_i32_0 : i32, i32
  }
  func.func @transform_3(%arg0: i32) -> (i32, i32) {
    %c0_i32 = arith.constant 0 : i32
    %c0_i32_0 = arith.constant 0 : i32
    %c0_i32_1 = arith.constant 0 : i32
    return %c0_i32, %c0_i32_0 : i32, i32
  }
  func.func @transform_4(%arg0: i32) -> (i32, i32) {
    %c0_i32 = arith.constant 0 : i32
    %c0_i32_0 = arith.constant 0 : i32
    %c0_i32_1 = arith.constant 0 : i32
    return %c0_i32, %c0_i32_0 : i32, i32
  }
  func.func @transform_5(%arg0: i32) -> (i32, i32) {
    %c0_i32 = arith.constant 0 : i32
    %c0_i32_0 = arith.constant 0 : i32
    return %arg0, %c0_i32 : i32, i32
  }
  func.func @transform_6(%arg0: i32) -> (i32, i32) {
    %c0_i32 = arith.constant 0 : i32
    %c0_i32_0 = arith.constant 0 : i32
    return %arg0, %c0_i32 : i32, i32
  }
  func.func @transform_7(%arg0: i32) -> (i32, i32) {
    %c0_i32 = arith.constant 0 : i32
    %c0_i32_0 = arith.constant 0 : i32
    %c0_i32_1 = arith.constant 0 : i32
    return %c0_i32, %c0_i32_0 : i32, i32
  }
}

module attributes {stable_mosaic.version = 14 : i64} {
  func.func @_bn_pool_body(%arg0: i32, %arg1: memref<2000x128xf32, #tpu.memory_space<vmem>>, %arg2: memref<1x128xf32, #tpu.memory_space<vmem>>, %arg3: memref<1x128xf32, #tpu.memory_space<vmem>>, %arg4: memref<1x128xf32, #tpu.memory_space<vmem>>, %arg5: memref<1x128xf32, #tpu.memory_space<vmem>>, %arg6: memref<2000x1xi32, #tpu.memory_space<vmem>>, %arg7: memref<2000x128xf32, #tpu.memory_space<vmem>>, %arg8: memref<64x128xf32, #tpu.memory_space<vmem>>) attributes {dimension_semantics = [#tpu.dimension_semantics<arbitrary>], iteration_bounds = array<i64: 5>, scalar_prefetch = 0 : i64, scratch_operands = 0 : i64, tpu.core_type = #tpu.core_type<tc>, window_params = [{transform_indices = @transform_0, window_bounds = array<i64: 2000, 128>}, {pipeline_mode = #tpu.pipeline_mode<synchronous>, transform_indices = @transform_1, window_bounds = array<i64: 1, 128>}, {pipeline_mode = #tpu.pipeline_mode<synchronous>, transform_indices = @transform_2, window_bounds = array<i64: 1, 128>}, {pipeline_mode = #tpu.pipeline_mode<synchronous>, transform_indices = @transform_3, window_bounds = array<i64: 1, 128>}, {pipeline_mode = #tpu.pipeline_mode<synchronous>, transform_indices = @transform_4, window_bounds = array<i64: 1, 128>}, {transform_indices = @transform_5, window_bounds = array<i64: 2000, 1>}, {transform_indices = @transform_6, window_bounds = array<i64: 2000, 128>}, {pipeline_mode = #tpu.pipeline_mode<synchronous>, transform_indices = @transform_7, window_bounds = array<i64: 64, 128>}]} {
    %get3A = arith.constant 0 : index
    %get3A_0 = arith.constant 0 : index
    %get3A_1 = vector.load %arg2[%get3A, %get3A_0] : memref<1x128xf32, #tpu.memory_space<vmem>>, vector<1x128xf32>
    %mul3A = arith.constant 9.99999974E-5 : f32
    %mul3A_2 = vector.broadcast %mul3A : f32 to vector<1x128xf32>
    %mul3A_3 = arith.mulf %get3A_1, %mul3A_2 : vector<1x128xf32>
    %get3A_4 = arith.constant 0 : index
    %get3A_5 = arith.constant 0 : index
    %get3A_6 = vector.load %arg3[%get3A_4, %get3A_5] : memref<1x128xf32, #tpu.memory_space<vmem>>, vector<1x128xf32>
    %mul3A_7 = arith.constant 9.99999974E-5 : f32
    %mul3A_8 = vector.broadcast %mul3A_7 : f32 to vector<1x128xf32>
    %mul3A_9 = arith.mulf %get3A_6, %mul3A_8 : vector<1x128xf32>
    %mul3A_10 = arith.mulf %mul3A_3, %mul3A_3 : vector<1x128xf32>
    %sub3A = arith.subf %mul3A_9, %mul3A_10 : vector<1x128xf32>
    %add3A = arith.constant 9.99999974E-6 : f32
    %add3A_11 = vector.broadcast %add3A : f32 to vector<1x128xf32>
    %add3A_12 = arith.addf %sub3A, %add3A_11 : vector<1x128xf32>
    %rsqrt3A = math.rsqrt %add3A_12 : vector<1x128xf32>
    %get3A_13 = arith.constant 0 : index
    %get3A_14 = arith.constant 0 : index
    %get3A_15 = vector.load %arg4[%get3A_13, %get3A_14] : memref<1x128xf32, #tpu.memory_space<vmem>>, vector<1x128xf32>
    %get3A_16 = arith.constant 0 : index
    %get3A_17 = arith.constant 0 : index
    %get3A_18 = vector.load %arg1[%get3A_16, %get3A_17] : memref<2000x128xf32, #tpu.memory_space<vmem>>, vector<2000x128xf32>
    %sub3A_19 = vector.broadcast %mul3A_3 : vector<1x128xf32> to vector<2000x128xf32>
    %sub3A_20 = arith.subf %get3A_18, %sub3A_19 : vector<2000x128xf32>
    %mul3A_21 = vector.broadcast %get3A_15 : vector<1x128xf32> to vector<2000x128xf32>
    %mul3A_22 = arith.mulf %mul3A_21, %sub3A_20 : vector<2000x128xf32>
    %mul3A_23 = vector.broadcast %rsqrt3A : vector<1x128xf32> to vector<2000x128xf32>
    %mul3A_24 = arith.mulf %mul3A_22, %mul3A_23 : vector<2000x128xf32>
    %get3A_25 = arith.constant 0 : index
    %get3A_26 = arith.constant 0 : index
    %get3A_27 = vector.load %arg5[%get3A_25, %get3A_26] : memref<1x128xf32, #tpu.memory_space<vmem>>, vector<1x128xf32>
    %add3A_28 = vector.broadcast %get3A_27 : vector<1x128xf32> to vector<2000x128xf32>
    %add3A_29 = arith.addf %mul3A_24, %add3A_28 : vector<2000x128xf32>
    %swap3A = arith.constant 0 : index
    %swap3A_30 = arith.constant 0 : index
    %swap3A_31 = vector.load %arg7[%swap3A, %swap3A_30] : memref<2000x128xf32, #tpu.memory_space<vmem>>, vector<2000x128xf32>
    tpu.vector_store %arg7[%swap3A, %swap3A_30], %add3A_29 {strides = array<i32>} : memref<2000x128xf32, #tpu.memory_space<vmem>>, vector<2000x128xf32>,
    %get3A_32 = arith.constant 0 : index
    %get3A_33 = arith.constant 0 : index
    %get3A_34 = vector.load %arg6[%get3A_32, %get3A_33] : memref<2000x1xi32, #tpu.memory_space<vmem>>, vector<2000x1xi32>
    %iota3A = tpu.iota {dimensions = array<i32: 1>} : vector<2000x64xi32>
    %eq3A = vector.broadcast %get3A_34 : vector<2000x1xi32> to vector<2000x64xi32>
    %eq3A_35 = arith.cmpi eq, %eq3A, %iota3A : vector<2000x64xi32>
    %convert_element_type3A = arith.extui %eq3A_35 : vector<2000x64xi1> to vector<2000x64xi32>
    %convert_element_type3A_36 = arith.sitofp %convert_element_type3A : vector<2000x64xi32> to vector<2000x64xf32>
    %eq3A_37 = arith.constant 0 : i32
    %eq3A_38 = arith.cmpi eq, %arg0, %eq3A_37 : i32
    %convert_element_type3A_39 = arith.extui %eq3A_38 : i1 to i32
    %cond3A = arith.constant 0 : i32
    %cond3A_40 = arith.cmpi ne, %convert_element_type3A_39, %cond3A : i32
    scf.if %cond3A_40 {
      %broadcast_in_dim3A = arith.constant 0.000000e+00 : f32
      %broadcast_in_dim3A_49 = vector.broadcast %broadcast_in_dim3A : f32 to vector<64x128xf32>
      %swap3A_50 = arith.constant 0 : index
      %swap3A_51 = arith.constant 0 : index
      %swap3A_52 = vector.load %arg8[%swap3A_50, %swap3A_51] : memref<64x128xf32, #tpu.memory_space<vmem>>, vector<64x128xf32>
      tpu.vector_store %arg8[%swap3A_50, %swap3A_51], %broadcast_in_dim3A_49 {strides = array<i32>} : memref<64x128xf32, #tpu.memory_space<vmem>>, vector<64x128xf32>,
    } else {
    }
    %get3A_41 = arith.constant 0 : index
    %get3A_42 = arith.constant 0 : index
    %get3A_43 = vector.load %arg8[%get3A_41, %get3A_42] : memref<64x128xf32, #tpu.memory_space<vmem>>, vector<64x128xf32>
    %dot_general3A = arith.constant dense<0.000000e+00> : vector<64x128xf32>
    %dot_general3A_44 = tpu.matmul %convert_element_type3A_36, %add3A_29, %dot_general3A {dimension_numbers = #tpu.dot_dimension_numbers<[0], [0], [1], [1], [0, 1, 1, 1], [], []>, transpose_lhs_hint = false} : vector<2000x64xf32>, vector<2000x128xf32>, vector<64x128xf32> -> vector<64x128xf32>
    %add3A_45 = arith.addf %get3A_43, %dot_general3A_44 : vector<64x128xf32>
    %swap3A_46 = arith.constant 0 : index
    %swap3A_47 = arith.constant 0 : index
    %swap3A_48 = vector.load %arg8[%swap3A_46, %swap3A_47] : memref<64x128xf32, #tpu.memory_space<vmem>>, vector<64x128xf32>
    tpu.vector_store %arg8[%swap3A_46, %swap3A_47], %add3A_45 {strides = array<i32>} : memref<64x128xf32, #tpu.memory_space<vmem>>, vector<64x128xf32>,
    return
  }
  func.func @transform_0(%arg0: i32) -> (i32, i32) {
    %c0_i32 = arith.constant 0 : i32
    %c0_i32_0 = arith.constant 0 : i32
    return %arg0, %c0_i32 : i32, i32
  }
  func.func @transform_1(%arg0: i32) -> (i32, i32) {
    %c0_i32 = arith.constant 0 : i32
    %c0_i32_0 = arith.constant 0 : i32
    %c0_i32_1 = arith.constant 0 : i32
    return %c0_i32, %c0_i32_0 : i32, i32
  }
  func.func @transform_2(%arg0: i32) -> (i32, i32) {
    %c0_i32 = arith.constant 0 : i32
    %c0_i32_0 = arith.constant 0 : i32
    %c0_i32_1 = arith.constant 0 : i32
    return %c0_i32, %c0_i32_0 : i32, i32
  }
  func.func @transform_3(%arg0: i32) -> (i32, i32) {
    %c0_i32 = arith.constant 0 : i32
    %c0_i32_0 = arith.constant 0 : i32
    %c0_i32_1 = arith.constant 0 : i32
    return %c0_i32, %c0_i32_0 : i32, i32
  }
  func.func @transform_4(%arg0: i32) -> (i32, i32) {
    %c0_i32 = arith.constant 0 : i32
    %c0_i32_0 = arith.constant 0 : i32
    %c0_i32_1 = arith.constant 0 : i32
    return %c0_i32, %c0_i32_0 : i32, i32
  }
  func.func @transform_5(%arg0: i32) -> (i32, i32) {
    %c0_i32 = arith.constant 0 : i32
    %c0_i32_0 = arith.constant 0 : i32
    return %arg0, %c0_i32 : i32, i32
  }
  func.func @transform_6(%arg0: i32) -> (i32, i32) {
    %c0_i32 = arith.constant 0 : i32
    %c0_i32_0 = arith.constant 0 : i32
    return %arg0, %c0_i32 : i32, i32
  }
  func.func @transform_7(%arg0: i32) -> (i32, i32) {
    %c0_i32 = arith.constant 0 : i32
    %c0_i32_0 = arith.constant 0 : i32
    %c0_i32_1 = arith.constant 0 : i32
    return %c0_i32, %c0_i32_0 : i32, i32
  }
}

</mosaic_0001>

<sc_bundles>
// kernel: kernel.11.cloned.1.call-start
scs
__scs_entry_jumppad:
0x0: {  	(pc) =	sbr.rel $0x88, $3  }
0x1: {  	(tag) =	ssettag $0x0;
	lr =	simm.s32 $0x1  }
0x2: {  	[smem:$0x3F8C] =	sst lr;
	_ =	strace $0xD0000000  }
0x3: {  	_ = 	snop  }
0x4: {  	_ = 	snop  }
0x5: {  	_ = 	snop  }
0x6: {  	_ = 	snop  }
0x7: {  	_ = 	snop  }
__scs_overlays_trampoline_lowered:
0x8: {  	[smem:$0x3F9B] =	sst s0  }
0x9: {  	[smem:$0x3F9C] =	sst s1  }
0xa: {  	[smem:$0x3F9D] =	sst s2  }
0xb: {  	[smem:$0x3F9E] =	sst s3  }
0xc: {  	[smem:$0x3F9F] =	sst s4  }
0xd: {  	[smem:$0x3FA0] =	sst s5  }
0xe: {  	[smem:$0x3FA1] =	sst s6  }
0xf: {  	[smem:$0x3FA2] =	sst s7  }
0x10: {  	[smem:$0x3FA3] =	sst s8  }
0x11: {  	[smem:$0x3FA4] =	sst s9;
	s0 =	simm.s32 @!p0 $0x0  }
0x12: {  	s1 =	sld [smem:$0x3F8A];
	s0 =	simm.s32 @p0 $0x1  }
0x13: {  	[smem:$0x3FA5] =	sst s0;
	s0 =	simm.s32 @!p1 $0x0  }
0x14: {  	s2 =	sld [smem:$0x3F89];
	s0 =	simm.s32 @p1 $0x1  }
0x15: {  	[smem:$0x3FA6] =	sst s0;
	s0 =	simm.s32 @!p2 $0x0  }
0x16: {  	s3 =	sld [smem:$0x3FDB];
	s0 =	simm.s32 @p2 $0x1  }
0x17: {  	s4 =	simm.s32 $0x1BF5;
	[smem:$0x3FA8] =	sst s0  }
0x18: {  	s0 =	sld [smem:$0x3F8B];
	_ =	swait.ge [sflag:s4], $0x0  }
0x19: {  	s7 =	sld [smem:$0x3F8C]  }
0x1a: {  	s8 =	sadd.s32 $0xFFFFE003, lr  }
0x1b: {  	s9 =	sadd.s32 $0xFFFFFEF7, lr;
	s5 =	simm.s32 $0xFFFFFFFF;
	p2 =	slt.u32 s8, $0xFFFFF086  }
0x1c: {  	p1 =	slt.u32 s9, $0xF7A;
	s5 =	simm.s32 @!p2 $0x0  }
0x1d: {  	s5 =	simm.s32 @p1 $0x1;
	p0 =	seq.s32 s7, s2  }
0x1e: {  	s7 =	smul.u32 @!p0 $0xF7A, s2;
	p2 =	seq.s32 @!p0 s5, $0x0  }
0x1f: {  	s9 =	smul.u32 $0xF7A, s1;
	s8 =	simm.s32 @!p0 $0x1BF5;
	p2 =	por !p2, p0  }
0x20: {  	[sflag:s8] =	ssyncset.s32 @!p0 $0xFFFFF086;
	s6 =	sadd.s32 @!p0 s3, s7;
	s7 =	simm.s32 @!p0 $0x108  }
0x21: {  	s3 =	sadd.s32 s3, s9;
	s6 =	sadd.s32 @!p0 $0x88, s6;
	s7 =	simm.s32 @p2 $0x1082  }
0x22: {  	[simem:s7], [sflag:s8] =	dma.local @!p0 [hbm:s6], $0xF7A  }
0x23: {  	s9 =	sor.u32 $0xD0000000, s2;
	s6 =	simm.s32 $0x108;
	_ =	swait.ge @!p0 [sflag:s8], $0x0  }
0x24: {  	s3 =	sadd.s32 $0x88, s3;
	s6 =	simm.s32 @!p1 $0x1082;
	[sflag:s4] =	ssyncset.s32 $0xFFFFF086  }
0x25: {  	[simem:s6], [sflag:s4] =	dma.local [hbm:s3], $0xF7A  }
0x26: {  	[smem:$0x3F8C] =	sst s1;
	(tag) =	ssettag s2;
	_ =	strace s9  }
0x27: {  	s1 =	sld [smem:$0x3F9C]  }
0x28: {  	s2 =	sld [smem:$0x3F9D]  }
0x29: {  	s4 =	sld [smem:$0x3F9F]  }
0x2a: {  	p0 =	seq.s32 s5, $0x0;
	s5 =	sld [smem:$0x3FA0]  }
0x2b: {  	s6 =	sld [smem:$0x3FA1]  }
0x2c: {  	s7 =	sld [smem:$0x3FA2]  }
0x2d: {  	s3 =	simm.s32 $0x108;
	s8 =	sld [smem:$0x3FA3]  }
0x2e: {  	s3 =	simm.s32 @!p0 $0x1082;
	s9 =	sld [smem:$0x3FA4]  }
0x2f: {  	lr =	sadd.s32 s0, s3;
	s0 =	sld [smem:$0x3F9B]  }
0x30: {  	s3 =	sld [smem:$0x3F9E]  }
0x31: {  	[smem:$0x3FA7] =	sst s10  }
0x32: {  	s10 =	sld [smem:$0x3FA5];
	_ =	sdelay $0x3  }
0x33: {  	p0 =	seq.s32 s10, $0x1;
	s10 =	sld [smem:$0x3FA7];
	_ =	sdelay $0x3  }
0x34: {  	[smem:$0x3FA7] =	sst s10  }
0x35: {  	s10 =	sld [smem:$0x3FA6];
	_ =	sdelay $0x3  }
0x36: {  	p1 =	seq.s32 s10, $0x1;
	s10 =	sld [smem:$0x3FA7];
	_ =	sdelay $0x3  }
0x37: {  	[smem:$0x3FA7] =	sst s10  }
0x38: {  	s10 =	sld [smem:$0x3FA8]  }
0x39: {  	_ = 	snop;
	(pc) =	sbr.ind lr, $3  }
0x3a: {  	_ = 	snop  }
0x3b: {  	_ = 	snop  }
0x3c: {  	p2 =	seq.s32 s10, $0x1;
	s10 =	sld [smem:$0x3FA7]  }
0x3d: {  	_ =	shalt  }
0x3e: {  	_ =	shalt  }
0x3f: {  	_ =	shalt  }
0x40: {  	_ =	shalt  }
0x41: {  	_ =	shalt  }
0x42: {  	_ =	shalt  }
0x43: {  	_ =	shalt  }
0x44: {  	_ =	shalt  }
0x45: {  	_ =	shalt  }
0x46: {  	_ =	shalt  }
0x47: {  	_ =	shalt  }
0x48: {  	_ =	shalt  }
0x49: {  	_ =	shalt  }
0x4a: {  	_ =	shalt  }
0x4b: {  	_ =	shalt  }
0x4c: {  	_ =	shalt  }
0x4d: {  	_ =	shalt  }
0x4e: {  	_ =	shalt  }
0x4f: {  	_ =	shalt  }
0x50: {  	_ =	shalt  }
0x51: {  	_ =	shalt  }
0x52: {  	_ =	shalt  }
0x53: {  	_ =	shalt  }
0x54: {  	_ =	shalt  }
0x55: {  	_ =	shalt  }
0x56: {  	_ =	shalt  }
0x57: {  	_ =	shalt  }
0x58: {  	_ =	shalt  }
0x59: {  	_ =	shalt  }
0x5a: {  	_ =	shalt  }
0x5b: {  	_ =	shalt  }
0x5c: {  	_ =	shalt  }
0x5d: {  	_ =	shalt  }
0x5e: {  	_ =	shalt  }
0x5f: {  	_ =	shalt  }
0x60: {  	_ =	shalt  }
0x61: {  	_ =	shalt  }
0x62: {  	_ =	shalt  }
0x63: {  	_ =	shalt  }
0x64: {  	_ =	shalt  }
0x65: {  	_ =	shalt  }
0x66: {  	_ =	shalt  }
0x67: {  	_ =	shalt  }
0x68: {  	_ =	shalt  }
0x69: {  	_ =	shalt  }
0x6a: {  	_ =	shalt  }
0x6b: {  	_ =	shalt  }
0x6c: {  	_ =	shalt  }
0x6d: {  	_ =	shalt  }
0x6e: {  	_ =	shalt  }
0x6f: {  	_ =	shalt  }
0x70: {  	_ =	shalt  }
0x71: {  	_ =	shalt  }
0x72: {  	_ =	shalt  }
0x73: {  	_ =	shalt  }
0x74: {  	_ =	shalt  }
0x75: {  	_ =	shalt  }
0x76: {  	_ =	shalt  }
0x77: {  	_ =	shalt  }
0x78: {  	_ =	shalt  }
0x79: {  	_ =	shalt  }
0x7a: {  	_ =	shalt  }
0x7b: {  	_ =	shalt  }
0x7c: {  	_ =	shalt  }
0x7d: {  	_ =	shalt  }
0x7e: {  	_ =	shalt  }
0x7f: {  	_ =	shalt  }
0x80: {  	_ =	shalt  }
0x81: {  	_ =	shalt  }
0x82: {  	_ =	shalt  }
0x83: {  	_ =	shalt  }
0x84: {  	_ =	shalt  }
0x85: {  	_ =	shalt  }
0x86: {  	_ =	shalt  }
0x87: {  	_ =	shalt  }
.Lfunc_end0:
.L_simem_size_0:
called_computation_lowered:
.L_overlay_start_0:
0x88: {  	s2 =	sld [smem:$0x3FD9]  }
0x89: {  	s3 =	sld [smem:$0x3FFE];
	_ =	sdelay $0x1  }
0x8a: {  	s1 =	srdreg.scid  }
0x8b: {  	s0 =	sand.u32 $0x1, s1  }
0x8c: {  	s17 =	sshll.u32 s0, $0xA;
	s2 =	sadd.s32 s3, s2  }
0x8d: {  	s2 =	sadd.s32 s2, s17  }
0x8e: {  	[smem:$0x3FB3] =	sst s2  }
0x8f: {  	_ = 	snop  }
0x90: {  	s2 =	sld [smem:$0x3FC9];
	(tm) =	ssettm $0x1  }
0x91: {  	s18 =	sld [smem:$0x3FFB];
	_ =	sdelay $0x3  }
0x92: {  	_ =	strace s18  }
0x93: {  	s3 =	sld [smem:$0x3FFC];
	_ =	sdelay $0x3  }
0x94: {  	_ =	strace s3  }
0x95: {  	s3 =	sld [smem:$0x3FFD];
	_ =	sdelay $0x3  }
0x96: {  	_ =	strace s3  }
0x97: {  	_ =	strace $0x8FFFFFFF  }
0x98: {  	s19 =	sld [smem:$0x3FDB];
	_ =	sdelay $0x1  }
0x99: {  	s4 =	simm.s32 $_scs_section_size  }
0x9a: {  	s5 =	simm.s32 $_size__tile_overlayer_lowered;
	s6 =	simm.s32 $_tile_overlayer_lowered  }
0x9b: {  	s22 =	simm.s32 $0x1BFF;
	s21 =	sshll.u32 s6, $0x1;
	s3 =	sadd.s32 s4, s19  }
0x9c: {  	s7 =	simm.s32 $0x0;
	s20 =	sshll.u32 s5, $0x1;
	s5 =	sadd.s32 s21, s3  }
0x9d: {  	[timem:s7], [sflag:s22] =	dma.local [hbm:s5], s20  }
0x9e: {  	_ =	swait.ge [sflag:s22], s20  }
0x9f: {  	s4 =	ssub.s32 $0x0, s20;
	[sflag:s22] =	ssyncset.done $0x0  }
0xa0: {  	[sflag:s22] =	ssyncadd.s32 s4;
	_ =	sdelay $0x1  }
0xa1: {  	s23 =	simm.s32 $0x1B8B  }
0xa2: {  	_ =	swait.ge [sflag:s23], $0x1  }
0xa3: {  	[sflag:s23] =	ssyncset.done $0x0  }
0xa4: {  	s25 =	simm.s32 $0x1B8E;
	s24 =	sld [smem:$0x3FFE];
	[sflag:s23] =	ssyncadd.s32 $0xFFFFFFFF  }
0xa5: {  	s26 =	simm.s32 $execute0_lowered;
	[smem:$0x3FD2] =	sst s25  }
0xa6: {  	s5 =	sshll.u32 s26, $0x1;
	_ =	strace $0x80000046;
	[dreg:$0x1] =	wrdreg $0xFFFFFFFF  }
0xa7: {  	s28 =	simm.s32 $_size_execute0_lowered;
	s3 =	sadd.s32 s3, s5;
	[dreg:$0x0] =	wrdreg $0x0  }
0xa8: {  	s5 =	sshll.u32 s28, $0x1;
	[dreg:$0x2] =	wrdreg s3  }
0xa9: {  	[dreg:$0x3] =	wrdreg s5  }
0xaa: {  	[dreg:$0x4] =	wrdreg $0xC0  }
0xab: {  	_ =	task [dreg:s7], $0x5FFFF  }
0xac: {  	[dreg:$0x1] =	wrdreg $0xFFFFFFFF  }
0xad: {  	[dreg:$0x0] =	wrdreg $0x60  }
0xae: {  	[dreg:$0x2] =	wrdreg s2  }
0xaf: {  	[dreg:$0x3] =	wrdreg s24  }
0xb0: {  	[dreg:$0x4] =	wrdreg $0x88000  }
0xb1: {  	[dreg:$0x5] =	wrdreg $0x9  }
0xb2: {  	_ =	task.clear_ibuf [dreg:s7], $0x6FFFF;
	_ =	strace $0x90000046  }
0xb3: {  	s29 =	simm.s32 $0x9;
	_ =	strace $0x80000048  }
0xb4: {  	_ =	swait.ge [sflag:s29], $0x1  }
0xb5: {  	[sflag:s29] =	ssyncadd.s32 $0xFFFFFFFF  }
0xb6: {  	_ =	strace $0x90000048  }
0xb7: {  	_ =	sfence  }
0xb8: {  	s30 =	sld [smem:$0x0];
	_ =	sdelay $0x2  }
0xb9: {  	s31 =	sshll.u32 s1, $0xD;
	s1 =	sshrl.u32 s1, $0x2  }
0xba: {  	s3 =	sand.u32 $0x4000, s31;
	s1 =	sadd.s32 s1, s30  }
0xbb: {  	s0 =	sor.u32 s3, s0;
	s1 =	sshll.u32 s1, $0x11  }
0xbc: {  	s0 =	sor.u32 s1, s0  }
0xbd: {  	s0 =	sadd.s32 $0x8F2B, s0  }
0xbe: {  	[sflag:s0] =	ssyncadd.remote.s32 $0x1  }
0xbf: {  	_ =	sfence.sel $0xFFFF  }
0xc0: {  	[dreg:$0x0] =	wrdreg $0xFFFFFFFF;
	(pc) =	sbr.abs _section_cstart, $3  }
0xc1: {  	[dreg:$0x1] =	wrdreg $0xFFFFFFFF  }
0xc2: {  	_ =	task.clear_ibuf [dreg:s7], $0x2FFFF;
	_ =	strace $0x9FFFFFFF  }
0xc3: {  	(tm) =	ssettm $0x7FFFFFFF  }
tec
execute0_lowered:
.L_overlay_start_1:
0x0: {  	(tag) =	ssettag $0x1  }
0x1: {  	s1 =	rddreg [dreg:$0x0]  }
0x2: {  	s0 =	rddreg [dreg:$0x1]  }
0x3: {  	s2 =	rddreg [dreg:$0x2];
	s4 =	simm.s32 $0x0;
	s3 =	srdreg.scid  }
0x4: {  	s12 =	stileid.u32;
	s29 =	simm.s32 $0x40;
	[smem:$0x7FF] =	sst s4  }
0x5: {  	s3 =	sand.u32 $0x1, s3;
	s8 =	smul.u32 $0x14000, s12;
	s5 =	sadd.s32 $0xEC00, s0  }
0x6: {  	s6 =	sadd.s32 $0x4C00, s0;
	s11 =	smul.u32 $0x50000, s12;
	s13 =	sadd.s32 $0x18C00, s0  }
0x7: {  	s7 =	smul.u32 $0x140000, s3;
	_ =	strace $0x80000047;
	s9 =	sshll.u32 s3, $0x4  }
0x8: {  	s30 =	ssub.s32 $0x2, s3;
	[dreg:$0x4] =	wrdreg s13;
	s13 =	sshll.u32 s12, $0x6  }
0x9: {  	s3 =	smul.u32 $0x28000, s3;
	s9 =	sor.u32 s12, s9;
	s10 =	sshrl.u32 s30, $0x1  }
0xa: {  	s11 =	sshrl.u32 s11, $0x2;
	s12 =	smul.u32 $0x2800, s12;
	s7 =	sadd.s32 s8, s7  }
0xb: {  	s9 =	smul.u32 $0x2800, s9;
	s31 =	ssub.s32 s30, s10;
	s8 =	sadd.s32 s11, s2  }
0xc: {  	s11 =	simm.s32 $0x2;
	s7 =	sshrl.u32 s7, $0x3;
	[dreg:$0x5] =	wrdreg s8  }
0xd: {  	s3 =	sadd.s32 s12, s3;
	s0 =	sadd.s32 s7, s0;
	s7 =	smax.u32 s31, $0x1  }
0xe: {  	s14 =	sshrl.u32 s9, $0x3;
	s9 =	sor.u32 $0x1C06, s13;
	[dreg:$0x14] =	wrdreg s7  }
0xf: {  	s12 =	simm.s32 $0x1;
	s15 =	sadd.s32 s5, s14;
	[dreg:$0x6] =	wrdreg s9  }
0x10: {  	s30 =	sor.u32 $0x180, s3;
	s16 =	sadd.s32 s6, s14;
	[dreg:$0x7] =	wrdreg s15  }
0x11: {  	s17 =	sor.u32 $0x8, s14;
	s0 =	sadd.s32 $0x1B400, s0;
	[dreg:$0x8] =	wrdreg s16  }
0x12: {  	s31 =	sor.u32 $0x1C0, s3;
	s19 =	sadd.s32 s5, s17;
	[dreg:$0x13] =	wrdreg s0  }
0x13: {  	s18 =	sor.u32 $0x10, s14;
	s8 =	sadd.s32 s6, s17;
	[dreg:$0x9] =	wrdreg s19  }
0x14: {  	s13 =	simm.s32 $0x3;
	s20 =	sadd.s32 s5, s18;
	[dreg:$0xa] =	wrdreg s8  }
0x15: {  	s22 =	sor.u32 $0x18, s14;
	s21 =	sadd.s32 s6, s18;
	[dreg:$0xb] =	wrdreg s20  }
0x16: {  	s24 =	sor.u32 $0x20, s14;
	s23 =	sadd.s32 s5, s22;
	[dreg:$0xc] =	wrdreg s21  }
0x17: {  	s26 =	sor.u32 $0x28, s14;
	s25 =	sadd.s32 s5, s24;
	[dreg:$0xd] =	wrdreg s23  }
0x18: {  	s14 =	simm.s32 $0x4;
	s10 =	sadd.s32 s6, s24;
	[dreg:$0xf] =	wrdreg s25  }
0x19: {  	s28 =	sadd.s32 s5, s26;
	s24 =	sshrl.u32 s30, $0x3;
	[dreg:$0x10] =	wrdreg s10  }
0x1a: {  	s15 =	simm.s32 $0x0;
	s8 =	sadd.s32 s6, s22;
	[dreg:$0x11] =	wrdreg s28  }
0x1b: {  	s25 =	sshrl.u32 s31, $0x3;
	[dreg:$0xe] =	wrdreg s8;
	s8 =	sadd.s32 s6, s26  }
0x1c: {  	s10 =	simm.s32 $0x5;
	s26 =	simm.s32 $0x6;
	[dreg:$0x12] =	wrdreg s8  }
.LBB2_1:
0x1d: {  	s0 =	rddreg [dreg:$0x5]  }
0x1e: {  	s7 =	rddreg [dreg:$0x4];
	s16 =	sshrl.u32 s0, $0x3  }
0x1f: {  	[spmem:s16], [sflag:s9] =	dma.local [hbm:s7], $0x2800  }
0x20: {  	_ =	swait.ge [sflag:s26], $0x2800  }
0x21: {  	[sflag:s26] =	ssyncset.done $0x0  }
0x22: {  	[sflag:s26] =	ssyncadd.s32 $0xFFFFD800  }
0x23: {  	[bflag:$0x0] =	sbarrier.arrive $0xFFFF  }
0x24: {  	s8 =	rddreg [dreg:$0x7]  }
0x25: {  	[tilespmem:s4], [sflag:$0x6] =	stream.linear.gather [hbm4b:s8+s4], $0x40, $0x38;
	[tilespmem:$0x1C800] =	vst v63  }
0x26: {  	_ =	swait.ge [sflag:s26], $0x40  }
0x27: {  	[sflag:s26] =	ssyncset.done $0x0  }
0x28: {  	s3 =	simm.s32 $0x400;
	s9 =	rddreg [dreg:$0x8];
	[sflag:s26] =	ssyncadd.s32 $0xFFFFFFC0  }
0x29: {  	[tilespmem:s3], [sflag:$0x6] =	stream.linear.gather [hbm4b:s9+s4], $0x40, $0x38;
	[tilespmem:$0x1C800] =	vst v63  }
0x2a: {  	_ =	swait.ge [sflag:s26], $0x40  }
0x2b: {  	[sflag:s26] =	ssyncset.done $0x0  }
0x2c: {  	s7 =	simm.s32 $0x800;
	[sflag:s26] =	ssyncadd.s32 $0xFFFFFFC0  }
0x2d: {  	[tilespmem:s7], [sflag:$0x1] =	stream.indirect.gather [hbm4b:s1+s29], $0x80, s4, s29, $0xb8;
	[tilespmem:$0x1C800] =	vst v63  }
0x2e: {  	s8 =	simm.s32 $0x80;
	s17 =	rddreg [dreg:$0x9]  }
0x2f: {  	[tilespmem:s8], [sflag:$0x6] =	stream.linear.gather [hbm4b:s17+s4], $0x40, $0x38;
	[tilespmem:$0x1C800] =	vst v63  }
0x30: {  	_ =	swait.ge [sflag:s26], $0x40  }
0x31: {  	[sflag:s26] =	ssyncset.done $0x0  }
0x32: {  	s9 =	simm.s32 $0x480;
	s18 =	rddreg [dreg:$0xa];
	[sflag:s26] =	ssyncadd.s32 $0xFFFFFFC0  }
0x33: {  	[tilespmem:s9], [sflag:$0x6] =	stream.linear.gather [hbm4b:s18+s4], $0x40, $0x38;
	[tilespmem:$0x1C800] =	vst v63  }
0x34: {  	_ =	swait.ge [sflag:s26], $0x40  }
0x35: {  	[sflag:s26] =	ssyncset.done $0x0  }
0x36: {  	s17 =	simm.s32 $0x2800;
	[sflag:s26] =	ssyncadd.s32 $0xFFFFFFC0  }
0x37: {  	[tilespmem:s17], [sflag:$0x2] =	stream.indirect.gather [hbm4b:s1+s29], $0x80, s8, s29, $0xb8;
	[tilespmem:$0x1C800] =	vst v63  }
0x38: {  	s20 =	simm.s32 $0x100;
	s19 =	rddreg [dreg:$0xb]  }
0x39: {  	[tilespmem:s20], [sflag:$0x5] =	stream.linear.gather [hbm4b:s19+s4], $0x40, $0x38;
	[tilespmem:$0x1C800] =	vst v63  }
0x3a: {  	s18 =	simm.s32 $0x500;
	s21 =	rddreg [dreg:$0xc]  }
0x3b: {  	[tilespmem:s18], [sflag:$0x5] =	stream.linear.gather [hbm4b:s21+s4], $0x40, $0x38;
	[tilespmem:$0x1C800] =	vst v63  }
0x3c: {  	s22 =	rddreg [dreg:$0xd];
	s18 =	simm.s32 $0x180  }
0x3d: {  	[tilespmem:s18], [sflag:$0x5] =	stream.linear.gather [hbm4b:s22+s4], $0x40, $0x38;
	[tilespmem:$0x1C800] =	vst v63  }
0x3e: {  	s23 =	rddreg [dreg:$0xe];
	s19 =	simm.s32 $0x580  }
0x3f: {  	[tilespmem:s19], [sflag:$0x5] =	stream.linear.gather [hbm4b:s23+s4], $0x40, $0x38;
	[tilespmem:$0x1C800] =	vst v63  }
0x40: {  	_ =	swait.ge [sflag:s12], $0x2000  }
0x41: {  	[sflag:s12] =	ssyncset.done $0x0  }
0x42: {  	[sflag:s12] =	ssyncadd.s32 $0xFFFFE000  }
0x43: {  	[spmem:s2] =	stream.indirect.scatter.add.f32 [tilespmem:s7], [sflag:$0x3], $0x80, s3, s29, $0xb8;
	[tilespmem:$0x1C800] =	vst v63  }
0x44: {  	_ =	swait.ge [sflag:s10], $0x40  }
0x45: {  	[sflag:s10] =	ssyncset.done $0x0  }
0x46: {  	[sflag:s10] =	ssyncadd.s32 $0xFFFFFFC0  }
0x47: {  	_ =	swait.ge [sflag:s10], $0x40  }
0x48: {  	[sflag:s10] =	ssyncset.done $0x0  }
0x49: {  	s19 =	simm.s32 $0x4800;
	[sflag:s10] =	ssyncadd.s32 $0xFFFFFFC0  }
0x4a: {  	[tilespmem:s19], [sflag:$0x1] =	stream.indirect.gather [hbm4b:s1+s29], $0x80, s20, s29, $0xb8;
	[tilespmem:$0x1C800] =	vst v63  }
0x4b: {  	s21 =	simm.s32 $0x200;
	s20 =	rddreg [dreg:$0xf]  }
0x4c: {  	[tilespmem:s21], [sflag:$0x5] =	stream.linear.gather [hbm4b:s20+s4], $0x40, $0x38;
	[tilespmem:$0x1C800] =	vst v63  }
0x4d: {  	s23 =	simm.s32 $0x600;
	s22 =	rddreg [dreg:$0x10]  }
0x4e: {  	[tilespmem:s23], [sflag:$0x5] =	stream.linear.gather [hbm4b:s22+s4], $0x40, $0x38;
	[tilespmem:$0x1C800] =	vst v63  }
0x4f: {  	_ =	swait.ge [sflag:s11], $0x2000  }
0x50: {  	[sflag:s11] =	ssyncset.done $0x0  }
0x51: {  	[sflag:s11] =	ssyncadd.s32 $0xFFFFE000  }
0x52: {  	[spmem:s2] =	stream.indirect.scatter.add.f32 [tilespmem:s17], [sflag:$0x4], $0x80, s9, s29, $0xb8;
	[tilespmem:$0x1C800] =	vst v63  }
0x53: {  	_ =	swait.ge [sflag:s10], $0x40  }
0x54: {  	[sflag:s10] =	ssyncset.done $0x0  }
0x55: {  	[sflag:s10] =	ssyncadd.s32 $0xFFFFFFC0  }
0x56: {  	_ =	swait.ge [sflag:s10], $0x40  }
0x57: {  	[sflag:s10] =	ssyncset.done $0x0  }
0x58: {  	s7 =	simm.s32 $0x6800;
	[sflag:s10] =	ssyncadd.s32 $0xFFFFFFC0  }
0x59: {  	[tilespmem:s7], [sflag:$0x2] =	stream.indirect.gather [hbm4b:s1+s29], $0x80, s18, s29, $0xb8;
	[tilespmem:$0x1C800] =	vst v63  }
0x5a: {  	s9 =	simm.s32 $0x280;
	s8 =	rddreg [dreg:$0x11]  }
0x5b: {  	[tilespmem:s9], [sflag:$0x5] =	stream.linear.gather [hbm4b:s8+s4], $0x40, $0x38;
	[tilespmem:$0x1C800] =	vst v63  }
0x5c: {  	s17 =	rddreg [dreg:$0x12];
	s18 =	simm.s32 $0x680  }
0x5d: {  	[tilespmem:s18], [sflag:$0x5] =	stream.linear.gather [hbm4b:s17+s4], $0x40, $0x38;
	[tilespmem:$0x1C800] =	vst v63  }
0x5e: {  	_ =	swait.ge [sflag:s12], $0x2000  }
0x5f: {  	[sflag:s12] =	ssyncset.done $0x0  }
0x60: {  	p0 =	por $0x0, $0x0;
	s19 =	simm.s32 $0x4000;
	[sflag:s12] =	ssyncadd.s32 $0xFFFFE000  }
0x61: {  	s0 =	sand.u32 $0x4000, s19;
	s21 =	simm.s32 $0x100;
	_ =	swait.ge [sflag:s13], $0x2000  }
0x62: {  	s20 =	simm.s32 @!p0 $0x5;
	s17 =	sand.u32 $0x300, s21;
	[sflag:s13] =	ssyncset.done $0x0  }
0x63: {  	s0 =	sor.u32 $0x800, s0;
	s17 =	sor.u32 $0x400, s17;
	[sflag:s13] =	ssyncadd.s32 $0xFFFFE000  }
0x64: {  	[spmem:s2] =	stream.indirect.scatter.add.f32 [tilespmem:s0], [sflag:$0x3], $0x80, s17, s29, $0xb8;
	[tilespmem:$0x1C800] =	vst v63  }
0x65: {  	_ =	swait.ge @!p0 [sflag:s20], $0x40  }
0x66: {  	p1 =	por @!p0 $0x0, $0x0;
	[sflag:s20] =	ssyncset.done @!p0 $0x0  }
0x67: {  	p2 =	por p1, p0;
	s21 =	simm.s32 @!p0 $0x40;
	[sflag:s20] =	ssyncadd.s32 @!p0 $0xFFFFFFC0  }
0x68: {  	s18 =	simm.s32 @!p2 $0x300;
	s17 =	simm.s32 @!p0 $0x8000;
	_ =	swait.ge @!p0 [sflag:s20], $0x40  }
0x69: {  	s0 =	simm.s32 @!p0 $0x200;
	s17 =	sand.u32 @!p0 $0x4000, s17;
	[sflag:s20] =	ssyncset.done @!p0 $0x0  }
0x6a: {  	s0 =	sand.u32 @!p0 $0x300, s0;
	s17 =	sor.u32 @!p0 $0x800, s17;
	[sflag:s20] =	ssyncadd.s32 @!p0 $0xFFFFFFC0  }
0x6b: {  	[tilespmem:s17], [sflag:$0x1] =	stream.indirect.gather @!p0 [hbm4b:s1+s21], $0x80, s0, s21, $0xb8;
	[tilespmem:$0x1C800] =	vst v63  }
0x6c: {  	s0 =	sand.u32 @!p2 $0x300, s18;
	s17 =	sadd.s32 @!p2 s5, s24;
	s18 =	simm.s32 @!p2 $0x0  }
0x6d: {  	[tilespmem:s0], [sflag:$0x5] =	stream.linear.gather @!p2 [hbm4b:s17+s18], $0x40, $0x38;
	[tilespmem:$0x1C800] =	vst v63  }
0x6e: {  	s0 =	sor.u32 @!p2 $0x400, s0;
	s17 =	sadd.s32 @!p2 s6, s24  }
0x6f: {  	[tilespmem:s0], [sflag:$0x5] =	stream.linear.gather @!p2 [hbm4b:s17+s18], $0x40, $0x38;
	[tilespmem:$0x1C800] =	vst v63  }
0x70: {  	_ =	swait.ge [sflag:s11], $0x2000  }
0x71: {  	p3 =	por @!p0 $0x0, $0x0;
	p1 =	por !p1, p0;
	[sflag:s11] =	ssyncset.done $0x0  }
0x72: {  	s19 =	simm.s32 @!p0 $0x280;
	s22 =	simm.s32 $0x6000;
	[sflag:s11] =	ssyncadd.s32 $0xFFFFE000  }
0x73: {  	s23 =	simm.s32 $0x180;
	s0 =	simm.s32 $0x380;
	_ =	swait.ge [sflag:s14], $0x2000  }
0x74: {  	s17 =	sand.u32 $0x6000, s22;
	s18 =	sand.u32 $0x380, s23;
	[sflag:s14] =	ssyncset.done $0x0  }
0x75: {  	s17 =	sor.u32 $0x800, s17;
	s18 =	sor.u32 $0x400, s18;
	[sflag:s14] =	ssyncadd.s32 $0xFFFFE000  }
0x76: {  	[spmem:s2] =	stream.indirect.scatter.add.f32 [tilespmem:s17], [sflag:$0x4], $0x80, s18, s29, $0xb8;
	[tilespmem:$0x1C800] =	vst v63  }
0x77: {  	p2 =	por @!p2 $0x1, $0x1;
	s22 =	sand.u32 @!p0 $0x380, s19;
	_ =	swait.ge @!p0 [sflag:s20], $0x40  }
0x78: {  	p2 =	por @!p1 p3, p3;
	p3 =	por $0x0, $0x0;
	[sflag:s20] =	ssyncset.done @!p0 $0x0  }
0x79: {  	s19 =	sadd.s32 $0x10, s5;
	p3 =	por @!p0 p2, p2;
	[sflag:s20] =	ssyncadd.s32 @!p0 $0xFFFFFFC0  }
0x7a: {  	s30 =	sadd.s32 @p3 s5, s25;
	s18 =	simm.s32 $0xA000;
	_ =	swait.ge @!p0 [sflag:s20], $0x40  }
0x7b: {  	s28 =	simm.s32 @p3 $0x0;
	s18 =	sand.u32 @!p0 $0x6000, s18;
	[sflag:s20] =	ssyncset.done @!p0 $0x0  }
0x7c: {  	s17 =	simm.s32 $0x480;
	s23 =	sor.u32 @!p0 $0x800, s18;
	[sflag:s20] =	ssyncadd.s32 @!p0 $0xFFFFFFC0  }
0x7d: {  	[tilespmem:s23], [sflag:$0x2] =	stream.indirect.gather @!p0 [hbm4b:s1+s21], $0x80, s22, s21, $0xb8;
	[tilespmem:$0x1C800] =	vst v63  }
0x7e: {  	s18 =	sadd.s32 $0x10, s6;
	s20 =	simm.s32 $0xE000;
	s23 =	sand.u32 @p3 $0x380, s0  }
0x7f: {  	s0 =	sadd.s32 @p3 s6, s25;
	s21 =	simm.s32 $0x2;
	s31 =	sor.u32 @p3 $0x400, s23  }
.LBB2_2:
0x80: {  	[tilespmem:s23], [sflag:$0x5] =	stream.linear.gather @p3 [hbm4b:s30+s28], $0x40, $0x38;
	[tilespmem:$0x1C800] =	vst v63  }
0x81: {  	s23 =	smov.u32 s17;
	s17 =	sadd.s32 $0x100, s17;
	s22 =	smov.u32 s18  }
0x82: {  	[tilespmem:s31], [sflag:$0x5] =	stream.linear.gather @p3 [hbm4b:s0+s28], $0x40, $0x38;
	[tilespmem:$0x1C800] =	vst v63  }
0x83: {  	p0 =	sne.s32 s17, $0x5280;
	s28 =	smov.u32 s19;
	_ =	swait.ge [sflag:s12], $0x2000  }
0x84: {  	p1 =	seq.s32 s23, $0x5180;
	s0 =	sadd.s32 $0xFFFFA000, s20;
	[sflag:s12] =	ssyncset.done $0x0  }
0x85: {  	s31 =	sadd.s32 $0xFFFFFD80, s23;
	s30 =	simm.s32 @!p1 $0x5;
	[sflag:s12] =	ssyncadd.s32 $0xFFFFE000  }
0x86: {  	s0 =	sand.u32 $0x4000, s0;
	s31 =	sand.u32 $0x300, s31;
	_ =	swait.ge [sflag:s13], $0x2000  }
0x87: {  	s0 =	sor.u32 $0x800, s0;
	s31 =	sor.u32 $0x400, s31;
	[sflag:s13] =	ssyncset.done $0x0  }
0x88: {  	s3 =	sadd.s32 @!p1 $0xFFFFFE80, s23;
	s7 =	sadd.s32 @!p1 $0xFFFFE000, s20;
	[sflag:s13] =	ssyncadd.s32 $0xFFFFE000  }
0x89: {  	[spmem:s2] =	stream.indirect.scatter.add.f32 [tilespmem:s0], [sflag:$0x3], $0x80, s31, s29, $0xb8;
	[tilespmem:$0x1C800] =	vst v63  }
0x8a: {  	s0 =	sand.u32 @!p1 $0x300, s3;
	s3 =	sand.u32 @!p1 $0x4000, s7;
	_ =	swait.ge @!p1 [sflag:s30], $0x40  }
0x8b: {  	p2 =	sgt.u32 @!p1 s21, $0x4D;
	s3 =	sor.u32 @!p1 $0x800, s3;
	[sflag:s30] =	ssyncset.done @!p1 $0x0  }
0x8c: {  	p3 =	por !p2, p1;
	s7 =	sadd.s32 @!p1 $0xFFFFFF00, s23;
	[sflag:s30] =	ssyncadd.s32 @!p1 $0xFFFFFFC0  }
0x8d: {  	p4 =	por @!p1 $0x0, $0x0;
	s8 =	sand.u32 @!p1 $0x6000, s20;
	_ =	swait.ge @!p1 [sflag:s30], $0x40  }
0x8e: {  	p5 =	por p2, p1;
	s31 =	simm.s32 @!p1 $0x40;
	[sflag:s30] =	ssyncset.done @!p1 $0x0  }
0x8f: {  	s9 =	sadd.s32 @!p5 $0xFFFFFF80, s23;
	p2 =	por @!p5 $0x1, $0x1;
	[sflag:s30] =	ssyncadd.s32 @!p1 $0xFFFFFFC0  }
0x90: {  	[tilespmem:s3], [sflag:$0x1] =	stream.indirect.gather @!p1 [hbm4b:s1+s31], $0x80, s0, s31, $0xb8;
	[tilespmem:$0x1C800] =	vst v63  }
0x91: {  	s0 =	sand.u32 @!p5 $0x300, s9;
	s3 =	sadd.s32 @!p5 s19, s24;
	s9 =	simm.s32 @!p5 $0x0  }
0x92: {  	[tilespmem:s0], [sflag:$0x5] =	stream.linear.gather @!p5 [hbm4b:s3+s9], $0x40, $0x38;
	[tilespmem:$0x1C800] =	vst v63  }
0x93: {  	p2 =	por @!p3 p4, p4;
	s0 =	sor.u32 @!p5 $0x400, s0;
	s3 =	sadd.s32 @!p5 s18, s24  }
0x94: {  	[tilespmem:s0], [sflag:$0x5] =	stream.linear.gather @!p5 [hbm4b:s3+s9], $0x40, $0x38;
	[tilespmem:$0x1C800] =	vst v63  }
0x95: {  	s0 =	sand.u32 @!p1 $0x380, s7;
	s3 =	sor.u32 @!p1 $0x800, s8;
	_ =	swait.ge [sflag:s11], $0x2000  }
0x96: {  	[sflag:s11] =	ssyncset.done $0x0  }
0x97: {  	s7 =	sadd.s32 $0xFFFFC000, s20;
	s8 =	sadd.s32 $0xFFFFFE00, s23;
	[sflag:s11] =	ssyncadd.s32 $0xFFFFE000  }
0x98: {  	s7 =	sand.u32 $0x6000, s7;
	s8 =	sand.u32 $0x380, s8;
	_ =	swait.ge [sflag:s14], $0x2000  }
0x99: {  	s7 =	sor.u32 $0x800, s7;
	s8 =	sor.u32 $0x400, s8;
	[sflag:s14] =	ssyncset.done $0x0  }
0x9a: {  	[sflag:s14] =	ssyncadd.s32 $0xFFFFE000  }
0x9b: {  	[spmem:s2] =	stream.indirect.scatter.add.f32 [tilespmem:s7], [sflag:$0x4], $0x80, s8, s29, $0xb8;
	[tilespmem:$0x1C800] =	vst v63  }
0x9c: {  	_ =	swait.ge @!p1 [sflag:s30], $0x40  }
0x9d: {  	[sflag:s30] =	ssyncset.done @!p1 $0x0  }
0x9e: {  	[sflag:s30] =	ssyncadd.s32 @!p1 $0xFFFFFFC0  }
0x9f: {  	p3 =	por $0x0, $0x0;
	s19 =	sadd.s32 $0x10, s19;
	_ =	swait.ge @!p1 [sflag:s30], $0x40  }
.Ltmp0:
0xa0: {  	s18 =	sadd.s32 $0x10, s18;
	[sflag:s30] =	ssyncset.done @!p1 $0x0;
	(pc) =	sbr.rel @p0 .LBB2_2-.Ltmp0, $4  }
0xa1: {  	p3 =	por @!p1 p2, p2;
	s20 =	sadd.s32 $0x4000, s20;
	[sflag:s30] =	ssyncadd.s32 @!p1 $0xFFFFFFC0  }
0xa2: {  	s23 =	sand.u32 @p3 $0x380, s23;
	s30 =	sadd.s32 @p3 s28, s25;
	s28 =	simm.s32 @p3 $0x0  }
0xa3: {  	[tilespmem:s3], [sflag:$0x2] =	stream.indirect.gather @!p1 [hbm4b:s1+s31], $0x80, s0, s31, $0xb8;
	[tilespmem:$0x1C800] =	vst v63  }
0xa4: {  	s21 =	sadd.s32 $0x1, s21;
	s31 =	sor.u32 @p3 $0x400, s23;
	s0 =	sadd.s32 @p3 s22, s25  }
0xa5: {  	[tilespmem:s23], [sflag:$0x5] =	stream.linear.gather @p3 [hbm4b:s30+s28], $0x40, $0x38;
	[tilespmem:$0x1C800] =	vst v63  }
0xa6: {  	_ = 	snop  }
0xa7: {  	[tilespmem:s31], [sflag:$0x5] =	stream.linear.gather @p3 [hbm4b:s0+s28], $0x40, $0x38;
	[tilespmem:$0x1C800] =	vst v63  }
0xa8: {  	_ =	swait.ge [sflag:s13], $0x2000  }
0xa9: {  	[sflag:s13] =	ssyncset.done $0x0  }
0xaa: {  	[sflag:s13] =	ssyncadd.s32 $0xFFFFE000  }
0xab: {  	_ =	swait.ge [sflag:s14], $0x2000  }
0xac: {  	[sflag:s14] =	ssyncset.done $0x0  }
0xad: {  	[sflag:s14] =	ssyncadd.s32 $0xFFFFE000  }
0xae: {  	[bflag:$0x0] =	sbarrier.arrive $0xFFFF  }
0xaf: {  	s9 =	rddreg [dreg:$0x6]  }
0xb0: {  	s30 =	rddreg [dreg:$0x13]  }
0xb1: {  	[hbm:s30], [sflag:s9] =	dma.local [spmem:s16], $0x2800  }
0xb2: {  	_ =	swait.ge [sflag:s26], $0x2800  }
0xb3: {  	s15 =	sadd.s32 $0x1, s15;
	s31 =	rddreg [dreg:$0x14]  }
0xb4: {  	p0 =	sne.s32 s15, s31  }
.Ltmp1:
0xb5: {  	_ = 	snop;
	(pc) =	sbr.rel @p0 .LBB2_1-.Ltmp1, $3  }
0xb6: {  	_ =	sdelay $0x1  }
0xb7: {  	[sflag:s26] =	ssyncset.done $0x0  }
0xb8: {  	[sflag:s26] =	ssyncadd.s32 $0xFFFFD800  }
0xb9: {  	_ =	sfence.sel $0x180000  }
0xba: {  	[bflag:$0x0] =	sbarrier.arrive $0xFFFF  }
0xbb: {  	_ =	strace $0x90000047  }
0xbc: {  	s0 =	stileid.u32;
	[bflag:$0x2] =	sbarrier.arrive $0xFFFF  }
0xbd: {  	p0 =	sne.s32 s0, $0x0;
	s0 =	rddreg [dreg:$0x3]  }
0xbe: {  	s0 =	sadd.s32 @!p0 $0x100000, s0  }
0xbf: {  	[sflag:s0] =	ssyncadd.tile.s32 @!p0 $0x1;
	_ =	shalt  }
.Lfunc_end2:
_tile_overlayer_lowered:
.L_overlay_start_2:
0xc0: {  	(tag) =	ssettag $0x2  }
0xc1: {  	s0 =	rddreg [dreg:$0x0];
	s2 =	stileid.u32  }
0xc2: {  	s1 =	rddreg [dreg:$0x1];
	p0 =	sne.s32 s2, $0x0  }
0xc3: {  	s3 =	rddreg [dreg:$0x2];
	[bflag:$0x3] =	sbarrier.arrive $0xFFFF;
	s2 =	simm.s32 @!p0 $0x1C06  }
0xc4: {  	[timem:s3], [sflag:s2] =	dma.local @!p0 [hbm:s0], s1  }
0xc5: {  	s0 =	simm.s32 @!p0 $0x6  }
0xc6: {  	_ =	swait.ge @!p0 [sflag:s0], s1  }
0xc7: {  	s1 =	ssub.s32 @!p0 $0x0, s1;
	[sflag:s0] =	ssyncset.done @!p0 $0x0  }
0xc8: {  	[sflag:s0] =	ssyncadd.s32 @!p0 s1  }
0xc9: {  	[bflag:$0x3] =	sbarrier.arrive $0xFFFF  }
0xca: {  	_ =	shalt  }

// kernel: kernel.14.cloned.1.call-start
scs
__scs_entry_jumppad:
0x0: {  	(pc) =	sbr.rel $0x88, $3  }
0x1: {  	(tag) =	ssettag $0x0;
	lr =	simm.s32 $0x1  }
0x2: {  	[smem:$0x3F8C] =	sst lr;
	_ =	strace $0xD0000000  }
0x3: {  	_ = 	snop  }
0x4: {  	_ = 	snop  }
0x5: {  	_ = 	snop  }
0x6: {  	_ = 	snop  }
0x7: {  	_ = 	snop  }
__scs_overlays_trampoline_lowered:
0x8: {  	[smem:$0x3F9B] =	sst s0  }
0x9: {  	[smem:$0x3F9C] =	sst s1  }
0xa: {  	[smem:$0x3F9D] =	sst s2  }
0xb: {  	[smem:$0x3F9E] =	sst s3  }
0xc: {  	[smem:$0x3F9F] =	sst s4  }
0xd: {  	[smem:$0x3FA0] =	sst s5  }
0xe: {  	[smem:$0x3FA1] =	sst s6  }
0xf: {  	[smem:$0x3FA2] =	sst s7  }
0x10: {  	[smem:$0x3FA3] =	sst s8  }
0x11: {  	[smem:$0x3FA4] =	sst s9;
	s0 =	simm.s32 @!p0 $0x0  }
0x12: {  	s1 =	sld [smem:$0x3F8A];
	s0 =	simm.s32 @p0 $0x1  }
0x13: {  	[smem:$0x3FA5] =	sst s0;
	s0 =	simm.s32 @!p1 $0x0  }
0x14: {  	s2 =	sld [smem:$0x3F89];
	s0 =	simm.s32 @p1 $0x1  }
0x15: {  	[smem:$0x3FA6] =	sst s0;
	s0 =	simm.s32 @!p2 $0x0  }
0x16: {  	s3 =	sld [smem:$0x3FDB];
	s0 =	simm.s32 @p2 $0x1  }
0x17: {  	s4 =	simm.s32 $0x1BF5;
	[smem:$0x3FA8] =	sst s0  }
0x18: {  	s0 =	sld [smem:$0x3F8B];
	_ =	swait.ge [sflag:s4], $0x0  }
0x19: {  	s7 =	sld [smem:$0x3F8C]  }
0x1a: {  	s8 =	sadd.s32 $0xFFFFE003, lr  }
0x1b: {  	s9 =	sadd.s32 $0xFFFFFEF7, lr;
	s5 =	simm.s32 $0xFFFFFFFF;
	p2 =	slt.u32 s8, $0xFFFFF086  }
0x1c: {  	p1 =	slt.u32 s9, $0xF7A;
	s5 =	simm.s32 @!p2 $0x0  }
0x1d: {  	s5 =	simm.s32 @p1 $0x1;
	p0 =	seq.s32 s7, s2  }
0x1e: {  	s7 =	smul.u32 @!p0 $0xF7A, s2;
	p2 =	seq.s32 @!p0 s5, $0x0  }
0x1f: {  	s9 =	smul.u32 $0xF7A, s1;
	s8 =	simm.s32 @!p0 $0x1BF5;
	p2 =	por !p2, p0  }
0x20: {  	[sflag:s8] =	ssyncset.s32 @!p0 $0xFFFFF086;
	s6 =	sadd.s32 @!p0 s3, s7;
	s7 =	simm.s32 @!p0 $0x108  }
0x21: {  	s3 =	sadd.s32 s3, s9;
	s6 =	sadd.s32 @!p0 $0x88, s6;
	s7 =	simm.s32 @p2 $0x1082  }
0x22: {  	[simem:s7], [sflag:s8] =	dma.local @!p0 [hbm:s6], $0xF7A  }
0x23: {  	s9 =	sor.u32 $0xD0000000, s2;
	s6 =	simm.s32 $0x108;
	_ =	swait.ge @!p0 [sflag:s8], $0x0  }
0x24: {  	s3 =	sadd.s32 $0x88, s3;
	s6 =	simm.s32 @!p1 $0x1082;
	[sflag:s4] =	ssyncset.s32 $0xFFFFF086  }
0x25: {  	[simem:s6], [sflag:s4] =	dma.local [hbm:s3], $0xF7A  }
0x26: {  	[smem:$0x3F8C] =	sst s1;
	(tag) =	ssettag s2;
	_ =	strace s9  }
0x27: {  	s1 =	sld [smem:$0x3F9C]  }
0x28: {  	s2 =	sld [smem:$0x3F9D]  }
0x29: {  	s4 =	sld [smem:$0x3F9F]  }
0x2a: {  	p0 =	seq.s32 s5, $0x0;
	s5 =	sld [smem:$0x3FA0]  }
0x2b: {  	s6 =	sld [smem:$0x3FA1]  }
0x2c: {  	s7 =	sld [smem:$0x3FA2]  }
0x2d: {  	s3 =	simm.s32 $0x108;
	s8 =	sld [smem:$0x3FA3]  }
0x2e: {  	s3 =	simm.s32 @!p0 $0x1082;
	s9 =	sld [smem:$0x3FA4]  }
0x2f: {  	lr =	sadd.s32 s0, s3;
	s0 =	sld [smem:$0x3F9B]  }
0x30: {  	s3 =	sld [smem:$0x3F9E]  }
0x31: {  	[smem:$0x3FA7] =	sst s10  }
0x32: {  	s10 =	sld [smem:$0x3FA5];
	_ =	sdelay $0x3  }
0x33: {  	p0 =	seq.s32 s10, $0x1;
	s10 =	sld [smem:$0x3FA7];
	_ =	sdelay $0x3  }
0x34: {  	[smem:$0x3FA7] =	sst s10  }
0x35: {  	s10 =	sld [smem:$0x3FA6];
	_ =	sdelay $0x3  }
0x36: {  	p1 =	seq.s32 s10, $0x1;
	s10 =	sld [smem:$0x3FA7];
	_ =	sdelay $0x3  }
0x37: {  	[smem:$0x3FA7] =	sst s10  }
0x38: {  	s10 =	sld [smem:$0x3FA8]  }
0x39: {  	_ = 	snop;
	(pc) =	sbr.ind lr, $3  }
0x3a: {  	_ = 	snop  }
0x3b: {  	_ = 	snop  }
0x3c: {  	p2 =	seq.s32 s10, $0x1;
	s10 =	sld [smem:$0x3FA7]  }
0x3d: {  	_ =	shalt  }
0x3e: {  	_ =	shalt  }
0x3f: {  	_ =	shalt  }
0x40: {  	_ =	shalt  }
0x41: {  	_ =	shalt  }
0x42: {  	_ =	shalt  }
0x43: {  	_ =	shalt  }
0x44: {  	_ =	shalt  }
0x45: {  	_ =	shalt  }
0x46: {  	_ =	shalt  }
0x47: {  	_ =	shalt  }
0x48: {  	_ =	shalt  }
0x49: {  	_ =	shalt  }
0x4a: {  	_ =	shalt  }
0x4b: {  	_ =	shalt  }
0x4c: {  	_ =	shalt  }
0x4d: {  	_ =	shalt  }
0x4e: {  	_ =	shalt  }
0x4f: {  	_ =	shalt  }
0x50: {  	_ =	shalt  }
0x51: {  	_ =	shalt  }
0x52: {  	_ =	shalt  }
0x53: {  	_ =	shalt  }
0x54: {  	_ =	shalt  }
0x55: {  	_ =	shalt  }
0x56: {  	_ =	shalt  }
0x57: {  	_ =	shalt  }
0x58: {  	_ =	shalt  }
0x59: {  	_ =	shalt  }
0x5a: {  	_ =	shalt  }
0x5b: {  	_ =	shalt  }
0x5c: {  	_ =	shalt  }
0x5d: {  	_ =	shalt  }
0x5e: {  	_ =	shalt  }
0x5f: {  	_ =	shalt  }
0x60: {  	_ =	shalt  }
0x61: {  	_ =	shalt  }
0x62: {  	_ =	shalt  }
0x63: {  	_ =	shalt  }
0x64: {  	_ =	shalt  }
0x65: {  	_ =	shalt  }
0x66: {  	_ =	shalt  }
0x67: {  	_ =	shalt  }
0x68: {  	_ =	shalt  }
0x69: {  	_ =	shalt  }
0x6a: {  	_ =	shalt  }
0x6b: {  	_ =	shalt  }
0x6c: {  	_ =	shalt  }
0x6d: {  	_ =	shalt  }
0x6e: {  	_ =	shalt  }
0x6f: {  	_ =	shalt  }
0x70: {  	_ =	shalt  }
0x71: {  	_ =	shalt  }
0x72: {  	_ =	shalt  }
0x73: {  	_ =	shalt  }
0x74: {  	_ =	shalt  }
0x75: {  	_ =	shalt  }
0x76: {  	_ =	shalt  }
0x77: {  	_ =	shalt  }
0x78: {  	_ =	shalt  }
0x79: {  	_ =	shalt  }
0x7a: {  	_ =	shalt  }
0x7b: {  	_ =	shalt  }
0x7c: {  	_ =	shalt  }
0x7d: {  	_ =	shalt  }
0x7e: {  	_ =	shalt  }
0x7f: {  	_ =	shalt  }
0x80: {  	_ =	shalt  }
0x81: {  	_ =	shalt  }
0x82: {  	_ =	shalt  }
0x83: {  	_ =	shalt  }
0x84: {  	_ =	shalt  }
0x85: {  	_ =	shalt  }
0x86: {  	_ =	shalt  }
0x87: {  	_ =	shalt  }
.Lfunc_end0:
.L_simem_size_0:
called_computation.1_lowered:
.L_overlay_start_0:
0x88: {  	s2 =	sld [smem:$0x3FD9]  }
0x89: {  	s3 =	sld [smem:$0x3FFE];
	_ =	sdelay $0x1  }
0x8a: {  	s1 =	srdreg.scid  }
0x8b: {  	s0 =	sand.u32 $0x1, s1  }
0x8c: {  	s14 =	sshll.u32 s0, $0xA;
	s2 =	sadd.s32 s3, s2  }
0x8d: {  	s2 =	sadd.s32 s2, s14  }
0x8e: {  	[smem:$0x3FB3] =	sst s2  }
0x8f: {  	_ = 	snop  }
0x90: {  	s2 =	sld [smem:$0x3FD0];
	_ =	sdelay $0x2  }
0x91: {  	s15 =	simm.s32 $0xA;
	s4 =	simm.s32 $0x10  }
0x92: {  	[smem:s4], [sflag:s15] =	dma.local [hbm:s2], $0x1  }
0x93: {  	_ =	swait.eq [sflag:s15], $0x1  }
0x94: {  	[sflag:s15] =	ssyncset.done $0x0  }
0x95: {  	[sflag:s15] =	ssyncadd.s32 $0xFFFFFFFF  }
0x96: {  	s16 =	sld [smem:$0x11];
	(tm) =	ssettm $0x1  }
0x97: {  	s17 =	sld [smem:$0x3FFB];
	_ =	sdelay $0x3  }
0x98: {  	_ =	strace s17  }
0x99: {  	s3 =	sld [smem:$0x3FFC];
	_ =	sdelay $0x3  }
0x9a: {  	_ =	strace s3  }
0x9b: {  	s3 =	sld [smem:$0x3FFD];
	_ =	sdelay $0x3  }
0x9c: {  	_ =	strace s3  }
0x9d: {  	_ =	strace $0x8FFFFFFF  }
0x9e: {  	s18 =	sld [smem:$0x3FDB];
	_ =	sdelay $0x1  }
0x9f: {  	s19 =	simm.s32 $_scs_section_size  }
0xa0: {  	s5 =	simm.s32 $_size__tile_overlayer_lowered;
	s6 =	simm.s32 $_tile_overlayer_lowered  }
0xa1: {  	s22 =	simm.s32 $0x1BFF;
	s21 =	sshll.u32 s6, $0x1;
	s3 =	sadd.s32 s19, s18  }
0xa2: {  	s7 =	simm.s32 $0x0;
	s20 =	sshll.u32 s5, $0x1;
	s5 =	sadd.s32 s21, s3  }
0xa3: {  	[timem:s7], [sflag:s22] =	dma.local [hbm:s5], s20  }
0xa4: {  	_ =	swait.ge [sflag:s22], s20  }
0xa5: {  	s4 =	ssub.s32 $0x0, s20;
	[sflag:s22] =	ssyncset.done $0x0  }
0xa6: {  	[sflag:s22] =	ssyncadd.s32 s4;
	_ =	sdelay $0x1  }
0xa7: {  	s23 =	simm.s32 $0x1B8B  }
0xa8: {  	_ =	swait.ge [sflag:s23], $0x1  }
0xa9: {  	[sflag:s23] =	ssyncset.done $0x0  }
0xaa: {  	s25 =	simm.s32 $0x1B8E;
	s24 =	sld [smem:$0x3FFE];
	[sflag:s23] =	ssyncadd.s32 $0xFFFFFFFF  }
0xab: {  	s26 =	simm.s32 $execute0_lowered;
	[smem:$0x3FD2] =	sst s25  }
0xac: {  	s5 =	sshll.u32 s26, $0x1;
	_ =	strace $0x80000049;
	[dreg:$0x1] =	wrdreg $0xFFFFFFFF  }
0xad: {  	s28 =	simm.s32 $_size_execute0_lowered;
	s3 =	sadd.s32 s3, s5;
	[dreg:$0x0] =	wrdreg $0x0  }
0xae: {  	s5 =	sshll.u32 s28, $0x1;
	[dreg:$0x2] =	wrdreg s3  }
0xaf: {  	[dreg:$0x3] =	wrdreg s5  }
0xb0: {  	[dreg:$0x4] =	wrdreg $0xC0  }
0xb1: {  	_ =	task [dreg:s7], $0x5FFFF  }
0xb2: {  	[dreg:$0x1] =	wrdreg $0xFFFFFFFF  }
0xb3: {  	[dreg:$0x0] =	wrdreg $0x60  }
0xb4: {  	[dreg:$0x2] =	wrdreg s16  }
0xb5: {  	[dreg:$0x3] =	wrdreg s24  }
0xb6: {  	[dreg:$0x4] =	wrdreg $0x88000  }
0xb7: {  	[dreg:$0x5] =	wrdreg $0x9  }
0xb8: {  	_ =	task.clear_ibuf [dreg:s7], $0x6FFFF;
	_ =	strace $0x90000049  }
0xb9: {  	s29 =	simm.s32 $0x9;
	_ =	strace $0x8000004B  }
0xba: {  	_ =	swait.ge [sflag:s29], $0x1  }
0xbb: {  	[sflag:s29] =	ssyncadd.s32 $0xFFFFFFFF  }
0xbc: {  	_ =	strace $0x9000004B  }
0xbd: {  	_ =	sfence  }
0xbe: {  	s30 =	sld [smem:$0x0];
	_ =	sdelay $0x2  }
0xbf: {  	s31 =	sshll.u32 s1, $0xD;
	s1 =	sshrl.u32 s1, $0x2  }
0xc0: {  	s3 =	sand.u32 $0x4000, s31;
	s1 =	sadd.s32 s1, s30  }
0xc1: {  	s0 =	sor.u32 s3, s0;
	s1 =	sshll.u32 s1, $0x11  }
0xc2: {  	s0 =	sor.u32 s1, s0  }
0xc3: {  	s0 =	sadd.s32 $0x8F2B, s0  }
0xc4: {  	[sflag:s0] =	ssyncadd.remote.s32 $0x1  }
0xc5: {  	_ =	sfence.sel $0xFFFF  }
0xc6: {  	[dreg:$0x0] =	wrdreg $0xFFFFFFFF;
	(pc) =	sbr.abs _section_cstart, $3  }
0xc7: {  	[dreg:$0x1] =	wrdreg $0xFFFFFFFF  }
0xc8: {  	_ =	task.clear_ibuf [dreg:s7], $0x2FFFF;
	_ =	strace $0x9FFFFFFF  }
0xc9: {  	(tm) =	ssettm $0x7FFFFFFF  }
tec
execute0_lowered:
.L_overlay_start_1:
0x0: {  	(tag) =	ssettag $0x1  }
0x1: {  	s1 =	rddreg [dreg:$0x0]  }
0x2: {  	s0 =	rddreg [dreg:$0x1]  }
0x3: {  	s2 =	rddreg [dreg:$0x2];
	s4 =	simm.s32 $0x0;
	s3 =	srdreg.scid  }
0x4: {  	s12 =	stileid.u32;
	s29 =	simm.s32 $0x40;
	[smem:$0x7FF] =	sst s4  }
0x5: {  	s3 =	sand.u32 $0x1, s3;
	s8 =	smul.u32 $0x14000, s12;
	s5 =	sadd.s32 $0xEC00, s0  }
0x6: {  	s6 =	sadd.s32 $0x4C00, s0;
	s11 =	smul.u32 $0x50000, s12;
	s13 =	sadd.s32 $0x18C00, s0  }
0x7: {  	s7 =	smul.u32 $0x140000, s3;
	_ =	strace $0x8000004A;
	s9 =	sshll.u32 s3, $0x4  }
0x8: {  	s30 =	ssub.s32 $0x2, s3;
	[dreg:$0x4] =	wrdreg s13;
	s13 =	sshll.u32 s12, $0x6  }
0x9: {  	s3 =	smul.u32 $0x28000, s3;
	s9 =	sor.u32 s12, s9;
	s10 =	sshrl.u32 s30, $0x1  }
0xa: {  	s11 =	sshrl.u32 s11, $0x2;
	s12 =	smul.u32 $0x2800, s12;
	s7 =	sadd.s32 s8, s7  }
0xb: {  	s9 =	smul.u32 $0x2800, s9;
	s31 =	ssub.s32 s30, s10;
	s8 =	sadd.s32 s11, s2  }
0xc: {  	s11 =	simm.s32 $0x2;
	s7 =	sshrl.u32 s7, $0x3;
	[dreg:$0x5] =	wrdreg s8  }
0xd: {  	s3 =	sadd.s32 s12, s3;
	s0 =	sadd.s32 s7, s0;
	s7 =	smax.u32 s31, $0x1  }
0xe: {  	s14 =	sshrl.u32 s9, $0x3;
	s9 =	sor.u32 $0x1C06, s13;
	[dreg:$0x14] =	wrdreg s7  }
0xf: {  	s12 =	simm.s32 $0x1;
	s15 =	sadd.s32 s5, s14;
	[dreg:$0x6] =	wrdreg s9  }
0x10: {  	s30 =	sor.u32 $0x180, s3;
	s16 =	sadd.s32 s6, s14;
	[dreg:$0x7] =	wrdreg s15  }
0x11: {  	s17 =	sor.u32 $0x8, s14;
	s0 =	sadd.s32 $0x1B400, s0;
	[dreg:$0x8] =	wrdreg s16  }
0x12: {  	s31 =	sor.u32 $0x1C0, s3;
	s19 =	sadd.s32 s5, s17;
	[dreg:$0x13] =	wrdreg s0  }
0x13: {  	s18 =	sor.u32 $0x10, s14;
	s8 =	sadd.s32 s6, s17;
	[dreg:$0x9] =	wrdreg s19  }
0x14: {  	s13 =	simm.s32 $0x3;
	s20 =	sadd.s32 s5, s18;
	[dreg:$0xa] =	wrdreg s8  }
0x15: {  	s22 =	sor.u32 $0x18, s14;
	s21 =	sadd.s32 s6, s18;
	[dreg:$0xb] =	wrdreg s20  }
0x16: {  	s24 =	sor.u32 $0x20, s14;
	s23 =	sadd.s32 s5, s22;
	[dreg:$0xc] =	wrdreg s21  }
0x17: {  	s26 =	sor.u32 $0x28, s14;
	s25 =	sadd.s32 s5, s24;
	[dreg:$0xd] =	wrdreg s23  }
0x18: {  	s14 =	simm.s32 $0x4;
	s10 =	sadd.s32 s6, s24;
	[dreg:$0xf] =	wrdreg s25  }
0x19: {  	s28 =	sadd.s32 s5, s26;
	s24 =	sshrl.u32 s30, $0x3;
	[dreg:$0x10] =	wrdreg s10  }
0x1a: {  	s15 =	simm.s32 $0x0;
	s8 =	sadd.s32 s6, s22;
	[dreg:$0x11] =	wrdreg s28  }
0x1b: {  	s25 =	sshrl.u32 s31, $0x3;
	[dreg:$0xe] =	wrdreg s8;
	s8 =	sadd.s32 s6, s26  }
0x1c: {  	s10 =	simm.s32 $0x5;
	s26 =	simm.s32 $0x6;
	[dreg:$0x12] =	wrdreg s8  }
.LBB2_1:
0x1d: {  	s0 =	rddreg [dreg:$0x5]  }
0x1e: {  	s7 =	rddreg [dreg:$0x4];
	s16 =	sshrl.u32 s0, $0x3  }
0x1f: {  	[spmem:s16], [sflag:s9] =	dma.local [hbm:s7], $0x2800  }
0x20: {  	_ =	swait.ge [sflag:s26], $0x2800  }
0x21: {  	[sflag:s26] =	ssyncset.done $0x0  }
0x22: {  	[sflag:s26] =	ssyncadd.s32 $0xFFFFD800  }
0x23: {  	[bflag:$0x0] =	sbarrier.arrive $0xFFFF  }
0x24: {  	s8 =	rddreg [dreg:$0x7]  }
0x25: {  	[tilespmem:s4], [sflag:$0x6] =	stream.linear.gather [hbm4b:s8+s4], $0x40, $0x38;
	[tilespmem:$0x1C800] =	vst v63  }
0x26: {  	_ =	swait.ge [sflag:s26], $0x40  }
0x27: {  	[sflag:s26] =	ssyncset.done $0x0  }
0x28: {  	s3 =	simm.s32 $0x400;
	s9 =	rddreg [dreg:$0x8];
	[sflag:s26] =	ssyncadd.s32 $0xFFFFFFC0  }
0x29: {  	[tilespmem:s3], [sflag:$0x6] =	stream.linear.gather [hbm4b:s9+s4], $0x40, $0x38;
	[tilespmem:$0x1C800] =	vst v63  }
0x2a: {  	_ =	swait.ge [sflag:s26], $0x40  }
0x2b: {  	[sflag:s26] =	ssyncset.done $0x0  }
0x2c: {  	s7 =	simm.s32 $0x800;
	[sflag:s26] =	ssyncadd.s32 $0xFFFFFFC0  }
0x2d: {  	[tilespmem:s7], [sflag:$0x1] =	stream.indirect.gather [hbm4b:s1+s29], $0x80, s4, s29, $0xb8;
	[tilespmem:$0x1C800] =	vst v63  }
0x2e: {  	s8 =	simm.s32 $0x80;
	s17 =	rddreg [dreg:$0x9]  }
0x2f: {  	[tilespmem:s8], [sflag:$0x6] =	stream.linear.gather [hbm4b:s17+s4], $0x40, $0x38;
	[tilespmem:$0x1C800] =	vst v63  }
0x30: {  	_ =	swait.ge [sflag:s26], $0x40  }
0x31: {  	[sflag:s26] =	ssyncset.done $0x0  }
0x32: {  	s9 =	simm.s32 $0x480;
	s18 =	rddreg [dreg:$0xa];
	[sflag:s26] =	ssyncadd.s32 $0xFFFFFFC0  }
0x33: {  	[tilespmem:s9], [sflag:$0x6] =	stream.linear.gather [hbm4b:s18+s4], $0x40, $0x38;
	[tilespmem:$0x1C800] =	vst v63  }
0x34: {  	_ =	swait.ge [sflag:s26], $0x40  }
0x35: {  	[sflag:s26] =	ssyncset.done $0x0  }
0x36: {  	s17 =	simm.s32 $0x2800;
	[sflag:s26] =	ssyncadd.s32 $0xFFFFFFC0  }
0x37: {  	[tilespmem:s17], [sflag:$0x2] =	stream.indirect.gather [hbm4b:s1+s29], $0x80, s8, s29, $0xb8;
	[tilespmem:$0x1C800] =	vst v63  }
0x38: {  	s20 =	simm.s32 $0x100;
	s19 =	rddreg [dreg:$0xb]  }
0x39: {  	[tilespmem:s20], [sflag:$0x5] =	stream.linear.gather [hbm4b:s19+s4], $0x40, $0x38;
	[tilespmem:$0x1C800] =	vst v63  }
0x3a: {  	s18 =	simm.s32 $0x500;
	s21 =	rddreg [dreg:$0xc]  }
0x3b: {  	[tilespmem:s18], [sflag:$0x5] =	stream.linear.gather [hbm4b:s21+s4], $0x40, $0x38;
	[tilespmem:$0x1C800] =	vst v63  }
0x3c: {  	s22 =	rddreg [dreg:$0xd];
	s18 =	simm.s32 $0x180  }
0x3d: {  	[tilespmem:s18], [sflag:$0x5] =	stream.linear.gather [hbm4b:s22+s4], $0x40, $0x38;
	[tilespmem:$0x1C800] =	vst v63  }
0x3e: {  	s23 =	rddreg [dreg:$0xe];
	s19 =	simm.s32 $0x580  }
0x3f: {  	[tilespmem:s19], [sflag:$0x5] =	stream.linear.gather [hbm4b:s23+s4], $0x40, $0x38;
	[tilespmem:$0x1C800] =	vst v63  }
0x40: {  	_ =	swait.ge [sflag:s12], $0x2000  }
0x41: {  	[sflag:s12] =	ssyncset.done $0x0  }
0x42: {  	[sflag:s12] =	ssyncadd.s32 $0xFFFFE000  }
0x43: {  	[spmem:s2] =	stream.indirect.scatter.add.f32 [tilespmem:s7], [sflag:$0x3], $0x80, s3, s29, $0xb8;
	[tilespmem:$0x1C800] =	vst v63  }
0x44: {  	_ =	swait.ge [sflag:s10], $0x40  }
0x45: {  	[sflag:s10] =	ssyncset.done $0x0  }
0x46: {  	[sflag:s10] =	ssyncadd.s32 $0xFFFFFFC0  }
0x47: {  	_ =	swait.ge [sflag:s10], $0x40  }
0x48: {  	[sflag:s10] =	ssyncset.done $0x0  }
0x49: {  	s19 =	simm.s32 $0x4800;
	[sflag:s10] =	ssyncadd.s32 $0xFFFFFFC0  }
0x4a: {  	[tilespmem:s19], [sflag:$0x1] =	stream.indirect.gather [hbm4b:s1+s29], $0x80, s20, s29, $0xb8;
	[tilespmem:$0x1C800] =	vst v63  }
0x4b: {  	s21 =	simm.s32 $0x200;
	s20 =	rddreg [dreg:$0xf]  }
0x4c: {  	[tilespmem:s21], [sflag:$0x5] =	stream.linear.gather [hbm4b:s20+s4], $0x40, $0x38;
	[tilespmem:$0x1C800] =	vst v63  }
0x4d: {  	s23 =	simm.s32 $0x600;
	s22 =	rddreg [dreg:$0x10]  }
0x4e: {  	[tilespmem:s23], [sflag:$0x5] =	stream.linear.gather [hbm4b:s22+s4], $0x40, $0x38;
	[tilespmem:$0x1C800] =	vst v63  }
0x4f: {  	_ =	swait.ge [sflag:s11], $0x2000  }
0x50: {  	[sflag:s11] =	ssyncset.done $0x0  }
0x51: {  	[sflag:s11] =	ssyncadd.s32 $0xFFFFE000  }
0x52: {  	[spmem:s2] =	stream.indirect.scatter.add.f32 [tilespmem:s17], [sflag:$0x4], $0x80, s9, s29, $0xb8;
	[tilespmem:$0x1C800] =	vst v63  }
0x53: {  	_ =	swait.ge [sflag:s10], $0x40  }
0x54: {  	[sflag:s10] =	ssyncset.done $0x0  }
0x55: {  	[sflag:s10] =	ssyncadd.s32 $0xFFFFFFC0  }
0x56: {  	_ =	swait.ge [sflag:s10], $0x40  }
0x57: {  	[sflag:s10] =	ssyncset.done $0x0  }
0x58: {  	s7 =	simm.s32 $0x6800;
	[sflag:s10] =	ssyncadd.s32 $0xFFFFFFC0  }
0x59: {  	[tilespmem:s7], [sflag:$0x2] =	stream.indirect.gather [hbm4b:s1+s29], $0x80, s18, s29, $0xb8;
	[tilespmem:$0x1C800] =	vst v63  }
0x5a: {  	s9 =	simm.s32 $0x280;
	s8 =	rddreg [dreg:$0x11]  }
0x5b: {  	[tilespmem:s9], [sflag:$0x5] =	stream.linear.gather [hbm4b:s8+s4], $0x40, $0x38;
	[tilespmem:$0x1C800] =	vst v63  }
0x5c: {  	s17 =	rddreg [dreg:$0x12];
	s18 =	simm.s32 $0x680  }
0x5d: {  	[tilespmem:s18], [sflag:$0x5] =	stream.linear.gather [hbm4b:s17+s4], $0x40, $0x38;
	[tilespmem:$0x1C800] =	vst v63  }
0x5e: {  	_ =	swait.ge [sflag:s12], $0x2000  }
0x5f: {  	[sflag:s12] =	ssyncset.done $0x0  }
0x60: {  	p0 =	por $0x0, $0x0;
	s19 =	simm.s32 $0x4000;
	[sflag:s12] =	ssyncadd.s32 $0xFFFFE000  }
0x61: {  	s0 =	sand.u32 $0x4000, s19;
	s21 =	simm.s32 $0x100;
	_ =	swait.ge [sflag:s13], $0x2000  }
0x62: {  	s20 =	simm.s32 @!p0 $0x5;
	s17 =	sand.u32 $0x300, s21;
	[sflag:s13] =	ssyncset.done $0x0  }
0x63: {  	s0 =	sor.u32 $0x800, s0;
	s17 =	sor.u32 $0x400, s17;
	[sflag:s13] =	ssyncadd.s32 $0xFFFFE000  }
0x64: {  	[spmem:s2] =	stream.indirect.scatter.add.f32 [tilespmem:s0], [sflag:$0x3], $0x80, s17, s29, $0xb8;
	[tilespmem:$0x1C800] =	vst v63  }
0x65: {  	_ =	swait.ge @!p0 [sflag:s20], $0x40  }
0x66: {  	p1 =	por @!p0 $0x0, $0x0;
	[sflag:s20] =	ssyncset.done @!p0 $0x0  }
0x67: {  	p2 =	por p1, p0;
	s21 =	simm.s32 @!p0 $0x40;
	[sflag:s20] =	ssyncadd.s32 @!p0 $0xFFFFFFC0  }
0x68: {  	s18 =	simm.s32 @!p2 $0x300;
	s17 =	simm.s32 @!p0 $0x8000;
	_ =	swait.ge @!p0 [sflag:s20], $0x40  }
0x69: {  	s0 =	simm.s32 @!p0 $0x200;
	s17 =	sand.u32 @!p0 $0x4000, s17;
	[sflag:s20] =	ssyncset.done @!p0 $0x0  }
0x6a: {  	s0 =	sand.u32 @!p0 $0x300, s0;
	s17 =	sor.u32 @!p0 $0x800, s17;
	[sflag:s20] =	ssyncadd.s32 @!p0 $0xFFFFFFC0  }
0x6b: {  	[tilespmem:s17], [sflag:$0x1] =	stream.indirect.gather @!p0 [hbm4b:s1+s21], $0x80, s0, s21, $0xb8;
	[tilespmem:$0x1C800] =	vst v63  }
0x6c: {  	s0 =	sand.u32 @!p2 $0x300, s18;
	s17 =	sadd.s32 @!p2 s5, s24;
	s18 =	simm.s32 @!p2 $0x0  }
0x6d: {  	[tilespmem:s0], [sflag:$0x5] =	stream.linear.gather @!p2 [hbm4b:s17+s18], $0x40, $0x38;
	[tilespmem:$0x1C800] =	vst v63  }
0x6e: {  	s0 =	sor.u32 @!p2 $0x400, s0;
	s17 =	sadd.s32 @!p2 s6, s24  }
0x6f: {  	[tilespmem:s0], [sflag:$0x5] =	stream.linear.gather @!p2 [hbm4b:s17+s18], $0x40, $0x38;
	[tilespmem:$0x1C800] =	vst v63  }
0x70: {  	_ =	swait.ge [sflag:s11], $0x2000  }
0x71: {  	p3 =	por @!p0 $0x0, $0x0;
	p1 =	por !p1, p0;
	[sflag:s11] =	ssyncset.done $0x0  }
0x72: {  	s19 =	simm.s32 @!p0 $0x280;
	s22 =	simm.s32 $0x6000;
	[sflag:s11] =	ssyncadd.s32 $0xFFFFE000  }
0x73: {  	s23 =	simm.s32 $0x180;
	s0 =	simm.s32 $0x380;
	_ =	swait.ge [sflag:s14], $0x2000  }
0x74: {  	s17 =	sand.u32 $0x6000, s22;
	s18 =	sand.u32 $0x380, s23;
	[sflag:s14] =	ssyncset.done $0x0  }
0x75: {  	s17 =	sor.u32 $0x800, s17;
	s18 =	sor.u32 $0x400, s18;
	[sflag:s14] =	ssyncadd.s32 $0xFFFFE000  }
0x76: {  	[spmem:s2] =	stream.indirect.scatter.add.f32 [tilespmem:s17], [sflag:$0x4], $0x80, s18, s29, $0xb8;
	[tilespmem:$0x1C800] =	vst v63  }
0x77: {  	p2 =	por @!p2 $0x1, $0x1;
	s22 =	sand.u32 @!p0 $0x380, s19;
	_ =	swait.ge @!p0 [sflag:s20], $0x40  }
0x78: {  	p2 =	por @!p1 p3, p3;
	p3 =	por $0x0, $0x0;
	[sflag:s20] =	ssyncset.done @!p0 $0x0  }
0x79: {  	s19 =	sadd.s32 $0x10, s5;
	p3 =	por @!p0 p2, p2;
	[sflag:s20] =	ssyncadd.s32 @!p0 $0xFFFFFFC0  }
0x7a: {  	s30 =	sadd.s32 @p3 s5, s25;
	s18 =	simm.s32 $0xA000;
	_ =	swait.ge @!p0 [sflag:s20], $0x40  }
0x7b: {  	s28 =	simm.s32 @p3 $0x0;
	s18 =	sand.u32 @!p0 $0x6000, s18;
	[sflag:s20] =	ssyncset.done @!p0 $0x0  }
0x7c: {  	s17 =	simm.s32 $0x480;
	s23 =	sor.u32 @!p0 $0x800, s18;
	[sflag:s20] =	ssyncadd.s32 @!p0 $0xFFFFFFC0  }
0x7d: {  	[tilespmem:s23], [sflag:$0x2] =	stream.indirect.gather @!p0 [hbm4b:s1+s21], $0x80, s22, s21, $0xb8;
	[tilespmem:$0x1C800] =	vst v63  }
0x7e: {  	s18 =	sadd.s32 $0x10, s6;
	s20 =	simm.s32 $0xE000;
	s23 =	sand.u32 @p3 $0x380, s0  }
0x7f: {  	s0 =	sadd.s32 @p3 s6, s25;
	s21 =	simm.s32 $0x2;
	s31 =	sor.u32 @p3 $0x400, s23  }
.LBB2_2:
0x80: {  	[tilespmem:s23], [sflag:$0x5] =	stream.linear.gather @p3 [hbm4b:s30+s28], $0x40, $0x38;
	[tilespmem:$0x1C800] =	vst v63  }
0x81: {  	s23 =	smov.u32 s17;
	s17 =	sadd.s32 $0x100, s17;
	s22 =	smov.u32 s18  }
0x82: {  	[tilespmem:s31], [sflag:$0x5] =	stream.linear.gather @p3 [hbm4b:s0+s28], $0x40, $0x38;
	[tilespmem:$0x1C800] =	vst v63  }
0x83: {  	p0 =	sne.s32 s17, $0x5280;
	s28 =	smov.u32 s19;
	_ =	swait.ge [sflag:s12], $0x2000  }
0x84: {  	p1 =	seq.s32 s23, $0x5180;
	s0 =	sadd.s32 $0xFFFFA000, s20;
	[sflag:s12] =	ssyncset.done $0x0  }
0x85: {  	s31 =	sadd.s32 $0xFFFFFD80, s23;
	s30 =	simm.s32 @!p1 $0x5;
	[sflag:s12] =	ssyncadd.s32 $0xFFFFE000  }
0x86: {  	s0 =	sand.u32 $0x4000, s0;
	s31 =	sand.u32 $0x300, s31;
	_ =	swait.ge [sflag:s13], $0x2000  }
0x87: {  	s0 =	sor.u32 $0x800, s0;
	s31 =	sor.u32 $0x400, s31;
	[sflag:s13] =	ssyncset.done $0x0  }
0x88: {  	s3 =	sadd.s32 @!p1 $0xFFFFFE80, s23;
	s7 =	sadd.s32 @!p1 $0xFFFFE000, s20;
	[sflag:s13] =	ssyncadd.s32 $0xFFFFE000  }
0x89: {  	[spmem:s2] =	stream.indirect.scatter.add.f32 [tilespmem:s0], [sflag:$0x3], $0x80, s31, s29, $0xb8;
	[tilespmem:$0x1C800] =	vst v63  }
0x8a: {  	s0 =	sand.u32 @!p1 $0x300, s3;
	s3 =	sand.u32 @!p1 $0x4000, s7;
	_ =	swait.ge @!p1 [sflag:s30], $0x40  }
0x8b: {  	p2 =	sgt.u32 @!p1 s21, $0x4D;
	s3 =	sor.u32 @!p1 $0x800, s3;
	[sflag:s30] =	ssyncset.done @!p1 $0x0  }
0x8c: {  	p3 =	por !p2, p1;
	s7 =	sadd.s32 @!p1 $0xFFFFFF00, s23;
	[sflag:s30] =	ssyncadd.s32 @!p1 $0xFFFFFFC0  }
0x8d: {  	p4 =	por @!p1 $0x0, $0x0;
	s8 =	sand.u32 @!p1 $0x6000, s20;
	_ =	swait.ge @!p1 [sflag:s30], $0x40  }
0x8e: {  	p5 =	por p2, p1;
	s31 =	simm.s32 @!p1 $0x40;
	[sflag:s30] =	ssyncset.done @!p1 $0x0  }
0x8f: {  	s9 =	sadd.s32 @!p5 $0xFFFFFF80, s23;
	p2 =	por @!p5 $0x1, $0x1;
	[sflag:s30] =	ssyncadd.s32 @!p1 $0xFFFFFFC0  }
0x90: {  	[tilespmem:s3], [sflag:$0x1] =	stream.indirect.gather @!p1 [hbm4b:s1+s31], $0x80, s0, s31, $0xb8;
	[tilespmem:$0x1C800] =	vst v63  }
0x91: {  	s0 =	sand.u32 @!p5 $0x300, s9;
	s3 =	sadd.s32 @!p5 s19, s24;
	s9 =	simm.s32 @!p5 $0x0  }
0x92: {  	[tilespmem:s0], [sflag:$0x5] =	stream.linear.gather @!p5 [hbm4b:s3+s9], $0x40, $0x38;
	[tilespmem:$0x1C800] =	vst v63  }
0x93: {  	p2 =	por @!p3 p4, p4;
	s0 =	sor.u32 @!p5 $0x400, s0;
	s3 =	sadd.s32 @!p5 s18, s24  }
0x94: {  	[tilespmem:s0], [sflag:$0x5] =	stream.linear.gather @!p5 [hbm4b:s3+s9], $0x40, $0x38;
	[tilespmem:$0x1C800] =	vst v63  }
0x95: {  	s0 =	sand.u32 @!p1 $0x380, s7;
	s3 =	sor.u32 @!p1 $0x800, s8;
	_ =	swait.ge [sflag:s11], $0x2000  }
0x96: {  	[sflag:s11] =	ssyncset.done $0x0  }
0x97: {  	s7 =	sadd.s32 $0xFFFFC000, s20;
	s8 =	sadd.s32 $0xFFFFFE00, s23;
	[sflag:s11] =	ssyncadd.s32 $0xFFFFE000  }
0x98: {  	s7 =	sand.u32 $0x6000, s7;
	s8 =	sand.u32 $0x380, s8;
	_ =	swait.ge [sflag:s14], $0x2000  }
0x99: {  	s7 =	sor.u32 $0x800, s7;
	s8 =	sor.u32 $0x400, s8;
	[sflag:s14] =	ssyncset.done $0x0  }
0x9a: {  	[sflag:s14] =	ssyncadd.s32 $0xFFFFE000  }
0x9b: {  	[spmem:s2] =	stream.indirect.scatter.add.f32 [tilespmem:s7], [sflag:$0x4], $0x80, s8, s29, $0xb8;
	[tilespmem:$0x1C800] =	vst v63  }
0x9c: {  	_ =	swait.ge @!p1 [sflag:s30], $0x40  }
0x9d: {  	[sflag:s30] =	ssyncset.done @!p1 $0x0  }
0x9e: {  	[sflag:s30] =	ssyncadd.s32 @!p1 $0xFFFFFFC0  }
0x9f: {  	p3 =	por $0x0, $0x0;
	s19 =	sadd.s32 $0x10, s19;
	_ =	swait.ge @!p1 [sflag:s30], $0x40  }
.Ltmp0:
0xa0: {  	s18 =	sadd.s32 $0x10, s18;
	[sflag:s30] =	ssyncset.done @!p1 $0x0;
	(pc) =	sbr.rel @p0 .LBB2_2-.Ltmp0, $4  }
0xa1: {  	p3 =	por @!p1 p2, p2;
	s20 =	sadd.s32 $0x4000, s20;
	[sflag:s30] =	ssyncadd.s32 @!p1 $0xFFFFFFC0  }
0xa2: {  	s23 =	sand.u32 @p3 $0x380, s23;
	s30 =	sadd.s32 @p3 s28, s25;
	s28 =	simm.s32 @p3 $0x0  }
0xa3: {  	[tilespmem:s3], [sflag:$0x2] =	stream.indirect.gather @!p1 [hbm4b:s1+s31], $0x80, s0, s31, $0xb8;
	[tilespmem:$0x1C800] =	vst v63  }
0xa4: {  	s21 =	sadd.s32 $0x1, s21;
	s31 =	sor.u32 @p3 $0x400, s23;
	s0 =	sadd.s32 @p3 s22, s25  }
0xa5: {  	[tilespmem:s23], [sflag:$0x5] =	stream.linear.gather @p3 [hbm4b:s30+s28], $0x40, $0x38;
	[tilespmem:$0x1C800] =	vst v63  }
0xa6: {  	_ = 	snop  }
0xa7: {  	[tilespmem:s31], [sflag:$0x5] =	stream.linear.gather @p3 [hbm4b:s0+s28], $0x40, $0x38;
	[tilespmem:$0x1C800] =	vst v63  }
0xa8: {  	_ =	swait.ge [sflag:s13], $0x2000  }
0xa9: {  	[sflag:s13] =	ssyncset.done $0x0  }
0xaa: {  	[sflag:s13] =	ssyncadd.s32 $0xFFFFE000  }
0xab: {  	_ =	swait.ge [sflag:s14], $0x2000  }
0xac: {  	[sflag:s14] =	ssyncset.done $0x0  }
0xad: {  	[sflag:s14] =	ssyncadd.s32 $0xFFFFE000  }
0xae: {  	[bflag:$0x0] =	sbarrier.arrive $0xFFFF  }
0xaf: {  	s9 =	rddreg [dreg:$0x6]  }
0xb0: {  	s30 =	rddreg [dreg:$0x13]  }
0xb1: {  	[hbm:s30], [sflag:s9] =	dma.local [spmem:s16], $0x2800  }
0xb2: {  	_ =	swait.ge [sflag:s26], $0x2800  }
0xb3: {  	s15 =	sadd.s32 $0x1, s15;
	s31 =	rddreg [dreg:$0x14]  }
0xb4: {  	p0 =	sne.s32 s15, s31  }
.Ltmp1:
0xb5: {  	_ = 	snop;
	(pc) =	sbr.rel @p0 .LBB2_1-.Ltmp1, $3  }
0xb6: {  	_ =	sdelay $0x1  }
0xb7: {  	[sflag:s26] =	ssyncset.done $0x0  }
0xb8: {  	[sflag:s26] =	ssyncadd.s32 $0xFFFFD800  }
0xb9: {  	_ =	sfence.sel $0x180000  }
0xba: {  	[bflag:$0x0] =	sbarrier.arrive $0xFFFF  }
0xbb: {  	_ =	strace $0x9000004A  }
0xbc: {  	s0 =	stileid.u32;
	[bflag:$0x2] =	sbarrier.arrive $0xFFFF  }
0xbd: {  	p0 =	sne.s32 s0, $0x0;
	s0 =	rddreg [dreg:$0x3]  }
0xbe: {  	s0 =	sadd.s32 @!p0 $0x100000, s0  }
0xbf: {  	[sflag:s0] =	ssyncadd.tile.s32 @!p0 $0x1;
	_ =	shalt  }
.Lfunc_end2:
_tile_overlayer_lowered:
.L_overlay_start_2:
0xc0: {  	(tag) =	ssettag $0x2  }
0xc1: {  	s0 =	rddreg [dreg:$0x0];
	s2 =	stileid.u32  }
0xc2: {  	s1 =	rddreg [dreg:$0x1];
	p0 =	sne.s32 s2, $0x0  }
0xc3: {  	s3 =	rddreg [dreg:$0x2];
	[bflag:$0x3] =	sbarrier.arrive $0xFFFF;
	s2 =	simm.s32 @!p0 $0x1C06  }
0xc4: {  	[timem:s3], [sflag:s2] =	dma.local @!p0 [hbm:s0], s1  }
0xc5: {  	s0 =	simm.s32 @!p0 $0x6  }
0xc6: {  	_ =	swait.ge @!p0 [sflag:s0], s1  }
0xc7: {  	s1 =	ssub.s32 @!p0 $0x0, s1;
	[sflag:s0] =	ssyncset.done @!p0 $0x0  }
0xc8: {  	[sflag:s0] =	ssyncadd.s32 @!p0 s1  }
0xc9: {  	[bflag:$0x3] =	sbarrier.arrive $0xFFFF  }
0xca: {  	_ =	shalt  }

// kernel: kernel.17.cloned.1.call-start
scs
__scs_entry_jumppad:
0x0: {  	(pc) =	sbr.rel $0x88, $3  }
0x1: {  	(tag) =	ssettag $0x0;
	lr =	simm.s32 $0x1  }
0x2: {  	[smem:$0x3F8C] =	sst lr;
	_ =	strace $0xD0000000  }
0x3: {  	_ = 	snop  }
0x4: {  	_ = 	snop  }
0x5: {  	_ = 	snop  }
0x6: {  	_ = 	snop  }
0x7: {  	_ = 	snop  }
__scs_overlays_trampoline_lowered:
0x8: {  	[smem:$0x3F9B] =	sst s0  }
0x9: {  	[smem:$0x3F9C] =	sst s1  }
0xa: {  	[smem:$0x3F9D] =	sst s2  }
0xb: {  	[smem:$0x3F9E] =	sst s3  }
0xc: {  	[smem:$0x3F9F] =	sst s4  }
0xd: {  	[smem:$0x3FA0] =	sst s5  }
0xe: {  	[smem:$0x3FA1] =	sst s6  }
0xf: {  	[smem:$0x3FA2] =	sst s7  }
0x10: {  	[smem:$0x3FA3] =	sst s8  }
0x11: {  	[smem:$0x3FA4] =	sst s9;
	s0 =	simm.s32 @!p0 $0x0  }
0x12: {  	s1 =	sld [smem:$0x3F8A];
	s0 =	simm.s32 @p0 $0x1  }
0x13: {  	[smem:$0x3FA5] =	sst s0;
	s0 =	simm.s32 @!p1 $0x0  }
0x14: {  	s2 =	sld [smem:$0x3F89];
	s0 =	simm.s32 @p1 $0x1  }
0x15: {  	[smem:$0x3FA6] =	sst s0;
	s0 =	simm.s32 @!p2 $0x0  }
0x16: {  	s3 =	sld [smem:$0x3FDB];
	s0 =	simm.s32 @p2 $0x1  }
0x17: {  	s4 =	simm.s32 $0x1BF5;
	[smem:$0x3FA8] =	sst s0  }
0x18: {  	s0 =	sld [smem:$0x3F8B];
	_ =	swait.ge [sflag:s4], $0x0  }
0x19: {  	s7 =	sld [smem:$0x3F8C]  }
0x1a: {  	s8 =	sadd.s32 $0xFFFFE003, lr  }
0x1b: {  	s9 =	sadd.s32 $0xFFFFFEF7, lr;
	s5 =	simm.s32 $0xFFFFFFFF;
	p2 =	slt.u32 s8, $0xFFFFF086  }
0x1c: {  	p1 =	slt.u32 s9, $0xF7A;
	s5 =	simm.s32 @!p2 $0x0  }
0x1d: {  	s5 =	simm.s32 @p1 $0x1;
	p0 =	seq.s32 s7, s2  }
0x1e: {  	s7 =	smul.u32 @!p0 $0xF7A, s2;
	p2 =	seq.s32 @!p0 s5, $0x0  }
0x1f: {  	s9 =	smul.u32 $0xF7A, s1;
	s8 =	simm.s32 @!p0 $0x1BF5;
	p2 =	por !p2, p0  }
0x20: {  	[sflag:s8] =	ssyncset.s32 @!p0 $0xFFFFF086;
	s6 =	sadd.s32 @!p0 s3, s7;
	s7 =	simm.s32 @!p0 $0x108  }
0x21: {  	s3 =	sadd.s32 s3, s9;
	s6 =	sadd.s32 @!p0 $0x88, s6;
	s7 =	simm.s32 @p2 $0x1082  }
0x22: {  	[simem:s7], [sflag:s8] =	dma.local @!p0 [hbm:s6], $0xF7A  }
0x23: {  	s9 =	sor.u32 $0xD0000000, s2;
	s6 =	simm.s32 $0x108;
	_ =	swait.ge @!p0 [sflag:s8], $0x0  }
0x24: {  	s3 =	sadd.s32 $0x88, s3;
	s6 =	simm.s32 @!p1 $0x1082;
	[sflag:s4] =	ssyncset.s32 $0xFFFFF086  }
0x25: {  	[simem:s6], [sflag:s4] =	dma.local [hbm:s3], $0xF7A  }
0x26: {  	[smem:$0x3F8C] =	sst s1;
	(tag) =	ssettag s2;
	_ =	strace s9  }
0x27: {  	s1 =	sld [smem:$0x3F9C]  }
0x28: {  	s2 =	sld [smem:$0x3F9D]  }
0x29: {  	s4 =	sld [smem:$0x3F9F]  }
0x2a: {  	p0 =	seq.s32 s5, $0x0;
	s5 =	sld [smem:$0x3FA0]  }
0x2b: {  	s6 =	sld [smem:$0x3FA1]  }
0x2c: {  	s7 =	sld [smem:$0x3FA2]  }
0x2d: {  	s3 =	simm.s32 $0x108;
	s8 =	sld [smem:$0x3FA3]  }
0x2e: {  	s3 =	simm.s32 @!p0 $0x1082;
	s9 =	sld [smem:$0x3FA4]  }
0x2f: {  	lr =	sadd.s32 s0, s3;
	s0 =	sld [smem:$0x3F9B]  }
0x30: {  	s3 =	sld [smem:$0x3F9E]  }
0x31: {  	[smem:$0x3FA7] =	sst s10  }
0x32: {  	s10 =	sld [smem:$0x3FA5];
	_ =	sdelay $0x3  }
0x33: {  	p0 =	seq.s32 s10, $0x1;
	s10 =	sld [smem:$0x3FA7];
	_ =	sdelay $0x3  }
0x34: {  	[smem:$0x3FA7] =	sst s10  }
0x35: {  	s10 =	sld [smem:$0x3FA6];
	_ =	sdelay $0x3  }
0x36: {  	p1 =	seq.s32 s10, $0x1;
	s10 =	sld [smem:$0x3FA7];
	_ =	sdelay $0x3  }
0x37: {  	[smem:$0x3FA7] =	sst s10  }
0x38: {  	s10 =	sld [smem:$0x3FA8]  }
0x39: {  	_ = 	snop;
	(pc) =	sbr.ind lr, $3  }
0x3a: {  	_ = 	snop  }
0x3b: {  	_ = 	snop  }
0x3c: {  	p2 =	seq.s32 s10, $0x1;
	s10 =	sld [smem:$0x3FA7]  }
0x3d: {  	_ =	shalt  }
0x3e: {  	_ =	shalt  }
0x3f: {  	_ =	shalt  }
0x40: {  	_ =	shalt  }
0x41: {  	_ =	shalt  }
0x42: {  	_ =	shalt  }
0x43: {  	_ =	shalt  }
0x44: {  	_ =	shalt  }
0x45: {  	_ =	shalt  }
0x46: {  	_ =	shalt  }
0x47: {  	_ =	shalt  }
0x48: {  	_ =	shalt  }
0x49: {  	_ =	shalt  }
0x4a: {  	_ =	shalt  }
0x4b: {  	_ =	shalt  }
0x4c: {  	_ =	shalt  }
0x4d: {  	_ =	shalt  }
0x4e: {  	_ =	shalt  }
0x4f: {  	_ =	shalt  }
0x50: {  	_ =	shalt  }
0x51: {  	_ =	shalt  }
0x52: {  	_ =	shalt  }
0x53: {  	_ =	shalt  }
0x54: {  	_ =	shalt  }
0x55: {  	_ =	shalt  }
0x56: {  	_ =	shalt  }
0x57: {  	_ =	shalt  }
0x58: {  	_ =	shalt  }
0x59: {  	_ =	shalt  }
0x5a: {  	_ =	shalt  }
0x5b: {  	_ =	shalt  }
0x5c: {  	_ =	shalt  }
0x5d: {  	_ =	shalt  }
0x5e: {  	_ =	shalt  }
0x5f: {  	_ =	shalt  }
0x60: {  	_ =	shalt  }
0x61: {  	_ =	shalt  }
0x62: {  	_ =	shalt  }
0x63: {  	_ =	shalt  }
0x64: {  	_ =	shalt  }
0x65: {  	_ =	shalt  }
0x66: {  	_ =	shalt  }
0x67: {  	_ =	shalt  }
0x68: {  	_ =	shalt  }
0x69: {  	_ =	shalt  }
0x6a: {  	_ =	shalt  }
0x6b: {  	_ =	shalt  }
0x6c: {  	_ =	shalt  }
0x6d: {  	_ =	shalt  }
0x6e: {  	_ =	shalt  }
0x6f: {  	_ =	shalt  }
0x70: {  	_ =	shalt  }
0x71: {  	_ =	shalt  }
0x72: {  	_ =	shalt  }
0x73: {  	_ =	shalt  }
0x74: {  	_ =	shalt  }
0x75: {  	_ =	shalt  }
0x76: {  	_ =	shalt  }
0x77: {  	_ =	shalt  }
0x78: {  	_ =	shalt  }
0x79: {  	_ =	shalt  }
0x7a: {  	_ =	shalt  }
0x7b: {  	_ =	shalt  }
0x7c: {  	_ =	shalt  }
0x7d: {  	_ =	shalt  }
0x7e: {  	_ =	shalt  }
0x7f: {  	_ =	shalt  }
0x80: {  	_ =	shalt  }
0x81: {  	_ =	shalt  }
0x82: {  	_ =	shalt  }
0x83: {  	_ =	shalt  }
0x84: {  	_ =	shalt  }
0x85: {  	_ =	shalt  }
0x86: {  	_ =	shalt  }
0x87: {  	_ =	shalt  }
.Lfunc_end0:
.L_simem_size_0:
called_computation.2_lowered:
.L_overlay_start_0:
0x88: {  	s2 =	sld [smem:$0x3FD9]  }
0x89: {  	s3 =	sld [smem:$0x3FFE];
	_ =	sdelay $0x1  }
0x8a: {  	s1 =	srdreg.scid  }
0x8b: {  	s0 =	sand.u32 $0x1, s1  }
0x8c: {  	s14 =	sshll.u32 s0, $0xA;
	s2 =	sadd.s32 s3, s2  }
0x8d: {  	s2 =	sadd.s32 s2, s14  }
0x8e: {  	[smem:$0x3FB3] =	sst s2  }
0x8f: {  	_ = 	snop  }
0x90: {  	s2 =	sld [smem:$0x3FD0];
	_ =	sdelay $0x2  }
0x91: {  	s15 =	simm.s32 $0xA;
	s4 =	simm.s32 $0x10  }
0x92: {  	[smem:s4], [sflag:s15] =	dma.local [hbm:s2], $0x1  }
0x93: {  	_ =	swait.eq [sflag:s15], $0x1  }
0x94: {  	[sflag:s15] =	ssyncset.done $0x0  }
0x95: {  	[sflag:s15] =	ssyncadd.s32 $0xFFFFFFFF  }
0x96: {  	s16 =	sld [smem:$0x11];
	(tm) =	ssettm $0x1  }
0x97: {  	s17 =	sld [smem:$0x3FFB];
	_ =	sdelay $0x3  }
0x98: {  	_ =	strace s17  }
0x99: {  	s3 =	sld [smem:$0x3FFC];
	_ =	sdelay $0x3  }
0x9a: {  	_ =	strace s3  }
0x9b: {  	s3 =	sld [smem:$0x3FFD];
	_ =	sdelay $0x3  }
0x9c: {  	_ =	strace s3  }
0x9d: {  	_ =	strace $0x8FFFFFFF  }
0x9e: {  	s18 =	sld [smem:$0x3FDB];
	_ =	sdelay $0x1  }
0x9f: {  	s19 =	simm.s32 $_scs_section_size  }
0xa0: {  	s5 =	simm.s32 $_size__tile_overlayer_lowered;
	s6 =	simm.s32 $_tile_overlayer_lowered  }
0xa1: {  	s22 =	simm.s32 $0x1BFF;
	s21 =	sshll.u32 s6, $0x1;
	s3 =	sadd.s32 s19, s18  }
0xa2: {  	s7 =	simm.s32 $0x0;
	s20 =	sshll.u32 s5, $0x1;
	s5 =	sadd.s32 s21, s3  }
0xa3: {  	[timem:s7], [sflag:s22] =	dma.local [hbm:s5], s20  }
0xa4: {  	_ =	swait.ge [sflag:s22], s20  }
0xa5: {  	s4 =	ssub.s32 $0x0, s20;
	[sflag:s22] =	ssyncset.done $0x0  }
0xa6: {  	[sflag:s22] =	ssyncadd.s32 s4;
	_ =	sdelay $0x1  }
0xa7: {  	s23 =	simm.s32 $0x1B8B  }
0xa8: {  	_ =	swait.ge [sflag:s23], $0x1  }
0xa9: {  	[sflag:s23] =	ssyncset.done $0x0  }
0xaa: {  	s25 =	simm.s32 $0x1B8E;
	s24 =	sld [smem:$0x3FFE];
	[sflag:s23] =	ssyncadd.s32 $0xFFFFFFFF  }
0xab: {  	s26 =	simm.s32 $execute0_lowered;
	[smem:$0x3FD2] =	sst s25  }
0xac: {  	s5 =	sshll.u32 s26, $0x1;
	_ =	strace $0x8000004C;
	[dreg:$0x1] =	wrdreg $0xFFFFFFFF  }
0xad: {  	s28 =	simm.s32 $_size_execute0_lowered;
	s3 =	sadd.s32 s3, s5;
	[dreg:$0x0] =	wrdreg $0x0  }
0xae: {  	s5 =	sshll.u32 s28, $0x1;
	[dreg:$0x2] =	wrdreg s3  }
0xaf: {  	[dreg:$0x3] =	wrdreg s5  }
0xb0: {  	[dreg:$0x4] =	wrdreg $0xC0  }
0xb1: {  	_ =	task [dreg:s7], $0x5FFFF  }
0xb2: {  	[dreg:$0x1] =	wrdreg $0xFFFFFFFF  }
0xb3: {  	[dreg:$0x0] =	wrdreg $0x60  }
0xb4: {  	[dreg:$0x2] =	wrdreg s16  }
0xb5: {  	[dreg:$0x3] =	wrdreg s24  }
0xb6: {  	[dreg:$0x4] =	wrdreg $0x88000  }
0xb7: {  	[dreg:$0x5] =	wrdreg $0x9  }
0xb8: {  	_ =	task.clear_ibuf [dreg:s7], $0x6FFFF;
	_ =	strace $0x9000004C  }
0xb9: {  	s29 =	simm.s32 $0x9;
	_ =	strace $0x8000004E  }
0xba: {  	_ =	swait.ge [sflag:s29], $0x1  }
0xbb: {  	[sflag:s29] =	ssyncadd.s32 $0xFFFFFFFF  }
0xbc: {  	_ =	strace $0x9000004E  }
0xbd: {  	_ =	sfence  }
0xbe: {  	s30 =	sld [smem:$0x0];
	_ =	sdelay $0x2  }
0xbf: {  	s31 =	sshll.u32 s1, $0xD;
	s1 =	sshrl.u32 s1, $0x2  }
0xc0: {  	s3 =	sand.u32 $0x4000, s31;
	s1 =	sadd.s32 s1, s30  }
0xc1: {  	s0 =	sor.u32 s3, s0;
	s1 =	sshll.u32 s1, $0x11  }
0xc2: {  	s0 =	sor.u32 s1, s0  }
0xc3: {  	s0 =	sadd.s32 $0x8F2B, s0  }
0xc4: {  	[sflag:s0] =	ssyncadd.remote.s32 $0x1  }
0xc5: {  	_ =	sfence.sel $0xFFFF  }
0xc6: {  	[dreg:$0x0] =	wrdreg $0xFFFFFFFF;
	(pc) =	sbr.abs _section_cstart, $3  }
0xc7: {  	[dreg:$0x1] =	wrdreg $0xFFFFFFFF  }
0xc8: {  	_ =	task.clear_ibuf [dreg:s7], $0x2FFFF;
	_ =	strace $0x9FFFFFFF  }
0xc9: {  	(tm) =	ssettm $0x7FFFFFFF  }
tec
execute0_lowered:
.L_overlay_start_1:
0x0: {  	(tag) =	ssettag $0x1  }
0x1: {  	s1 =	rddreg [dreg:$0x0]  }
0x2: {  	s0 =	rddreg [dreg:$0x1]  }
0x3: {  	s2 =	rddreg [dreg:$0x2];
	s4 =	simm.s32 $0x0;
	s3 =	srdreg.scid  }
0x4: {  	s12 =	stileid.u32;
	s29 =	simm.s32 $0x40;
	[smem:$0x7FF] =	sst s4  }
0x5: {  	s3 =	sand.u32 $0x1, s3;
	s8 =	smul.u32 $0x14000, s12;
	s5 =	sadd.s32 $0xEC00, s0  }
0x6: {  	s6 =	sadd.s32 $0x4C00, s0;
	s11 =	smul.u32 $0x50000, s12;
	s13 =	sadd.s32 $0x18C00, s0  }
0x7: {  	s7 =	smul.u32 $0x140000, s3;
	_ =	strace $0x8000004D;
	s9 =	sshll.u32 s3, $0x4  }
0x8: {  	s30 =	ssub.s32 $0x2, s3;
	[dreg:$0x4] =	wrdreg s13;
	s13 =	sshll.u32 s12, $0x6  }
0x9: {  	s3 =	smul.u32 $0x28000, s3;
	s9 =	sor.u32 s12, s9;
	s10 =	sshrl.u32 s30, $0x1  }
0xa: {  	s11 =	sshrl.u32 s11, $0x2;
	s12 =	smul.u32 $0x2800, s12;
	s7 =	sadd.s32 s8, s7  }
0xb: {  	s9 =	smul.u32 $0x2800, s9;
	s31 =	ssub.s32 s30, s10;
	s8 =	sadd.s32 s11, s2  }
0xc: {  	s11 =	simm.s32 $0x2;
	s7 =	sshrl.u32 s7, $0x3;
	[dreg:$0x5] =	wrdreg s8  }
0xd: {  	s3 =	sadd.s32 s12, s3;
	s0 =	sadd.s32 s7, s0;
	s7 =	smax.u32 s31, $0x1  }
0xe: {  	s14 =	sshrl.u32 s9, $0x3;
	s9 =	sor.u32 $0x1C06, s13;
	[dreg:$0x14] =	wrdreg s7  }
0xf: {  	s12 =	simm.s32 $0x1;
	s15 =	sadd.s32 s5, s14;
	[dreg:$0x6] =	wrdreg s9  }
0x10: {  	s30 =	sor.u32 $0x180, s3;
	s16 =	sadd.s32 s6, s14;
	[dreg:$0x7] =	wrdreg s15  }
0x11: {  	s17 =	sor.u32 $0x8, s14;
	s0 =	sadd.s32 $0x1B400, s0;
	[dreg:$0x8] =	wrdreg s16  }
0x12: {  	s31 =	sor.u32 $0x1C0, s3;
	s19 =	sadd.s32 s5, s17;
	[dreg:$0x13] =	wrdreg s0  }
0x13: {  	s18 =	sor.u32 $0x10, s14;
	s8 =	sadd.s32 s6, s17;
	[dreg:$0x9] =	wrdreg s19  }
0x14: {  	s13 =	simm.s32 $0x3;
	s20 =	sadd.s32 s5, s18;
	[dreg:$0xa] =	wrdreg s8  }
0x15: {  	s22 =	sor.u32 $0x18, s14;
	s21 =	sadd.s32 s6, s18;
	[dreg:$0xb] =	wrdreg s20  }
0x16: {  	s24 =	sor.u32 $0x20, s14;
	s23 =	sadd.s32 s5, s22;
	[dreg:$0xc] =	wrdreg s21  }
0x17: {  	s26 =	sor.u32 $0x28, s14;
	s25 =	sadd.s32 s5, s24;
	[dreg:$0xd] =	wrdreg s23  }
0x18: {  	s14 =	simm.s32 $0x4;
	s10 =	sadd.s32 s6, s24;
	[dreg:$0xf] =	wrdreg s25  }
0x19: {  	s28 =	sadd.s32 s5, s26;
	s24 =	sshrl.u32 s30, $0x3;
	[dreg:$0x10] =	wrdreg s10  }
0x1a: {  	s15 =	simm.s32 $0x0;
	s8 =	sadd.s32 s6, s22;
	[dreg:$0x11] =	wrdreg s28  }
0x1b: {  	s25 =	sshrl.u32 s31, $0x3;
	[dreg:$0xe] =	wrdreg s8;
	s8 =	sadd.s32 s6, s26  }
0x1c: {  	s10 =	simm.s32 $0x5;
	s26 =	simm.s32 $0x6;
	[dreg:$0x12] =	wrdreg s8  }
.LBB2_1:
0x1d: {  	s0 =	rddreg [dreg:$0x5]  }
0x1e: {  	s7 =	rddreg [dreg:$0x4];
	s16 =	sshrl.u32 s0, $0x3  }
0x1f: {  	[spmem:s16], [sflag:s9] =	dma.local [hbm:s7], $0x2800  }
0x20: {  	_ =	swait.ge [sflag:s26], $0x2800  }
0x21: {  	[sflag:s26] =	ssyncset.done $0x0  }
0x22: {  	[sflag:s26] =	ssyncadd.s32 $0xFFFFD800  }
0x23: {  	[bflag:$0x0] =	sbarrier.arrive $0xFFFF  }
0x24: {  	s8 =	rddreg [dreg:$0x7]  }
0x25: {  	[tilespmem:s4], [sflag:$0x6] =	stream.linear.gather [hbm4b:s8+s4], $0x40, $0x38;
	[tilespmem:$0x1C800] =	vst v63  }
0x26: {  	_ =	swait.ge [sflag:s26], $0x40  }
0x27: {  	[sflag:s26] =	ssyncset.done $0x0  }
0x28: {  	s3 =	simm.s32 $0x400;
	s9 =	rddreg [dreg:$0x8];
	[sflag:s26] =	ssyncadd.s32 $0xFFFFFFC0  }
0x29: {  	[tilespmem:s3], [sflag:$0x6] =	stream.linear.gather [hbm4b:s9+s4], $0x40, $0x38;
	[tilespmem:$0x1C800] =	vst v63  }
0x2a: {  	_ =	swait.ge [sflag:s26], $0x40  }
0x2b: {  	[sflag:s26] =	ssyncset.done $0x0  }
0x2c: {  	s7 =	simm.s32 $0x800;
	[sflag:s26] =	ssyncadd.s32 $0xFFFFFFC0  }
0x2d: {  	[tilespmem:s7], [sflag:$0x1] =	stream.indirect.gather [hbm4b:s1+s29], $0x80, s4, s29, $0xb8;
	[tilespmem:$0x1C800] =	vst v63  }
0x2e: {  	s8 =	simm.s32 $0x80;
	s17 =	rddreg [dreg:$0x9]  }
0x2f: {  	[tilespmem:s8], [sflag:$0x6] =	stream.linear.gather [hbm4b:s17+s4], $0x40, $0x38;
	[tilespmem:$0x1C800] =	vst v63  }
0x30: {  	_ =	swait.ge [sflag:s26], $0x40  }
0x31: {  	[sflag:s26] =	ssyncset.done $0x0  }
0x32: {  	s9 =	simm.s32 $0x480;
	s18 =	rddreg [dreg:$0xa];
	[sflag:s26] =	ssyncadd.s32 $0xFFFFFFC0  }
0x33: {  	[tilespmem:s9], [sflag:$0x6] =	stream.linear.gather [hbm4b:s18+s4], $0x40, $0x38;
	[tilespmem:$0x1C800] =	vst v63  }
0x34: {  	_ =	swait.ge [sflag:s26], $0x40  }
0x35: {  	[sflag:s26] =	ssyncset.done $0x0  }
0x36: {  	s17 =	simm.s32 $0x2800;
	[sflag:s26] =	ssyncadd.s32 $0xFFFFFFC0  }
0x37: {  	[tilespmem:s17], [sflag:$0x2] =	stream.indirect.gather [hbm4b:s1+s29], $0x80, s8, s29, $0xb8;
	[tilespmem:$0x1C800] =	vst v63  }
0x38: {  	s20 =	simm.s32 $0x100;
	s19 =	rddreg [dreg:$0xb]  }
0x39: {  	[tilespmem:s20], [sflag:$0x5] =	stream.linear.gather [hbm4b:s19+s4], $0x40, $0x38;
	[tilespmem:$0x1C800] =	vst v63  }
0x3a: {  	s18 =	simm.s32 $0x500;
	s21 =	rddreg [dreg:$0xc]  }
0x3b: {  	[tilespmem:s18], [sflag:$0x5] =	stream.linear.gather [hbm4b:s21+s4], $0x40, $0x38;
	[tilespmem:$0x1C800] =	vst v63  }
0x3c: {  	s22 =	rddreg [dreg:$0xd];
	s18 =	simm.s32 $0x180  }
0x3d: {  	[tilespmem:s18], [sflag:$0x5] =	stream.linear.gather [hbm4b:s22+s4], $0x40, $0x38;
	[tilespmem:$0x1C800] =	vst v63  }
0x3e: {  	s23 =	rddreg [dreg:$0xe];
	s19 =	simm.s32 $0x580  }
0x3f: {  	[tilespmem:s19], [sflag:$0x5] =	stream.linear.gather [hbm4b:s23+s4], $0x40, $0x38;
	[tilespmem:$0x1C800] =	vst v63  }
0x40: {  	_ =	swait.ge [sflag:s12], $0x2000  }
0x41: {  	[sflag:s12] =	ssyncset.done $0x0  }
0x42: {  	[sflag:s12] =	ssyncadd.s32 $0xFFFFE000  }
0x43: {  	[spmem:s2] =	stream.indirect.scatter.add.f32 [tilespmem:s7], [sflag:$0x3], $0x80, s3, s29, $0xb8;
	[tilespmem:$0x1C800] =	vst v63  }
0x44: {  	_ =	swait.ge [sflag:s10], $0x40  }
0x45: {  	[sflag:s10] =	ssyncset.done $0x0  }
0x46: {  	[sflag:s10] =	ssyncadd.s32 $0xFFFFFFC0  }
0x47: {  	_ =	swait.ge [sflag:s10], $0x40  }
0x48: {  	[sflag:s10] =	ssyncset.done $0x0  }
0x49: {  	s19 =	simm.s32 $0x4800;
	[sflag:s10] =	ssyncadd.s32 $0xFFFFFFC0  }
0x4a: {  	[tilespmem:s19], [sflag:$0x1] =	stream.indirect.gather [hbm4b:s1+s29], $0x80, s20, s29, $0xb8;
	[tilespmem:$0x1C800] =	vst v63  }
0x4b: {  	s21 =	simm.s32 $0x200;
	s20 =	rddreg [dreg:$0xf]  }
0x4c: {  	[tilespmem:s21], [sflag:$0x5] =	stream.linear.gather [hbm4b:s20+s4], $0x40, $0x38;
	[tilespmem:$0x1C800] =	vst v63  }
0x4d: {  	s23 =	simm.s32 $0x600;
	s22 =	rddreg [dreg:$0x10]  }
0x4e: {  	[tilespmem:s23], [sflag:$0x5] =	stream.linear.gather [hbm4b:s22+s4], $0x40, $0x38;
	[tilespmem:$0x1C800] =	vst v63  }
0x4f: {  	_ =	swait.ge [sflag:s11], $0x2000  }
0x50: {  	[sflag:s11] =	ssyncset.done $0x0  }
0x51: {  	[sflag:s11] =	ssyncadd.s32 $0xFFFFE000  }
0x52: {  	[spmem:s2] =	stream.indirect.scatter.add.f32 [tilespmem:s17], [sflag:$0x4], $0x80, s9, s29, $0xb8;
	[tilespmem:$0x1C800] =	vst v63  }
0x53: {  	_ =	swait.ge [sflag:s10], $0x40  }
0x54: {  	[sflag:s10] =	ssyncset.done $0x0  }
0x55: {  	[sflag:s10] =	ssyncadd.s32 $0xFFFFFFC0  }
0x56: {  	_ =	swait.ge [sflag:s10], $0x40  }
0x57: {  	[sflag:s10] =	ssyncset.done $0x0  }
0x58: {  	s7 =	simm.s32 $0x6800;
	[sflag:s10] =	ssyncadd.s32 $0xFFFFFFC0  }
0x59: {  	[tilespmem:s7], [sflag:$0x2] =	stream.indirect.gather [hbm4b:s1+s29], $0x80, s18, s29, $0xb8;
	[tilespmem:$0x1C800] =	vst v63  }
0x5a: {  	s9 =	simm.s32 $0x280;
	s8 =	rddreg [dreg:$0x11]  }
0x5b: {  	[tilespmem:s9], [sflag:$0x5] =	stream.linear.gather [hbm4b:s8+s4], $0x40, $0x38;
	[tilespmem:$0x1C800] =	vst v63  }
0x5c: {  	s17 =	rddreg [dreg:$0x12];
	s18 =	simm.s32 $0x680  }
0x5d: {  	[tilespmem:s18], [sflag:$0x5] =	stream.linear.gather [hbm4b:s17+s4], $0x40, $0x38;
	[tilespmem:$0x1C800] =	vst v63  }
0x5e: {  	_ =	swait.ge [sflag:s12], $0x2000  }
0x5f: {  	[sflag:s12] =	ssyncset.done $0x0  }
0x60: {  	p0 =	por $0x0, $0x0;
	s19 =	simm.s32 $0x4000;
	[sflag:s12] =	ssyncadd.s32 $0xFFFFE000  }
0x61: {  	s0 =	sand.u32 $0x4000, s19;
	s21 =	simm.s32 $0x100;
	_ =	swait.ge [sflag:s13], $0x2000  }
0x62: {  	s20 =	simm.s32 @!p0 $0x5;
	s17 =	sand.u32 $0x300, s21;
	[sflag:s13] =	ssyncset.done $0x0  }
0x63: {  	s0 =	sor.u32 $0x800, s0;
	s17 =	sor.u32 $0x400, s17;
	[sflag:s13] =	ssyncadd.s32 $0xFFFFE000  }
0x64: {  	[spmem:s2] =	stream.indirect.scatter.add.f32 [tilespmem:s0], [sflag:$0x3], $0x80, s17, s29, $0xb8;
	[tilespmem:$0x1C800] =	vst v63  }
0x65: {  	_ =	swait.ge @!p0 [sflag:s20], $0x40  }
0x66: {  	p1 =	por @!p0 $0x0, $0x0;
	[sflag:s20] =	ssyncset.done @!p0 $0x0  }
0x67: {  	p2 =	por p1, p0;
	s21 =	simm.s32 @!p0 $0x40;
	[sflag:s20] =	ssyncadd.s32 @!p0 $0xFFFFFFC0  }
0x68: {  	s18 =	simm.s32 @!p2 $0x300;
	s17 =	simm.s32 @!p0 $0x8000;
	_ =	swait.ge @!p0 [sflag:s20], $0x40  }
0x69: {  	s0 =	simm.s32 @!p0 $0x200;
	s17 =	sand.u32 @!p0 $0x4000, s17;
	[sflag:s20] =	ssyncset.done @!p0 $0x0  }
0x6a: {  	s0 =	sand.u32 @!p0 $0x300, s0;
	s17 =	sor.u32 @!p0 $0x800, s17;
	[sflag:s20] =	ssyncadd.s32 @!p0 $0xFFFFFFC0  }
0x6b: {  	[tilespmem:s17], [sflag:$0x1] =	stream.indirect.gather @!p0 [hbm4b:s1+s21], $0x80, s0, s21, $0xb8;
	[tilespmem:$0x1C800] =	vst v63  }
0x6c: {  	s0 =	sand.u32 @!p2 $0x300, s18;
	s17 =	sadd.s32 @!p2 s5, s24;
	s18 =	simm.s32 @!p2 $0x0  }
0x6d: {  	[tilespmem:s0], [sflag:$0x5] =	stream.linear.gather @!p2 [hbm4b:s17+s18], $0x40, $0x38;
	[tilespmem:$0x1C800] =	vst v63  }
0x6e: {  	s0 =	sor.u32 @!p2 $0x400, s0;
	s17 =	sadd.s32 @!p2 s6, s24  }
0x6f: {  	[tilespmem:s0], [sflag:$0x5] =	stream.linear.gather @!p2 [hbm4b:s17+s18], $0x40, $0x38;
	[tilespmem:$0x1C800] =	vst v63  }
0x70: {  	_ =	swait.ge [sflag:s11], $0x2000  }
0x71: {  	p3 =	por @!p0 $0x0, $0x0;
	p1 =	por !p1, p0;
	[sflag:s11] =	ssyncset.done $0x0  }
0x72: {  	s19 =	simm.s32 @!p0 $0x280;
	s22 =	simm.s32 $0x6000;
	[sflag:s11] =	ssyncadd.s32 $0xFFFFE000  }
0x73: {  	s23 =	simm.s32 $0x180;
	s0 =	simm.s32 $0x380;
	_ =	swait.ge [sflag:s14], $0x2000  }
0x74: {  	s17 =	sand.u32 $0x6000, s22;
	s18 =	sand.u32 $0x380, s23;
	[sflag:s14] =	ssyncset.done $0x0  }
0x75: {  	s17 =	sor.u32 $0x800, s17;
	s18 =	sor.u32 $0x400, s18;
	[sflag:s14] =	ssyncadd.s32 $0xFFFFE000  }
0x76: {  	[spmem:s2] =	stream.indirect.scatter.add.f32 [tilespmem:s17], [sflag:$0x4], $0x80, s18, s29, $0xb8;
	[tilespmem:$0x1C800] =	vst v63  }
0x77: {  	p2 =	por @!p2 $0x1, $0x1;
	s22 =	sand.u32 @!p0 $0x380, s19;
	_ =	swait.ge @!p0 [sflag:s20], $0x40  }
0x78: {  	p2 =	por @!p1 p3, p3;
	p3 =	por $0x0, $0x0;
	[sflag:s20] =	ssyncset.done @!p0 $0x0  }
0x79: {  	s19 =	sadd.s32 $0x10, s5;
	p3 =	por @!p0 p2, p2;
	[sflag:s20] =	ssyncadd.s32 @!p0 $0xFFFFFFC0  }
0x7a: {  	s30 =	sadd.s32 @p3 s5, s25;
	s18 =	simm.s32 $0xA000;
	_ =	swait.ge @!p0 [sflag:s20], $0x40  }
0x7b: {  	s28 =	simm.s32 @p3 $0x0;
	s18 =	sand.u32 @!p0 $0x6000, s18;
	[sflag:s20] =	ssyncset.done @!p0 $0x0  }
0x7c: {  	s17 =	simm.s32 $0x480;
	s23 =	sor.u32 @!p0 $0x800, s18;
	[sflag:s20] =	ssyncadd.s32 @!p0 $0xFFFFFFC0  }
0x7d: {  	[tilespmem:s23], [sflag:$0x2] =	stream.indirect.gather @!p0 [hbm4b:s1+s21], $0x80, s22, s21, $0xb8;
	[tilespmem:$0x1C800] =	vst v63  }
0x7e: {  	s18 =	sadd.s32 $0x10, s6;
	s20 =	simm.s32 $0xE000;
	s23 =	sand.u32 @p3 $0x380, s0  }
0x7f: {  	s0 =	sadd.s32 @p3 s6, s25;
	s21 =	simm.s32 $0x2;
	s31 =	sor.u32 @p3 $0x400, s23  }
.LBB2_2:
0x80: {  	[tilespmem:s23], [sflag:$0x5] =	stream.linear.gather @p3 [hbm4b:s30+s28], $0x40, $0x38;
	[tilespmem:$0x1C800] =	vst v63  }
0x81: {  	s23 =	smov.u32 s17;
	s17 =	sadd.s32 $0x100, s17;
	s22 =	smov.u32 s18  }
0x82: {  	[tilespmem:s31], [sflag:$0x5] =	stream.linear.gather @p3 [hbm4b:s0+s28], $0x40, $0x38;
	[tilespmem:$0x1C800] =	vst v63  }
0x83: {  	p0 =	sne.s32 s17, $0x5280;
	s28 =	smov.u32 s19;
	_ =	swait.ge [sflag:s12], $0x2000  }
0x84: {  	p1 =	seq.s32 s23, $0x5180;
	s0 =	sadd.s32 $0xFFFFA000, s20;
	[sflag:s12] =	ssyncset.done $0x0  }
0x85: {  	s31 =	sadd.s32 $0xFFFFFD80, s23;
	s30 =	simm.s32 @!p1 $0x5;
	[sflag:s12] =	ssyncadd.s32 $0xFFFFE000  }
0x86: {  	s0 =	sand.u32 $0x4000, s0;
	s31 =	sand.u32 $0x300, s31;
	_ =	swait.ge [sflag:s13], $0x2000  }
0x87: {  	s0 =	sor.u32 $0x800, s0;
	s31 =	sor.u32 $0x400, s31;
	[sflag:s13] =	ssyncset.done $0x0  }
0x88: {  	s3 =	sadd.s32 @!p1 $0xFFFFFE80, s23;
	s7 =	sadd.s32 @!p1 $0xFFFFE000, s20;
	[sflag:s13] =	ssyncadd.s32 $0xFFFFE000  }
0x89: {  	[spmem:s2] =	stream.indirect.scatter.add.f32 [tilespmem:s0], [sflag:$0x3], $0x80, s31, s29, $0xb8;
	[tilespmem:$0x1C800] =	vst v63  }
0x8a: {  	s0 =	sand.u32 @!p1 $0x300, s3;
	s3 =	sand.u32 @!p1 $0x4000, s7;
	_ =	swait.ge @!p1 [sflag:s30], $0x40  }
0x8b: {  	p2 =	sgt.u32 @!p1 s21, $0x4D;
	s3 =	sor.u32 @!p1 $0x800, s3;
	[sflag:s30] =	ssyncset.done @!p1 $0x0  }
0x8c: {  	p3 =	por !p2, p1;
	s7 =	sadd.s32 @!p1 $0xFFFFFF00, s23;
	[sflag:s30] =	ssyncadd.s32 @!p1 $0xFFFFFFC0  }
0x8d: {  	p4 =	por @!p1 $0x0, $0x0;
	s8 =	sand.u32 @!p1 $0x6000, s20;
	_ =	swait.ge @!p1 [sflag:s30], $0x40  }
0x8e: {  	p5 =	por p2, p1;
	s31 =	simm.s32 @!p1 $0x40;
	[sflag:s30] =	ssyncset.done @!p1 $0x0  }
0x8f: {  	s9 =	sadd.s32 @!p5 $0xFFFFFF80, s23;
	p2 =	por @!p5 $0x1, $0x1;
	[sflag:s30] =	ssyncadd.s32 @!p1 $0xFFFFFFC0  }
0x90: {  	[tilespmem:s3], [sflag:$0x1] =	stream.indirect.gather @!p1 [hbm4b:s1+s31], $0x80, s0, s31, $0xb8;
	[tilespmem:$0x1C800] =	vst v63  }
0x91: {  	s0 =	sand.u32 @!p5 $0x300, s9;
	s3 =	sadd.s32 @!p5 s19, s24;
	s9 =	simm.s32 @!p5 $0x0  }
0x92: {  	[tilespmem:s0], [sflag:$0x5] =	stream.linear.gather @!p5 [hbm4b:s3+s9], $0x40, $0x38;
	[tilespmem:$0x1C800] =	vst v63  }
0x93: {  	p2 =	por @!p3 p4, p4;
	s0 =	sor.u32 @!p5 $0x400, s0;
	s3 =	sadd.s32 @!p5 s18, s24  }
0x94: {  	[tilespmem:s0], [sflag:$0x5] =	stream.linear.gather @!p5 [hbm4b:s3+s9], $0x40, $0x38;
	[tilespmem:$0x1C800] =	vst v63  }
0x95: {  	s0 =	sand.u32 @!p1 $0x380, s7;
	s3 =	sor.u32 @!p1 $0x800, s8;
	_ =	swait.ge [sflag:s11], $0x2000  }
0x96: {  	[sflag:s11] =	ssyncset.done $0x0  }
0x97: {  	s7 =	sadd.s32 $0xFFFFC000, s20;
	s8 =	sadd.s32 $0xFFFFFE00, s23;
	[sflag:s11] =	ssyncadd.s32 $0xFFFFE000  }
0x98: {  	s7 =	sand.u32 $0x6000, s7;
	s8 =	sand.u32 $0x380, s8;
	_ =	swait.ge [sflag:s14], $0x2000  }
0x99: {  	s7 =	sor.u32 $0x800, s7;
	s8 =	sor.u32 $0x400, s8;
	[sflag:s14] =	ssyncset.done $0x0  }
0x9a: {  	[sflag:s14] =	ssyncadd.s32 $0xFFFFE000  }
0x9b: {  	[spmem:s2] =	stream.indirect.scatter.add.f32 [tilespmem:s7], [sflag:$0x4], $0x80, s8, s29, $0xb8;
	[tilespmem:$0x1C800] =	vst v63  }
0x9c: {  	_ =	swait.ge @!p1 [sflag:s30], $0x40  }
0x9d: {  	[sflag:s30] =	ssyncset.done @!p1 $0x0  }
0x9e: {  	[sflag:s30] =	ssyncadd.s32 @!p1 $0xFFFFFFC0  }
0x9f: {  	p3 =	por $0x0, $0x0;
	s19 =	sadd.s32 $0x10, s19;
	_ =	swait.ge @!p1 [sflag:s30], $0x40  }
.Ltmp0:
0xa0: {  	s18 =	sadd.s32 $0x10, s18;
	[sflag:s30] =	ssyncset.done @!p1 $0x0;
	(pc) =	sbr.rel @p0 .LBB2_2-.Ltmp0, $4  }
0xa1: {  	p3 =	por @!p1 p2, p2;
	s20 =	sadd.s32 $0x4000, s20;
	[sflag:s30] =	ssyncadd.s32 @!p1 $0xFFFFFFC0  }
0xa2: {  	s23 =	sand.u32 @p3 $0x380, s23;
	s30 =	sadd.s32 @p3 s28, s25;
	s28 =	simm.s32 @p3 $0x0  }
0xa3: {  	[tilespmem:s3], [sflag:$0x2] =	stream.indirect.gather @!p1 [hbm4b:s1+s31], $0x80, s0, s31, $0xb8;
	[tilespmem:$0x1C800] =	vst v63  }
0xa4: {  	s21 =	sadd.s32 $0x1, s21;
	s31 =	sor.u32 @p3 $0x400, s23;
	s0 =	sadd.s32 @p3 s22, s25  }
0xa5: {  	[tilespmem:s23], [sflag:$0x5] =	stream.linear.gather @p3 [hbm4b:s30+s28], $0x40, $0x38;
	[tilespmem:$0x1C800] =	vst v63  }
0xa6: {  	_ = 	snop  }
0xa7: {  	[tilespmem:s31], [sflag:$0x5] =	stream.linear.gather @p3 [hbm4b:s0+s28], $0x40, $0x38;
	[tilespmem:$0x1C800] =	vst v63  }
0xa8: {  	_ =	swait.ge [sflag:s13], $0x2000  }
0xa9: {  	[sflag:s13] =	ssyncset.done $0x0  }
0xaa: {  	[sflag:s13] =	ssyncadd.s32 $0xFFFFE000  }
0xab: {  	_ =	swait.ge [sflag:s14], $0x2000  }
0xac: {  	[sflag:s14] =	ssyncset.done $0x0  }
0xad: {  	[sflag:s14] =	ssyncadd.s32 $0xFFFFE000  }
0xae: {  	[bflag:$0x0] =	sbarrier.arrive $0xFFFF  }
0xaf: {  	s9 =	rddreg [dreg:$0x6]  }
0xb0: {  	s30 =	rddreg [dreg:$0x13]  }
0xb1: {  	[hbm:s30], [sflag:s9] =	dma.local [spmem:s16], $0x2800  }
0xb2: {  	_ =	swait.ge [sflag:s26], $0x2800  }
0xb3: {  	s15 =	sadd.s32 $0x1, s15;
	s31 =	rddreg [dreg:$0x14]  }
0xb4: {  	p0 =	sne.s32 s15, s31  }
.Ltmp1:
0xb5: {  	_ = 	snop;
	(pc) =	sbr.rel @p0 .LBB2_1-.Ltmp1, $3  }
0xb6: {  	_ =	sdelay $0x1  }
0xb7: {  	[sflag:s26] =	ssyncset.done $0x0  }
0xb8: {  	[sflag:s26] =	ssyncadd.s32 $0xFFFFD800  }
0xb9: {  	_ =	sfence.sel $0x180000  }
0xba: {  	[bflag:$0x0] =	sbarrier.arrive $0xFFFF  }
0xbb: {  	_ =	strace $0x9000004D  }
0xbc: {  	s0 =	stileid.u32;
	[bflag:$0x2] =	sbarrier.arrive $0xFFFF  }
0xbd: {  	p0 =	sne.s32 s0, $0x0;
	s0 =	rddreg [dreg:$0x3]  }
0xbe: {  	s0 =	sadd.s32 @!p0 $0x100000, s0  }
0xbf: {  	[sflag:s0] =	ssyncadd.tile.s32 @!p0 $0x1;
	_ =	shalt  }
.Lfunc_end2:
_tile_overlayer_lowered:
.L_overlay_start_2:
0xc0: {  	(tag) =	ssettag $0x2  }
0xc1: {  	s0 =	rddreg [dreg:$0x0];
	s2 =	stileid.u32  }
0xc2: {  	s1 =	rddreg [dreg:$0x1];
	p0 =	sne.s32 s2, $0x0  }
0xc3: {  	s3 =	rddreg [dreg:$0x2];
	[bflag:$0x3] =	sbarrier.arrive $0xFFFF;
	s2 =	simm.s32 @!p0 $0x1C06  }
0xc4: {  	[timem:s3], [sflag:s2] =	dma.local @!p0 [hbm:s0], s1  }
0xc5: {  	s0 =	simm.s32 @!p0 $0x6  }
0xc6: {  	_ =	swait.ge @!p0 [sflag:s0], s1  }
0xc7: {  	s1 =	ssub.s32 @!p0 $0x0, s1;
	[sflag:s0] =	ssyncset.done @!p0 $0x0  }
0xc8: {  	[sflag:s0] =	ssyncadd.s32 @!p0 s1  }
0xc9: {  	[bflag:$0x3] =	sbarrier.arrive $0xFFFF  }
0xca: {  	_ =	shalt  }

</sc_bundles>
